<compile_context>
chip_gen: v7x
topology: tpu7x:2x2x1
jax: 0.10.2.dev20260603
libtpu: 0.0.44.dev20260713+nightly
codegen_flags: <defaults>
</compile_context>

<pallas_src>
import functools

import jax
import jax.numpy as jnp
from jax import lax
from jax.experimental import pallas as pl
from jax.experimental.pallas import tpu as pltpu
from jax.experimental.pallas import tpu_sc as plsc

N, E, D, H, C, G = 10000, 320000, 128, 16, 8, 64
NC, NS = 2, 16
NW = NC * NS
CH = 128
NCH_TOT = E // CH
BCH = NCH_TOT // NW
XCH = NCH_TOT - BCH * NW
NPAD = 10112
RPT = NPAD // NS
NPK = N * H // 128
NPKP = NPAD * H // 128
NBUF = 8


def _stage_idx(ei4_hbm, plane, w, idx, sem):
    pltpu.async_copy(ei4_hbm.at[plane, pl.ds(w * BCH, BCH), 0],
                     idx.at[pl.ds(0, BCH)], sem)

    @pl.when(w < XCH)
    def _():
        pltpu.async_copy(ei4_hbm.at[plane, pl.ds(NW * BCH + w, 1), 0],
                         idx.at[pl.ds(BCH, 1)], sem)


def _stage_idx_wait(ei4_hbm, plane, w, idx, sem):
    pltpu.make_async_copy(ei4_hbm.at[plane, pl.ds(w * BCH, BCH), 0],
                          idx.at[pl.ds(0, BCH)], sem).wait()

    @pl.when(w < XCH)
    def _():
        pltpu.make_async_copy(ei4_hbm.at[plane, pl.ds(NW * BCH + w, 1), 0],
                              idx.at[pl.ds(BCH, 1)], sem).wait()


def _deg_body(ei4_hbm, zeros_hbm, deg_out, deg_sh, didx, ones_v, zb, rep, dsem, isem):
    c = lax.axis_index("c")
    s = lax.axis_index("s")
    w = c * NS + s
    r0 = s * RPT
    cnt = BCH + jnp.where(w < XCH, 1, 0)
    pltpu.async_copy(zeros_hbm, zb, dsem)
    _stage_idx(ei4_hbm, 1, w, didx, isem)
    for i in range(CH // 16):
        ones_v[pl.ds(i * 16, 16)] = jnp.full((16,), 1.0, jnp.float32)
    pltpu.make_async_copy(zeros_hbm, zb, dsem).wait()
    pltpu.sync_copy(zb, deg_sh.at[pl.ds(r0, RPT)])
    _stage_idx_wait(ei4_hbm, 1, w, didx, isem)
    plsc.subcore_barrier()

    def body(g, carry):
        j0 = g * 4
        for k in range(4):
            pltpu.async_copy(ones_v, deg_sh.at[didx.at[j0 + k]], dsem, add=True)
        for k in range(4):
            pltpu.make_async_copy(ones_v, deg_sh.at[didx.at[j0 + k]], dsem).wait()
        return carry

    lax.fori_loop(0, BCH // 4, body, 0)
    for k in range(3):
        j = BCH - 2 + k

        @pl.when(j < cnt)
        def _():
            pltpu.async_copy(ones_v, deg_sh.at[didx.at[j]], dsem, add=True)
    for k in range(3):
        j = BCH - 2 + k

        @pl.when(j < cnt)
        def _():
            pltpu.make_async_copy(ones_v, deg_sh.at[didx.at[j]], dsem).wait()
    plsc.subcore_barrier()
    pltpu.sync_copy(deg_sh.at[pl.ds(r0, RPT)], zb)

    lanes = lax.iota(jnp.int32, 16)

    def repbody(g, carry):
        start = jnp.minimum(g * 16, RPT - 16)
        v = zb[pl.ds(start, 16)]
        base = (start + lanes) * H
        for k in range(H):
            plsc.store_scatter(rep, [base + k], v)
        return carry

    lax.fori_loop(0, (RPT + 15) // 16, repbody, 0)
    pltpu.sync_copy(rep, deg_out.at[pl.ds(c * (NPAD * H) + s * (RPT * H), RPT * H)])


def _agg_body(y_hbm, ei4_hbm, zeros_hbm, agg_out, agg_sh, sidx, didx,
              rows, bounce, gsems, ssems):
    c = lax.axis_index("c")
    s = lax.axis_index("s")
    w = c * NS + s
    r0 = s * RPT
    cnt = BCH + jnp.where(w < XCH, 1, 0)
    pltpu.async_copy(zeros_hbm, bounce, ssems[0])
    _stage_idx(ei4_hbm, 0, w, sidx, gsems[0])
    _stage_idx(ei4_hbm, 1, w, didx, gsems[1])
    pltpu.make_async_copy(zeros_hbm, bounce, ssems[0]).wait()
    pltpu.sync_copy(bounce, agg_sh.at[pl.ds(r0, RPT)])
    _stage_idx_wait(ei4_hbm, 0, w, sidx, gsems[0])
    _stage_idx_wait(ei4_hbm, 1, w, didx, gsems[1])
    plsc.subcore_barrier()

    for k in range(NBUF):
        pltpu.async_copy(y_hbm.at[sidx.at[k]], rows[k], gsems[k])

    def process(j, k, fire_next):
        pltpu.make_async_copy(y_hbm.at[sidx.at[j]], rows[k], gsems[k]).wait()
        pltpu.async_copy(rows[k], agg_sh.at[didx.at[j]], ssems[k], add=True)
        pltpu.make_async_copy(rows[k], agg_sh.at[didx.at[j]], ssems[k]).wait()
        if fire_next:
            jn = j + NBUF

            @pl.when(jn < cnt)
            def _():
                pltpu.async_copy(y_hbm.at[sidx.at[jn]], rows[k], gsems[k])

    def body(g, carry):
        for k in range(NBUF):
            process(g * NBUF + k, k, True)
        return carry

    ngroups = BCH // NBUF
    lax.fori_loop(0, ngroups, body, 0)
    for k in range(NBUF):
        j = ngroups * NBUF + k

        @pl.when(j < cnt)
        def _():
            process(j, k, False)
    plsc.subcore_barrier()
    pltpu.sync_copy(agg_sh.at[pl.ds(r0, RPT)], bounce)
    pltpu.sync_copy(bounce, agg_out.at[c, pl.ds(r0, RPT)])


@functools.cache
def _sc_kernels():
    mesh = plsc.VectorSubcoreMesh(
        core_axis_name="c", subcore_axis_name="s", num_cores=NC, num_subcores=NS
    )
    params = pltpu.CompilerParams(use_tc_tiling_on_sc=False,
                                  needs_layout_passes=False)
    deg_kernel = pl.kernel(
        _deg_body,
        out_type=jax.ShapeDtypeStruct((NC * NPAD * H,), jnp.float32),
        mesh=mesh,
        scratch_types=[
            pltpu.VMEM_SHARED((NPAD,), jnp.float32),
            pltpu.VMEM((BCH + 1, CH), jnp.int32),
            pltpu.VMEM((CH,), jnp.float32),
            pltpu.VMEM((RPT,), jnp.float32),
            pltpu.VMEM((RPT * H,), jnp.float32),
            pltpu.SemaphoreType.DMA,
            pltpu.SemaphoreType.DMA,
        ],
        compiler_params=params,
    )
    agg_kernel = pl.kernel(
        _agg_body,
        out_type=jax.ShapeDtypeStruct((NC, NPAD, H), jnp.float32),
        mesh=mesh,
        scratch_types=[
            pltpu.VMEM_SHARED((NPAD, H), jnp.float32),
            pltpu.VMEM((BCH + 1, CH), jnp.int32),
            pltpu.VMEM((BCH + 1, CH), jnp.int32),
            [pltpu.VMEM((CH, H), jnp.float32) for _ in range(NBUF)],
            pltpu.VMEM((RPT, H), jnp.float32),
            [pltpu.SemaphoreType.DMA for _ in range(NBUF)],
            [pltpu.SemaphoreType.DMA for _ in range(NBUF)],
        ],
        compiler_params=params,
    )
    return deg_kernel, agg_kernel


def _tc1a_body(x3_ref, w1_ref, xw_ref):
    w1 = w1_ref[...]
    for k in range(8):
        xk = x3_ref[:, k, :]
        xw_ref[:, 16 * k:16 * k + 16] = jnp.dot(
            xk, w1, precision=lax.Precision.DEFAULT,
            preferred_element_type=jnp.float32)


def _tc1b_body(degv_ref, xw_ref, y1_ref, dinv_ref):
    degv = degv_ref[...]
    deg = degv[0, :NPK] + degv[1, :NPK] + 1.0
    dinvp = lax.rsqrt(deg)
    y1_ref[...] = xw_ref[...] * dinvp
    dinv_ref[...] = dinvp


def _tc2_body(aggv_ref, y1_ref, dinv_ref, b1_ref, w2blk_ref, y2_ref):
    aggv = aggv_ref[...]
    a = aggv[0, :NPK] + aggv[1, :NPK]
    dinvp = dinv_ref[...]
    b1t = jnp.tile(b1_ref[...], (1, 8))
    h = jnp.maximum(dinvp * (a + y1_ref[...]) + b1t, 0.0)
    y2_ref[...] = dinvp * jnp.dot(h, w2blk_ref[...],
                                  precision=lax.Precision.DEFAULT,
                                  preferred_element_type=jnp.float32)


def _tc3_body(aggv_ref, y2_ref, dinv_ref, b2_ref, batcht_ref, out_ref):
    aggv = aggv_ref[...]
    a = aggv[0, :NPK] + aggv[1, :NPK]
    b2t = jnp.tile(jnp.concatenate(
        [b2_ref[...], jnp.zeros((1, H - C), jnp.float32)], axis=1), (1, 8))
    h2 = dinv_ref[...] * (a + y2_ref[...]) + b2t
    bt = batcht_ref[...]
    gids = lax.broadcasted_iota(jnp.int32, (G, 1), 0)
    sums = jnp.zeros((G, H), jnp.float32)
    counts = jnp.zeros((G, 1), jnp.float32)
    for k in range(8):
        onehot = (bt[k:k + 1, :] == gids).astype(jnp.float32)
        sums = sums + jnp.dot(onehot, h2[:, 16 * k:16 * k + 16],
                              precision=lax.Precision.DEFAULT,
                              preferred_element_type=jnp.float32)
        counts = counts + jnp.sum(onehot, axis=1, keepdims=True)
    pooled = sums[:, :C] / jnp.maximum(counts, 1.0)
    m = jnp.max(pooled, axis=1, keepdims=True)
    lse = m + jnp.log(jnp.sum(jnp.exp(pooled - m), axis=1, keepdims=True))
    out_ref[...] = pooled - lse


_tc1a = pl.pallas_call(
    _tc1a_body,
    out_shape=jax.ShapeDtypeStruct((NPK, 128), jnp.float32),
)

_tc1b = pl.pallas_call(
    _tc1b_body,
    out_shape=[
        jax.ShapeDtypeStruct((NPK, 128), jnp.float32),
        jax.ShapeDtypeStruct((NPK, 128), jnp.float32),
    ],
)

_tc2 = pl.pallas_call(
    _tc2_body,
    out_shape=jax.ShapeDtypeStruct((NPK, 128), jnp.float32),
)

_tc3 = pl.pallas_call(
    _tc3_body,
    out_shape=jax.ShapeDtypeStruct((G, C), jnp.float32),
)


def kernel(x, edge_index, batch, W1, b1, W2, b2):
    ei4 = edge_index.reshape(2, NCH_TOT, 1, CH)
    x3 = x.reshape(NPK, 8, 128)
    batcht = batch.reshape(NPK, 8).T
    w2p = jnp.concatenate([W2, jnp.zeros((H, H - C), jnp.float32)], axis=1)
    w2blk = jnp.kron(jnp.eye(8, dtype=jnp.float32), w2p)
    zeros1 = jnp.zeros((RPT,), jnp.float32)
    zeros2 = jnp.zeros((RPT, H), jnp.float32)

    _deg_kernel, _agg_kernel = _sc_kernels()
    degv = _deg_kernel(ei4, zeros1).reshape(NC, NPKP, 128)
    xwpack = _tc1a(x3, W1)
    y1pack, dinvpack = _tc1b(degv, xwpack)
    agg1 = _agg_kernel(y1pack.reshape(N, H), ei4, zeros2)
    y2pack = _tc2(agg1.reshape(NC, NPKP, 128), y1pack, dinvpack,
                  b1.reshape(1, H), w2blk)
    agg2 = _agg_kernel(y2pack.reshape(N, H), ei4, zeros2)
    out = _tc3(agg2.reshape(NC, NPKP, 128), y2pack, dinvpack,
               b2.reshape(1, C), batcht)
    return out

# --- scband reference (transcript-rebuilt; emitter-appended) ---
"""Pipeline reference for scband-gcn-65068754534587 (READ-ONLY COPY).

The authoritative reference and input builder live on the scoring server;
editing this copy changes nothing except your own understanding.
"""

import jax, jax.numpy as jnp
import numpy as np

N = 10000
E = 320000
D = 128
H = 16
C = 8
G = 64


def setup_inputs(seed: int = 0) -> dict:
    key = jax.random.key(seed)
    k1, k2, k3, k4, k5 = jax.random.split(key, 5)
    x = jax.random.normal(k1, (N, D), dtype=jnp.float32)
    edge_index = jax.random.randint(k2, (2, E), 0, N, dtype=jnp.int32)
    batch = jnp.sort(jax.random.randint(k3, (N,), 0, G, dtype=jnp.int32))
    # GCNConv weights (glorot-ish init) and biases
    W1 = jax.random.normal(k4, (D, H), dtype=jnp.float32) * (1.0 / np.sqrt(D))
    b1 = jnp.zeros((H,), dtype=jnp.float32)
    W2 = jax.random.normal(k5, (H, C), dtype=jnp.float32) * (1.0 / np.sqrt(H))
    b2 = jnp.zeros((C,), dtype=jnp.float32)
    return {"x": x, "edge_index": edge_index, "batch": batch,
            "W1": W1, "b1": b1, "W2": W2, "b2": b2}


def _gcn_conv(x, src, dst, W, b):
    # x' = D^{-1/2} (A + I) D^{-1/2} X W + b  (self-loops already in src/dst)
    n = x.shape[0]
    xw = x @ W
    deg = jnp.zeros((n,), dtype=xw.dtype).at[dst].add(1.0)
    dinv = jnp.where(deg > 0, deg ** -0.5, 0.0)
    norm = dinv[src] * dinv[dst]
    msg = xw[src] * norm[:, None]
    out = jnp.zeros_like(xw).at[dst].add(msg)
    return out + b


def reference(x, edge_index, batch, W1, b1, W2, b2):
    n = x.shape[0]
    loop = jnp.arange(n, dtype=edge_index.dtype)
    src = jnp.concatenate([edge_index[0], loop])
    dst = jnp.concatenate([edge_index[1], loop])
    h = jax.nn.relu(_gcn_conv(x, src, dst, W1, b1))
    h = _gcn_conv(h, src, dst, W2, b2)
    # global_mean_pool over graph ids in `batch`
    sums = jax.ops.segment_sum(h, batch, num_segments=G)
    counts = jax.ops.segment_sum(jnp.ones((n, 1), dtype=h.dtype), batch, num_segments=G)
    pooled = sums / jnp.maximum(counts, 1.0)
    return jax.nn.log_softmax(pooled, axis=1)

if __name__ == "__main__":
    import jax
    _d = setup_inputs()
    print(jax.jit(kernel)(*tuple(_d.values())))

</pallas_src>

<mosaic_0001>
#map = affine_map<(d0, d1) -> (0, 0, 0, 0)>
#map1 = affine_map<(d0, d1) -> (0)>
module attributes {stable_mosaic.version = 14 : i64} {
  func.func @_deg_body(%arg0: i32, %arg1: i32, %arg2: memref<2x2500x1x128xi32, #tpu.memory_space<hbm>>, %arg3: memref<632xf32, #tpu.memory_space<hbm>>, %arg4: memref<323584xf32, #tpu.memory_space<hbm>>, %arg5: memref<10112xf32, #tpu.memory_space<vmem_shared>>, %arg6: memref<79x128xi32, #tpu.memory_space<vmem>>, %arg7: memref<128xf32, #tpu.memory_space<vmem>>, %arg8: memref<632xf32, #tpu.memory_space<vmem>>, %arg9: memref<10112xf32, #tpu.memory_space<vmem>>, %arg10: memref<!tpu.dma_semaphore, #tpu.memory_space<semaphore_mem>>, %arg11: memref<!tpu.dma_semaphore, #tpu.memory_space<semaphore_mem>>) attributes {dimension_semantics = [#tpu.dimension_semantics<core_parallel>, #tpu.dimension_semantics<subcore_parallel>], iteration_bounds = array<i64: 2, 16>, scalar_prefetch = 0 : i64, scratch_operands = 7 : i64, tpu.core_type = #tpu.core_type<sc_vector_subcore>, window_params = [{transform_indices = #map}, {transform_indices = #map1}, {transform_indices = #map1}]} {
    %mul3A = arith.constant 16 : i32
    %mul3A_0 = arith.muli %arg0, %mul3A : i32
    %add3A = arith.addi %mul3A_0, %arg1 : i32
    %mul3A_1 = arith.constant 632 : i32
    %mul3A_2 = arith.muli %arg1, %mul3A_1 : i32
    %lt3A = arith.constant 4 : i32
    %lt3A_3 = arith.cmpi slt, %add3A, %lt3A : i32
    %jit3A = arith.constant 1 : i32
    %jit3A_4 = arith.constant 0 : i32
    %select_n3A = arith.select %lt3A_3, %jit3A, %jit3A_4 : i32
    %add3A_5 = arith.constant 78 : i32
    %add3A_6 = arith.addi %add3A_5, %select_n3A : i32
    tpu.enqueue_dma source(%arg3 : memref<632xf32, #tpu.memory_space<hbm>>) target(%arg8 : memref<632xf32, #tpu.memory_space<vmem>>) target_semaphore(%arg10 : memref<!tpu.dma_semaphore, #tpu.memory_space<semaphore_mem>>)
    %mul3A_7 = arith.constant 78 : i32
    %mul3A_8 = arith.muli %add3A, %mul3A_7 : i32
    %dma_start3A = arith.constant 1 : i32
    %dma_start3A_9 = arith.constant 0 : i32
    %dma_start3A_10 = arith.constant 0 : i32
    %dma_start3A_11 = arith.constant 0 : i32
    %dma_start3A_12 = tpu.memref_slice %arg6[%dma_start3A_10, %dma_start3A_11] : memref<79x128xi32, #tpu.memory_space<vmem>> -> memref<78x128xi32, #tpu.memory_space<vmem>>
    %dma_start3A_13 = arith.constant 0 : i32
    %dma_start3A_14 = tpu.memref_slice %arg2[%dma_start3A, %mul3A_8, %dma_start3A_9, %dma_start3A_13] : memref<2x2500x1x128xi32, #tpu.memory_space<hbm>> -> memref<1x78x1x128xi32, #tpu.memory_space<hbm>>
    %dma_start3A_15 = tpu.memref_squeeze %dma_start3A_14 : memref<1x78x1x128xi32, #tpu.memory_space<hbm>> -> memref<78x128xi32, #tpu.memory_space<hbm>>
    %dma_start3A_16 = arith.constant 0 : i32
    %dma_start3A_17 = arith.constant 0 : i32
    %dma_start3A_18 = tpu.memref_slice %arg6[%dma_start3A_16, %dma_start3A_17] : memref<79x128xi32, #tpu.memory_space<vmem>> -> memref<78x128xi32, #tpu.memory_space<vmem>>
    %dma_start3A_19 = arith.constant 0 : i32
    %dma_start3A_20 = tpu.memref_slice %arg2[%dma_start3A, %mul3A_8, %dma_start3A_9, %dma_start3A_19] : memref<2x2500x1x128xi32, #tpu.memory_space<hbm>> -> memref<1x78x1x128xi32, #tpu.memory_space<hbm>>
    %dma_start3A_21 = tpu.memref_squeeze %dma_start3A_20 : memref<1x78x1x128xi32, #tpu.memory_space<hbm>> -> memref<78x128xi32, #tpu.memory_space<hbm>>
    tpu.enqueue_dma source(%dma_start3A_21 : memref<78x128xi32, #tpu.memory_space<hbm>>) target(%dma_start3A_18 : memref<78x128xi32, #tpu.memory_space<vmem>>) target_semaphore(%arg11 : memref<!tpu.dma_semaphore, #tpu.memory_space<semaphore_mem>>)
    %lt3A_22 = arith.constant 4 : i32
    %lt3A_23 = arith.cmpi slt, %add3A, %lt3A_22 : i32
    %convert_element_type3A = arith.extui %lt3A_23 : i1 to i32
    %cond3A = arith.constant 0 : i32
    %cond3A_24 = arith.cmpi ne, %convert_element_type3A, %cond3A : i32
    scf.if %cond3A_24 {
      %add3A_121 = arith.constant 2496 : i32
      %add3A_122 = arith.addi %add3A_121, %add3A : i32
      %dma_start3A_123 = arith.constant 1 : i32
      %dma_start3A_124 = arith.constant 0 : i32
      %dma_start3A_125 = arith.constant 78 : i32
      %dma_start3A_126 = arith.constant 0 : i32
      %dma_start3A_127 = tpu.memref_slice %arg6[%dma_start3A_125, %dma_start3A_126] : memref<79x128xi32, #tpu.memory_space<vmem>> -> memref<1x128xi32, #tpu.memory_space<vmem>>
      %dma_start3A_128 = arith.constant 0 : i32
      %dma_start3A_129 = tpu.memref_slice %arg2[%dma_start3A_123, %add3A_122, %dma_start3A_124, %dma_start3A_128] : memref<2x2500x1x128xi32, #tpu.memory_space<hbm>> -> memref<1x1x1x128xi32, #tpu.memory_space<hbm>>
      %dma_start3A_130 = tpu.memref_squeeze %dma_start3A_129 : memref<1x1x1x128xi32, #tpu.memory_space<hbm>> -> memref<1x128xi32, #tpu.memory_space<hbm>>
      %dma_start3A_131 = arith.constant 78 : i32
      %dma_start3A_132 = arith.constant 0 : i32
      %dma_start3A_133 = tpu.memref_slice %arg6[%dma_start3A_131, %dma_start3A_132] : memref<79x128xi32, #tpu.memory_space<vmem>> -> memref<1x128xi32, #tpu.memory_space<vmem>>
      %dma_start3A_134 = arith.constant 0 : i32
      %dma_start3A_135 = tpu.memref_slice %arg2[%dma_start3A_123, %add3A_122, %dma_start3A_124, %dma_start3A_134] : memref<2x2500x1x128xi32, #tpu.memory_space<hbm>> -> memref<1x1x1x128xi32, #tpu.memory_space<hbm>>
      %dma_start3A_136 = tpu.memref_squeeze %dma_start3A_135 : memref<1x1x1x128xi32, #tpu.memory_space<hbm>> -> memref<1x128xi32, #tpu.memory_space<hbm>>
      tpu.enqueue_dma source(%dma_start3A_136 : memref<1x128xi32, #tpu.memory_space<hbm>>) target(%dma_start3A_133 : memref<1x128xi32, #tpu.memory_space<vmem>>) target_semaphore(%arg11 : memref<!tpu.dma_semaphore, #tpu.memory_space<semaphore_mem>>)
    } else {
    }
    %broadcast_in_dim3A = arith.constant 1.000000e+00 : f32
    %broadcast_in_dim3A_25 = vector.broadcast %broadcast_in_dim3A : f32 to vector<16xf32>
    %swap3A = arith.constant 0 : index
    %swap3A_26 = tpu.vector_load %arg7[%swap3A] {strides = array<i32>} : memref<128xf32, #tpu.memory_space<vmem>>, vector<16xf32>,
    tpu.vector_store %arg7[%swap3A], %broadcast_in_dim3A_25 {strides = array<i32>} : memref<128xf32, #tpu.memory_space<vmem>>, vector<16xf32>,
    %broadcast_in_dim3A_27 = arith.constant 1.000000e+00 : f32
    %broadcast_in_dim3A_28 = vector.broadcast %broadcast_in_dim3A_27 : f32 to vector<16xf32>
    %swap3A_29 = arith.constant 16 : index
    %swap3A_30 = tpu.vector_load %arg7[%swap3A_29] {strides = array<i32>} : memref<128xf32, #tpu.memory_space<vmem>>, vector<16xf32>,
    tpu.vector_store %arg7[%swap3A_29], %broadcast_in_dim3A_28 {strides = array<i32>} : memref<128xf32, #tpu.memory_space<vmem>>, vector<16xf32>,
    %broadcast_in_dim3A_31 = arith.constant 1.000000e+00 : f32
    %broadcast_in_dim3A_32 = vector.broadcast %broadcast_in_dim3A_31 : f32 to vector<16xf32>
    %swap3A_33 = arith.constant 32 : index
    %swap3A_34 = tpu.vector_load %arg7[%swap3A_33] {strides = array<i32>} : memref<128xf32, #tpu.memory_space<vmem>>, vector<16xf32>,
    tpu.vector_store %arg7[%swap3A_33], %broadcast_in_dim3A_32 {strides = array<i32>} : memref<128xf32, #tpu.memory_space<vmem>>, vector<16xf32>,
    %broadcast_in_dim3A_35 = arith.constant 1.000000e+00 : f32
    %broadcast_in_dim3A_36 = vector.broadcast %broadcast_in_dim3A_35 : f32 to vector<16xf32>
    %swap3A_37 = arith.constant 48 : index
    %swap3A_38 = tpu.vector_load %arg7[%swap3A_37] {strides = array<i32>} : memref<128xf32, #tpu.memory_space<vmem>>, vector<16xf32>,
    tpu.vector_store %arg7[%swap3A_37], %broadcast_in_dim3A_36 {strides = array<i32>} : memref<128xf32, #tpu.memory_space<vmem>>, vector<16xf32>,
    %broadcast_in_dim3A_39 = arith.constant 1.000000e+00 : f32
    %broadcast_in_dim3A_40 = vector.broadcast %broadcast_in_dim3A_39 : f32 to vector<16xf32>
    %swap3A_41 = arith.constant 64 : index
    %swap3A_42 = tpu.vector_load %arg7[%swap3A_41] {strides = array<i32>} : memref<128xf32, #tpu.memory_space<vmem>>, vector<16xf32>,
    tpu.vector_store %arg7[%swap3A_41], %broadcast_in_dim3A_40 {strides = array<i32>} : memref<128xf32, #tpu.memory_space<vmem>>, vector<16xf32>,
    %broadcast_in_dim3A_43 = arith.constant 1.000000e+00 : f32
    %broadcast_in_dim3A_44 = vector.broadcast %broadcast_in_dim3A_43 : f32 to vector<16xf32>
    %swap3A_45 = arith.constant 80 : index
    %swap3A_46 = tpu.vector_load %arg7[%swap3A_45] {strides = array<i32>} : memref<128xf32, #tpu.memory_space<vmem>>, vector<16xf32>,
    tpu.vector_store %arg7[%swap3A_45], %broadcast_in_dim3A_44 {strides = array<i32>} : memref<128xf32, #tpu.memory_space<vmem>>, vector<16xf32>,
    %broadcast_in_dim3A_47 = arith.constant 1.000000e+00 : f32
    %broadcast_in_dim3A_48 = vector.broadcast %broadcast_in_dim3A_47 : f32 to vector<16xf32>
    %swap3A_49 = arith.constant 96 : index
    %swap3A_50 = tpu.vector_load %arg7[%swap3A_49] {strides = array<i32>} : memref<128xf32, #tpu.memory_space<vmem>>, vector<16xf32>,
    tpu.vector_store %arg7[%swap3A_49], %broadcast_in_dim3A_48 {strides = array<i32>} : memref<128xf32, #tpu.memory_space<vmem>>, vector<16xf32>,
    %broadcast_in_dim3A_51 = arith.constant 1.000000e+00 : f32
    %broadcast_in_dim3A_52 = vector.broadcast %broadcast_in_dim3A_51 : f32 to vector<16xf32>
    %swap3A_53 = arith.constant 112 : index
    %swap3A_54 = tpu.vector_load %arg7[%swap3A_53] {strides = array<i32>} : memref<128xf32, #tpu.memory_space<vmem>>, vector<16xf32>,
    tpu.vector_store %arg7[%swap3A_53], %broadcast_in_dim3A_52 {strides = array<i32>} : memref<128xf32, #tpu.memory_space<vmem>>, vector<16xf32>,
    tpu.wait_dma2 semaphore(%arg10 : memref<!tpu.dma_semaphore, #tpu.memory_space<semaphore_mem>>) src(%arg3 : memref<632xf32, #tpu.memory_space<hbm>>) dst(%arg8 : memref<632xf32, #tpu.memory_space<vmem>>)
    "tpu.region"() ({
      %run_scoped3A = tpu.sem_alloc : memref<!tpu.dma_semaphore, #tpu.memory_space<semaphore_mem>>
      %dma_start3A_121 = tpu.memref_slice %arg5[%mul3A_2] : memref<10112xf32, #tpu.memory_space<vmem_shared>> -> memref<632xf32, #tpu.memory_space<vmem_shared>>
      %dma_start3A_122 = tpu.memref_slice %arg5[%mul3A_2] : memref<10112xf32, #tpu.memory_space<vmem_shared>> -> memref<632xf32, #tpu.memory_space<vmem_shared>>
      tpu.enqueue_dma source(%arg8 : memref<632xf32, #tpu.memory_space<vmem>>) target(%dma_start3A_122 : memref<632xf32, #tpu.memory_space<vmem_shared>>) target_semaphore(%run_scoped3A : memref<!tpu.dma_semaphore, #tpu.memory_space<semaphore_mem>>)
      %dma_wait3A_123 = tpu.memref_slice %arg5[%mul3A_2] : memref<10112xf32, #tpu.memory_space<vmem_shared>> -> memref<632xf32, #tpu.memory_space<vmem_shared>>
      %dma_wait3A_124 = tpu.memref_slice %arg5[%mul3A_2] : memref<10112xf32, #tpu.memory_space<vmem_shared>> -> memref<632xf32, #tpu.memory_space<vmem_shared>>
      tpu.wait_dma2 semaphore(%run_scoped3A : memref<!tpu.dma_semaphore, #tpu.memory_space<semaphore_mem>>) src(%arg8 : memref<632xf32, #tpu.memory_space<vmem>>) dst(%dma_wait3A_124 : memref<632xf32, #tpu.memory_space<vmem_shared>>)
      tpu.yield
    }) : () -> ()
    %mul3A_55 = arith.constant 78 : i32
    %mul3A_56 = arith.muli %add3A, %mul3A_55 : i32
    %dma_wait3A = arith.constant 1 : i32
    %dma_wait3A_57 = arith.constant 0 : i32
    %dma_wait3A_58 = arith.constant 0 : i32
    %dma_wait3A_59 = arith.constant 0 : i32
    %dma_wait3A_60 = tpu.memref_slice %arg6[%dma_wait3A_58, %dma_wait3A_59] : memref<79x128xi32, #tpu.memory_space<vmem>> -> memref<78x128xi32, #tpu.memory_space<vmem>>
    %dma_wait3A_61 = arith.constant 0 : i32
    %dma_wait3A_62 = tpu.memref_slice %arg2[%dma_wait3A, %mul3A_56, %dma_wait3A_57, %dma_wait3A_61] : memref<2x2500x1x128xi32, #tpu.memory_space<hbm>> -> memref<1x78x1x128xi32, #tpu.memory_space<hbm>>
    %dma_wait3A_63 = tpu.memref_squeeze %dma_wait3A_62 : memref<1x78x1x128xi32, #tpu.memory_space<hbm>> -> memref<78x128xi32, #tpu.memory_space<hbm>>
    %dma_wait3A_64 = arith.constant 0 : i32
    %dma_wait3A_65 = arith.constant 0 : i32
    %dma_wait3A_66 = tpu.memref_slice %arg6[%dma_wait3A_64, %dma_wait3A_65] : memref<79x128xi32, #tpu.memory_space<vmem>> -> memref<78x128xi32, #tpu.memory_space<vmem>>
    %dma_wait3A_67 = arith.constant 0 : i32
    %dma_wait3A_68 = tpu.memref_slice %arg2[%dma_wait3A, %mul3A_56, %dma_wait3A_57, %dma_wait3A_67] : memref<2x2500x1x128xi32, #tpu.memory_space<hbm>> -> memref<1x78x1x128xi32, #tpu.memory_space<hbm>>
    %dma_wait3A_69 = tpu.memref_squeeze %dma_wait3A_68 : memref<1x78x1x128xi32, #tpu.memory_space<hbm>> -> memref<78x128xi32, #tpu.memory_space<hbm>>
    tpu.wait_dma2 semaphore(%arg11 : memref<!tpu.dma_semaphore, #tpu.memory_space<semaphore_mem>>) src(%dma_wait3A_69 : memref<78x128xi32, #tpu.memory_space<hbm>>) dst(%dma_wait3A_66 : memref<78x128xi32, #tpu.memory_space<vmem>>)
    %lt3A_70 = arith.constant 4 : i32
    %lt3A_71 = arith.cmpi slt, %add3A, %lt3A_70 : i32
    %convert_element_type3A_72 = arith.extui %lt3A_71 : i1 to i32
    %cond3A_73 = arith.constant 0 : i32
    %cond3A_74 = arith.cmpi ne, %convert_element_type3A_72, %cond3A_73 : i32
    scf.if %cond3A_74 {
      %add3A_121 = arith.constant 2496 : i32
      %add3A_122 = arith.addi %add3A_121, %add3A : i32
      %dma_wait3A_123 = arith.constant 1 : i32
      %dma_wait3A_124 = arith.constant 0 : i32
      %dma_wait3A_125 = arith.constant 78 : i32
      %dma_wait3A_126 = arith.constant 0 : i32
      %dma_wait3A_127 = tpu.memref_slice %arg6[%dma_wait3A_125, %dma_wait3A_126] : memref<79x128xi32, #tpu.memory_space<vmem>> -> memref<1x128xi32, #tpu.memory_space<vmem>>
      %dma_wait3A_128 = arith.constant 0 : i32
      %dma_wait3A_129 = tpu.memref_slice %arg2[%dma_wait3A_123, %add3A_122, %dma_wait3A_124, %dma_wait3A_128] : memref<2x2500x1x128xi32, #tpu.memory_space<hbm>> -> memref<1x1x1x128xi32, #tpu.memory_space<hbm>>
      %dma_wait3A_130 = tpu.memref_squeeze %dma_wait3A_129 : memref<1x1x1x128xi32, #tpu.memory_space<hbm>> -> memref<1x128xi32, #tpu.memory_space<hbm>>
      %dma_wait3A_131 = arith.constant 78 : i32
      %dma_wait3A_132 = arith.constant 0 : i32
      %dma_wait3A_133 = tpu.memref_slice %arg6[%dma_wait3A_131, %dma_wait3A_132] : memref<79x128xi32, #tpu.memory_space<vmem>> -> memref<1x128xi32, #tpu.memory_space<vmem>>
      %dma_wait3A_134 = arith.constant 0 : i32
      %dma_wait3A_135 = tpu.memref_slice %arg2[%dma_wait3A_123, %add3A_122, %dma_wait3A_124, %dma_wait3A_134] : memref<2x2500x1x128xi32, #tpu.memory_space<hbm>> -> memref<1x1x1x128xi32, #tpu.memory_space<hbm>>
      %dma_wait3A_136 = tpu.memref_squeeze %dma_wait3A_135 : memref<1x1x1x128xi32, #tpu.memory_space<hbm>> -> memref<1x128xi32, #tpu.memory_space<hbm>>
      tpu.wait_dma2 semaphore(%arg11 : memref<!tpu.dma_semaphore, #tpu.memory_space<semaphore_mem>>) src(%dma_wait3A_136 : memref<1x128xi32, #tpu.memory_space<hbm>>) dst(%dma_wait3A_133 : memref<1x128xi32, #tpu.memory_space<vmem>>)
    } else {
    }
    %barrier3A = arith.constant 0 : index
    tpu.barrier barrier_id(%barrier3A)
    %scan3A = arith.constant 0 : i32
    %scan3A_75 = arith.constant 0 : i32
    %scan3A_76 = arith.constant 19 : i32
    %scan3A_77 = arith.addi %scan3A_75, %scan3A_76 : i32
    %scan3A_78 = arith.constant 1 : i32
    scf.for %scan3A_121 = %scan3A_75 to %scan3A_77 step %scan3A_78  : i32 {
      %mul3A_122 = arith.constant 4 : i32
      %mul3A_123 = arith.muli %scan3A_121, %mul3A_122 : i32
      %add3A_124 = arith.constant 0 : i32
      %add3A_125 = arith.addi %mul3A_123, %add3A_124 : i32
      %dma_start3A_126 = arith.constant 0 : i32
      %dma_start3A_127 = tpu.memref_slice %arg6[%add3A_125, %dma_start3A_126] : memref<79x128xi32, #tpu.memory_space<vmem>> -> memref<1x128xi32, #tpu.memory_space<vmem>>
      %dma_start3A_128 = tpu.memref_squeeze %dma_start3A_127 : memref<1x128xi32, #tpu.memory_space<vmem>> -> memref<128xi32, #tpu.memory_space<vmem>>
      %dma_start3A_129 = arith.constant 0 : i32
      %dma_start3A_130 = tpu.memref_slice %arg5[%dma_start3A_129] : memref<10112xf32, #tpu.memory_space<vmem_shared>> -> memref<10112xf32, #tpu.memory_space<vmem_shared>>
      tpu.enqueue_indirect_dma source(%arg7 : memref<128xf32, #tpu.memory_space<vmem>>) target(%dma_start3A_130 : memref<10112xf32, #tpu.memory_space<vmem_shared>>) offsets(%dma_start3A_128 : memref<128xi32, #tpu.memory_space<vmem>>) semaphore(%arg10 : memref<!tpu.dma_semaphore, #tpu.memory_space<semaphore_mem>>) {add = true}
      %add3A_131 = arith.constant 1 : i32
      %add3A_132 = arith.addi %mul3A_123, %add3A_131 : i32
      %dma_start3A_133 = arith.constant 0 : i32
      %dma_start3A_134 = tpu.memref_slice %arg6[%add3A_132, %dma_start3A_133] : memref<79x128xi32, #tpu.memory_space<vmem>> -> memref<1x128xi32, #tpu.memory_space<vmem>>
      %dma_start3A_135 = tpu.memref_squeeze %dma_start3A_134 : memref<1x128xi32, #tpu.memory_space<vmem>> -> memref<128xi32, #tpu.memory_space<vmem>>
      %dma_start3A_136 = arith.constant 0 : i32
      %dma_start3A_137 = tpu.memref_slice %arg5[%dma_start3A_136] : memref<10112xf32, #tpu.memory_space<vmem_shared>> -> memref<10112xf32, #tpu.memory_space<vmem_shared>>
      tpu.enqueue_indirect_dma source(%arg7 : memref<128xf32, #tpu.memory_space<vmem>>) target(%dma_start3A_137 : memref<10112xf32, #tpu.memory_space<vmem_shared>>) offsets(%dma_start3A_135 : memref<128xi32, #tpu.memory_space<vmem>>) semaphore(%arg10 : memref<!tpu.dma_semaphore, #tpu.memory_space<semaphore_mem>>) {add = true}
      %add3A_138 = arith.constant 2 : i32
      %add3A_139 = arith.addi %mul3A_123, %add3A_138 : i32
      %dma_start3A_140 = arith.constant 0 : i32
      %dma_start3A_141 = tpu.memref_slice %arg6[%add3A_139, %dma_start3A_140] : memref<79x128xi32, #tpu.memory_space<vmem>> -> memref<1x128xi32, #tpu.memory_space<vmem>>
      %dma_start3A_142 = tpu.memref_squeeze %dma_start3A_141 : memref<1x128xi32, #tpu.memory_space<vmem>> -> memref<128xi32, #tpu.memory_space<vmem>>
      %dma_start3A_143 = arith.constant 0 : i32
      %dma_start3A_144 = tpu.memref_slice %arg5[%dma_start3A_143] : memref<10112xf32, #tpu.memory_space<vmem_shared>> -> memref<10112xf32, #tpu.memory_space<vmem_shared>>
      tpu.enqueue_indirect_dma source(%arg7 : memref<128xf32, #tpu.memory_space<vmem>>) target(%dma_start3A_144 : memref<10112xf32, #tpu.memory_space<vmem_shared>>) offsets(%dma_start3A_142 : memref<128xi32, #tpu.memory_space<vmem>>) semaphore(%arg10 : memref<!tpu.dma_semaphore, #tpu.memory_space<semaphore_mem>>) {add = true}
      %add3A_145 = arith.constant 3 : i32
      %add3A_146 = arith.addi %mul3A_123, %add3A_145 : i32
      %dma_start3A_147 = arith.constant 0 : i32
      %dma_start3A_148 = tpu.memref_slice %arg6[%add3A_146, %dma_start3A_147] : memref<79x128xi32, #tpu.memory_space<vmem>> -> memref<1x128xi32, #tpu.memory_space<vmem>>
      %dma_start3A_149 = tpu.memref_squeeze %dma_start3A_148 : memref<1x128xi32, #tpu.memory_space<vmem>> -> memref<128xi32, #tpu.memory_space<vmem>>
      %dma_start3A_150 = arith.constant 0 : i32
      %dma_start3A_151 = tpu.memref_slice %arg5[%dma_start3A_150] : memref<10112xf32, #tpu.memory_space<vmem_shared>> -> memref<10112xf32, #tpu.memory_space<vmem_shared>>
      tpu.enqueue_indirect_dma source(%arg7 : memref<128xf32, #tpu.memory_space<vmem>>) target(%dma_start3A_151 : memref<10112xf32, #tpu.memory_space<vmem_shared>>) offsets(%dma_start3A_149 : memref<128xi32, #tpu.memory_space<vmem>>) semaphore(%arg10 : memref<!tpu.dma_semaphore, #tpu.memory_space<semaphore_mem>>) {add = true}
      %add3A_152 = arith.constant 0 : i32
      %add3A_153 = arith.addi %mul3A_123, %add3A_152 : i32
      %dma_wait3A_154 = arith.constant 0 : i32
      %dma_wait3A_155 = tpu.memref_slice %arg6[%add3A_153, %dma_wait3A_154] : memref<79x128xi32, #tpu.memory_space<vmem>> -> memref<1x128xi32, #tpu.memory_space<vmem>>
      %dma_wait3A_156 = tpu.memref_squeeze %dma_wait3A_155 : memref<1x128xi32, #tpu.memory_space<vmem>> -> memref<128xi32, #tpu.memory_space<vmem>>
      %dma_wait3A_157 = arith.constant 0 : i32
      %dma_wait3A_158 = tpu.memref_slice %arg5[%dma_wait3A_157] : memref<10112xf32, #tpu.memory_space<vmem_shared>> -> memref<10112xf32, #tpu.memory_space<vmem_shared>>
      tpu.wait_indirect_dma semaphore(%arg10 : memref<!tpu.dma_semaphore, #tpu.memory_space<semaphore_mem>>) src(%arg7 : memref<128xf32, #tpu.memory_space<vmem>>) dst(%dma_wait3A_158 : memref<10112xf32, #tpu.memory_space<vmem_shared>>)
      %add3A_159 = arith.constant 1 : i32
      %add3A_160 = arith.addi %mul3A_123, %add3A_159 : i32
      %dma_wait3A_161 = arith.constant 0 : i32
      %dma_wait3A_162 = tpu.memref_slice %arg6[%add3A_160, %dma_wait3A_161] : memref<79x128xi32, #tpu.memory_space<vmem>> -> memref<1x128xi32, #tpu.memory_space<vmem>>
      %dma_wait3A_163 = tpu.memref_squeeze %dma_wait3A_162 : memref<1x128xi32, #tpu.memory_space<vmem>> -> memref<128xi32, #tpu.memory_space<vmem>>
      %dma_wait3A_164 = arith.constant 0 : i32
      %dma_wait3A_165 = tpu.memref_slice %arg5[%dma_wait3A_164] : memref<10112xf32, #tpu.memory_space<vmem_shared>> -> memref<10112xf32, #tpu.memory_space<vmem_shared>>
      tpu.wait_indirect_dma semaphore(%arg10 : memref<!tpu.dma_semaphore, #tpu.memory_space<semaphore_mem>>) src(%arg7 : memref<128xf32, #tpu.memory_space<vmem>>) dst(%dma_wait3A_165 : memref<10112xf32, #tpu.memory_space<vmem_shared>>)
      %add3A_166 = arith.constant 2 : i32
      %add3A_167 = arith.addi %mul3A_123, %add3A_166 : i32
      %dma_wait3A_168 = arith.constant 0 : i32
      %dma_wait3A_169 = tpu.memref_slice %arg6[%add3A_167, %dma_wait3A_168] : memref<79x128xi32, #tpu.memory_space<vmem>> -> memref<1x128xi32, #tpu.memory_space<vmem>>
      %dma_wait3A_170 = tpu.memref_squeeze %dma_wait3A_169 : memref<1x128xi32, #tpu.memory_space<vmem>> -> memref<128xi32, #tpu.memory_space<vmem>>
      %dma_wait3A_171 = arith.constant 0 : i32
      %dma_wait3A_172 = tpu.memref_slice %arg5[%dma_wait3A_171] : memref<10112xf32, #tpu.memory_space<vmem_shared>> -> memref<10112xf32, #tpu.memory_space<vmem_shared>>
      tpu.wait_indirect_dma semaphore(%arg10 : memref<!tpu.dma_semaphore, #tpu.memory_space<semaphore_mem>>) src(%arg7 : memref<128xf32, #tpu.memory_space<vmem>>) dst(%dma_wait3A_172 : memref<10112xf32, #tpu.memory_space<vmem_shared>>)
      %add3A_173 = arith.constant 3 : i32
      %add3A_174 = arith.addi %mul3A_123, %add3A_173 : i32
      %dma_wait3A_175 = arith.constant 0 : i32
      %dma_wait3A_176 = tpu.memref_slice %arg6[%add3A_174, %dma_wait3A_175] : memref<79x128xi32, #tpu.memory_space<vmem>> -> memref<1x128xi32, #tpu.memory_space<vmem>>
      %dma_wait3A_177 = tpu.memref_squeeze %dma_wait3A_176 : memref<1x128xi32, #tpu.memory_space<vmem>> -> memref<128xi32, #tpu.memory_space<vmem>>
      %dma_wait3A_178 = arith.constant 0 : i32
      %dma_wait3A_179 = tpu.memref_slice %arg5[%dma_wait3A_178] : memref<10112xf32, #tpu.memory_space<vmem_shared>> -> memref<10112xf32, #tpu.memory_space<vmem_shared>>
      tpu.wait_indirect_dma semaphore(%arg10 : memref<!tpu.dma_semaphore, #tpu.memory_space<semaphore_mem>>) src(%arg7 : memref<128xf32, #tpu.memory_space<vmem>>) dst(%dma_wait3A_179 : memref<10112xf32, #tpu.memory_space<vmem_shared>>)
    }
    %scan3A_79 = arith.constant 19 : i32
    %gt3A = arith.constant 76 : i32
    %gt3A_80 = arith.cmpi sgt, %add3A_6, %gt3A : i32
    %convert_element_type3A_81 = arith.extui %gt3A_80 : i1 to i32
    %cond3A_82 = arith.constant 0 : i32
    %cond3A_83 = arith.cmpi ne, %convert_element_type3A_81, %cond3A_82 : i32
    scf.if %cond3A_83 {
      %dma_start3A_121 = arith.constant 76 : i32
      %dma_start3A_122 = arith.constant 0 : i32
      %dma_start3A_123 = tpu.memref_slice %arg6[%dma_start3A_121, %dma_start3A_122] : memref<79x128xi32, #tpu.memory_space<vmem>> -> memref<1x128xi32, #tpu.memory_space<vmem>>
      %dma_start3A_124 = tpu.memref_squeeze %dma_start3A_123 : memref<1x128xi32, #tpu.memory_space<vmem>> -> memref<128xi32, #tpu.memory_space<vmem>>
      %dma_start3A_125 = arith.constant 0 : i32
      %dma_start3A_126 = tpu.memref_slice %arg5[%dma_start3A_125] : memref<10112xf32, #tpu.memory_space<vmem_shared>> -> memref<10112xf32, #tpu.memory_space<vmem_shared>>
      tpu.enqueue_indirect_dma source(%arg7 : memref<128xf32, #tpu.memory_space<vmem>>) target(%dma_start3A_126 : memref<10112xf32, #tpu.memory_space<vmem_shared>>) offsets(%dma_start3A_124 : memref<128xi32, #tpu.memory_space<vmem>>) semaphore(%arg10 : memref<!tpu.dma_semaphore, #tpu.memory_space<semaphore_mem>>) {add = true}
    } else {
    }
    %gt3A_84 = arith.constant 77 : i32
    %gt3A_85 = arith.cmpi sgt, %add3A_6, %gt3A_84 : i32
    %convert_element_type3A_86 = arith.extui %gt3A_85 : i1 to i32
    %cond3A_87 = arith.constant 0 : i32
    %cond3A_88 = arith.cmpi ne, %convert_element_type3A_86, %cond3A_87 : i32
    scf.if %cond3A_88 {
      %dma_start3A_121 = arith.constant 77 : i32
      %dma_start3A_122 = arith.constant 0 : i32
      %dma_start3A_123 = tpu.memref_slice %arg6[%dma_start3A_121, %dma_start3A_122] : memref<79x128xi32, #tpu.memory_space<vmem>> -> memref<1x128xi32, #tpu.memory_space<vmem>>
      %dma_start3A_124 = tpu.memref_squeeze %dma_start3A_123 : memref<1x128xi32, #tpu.memory_space<vmem>> -> memref<128xi32, #tpu.memory_space<vmem>>
      %dma_start3A_125 = arith.constant 0 : i32
      %dma_start3A_126 = tpu.memref_slice %arg5[%dma_start3A_125] : memref<10112xf32, #tpu.memory_space<vmem_shared>> -> memref<10112xf32, #tpu.memory_space<vmem_shared>>
      tpu.enqueue_indirect_dma source(%arg7 : memref<128xf32, #tpu.memory_space<vmem>>) target(%dma_start3A_126 : memref<10112xf32, #tpu.memory_space<vmem_shared>>) offsets(%dma_start3A_124 : memref<128xi32, #tpu.memory_space<vmem>>) semaphore(%arg10 : memref<!tpu.dma_semaphore, #tpu.memory_space<semaphore_mem>>) {add = true}
    } else {
    }
    %gt3A_89 = arith.constant 78 : i32
    %gt3A_90 = arith.cmpi sgt, %add3A_6, %gt3A_89 : i32
    %convert_element_type3A_91 = arith.extui %gt3A_90 : i1 to i32
    %cond3A_92 = arith.constant 0 : i32
    %cond3A_93 = arith.cmpi ne, %convert_element_type3A_91, %cond3A_92 : i32
    scf.if %cond3A_93 {
      %dma_start3A_121 = arith.constant 78 : i32
      %dma_start3A_122 = arith.constant 0 : i32
      %dma_start3A_123 = tpu.memref_slice %arg6[%dma_start3A_121, %dma_start3A_122] : memref<79x128xi32, #tpu.memory_space<vmem>> -> memref<1x128xi32, #tpu.memory_space<vmem>>
      %dma_start3A_124 = tpu.memref_squeeze %dma_start3A_123 : memref<1x128xi32, #tpu.memory_space<vmem>> -> memref<128xi32, #tpu.memory_space<vmem>>
      %dma_start3A_125 = arith.constant 0 : i32
      %dma_start3A_126 = tpu.memref_slice %arg5[%dma_start3A_125] : memref<10112xf32, #tpu.memory_space<vmem_shared>> -> memref<10112xf32, #tpu.memory_space<vmem_shared>>
      tpu.enqueue_indirect_dma source(%arg7 : memref<128xf32, #tpu.memory_space<vmem>>) target(%dma_start3A_126 : memref<10112xf32, #tpu.memory_space<vmem_shared>>) offsets(%dma_start3A_124 : memref<128xi32, #tpu.memory_space<vmem>>) semaphore(%arg10 : memref<!tpu.dma_semaphore, #tpu.memory_space<semaphore_mem>>) {add = true}
    } else {
    }
    %gt3A_94 = arith.constant 76 : i32
    %gt3A_95 = arith.cmpi sgt, %add3A_6, %gt3A_94 : i32
    %convert_element_type3A_96 = arith.extui %gt3A_95 : i1 to i32
    %cond3A_97 = arith.constant 0 : i32
    %cond3A_98 = arith.cmpi ne, %convert_element_type3A_96, %cond3A_97 : i32
    scf.if %cond3A_98 {
      %dma_wait3A_121 = arith.constant 76 : i32
      %dma_wait3A_122 = arith.constant 0 : i32
      %dma_wait3A_123 = tpu.memref_slice %arg6[%dma_wait3A_121, %dma_wait3A_122] : memref<79x128xi32, #tpu.memory_space<vmem>> -> memref<1x128xi32, #tpu.memory_space<vmem>>
      %dma_wait3A_124 = tpu.memref_squeeze %dma_wait3A_123 : memref<1x128xi32, #tpu.memory_space<vmem>> -> memref<128xi32, #tpu.memory_space<vmem>>
      %dma_wait3A_125 = arith.constant 0 : i32
      %dma_wait3A_126 = tpu.memref_slice %arg5[%dma_wait3A_125] : memref<10112xf32, #tpu.memory_space<vmem_shared>> -> memref<10112xf32, #tpu.memory_space<vmem_shared>>
      tpu.wait_indirect_dma semaphore(%arg10 : memref<!tpu.dma_semaphore, #tpu.memory_space<semaphore_mem>>) src(%arg7 : memref<128xf32, #tpu.memory_space<vmem>>) dst(%dma_wait3A_126 : memref<10112xf32, #tpu.memory_space<vmem_shared>>)
    } else {
    }
    %gt3A_99 = arith.constant 77 : i32
    %gt3A_100 = arith.cmpi sgt, %add3A_6, %gt3A_99 : i32
    %convert_element_type3A_101 = arith.extui %gt3A_100 : i1 to i32
    %cond3A_102 = arith.constant 0 : i32
    %cond3A_103 = arith.cmpi ne, %convert_element_type3A_101, %cond3A_102 : i32
    scf.if %cond3A_103 {
      %dma_wait3A_121 = arith.constant 77 : i32
      %dma_wait3A_122 = arith.constant 0 : i32
      %dma_wait3A_123 = tpu.memref_slice %arg6[%dma_wait3A_121, %dma_wait3A_122] : memref<79x128xi32, #tpu.memory_space<vmem>> -> memref<1x128xi32, #tpu.memory_space<vmem>>
      %dma_wait3A_124 = tpu.memref_squeeze %dma_wait3A_123 : memref<1x128xi32, #tpu.memory_space<vmem>> -> memref<128xi32, #tpu.memory_space<vmem>>
      %dma_wait3A_125 = arith.constant 0 : i32
      %dma_wait3A_126 = tpu.memref_slice %arg5[%dma_wait3A_125] : memref<10112xf32, #tpu.memory_space<vmem_shared>> -> memref<10112xf32, #tpu.memory_space<vmem_shared>>
      tpu.wait_indirect_dma semaphore(%arg10 : memref<!tpu.dma_semaphore, #tpu.memory_space<semaphore_mem>>) src(%arg7 : memref<128xf32, #tpu.memory_space<vmem>>) dst(%dma_wait3A_126 : memref<10112xf32, #tpu.memory_space<vmem_shared>>)
    } else {
    }
    %gt3A_104 = arith.constant 78 : i32
    %gt3A_105 = arith.cmpi sgt, %add3A_6, %gt3A_104 : i32
    %convert_element_type3A_106 = arith.extui %gt3A_105 : i1 to i32
    %cond3A_107 = arith.constant 0 : i32
    %cond3A_108 = arith.cmpi ne, %convert_element_type3A_106, %cond3A_107 : i32
    scf.if %cond3A_108 {
      %dma_wait3A_121 = arith.constant 78 : i32
      %dma_wait3A_122 = arith.constant 0 : i32
      %dma_wait3A_123 = tpu.memref_slice %arg6[%dma_wait3A_121, %dma_wait3A_122] : memref<79x128xi32, #tpu.memory_space<vmem>> -> memref<1x128xi32, #tpu.memory_space<vmem>>
      %dma_wait3A_124 = tpu.memref_squeeze %dma_wait3A_123 : memref<1x128xi32, #tpu.memory_space<vmem>> -> memref<128xi32, #tpu.memory_space<vmem>>
      %dma_wait3A_125 = arith.constant 0 : i32
      %dma_wait3A_126 = tpu.memref_slice %arg5[%dma_wait3A_125] : memref<10112xf32, #tpu.memory_space<vmem_shared>> -> memref<10112xf32, #tpu.memory_space<vmem_shared>>
      tpu.wait_indirect_dma semaphore(%arg10 : memref<!tpu.dma_semaphore, #tpu.memory_space<semaphore_mem>>) src(%arg7 : memref<128xf32, #tpu.memory_space<vmem>>) dst(%dma_wait3A_126 : memref<10112xf32, #tpu.memory_space<vmem_shared>>)
    } else {
    }
    %barrier3A_109 = arith.constant 0 : index
    tpu.barrier barrier_id(%barrier3A_109)
    "tpu.region"() ({
      %run_scoped3A = tpu.sem_alloc : memref<!tpu.dma_semaphore, #tpu.memory_space<semaphore_mem>>
      %dma_start3A_121 = tpu.memref_slice %arg5[%mul3A_2] : memref<10112xf32, #tpu.memory_space<vmem_shared>> -> memref<632xf32, #tpu.memory_space<vmem_shared>>
      %dma_start3A_122 = tpu.memref_slice %arg5[%mul3A_2] : memref<10112xf32, #tpu.memory_space<vmem_shared>> -> memref<632xf32, #tpu.memory_space<vmem_shared>>
      tpu.enqueue_dma source(%dma_start3A_122 : memref<632xf32, #tpu.memory_space<vmem_shared>>) target(%arg8 : memref<632xf32, #tpu.memory_space<vmem>>) target_semaphore(%run_scoped3A : memref<!tpu.dma_semaphore, #tpu.memory_space<semaphore_mem>>)
      %dma_wait3A_123 = tpu.memref_slice %arg5[%mul3A_2] : memref<10112xf32, #tpu.memory_space<vmem_shared>> -> memref<632xf32, #tpu.memory_space<vmem_shared>>
      %dma_wait3A_124 = tpu.memref_slice %arg5[%mul3A_2] : memref<10112xf32, #tpu.memory_space<vmem_shared>> -> memref<632xf32, #tpu.memory_space<vmem_shared>>
      tpu.wait_dma2 semaphore(%run_scoped3A : memref<!tpu.dma_semaphore, #tpu.memory_space<semaphore_mem>>) src(%dma_wait3A_124 : memref<632xf32, #tpu.memory_space<vmem_shared>>) dst(%arg8 : memref<632xf32, #tpu.memory_space<vmem>>)
      tpu.yield
    }) : () -> ()
    %iota3A = tpu.iota {dimensions = array<i32: 0>} : vector<16xi32>
    %scan3A_110 = arith.constant 0 : i32
    %scan3A_111 = arith.constant 0 : i32
    %scan3A_112 = arith.constant 40 : i32
    %scan3A_113 = arith.addi %scan3A_111, %scan3A_112 : i32
    %scan3A_114 = arith.constant 1 : i32
    scf.for %scan3A_121 = %scan3A_111 to %scan3A_113 step %scan3A_114  : i32 {
      %mul3A_122 = arith.constant 16 : i32
      %mul3A_123 = arith.muli %scan3A_121, %mul3A_122 : i32
      %min3A = arith.constant 616 : i32
      %min3A_124 = arith.minsi %mul3A_123, %min3A : i32
      %get3A = arith.index_cast %min3A_124 : i32 to index
      %get3A_125 = tpu.vector_load %arg8[%get3A] {strides = array<i32>} : memref<632xf32, #tpu.memory_space<vmem>>, vector<16xf32>,
      %add3A_126 = vector.broadcast %min3A_124 : i32 to vector<16xi32>
      %add3A_127 = arith.addi %add3A_126, %iota3A : vector<16xi32>
      %mul3A_128 = arith.constant 16 : i32
      %mul3A_129 = vector.broadcast %mul3A_128 : i32 to vector<16xi32>
      %mul3A_130 = arith.muli %add3A_127, %mul3A_129 : vector<16xi32>
      %add3A_131 = arith.constant 0 : i32
      %add3A_132 = vector.broadcast %add3A_131 : i32 to vector<16xi32>
      %add3A_133 = arith.addi %mul3A_130, %add3A_132 : vector<16xi32>
      tpu.vector_store_idx %arg9[%add3A_133], %get3A_125 : memref<10112xf32, #tpu.memory_space<vmem>>[vector<16xi32>], vector<16xf32>,
      %add3A_134 = arith.constant 1 : i32
      %add3A_135 = vector.broadcast %add3A_134 : i32 to vector<16xi32>
      %add3A_136 = arith.addi %mul3A_130, %add3A_135 : vector<16xi32>
      tpu.vector_store_idx %arg9[%add3A_136], %get3A_125 : memref<10112xf32, #tpu.memory_space<vmem>>[vector<16xi32>], vector<16xf32>,
      %add3A_137 = arith.constant 2 : i32
      %add3A_138 = vector.broadcast %add3A_137 : i32 to vector<16xi32>
      %add3A_139 = arith.addi %mul3A_130, %add3A_138 : vector<16xi32>
      tpu.vector_store_idx %arg9[%add3A_139], %get3A_125 : memref<10112xf32, #tpu.memory_space<vmem>>[vector<16xi32>], vector<16xf32>,
      %add3A_140 = arith.constant 3 : i32
      %add3A_141 = vector.broadcast %add3A_140 : i32 to vector<16xi32>
      %add3A_142 = arith.addi %mul3A_130, %add3A_141 : vector<16xi32>
      tpu.vector_store_idx %arg9[%add3A_142], %get3A_125 : memref<10112xf32, #tpu.memory_space<vmem>>[vector<16xi32>], vector<16xf32>,
      %add3A_143 = arith.constant 4 : i32
      %add3A_144 = vector.broadcast %add3A_143 : i32 to vector<16xi32>
      %add3A_145 = arith.addi %mul3A_130, %add3A_144 : vector<16xi32>
      tpu.vector_store_idx %arg9[%add3A_145], %get3A_125 : memref<10112xf32, #tpu.memory_space<vmem>>[vector<16xi32>], vector<16xf32>,
      %add3A_146 = arith.constant 5 : i32
      %add3A_147 = vector.broadcast %add3A_146 : i32 to vector<16xi32>
      %add3A_148 = arith.addi %mul3A_130, %add3A_147 : vector<16xi32>
      tpu.vector_store_idx %arg9[%add3A_148], %get3A_125 : memref<10112xf32, #tpu.memory_space<vmem>>[vector<16xi32>], vector<16xf32>,
      %add3A_149 = arith.constant 6 : i32
      %add3A_150 = vector.broadcast %add3A_149 : i32 to vector<16xi32>
      %add3A_151 = arith.addi %mul3A_130, %add3A_150 : vector<16xi32>
      tpu.vector_store_idx %arg9[%add3A_151], %get3A_125 : memref<10112xf32, #tpu.memory_space<vmem>>[vector<16xi32>], vector<16xf32>,
      %add3A_152 = arith.constant 7 : i32
      %add3A_153 = vector.broadcast %add3A_152 : i32 to vector<16xi32>
      %add3A_154 = arith.addi %mul3A_130, %add3A_153 : vector<16xi32>
      tpu.vector_store_idx %arg9[%add3A_154], %get3A_125 : memref<10112xf32, #tpu.memory_space<vmem>>[vector<16xi32>], vector<16xf32>,
      %add3A_155 = arith.constant 8 : i32
      %add3A_156 = vector.broadcast %add3A_155 : i32 to vector<16xi32>
      %add3A_157 = arith.addi %mul3A_130, %add3A_156 : vector<16xi32>
      tpu.vector_store_idx %arg9[%add3A_157], %get3A_125 : memref<10112xf32, #tpu.memory_space<vmem>>[vector<16xi32>], vector<16xf32>,
      %add3A_158 = arith.constant 9 : i32
      %add3A_159 = vector.broadcast %add3A_158 : i32 to vector<16xi32>
      %add3A_160 = arith.addi %mul3A_130, %add3A_159 : vector<16xi32>
      tpu.vector_store_idx %arg9[%add3A_160], %get3A_125 : memref<10112xf32, #tpu.memory_space<vmem>>[vector<16xi32>], vector<16xf32>,
      %add3A_161 = arith.constant 10 : i32
      %add3A_162 = vector.broadcast %add3A_161 : i32 to vector<16xi32>
      %add3A_163 = arith.addi %mul3A_130, %add3A_162 : vector<16xi32>
      tpu.vector_store_idx %arg9[%add3A_163], %get3A_125 : memref<10112xf32, #tpu.memory_space<vmem>>[vector<16xi32>], vector<16xf32>,
      %add3A_164 = arith.constant 11 : i32
      %add3A_165 = vector.broadcast %add3A_164 : i32 to vector<16xi32>
      %add3A_166 = arith.addi %mul3A_130, %add3A_165 : vector<16xi32>
      tpu.vector_store_idx %arg9[%add3A_166], %get3A_125 : memref<10112xf32, #tpu.memory_space<vmem>>[vector<16xi32>], vector<16xf32>,
      %add3A_167 = arith.constant 12 : i32
      %add3A_168 = vector.broadcast %add3A_167 : i32 to vector<16xi32>
      %add3A_169 = arith.addi %mul3A_130, %add3A_168 : vector<16xi32>
      tpu.vector_store_idx %arg9[%add3A_169], %get3A_125 : memref<10112xf32, #tpu.memory_space<vmem>>[vector<16xi32>], vector<16xf32>,
      %add3A_170 = arith.constant 13 : i32
      %add3A_171 = vector.broadcast %add3A_170 : i32 to vector<16xi32>
      %add3A_172 = arith.addi %mul3A_130, %add3A_171 : vector<16xi32>
      tpu.vector_store_idx %arg9[%add3A_172], %get3A_125 : memref<10112xf32, #tpu.memory_space<vmem>>[vector<16xi32>], vector<16xf32>,
      %add3A_173 = arith.constant 14 : i32
      %add3A_174 = vector.broadcast %add3A_173 : i32 to vector<16xi32>
      %add3A_175 = arith.addi %mul3A_130, %add3A_174 : vector<16xi32>
      tpu.vector_store_idx %arg9[%add3A_175], %get3A_125 : memref<10112xf32, #tpu.memory_space<vmem>>[vector<16xi32>], vector<16xf32>,
      %add3A_176 = arith.constant 15 : i32
      %add3A_177 = vector.broadcast %add3A_176 : i32 to vector<16xi32>
      %add3A_178 = arith.addi %mul3A_130, %add3A_177 : vector<16xi32>
      tpu.vector_store_idx %arg9[%add3A_178], %get3A_125 : memref<10112xf32, #tpu.memory_space<vmem>>[vector<16xi32>], vector<16xf32>,
    }
    %scan3A_115 = arith.constant 40 : i32
    %mul3A_116 = arith.constant 161792 : i32
    %mul3A_117 = arith.muli %arg0, %mul3A_116 : i32
    %mul3A_118 = arith.constant 10112 : i32
    %mul3A_119 = arith.muli %arg1, %mul3A_118 : i32
    %add3A_120 = arith.addi %mul3A_117, %mul3A_119 : i32
    "tpu.region"() ({
      %run_scoped3A = tpu.sem_alloc : memref<!tpu.dma_semaphore, #tpu.memory_space<semaphore_mem>>
      %dma_start3A_121 = tpu.memref_slice %arg4[%add3A_120] : memref<323584xf32, #tpu.memory_space<hbm>> -> memref<10112xf32, #tpu.memory_space<hbm>>
      %dma_start3A_122 = tpu.memref_slice %arg4[%add3A_120] : memref<323584xf32, #tpu.memory_space<hbm>> -> memref<10112xf32, #tpu.memory_space<hbm>>
      tpu.enqueue_dma source(%arg9 : memref<10112xf32, #tpu.memory_space<vmem>>) target(%dma_start3A_122 : memref<10112xf32, #tpu.memory_space<hbm>>) target_semaphore(%run_scoped3A : memref<!tpu.dma_semaphore, #tpu.memory_space<semaphore_mem>>)
      %dma_wait3A_123 = tpu.memref_slice %arg4[%add3A_120] : memref<323584xf32, #tpu.memory_space<hbm>> -> memref<10112xf32, #tpu.memory_space<hbm>>
      %dma_wait3A_124 = tpu.memref_slice %arg4[%add3A_120] : memref<323584xf32, #tpu.memory_space<hbm>> -> memref<10112xf32, #tpu.memory_space<hbm>>
      tpu.wait_dma2 semaphore(%run_scoped3A : memref<!tpu.dma_semaphore, #tpu.memory_space<semaphore_mem>>) src(%arg9 : memref<10112xf32, #tpu.memory_space<vmem>>) dst(%dma_wait3A_124 : memref<10112xf32, #tpu.memory_space<hbm>>)
      tpu.yield
    }) : () -> ()
    return
  }
}

#map = affine_map<(d0, d1) -> (0, 0)>
#map1 = affine_map<(d0, d1) -> (0, 0, 0, 0)>
#map2 = affine_map<(d0, d1) -> (0, 0, 0)>
module attributes {stable_mosaic.version = 14 : i64} {
  func.func @_agg_body(%arg0: i32, %arg1: i32, %arg2: memref<10000x16xf32, #tpu.memory_space<hbm>>, %arg3: memref<2x2500x1x128xi32, #tpu.memory_space<hbm>>, %arg4: memref<632x16xf32, #tpu.memory_space<hbm>>, %arg5: memref<2x10112x16xf32, #tpu.memory_space<hbm>>, %arg6: memref<10112x16xf32, #tpu.memory_space<vmem_shared>>, %arg7: memref<79x128xi32, #tpu.memory_space<vmem>>, %arg8: memref<79x128xi32, #tpu.memory_space<vmem>>, %arg9: memref<128x16xf32, #tpu.memory_space<vmem>>, %arg10: memref<128x16xf32, #tpu.memory_space<vmem>>, %arg11: memref<128x16xf32, #tpu.memory_space<vmem>>, %arg12: memref<128x16xf32, #tpu.memory_space<vmem>>, %arg13: memref<128x16xf32, #tpu.memory_space<vmem>>, %arg14: memref<128x16xf32, #tpu.memory_space<vmem>>, %arg15: memref<128x16xf32, #tpu.memory_space<vmem>>, %arg16: memref<128x16xf32, #tpu.memory_space<vmem>>, %arg17: memref<632x16xf32, #tpu.memory_space<vmem>>, %arg18: memref<!tpu.dma_semaphore, #tpu.memory_space<semaphore_mem>>, %arg19: memref<!tpu.dma_semaphore, #tpu.memory_space<semaphore_mem>>, %arg20: memref<!tpu.dma_semaphore, #tpu.memory_space<semaphore_mem>>, %arg21: memref<!tpu.dma_semaphore, #tpu.memory_space<semaphore_mem>>, %arg22: memref<!tpu.dma_semaphore, #tpu.memory_space<semaphore_mem>>, %arg23: memref<!tpu.dma_semaphore, #tpu.memory_space<semaphore_mem>>, %arg24: memref<!tpu.dma_semaphore, #tpu.memory_space<semaphore_mem>>, %arg25: memref<!tpu.dma_semaphore, #tpu.memory_space<semaphore_mem>>, %arg26: memref<!tpu.dma_semaphore, #tpu.memory_space<semaphore_mem>>, %arg27: memref<!tpu.dma_semaphore, #tpu.memory_space<semaphore_mem>>, %arg28: memref<!tpu.dma_semaphore, #tpu.memory_space<semaphore_mem>>, %arg29: memref<!tpu.dma_semaphore, #tpu.memory_space<semaphore_mem>>, %arg30: memref<!tpu.dma_semaphore, #tpu.memory_space<semaphore_mem>>, %arg31: memref<!tpu.dma_semaphore, #tpu.memory_space<semaphore_mem>>, %arg32: memref<!tpu.dma_semaphore, #tpu.memory_space<semaphore_mem>>, %arg33: memref<!tpu.dma_semaphore, #tpu.memory_space<semaphore_mem>>) attributes {dimension_semantics = [#tpu.dimension_semantics<core_parallel>, #tpu.dimension_semantics<subcore_parallel>], iteration_bounds = array<i64: 2, 16>, scalar_prefetch = 0 : i64, scratch_operands = 28 : i64, tpu.core_type = #tpu.core_type<sc_vector_subcore>, window_params = [{transform_indices = #map}, {transform_indices = #map1}, {transform_indices = #map}, {transform_indices = #map2}]} {
    %mul3A = arith.constant 16 : i32
    %mul3A_0 = arith.muli %arg0, %mul3A : i32
    %add3A = arith.addi %mul3A_0, %arg1 : i32
    %mul3A_1 = arith.constant 632 : i32
    %mul3A_2 = arith.muli %arg1, %mul3A_1 : i32
    %lt3A = arith.constant 4 : i32
    %lt3A_3 = arith.cmpi slt, %add3A, %lt3A : i32
    %jit3A = arith.constant 1 : i32
    %jit3A_4 = arith.constant 0 : i32
    %select_n3A = arith.select %lt3A_3, %jit3A, %jit3A_4 : i32
    %add3A_5 = arith.constant 78 : i32
    %add3A_6 = arith.addi %add3A_5, %select_n3A : i32
    tpu.enqueue_dma source(%arg4 : memref<632x16xf32, #tpu.memory_space<hbm>>) target(%arg17 : memref<632x16xf32, #tpu.memory_space<vmem>>) target_semaphore(%arg26 : memref<!tpu.dma_semaphore, #tpu.memory_space<semaphore_mem>>)
    %mul3A_7 = arith.constant 78 : i32
    %mul3A_8 = arith.muli %add3A, %mul3A_7 : i32
    %dma_start3A = arith.constant 0 : i32
    %dma_start3A_9 = arith.constant 0 : i32
    %dma_start3A_10 = arith.constant 0 : i32
    %dma_start3A_11 = arith.constant 0 : i32
    %dma_start3A_12 = tpu.memref_slice %arg7[%dma_start3A_10, %dma_start3A_11] : memref<79x128xi32, #tpu.memory_space<vmem>> -> memref<78x128xi32, #tpu.memory_space<vmem>>
    %dma_start3A_13 = arith.constant 0 : i32
    %dma_start3A_14 = tpu.memref_slice %arg3[%dma_start3A, %mul3A_8, %dma_start3A_9, %dma_start3A_13] : memref<2x2500x1x128xi32, #tpu.memory_space<hbm>> -> memref<1x78x1x128xi32, #tpu.memory_space<hbm>>
    %dma_start3A_15 = tpu.memref_squeeze %dma_start3A_14 : memref<1x78x1x128xi32, #tpu.memory_space<hbm>> -> memref<78x128xi32, #tpu.memory_space<hbm>>
    %dma_start3A_16 = arith.constant 0 : i32
    %dma_start3A_17 = arith.constant 0 : i32
    %dma_start3A_18 = tpu.memref_slice %arg7[%dma_start3A_16, %dma_start3A_17] : memref<79x128xi32, #tpu.memory_space<vmem>> -> memref<78x128xi32, #tpu.memory_space<vmem>>
    %dma_start3A_19 = arith.constant 0 : i32
    %dma_start3A_20 = tpu.memref_slice %arg3[%dma_start3A, %mul3A_8, %dma_start3A_9, %dma_start3A_19] : memref<2x2500x1x128xi32, #tpu.memory_space<hbm>> -> memref<1x78x1x128xi32, #tpu.memory_space<hbm>>
    %dma_start3A_21 = tpu.memref_squeeze %dma_start3A_20 : memref<1x78x1x128xi32, #tpu.memory_space<hbm>> -> memref<78x128xi32, #tpu.memory_space<hbm>>
    tpu.enqueue_dma source(%dma_start3A_21 : memref<78x128xi32, #tpu.memory_space<hbm>>) target(%dma_start3A_18 : memref<78x128xi32, #tpu.memory_space<vmem>>) target_semaphore(%arg18 : memref<!tpu.dma_semaphore, #tpu.memory_space<semaphore_mem>>)
    %lt3A_22 = arith.constant 4 : i32
    %lt3A_23 = arith.cmpi slt, %add3A, %lt3A_22 : i32
    %convert_element_type3A = arith.extui %lt3A_23 : i1 to i32
    %cond3A = arith.constant 0 : i32
    %cond3A_24 = arith.cmpi ne, %convert_element_type3A, %cond3A : i32
    scf.if %cond3A_24 {
      %add3A_188 = arith.constant 2496 : i32
      %add3A_189 = arith.addi %add3A_188, %add3A : i32
      %dma_start3A_190 = arith.constant 0 : i32
      %dma_start3A_191 = arith.constant 0 : i32
      %dma_start3A_192 = arith.constant 78 : i32
      %dma_start3A_193 = arith.constant 0 : i32
      %dma_start3A_194 = tpu.memref_slice %arg7[%dma_start3A_192, %dma_start3A_193] : memref<79x128xi32, #tpu.memory_space<vmem>> -> memref<1x128xi32, #tpu.memory_space<vmem>>
      %dma_start3A_195 = arith.constant 0 : i32
      %dma_start3A_196 = tpu.memref_slice %arg3[%dma_start3A_190, %add3A_189, %dma_start3A_191, %dma_start3A_195] : memref<2x2500x1x128xi32, #tpu.memory_space<hbm>> -> memref<1x1x1x128xi32, #tpu.memory_space<hbm>>
      %dma_start3A_197 = tpu.memref_squeeze %dma_start3A_196 : memref<1x1x1x128xi32, #tpu.memory_space<hbm>> -> memref<1x128xi32, #tpu.memory_space<hbm>>
      %dma_start3A_198 = arith.constant 78 : i32
      %dma_start3A_199 = arith.constant 0 : i32
      %dma_start3A_200 = tpu.memref_slice %arg7[%dma_start3A_198, %dma_start3A_199] : memref<79x128xi32, #tpu.memory_space<vmem>> -> memref<1x128xi32, #tpu.memory_space<vmem>>
      %dma_start3A_201 = arith.constant 0 : i32
      %dma_start3A_202 = tpu.memref_slice %arg3[%dma_start3A_190, %add3A_189, %dma_start3A_191, %dma_start3A_201] : memref<2x2500x1x128xi32, #tpu.memory_space<hbm>> -> memref<1x1x1x128xi32, #tpu.memory_space<hbm>>
      %dma_start3A_203 = tpu.memref_squeeze %dma_start3A_202 : memref<1x1x1x128xi32, #tpu.memory_space<hbm>> -> memref<1x128xi32, #tpu.memory_space<hbm>>
      tpu.enqueue_dma source(%dma_start3A_203 : memref<1x128xi32, #tpu.memory_space<hbm>>) target(%dma_start3A_200 : memref<1x128xi32, #tpu.memory_space<vmem>>) target_semaphore(%arg18 : memref<!tpu.dma_semaphore, #tpu.memory_space<semaphore_mem>>)
    } else {
    }
    %mul3A_25 = arith.constant 78 : i32
    %mul3A_26 = arith.muli %add3A, %mul3A_25 : i32
    %dma_start3A_27 = arith.constant 1 : i32
    %dma_start3A_28 = arith.constant 0 : i32
    %dma_start3A_29 = arith.constant 0 : i32
    %dma_start3A_30 = arith.constant 0 : i32
    %dma_start3A_31 = tpu.memref_slice %arg8[%dma_start3A_29, %dma_start3A_30] : memref<79x128xi32, #tpu.memory_space<vmem>> -> memref<78x128xi32, #tpu.memory_space<vmem>>
    %dma_start3A_32 = arith.constant 0 : i32
    %dma_start3A_33 = tpu.memref_slice %arg3[%dma_start3A_27, %mul3A_26, %dma_start3A_28, %dma_start3A_32] : memref<2x2500x1x128xi32, #tpu.memory_space<hbm>> -> memref<1x78x1x128xi32, #tpu.memory_space<hbm>>
    %dma_start3A_34 = tpu.memref_squeeze %dma_start3A_33 : memref<1x78x1x128xi32, #tpu.memory_space<hbm>> -> memref<78x128xi32, #tpu.memory_space<hbm>>
    %dma_start3A_35 = arith.constant 0 : i32
    %dma_start3A_36 = arith.constant 0 : i32
    %dma_start3A_37 = tpu.memref_slice %arg8[%dma_start3A_35, %dma_start3A_36] : memref<79x128xi32, #tpu.memory_space<vmem>> -> memref<78x128xi32, #tpu.memory_space<vmem>>
    %dma_start3A_38 = arith.constant 0 : i32
    %dma_start3A_39 = tpu.memref_slice %arg3[%dma_start3A_27, %mul3A_26, %dma_start3A_28, %dma_start3A_38] : memref<2x2500x1x128xi32, #tpu.memory_space<hbm>> -> memref<1x78x1x128xi32, #tpu.memory_space<hbm>>
    %dma_start3A_40 = tpu.memref_squeeze %dma_start3A_39 : memref<1x78x1x128xi32, #tpu.memory_space<hbm>> -> memref<78x128xi32, #tpu.memory_space<hbm>>
    tpu.enqueue_dma source(%dma_start3A_40 : memref<78x128xi32, #tpu.memory_space<hbm>>) target(%dma_start3A_37 : memref<78x128xi32, #tpu.memory_space<vmem>>) target_semaphore(%arg19 : memref<!tpu.dma_semaphore, #tpu.memory_space<semaphore_mem>>)
    %lt3A_41 = arith.constant 4 : i32
    %lt3A_42 = arith.cmpi slt, %add3A, %lt3A_41 : i32
    %convert_element_type3A_43 = arith.extui %lt3A_42 : i1 to i32
    %cond3A_44 = arith.constant 0 : i32
    %cond3A_45 = arith.cmpi ne, %convert_element_type3A_43, %cond3A_44 : i32
    scf.if %cond3A_45 {
      %add3A_188 = arith.constant 2496 : i32
      %add3A_189 = arith.addi %add3A_188, %add3A : i32
      %dma_start3A_190 = arith.constant 1 : i32
      %dma_start3A_191 = arith.constant 0 : i32
      %dma_start3A_192 = arith.constant 78 : i32
      %dma_start3A_193 = arith.constant 0 : i32
      %dma_start3A_194 = tpu.memref_slice %arg8[%dma_start3A_192, %dma_start3A_193] : memref<79x128xi32, #tpu.memory_space<vmem>> -> memref<1x128xi32, #tpu.memory_space<vmem>>
      %dma_start3A_195 = arith.constant 0 : i32
      %dma_start3A_196 = tpu.memref_slice %arg3[%dma_start3A_190, %add3A_189, %dma_start3A_191, %dma_start3A_195] : memref<2x2500x1x128xi32, #tpu.memory_space<hbm>> -> memref<1x1x1x128xi32, #tpu.memory_space<hbm>>
      %dma_start3A_197 = tpu.memref_squeeze %dma_start3A_196 : memref<1x1x1x128xi32, #tpu.memory_space<hbm>> -> memref<1x128xi32, #tpu.memory_space<hbm>>
      %dma_start3A_198 = arith.constant 78 : i32
      %dma_start3A_199 = arith.constant 0 : i32
      %dma_start3A_200 = tpu.memref_slice %arg8[%dma_start3A_198, %dma_start3A_199] : memref<79x128xi32, #tpu.memory_space<vmem>> -> memref<1x128xi32, #tpu.memory_space<vmem>>
      %dma_start3A_201 = arith.constant 0 : i32
      %dma_start3A_202 = tpu.memref_slice %arg3[%dma_start3A_190, %add3A_189, %dma_start3A_191, %dma_start3A_201] : memref<2x2500x1x128xi32, #tpu.memory_space<hbm>> -> memref<1x1x1x128xi32, #tpu.memory_space<hbm>>
      %dma_start3A_203 = tpu.memref_squeeze %dma_start3A_202 : memref<1x1x1x128xi32, #tpu.memory_space<hbm>> -> memref<1x128xi32, #tpu.memory_space<hbm>>
      tpu.enqueue_dma source(%dma_start3A_203 : memref<1x128xi32, #tpu.memory_space<hbm>>) target(%dma_start3A_200 : memref<1x128xi32, #tpu.memory_space<vmem>>) target_semaphore(%arg19 : memref<!tpu.dma_semaphore, #tpu.memory_space<semaphore_mem>>)
    } else {
    }
    tpu.wait_dma2 semaphore(%arg26 : memref<!tpu.dma_semaphore, #tpu.memory_space<semaphore_mem>>) src(%arg4 : memref<632x16xf32, #tpu.memory_space<hbm>>) dst(%arg17 : memref<632x16xf32, #tpu.memory_space<vmem>>)
    "tpu.region"() ({
      %run_scoped3A = tpu.sem_alloc : memref<!tpu.dma_semaphore, #tpu.memory_space<semaphore_mem>>
      %dma_start3A_188 = arith.constant 0 : i32
      %dma_start3A_189 = tpu.memref_slice %arg6[%mul3A_2, %dma_start3A_188] : memref<10112x16xf32, #tpu.memory_space<vmem_shared>> -> memref<632x16xf32, #tpu.memory_space<vmem_shared>>
      %dma_start3A_190 = arith.constant 0 : i32
      %dma_start3A_191 = tpu.memref_slice %arg6[%mul3A_2, %dma_start3A_190] : memref<10112x16xf32, #tpu.memory_space<vmem_shared>> -> memref<632x16xf32, #tpu.memory_space<vmem_shared>>
      tpu.enqueue_dma source(%arg17 : memref<632x16xf32, #tpu.memory_space<vmem>>) target(%dma_start3A_191 : memref<632x16xf32, #tpu.memory_space<vmem_shared>>) target_semaphore(%run_scoped3A : memref<!tpu.dma_semaphore, #tpu.memory_space<semaphore_mem>>)
      %dma_wait3A_192 = arith.constant 0 : i32
      %dma_wait3A_193 = tpu.memref_slice %arg6[%mul3A_2, %dma_wait3A_192] : memref<10112x16xf32, #tpu.memory_space<vmem_shared>> -> memref<632x16xf32, #tpu.memory_space<vmem_shared>>
      %dma_wait3A_194 = arith.constant 0 : i32
      %dma_wait3A_195 = tpu.memref_slice %arg6[%mul3A_2, %dma_wait3A_194] : memref<10112x16xf32, #tpu.memory_space<vmem_shared>> -> memref<632x16xf32, #tpu.memory_space<vmem_shared>>
      tpu.wait_dma2 semaphore(%run_scoped3A : memref<!tpu.dma_semaphore, #tpu.memory_space<semaphore_mem>>) src(%arg17 : memref<632x16xf32, #tpu.memory_space<vmem>>) dst(%dma_wait3A_195 : memref<632x16xf32, #tpu.memory_space<vmem_shared>>)
      tpu.yield
    }) : () -> ()
    %mul3A_46 = arith.constant 78 : i32
    %mul3A_47 = arith.muli %add3A, %mul3A_46 : i32
    %dma_wait3A = arith.constant 0 : i32
    %dma_wait3A_48 = arith.constant 0 : i32
    %dma_wait3A_49 = arith.constant 0 : i32
    %dma_wait3A_50 = arith.constant 0 : i32
    %dma_wait3A_51 = tpu.memref_slice %arg7[%dma_wait3A_49, %dma_wait3A_50] : memref<79x128xi32, #tpu.memory_space<vmem>> -> memref<78x128xi32, #tpu.memory_space<vmem>>
    %dma_wait3A_52 = arith.constant 0 : i32
    %dma_wait3A_53 = tpu.memref_slice %arg3[%dma_wait3A, %mul3A_47, %dma_wait3A_48, %dma_wait3A_52] : memref<2x2500x1x128xi32, #tpu.memory_space<hbm>> -> memref<1x78x1x128xi32, #tpu.memory_space<hbm>>
    %dma_wait3A_54 = tpu.memref_squeeze %dma_wait3A_53 : memref<1x78x1x128xi32, #tpu.memory_space<hbm>> -> memref<78x128xi32, #tpu.memory_space<hbm>>
    %dma_wait3A_55 = arith.constant 0 : i32
    %dma_wait3A_56 = arith.constant 0 : i32
    %dma_wait3A_57 = tpu.memref_slice %arg7[%dma_wait3A_55, %dma_wait3A_56] : memref<79x128xi32, #tpu.memory_space<vmem>> -> memref<78x128xi32, #tpu.memory_space<vmem>>
    %dma_wait3A_58 = arith.constant 0 : i32
    %dma_wait3A_59 = tpu.memref_slice %arg3[%dma_wait3A, %mul3A_47, %dma_wait3A_48, %dma_wait3A_58] : memref<2x2500x1x128xi32, #tpu.memory_space<hbm>> -> memref<1x78x1x128xi32, #tpu.memory_space<hbm>>
    %dma_wait3A_60 = tpu.memref_squeeze %dma_wait3A_59 : memref<1x78x1x128xi32, #tpu.memory_space<hbm>> -> memref<78x128xi32, #tpu.memory_space<hbm>>
    tpu.wait_dma2 semaphore(%arg18 : memref<!tpu.dma_semaphore, #tpu.memory_space<semaphore_mem>>) src(%dma_wait3A_60 : memref<78x128xi32, #tpu.memory_space<hbm>>) dst(%dma_wait3A_57 : memref<78x128xi32, #tpu.memory_space<vmem>>)
    %lt3A_61 = arith.constant 4 : i32
    %lt3A_62 = arith.cmpi slt, %add3A, %lt3A_61 : i32
    %convert_element_type3A_63 = arith.extui %lt3A_62 : i1 to i32
    %cond3A_64 = arith.constant 0 : i32
    %cond3A_65 = arith.cmpi ne, %convert_element_type3A_63, %cond3A_64 : i32
    scf.if %cond3A_65 {
      %add3A_188 = arith.constant 2496 : i32
      %add3A_189 = arith.addi %add3A_188, %add3A : i32
      %dma_wait3A_190 = arith.constant 0 : i32
      %dma_wait3A_191 = arith.constant 0 : i32
      %dma_wait3A_192 = arith.constant 78 : i32
      %dma_wait3A_193 = arith.constant 0 : i32
      %dma_wait3A_194 = tpu.memref_slice %arg7[%dma_wait3A_192, %dma_wait3A_193] : memref<79x128xi32, #tpu.memory_space<vmem>> -> memref<1x128xi32, #tpu.memory_space<vmem>>
      %dma_wait3A_195 = arith.constant 0 : i32
      %dma_wait3A_196 = tpu.memref_slice %arg3[%dma_wait3A_190, %add3A_189, %dma_wait3A_191, %dma_wait3A_195] : memref<2x2500x1x128xi32, #tpu.memory_space<hbm>> -> memref<1x1x1x128xi32, #tpu.memory_space<hbm>>
      %dma_wait3A_197 = tpu.memref_squeeze %dma_wait3A_196 : memref<1x1x1x128xi32, #tpu.memory_space<hbm>> -> memref<1x128xi32, #tpu.memory_space<hbm>>
      %dma_wait3A_198 = arith.constant 78 : i32
      %dma_wait3A_199 = arith.constant 0 : i32
      %dma_wait3A_200 = tpu.memref_slice %arg7[%dma_wait3A_198, %dma_wait3A_199] : memref<79x128xi32, #tpu.memory_space<vmem>> -> memref<1x128xi32, #tpu.memory_space<vmem>>
      %dma_wait3A_201 = arith.constant 0 : i32
      %dma_wait3A_202 = tpu.memref_slice %arg3[%dma_wait3A_190, %add3A_189, %dma_wait3A_191, %dma_wait3A_201] : memref<2x2500x1x128xi32, #tpu.memory_space<hbm>> -> memref<1x1x1x128xi32, #tpu.memory_space<hbm>>
      %dma_wait3A_203 = tpu.memref_squeeze %dma_wait3A_202 : memref<1x1x1x128xi32, #tpu.memory_space<hbm>> -> memref<1x128xi32, #tpu.memory_space<hbm>>
      tpu.wait_dma2 semaphore(%arg18 : memref<!tpu.dma_semaphore, #tpu.memory_space<semaphore_mem>>) src(%dma_wait3A_203 : memref<1x128xi32, #tpu.memory_space<hbm>>) dst(%dma_wait3A_200 : memref<1x128xi32, #tpu.memory_space<vmem>>)
    } else {
    }
    %mul3A_66 = arith.constant 78 : i32
    %mul3A_67 = arith.muli %add3A, %mul3A_66 : i32
    %dma_wait3A_68 = arith.constant 1 : i32
    %dma_wait3A_69 = arith.constant 0 : i32
    %dma_wait3A_70 = arith.constant 0 : i32
    %dma_wait3A_71 = arith.constant 0 : i32
    %dma_wait3A_72 = tpu.memref_slice %arg8[%dma_wait3A_70, %dma_wait3A_71] : memref<79x128xi32, #tpu.memory_space<vmem>> -> memref<78x128xi32, #tpu.memory_space<vmem>>
    %dma_wait3A_73 = arith.constant 0 : i32
    %dma_wait3A_74 = tpu.memref_slice %arg3[%dma_wait3A_68, %mul3A_67, %dma_wait3A_69, %dma_wait3A_73] : memref<2x2500x1x128xi32, #tpu.memory_space<hbm>> -> memref<1x78x1x128xi32, #tpu.memory_space<hbm>>
    %dma_wait3A_75 = tpu.memref_squeeze %dma_wait3A_74 : memref<1x78x1x128xi32, #tpu.memory_space<hbm>> -> memref<78x128xi32, #tpu.memory_space<hbm>>
    %dma_wait3A_76 = arith.constant 0 : i32
    %dma_wait3A_77 = arith.constant 0 : i32
    %dma_wait3A_78 = tpu.memref_slice %arg8[%dma_wait3A_76, %dma_wait3A_77] : memref<79x128xi32, #tpu.memory_space<vmem>> -> memref<78x128xi32, #tpu.memory_space<vmem>>
    %dma_wait3A_79 = arith.constant 0 : i32
    %dma_wait3A_80 = tpu.memref_slice %arg3[%dma_wait3A_68, %mul3A_67, %dma_wait3A_69, %dma_wait3A_79] : memref<2x2500x1x128xi32, #tpu.memory_space<hbm>> -> memref<1x78x1x128xi32, #tpu.memory_space<hbm>>
    %dma_wait3A_81 = tpu.memref_squeeze %dma_wait3A_80 : memref<1x78x1x128xi32, #tpu.memory_space<hbm>> -> memref<78x128xi32, #tpu.memory_space<hbm>>
    tpu.wait_dma2 semaphore(%arg19 : memref<!tpu.dma_semaphore, #tpu.memory_space<semaphore_mem>>) src(%dma_wait3A_81 : memref<78x128xi32, #tpu.memory_space<hbm>>) dst(%dma_wait3A_78 : memref<78x128xi32, #tpu.memory_space<vmem>>)
    %lt3A_82 = arith.constant 4 : i32
    %lt3A_83 = arith.cmpi slt, %add3A, %lt3A_82 : i32
    %convert_element_type3A_84 = arith.extui %lt3A_83 : i1 to i32
    %cond3A_85 = arith.constant 0 : i32
    %cond3A_86 = arith.cmpi ne, %convert_element_type3A_84, %cond3A_85 : i32
    scf.if %cond3A_86 {
      %add3A_188 = arith.constant 2496 : i32
      %add3A_189 = arith.addi %add3A_188, %add3A : i32
      %dma_wait3A_190 = arith.constant 1 : i32
      %dma_wait3A_191 = arith.constant 0 : i32
      %dma_wait3A_192 = arith.constant 78 : i32
      %dma_wait3A_193 = arith.constant 0 : i32
      %dma_wait3A_194 = tpu.memref_slice %arg8[%dma_wait3A_192, %dma_wait3A_193] : memref<79x128xi32, #tpu.memory_space<vmem>> -> memref<1x128xi32, #tpu.memory_space<vmem>>
      %dma_wait3A_195 = arith.constant 0 : i32
      %dma_wait3A_196 = tpu.memref_slice %arg3[%dma_wait3A_190, %add3A_189, %dma_wait3A_191, %dma_wait3A_195] : memref<2x2500x1x128xi32, #tpu.memory_space<hbm>> -> memref<1x1x1x128xi32, #tpu.memory_space<hbm>>
      %dma_wait3A_197 = tpu.memref_squeeze %dma_wait3A_196 : memref<1x1x1x128xi32, #tpu.memory_space<hbm>> -> memref<1x128xi32, #tpu.memory_space<hbm>>
      %dma_wait3A_198 = arith.constant 78 : i32
      %dma_wait3A_199 = arith.constant 0 : i32
      %dma_wait3A_200 = tpu.memref_slice %arg8[%dma_wait3A_198, %dma_wait3A_199] : memref<79x128xi32, #tpu.memory_space<vmem>> -> memref<1x128xi32, #tpu.memory_space<vmem>>
      %dma_wait3A_201 = arith.constant 0 : i32
      %dma_wait3A_202 = tpu.memref_slice %arg3[%dma_wait3A_190, %add3A_189, %dma_wait3A_191, %dma_wait3A_201] : memref<2x2500x1x128xi32, #tpu.memory_space<hbm>> -> memref<1x1x1x128xi32, #tpu.memory_space<hbm>>
      %dma_wait3A_203 = tpu.memref_squeeze %dma_wait3A_202 : memref<1x1x1x128xi32, #tpu.memory_space<hbm>> -> memref<1x128xi32, #tpu.memory_space<hbm>>
      tpu.wait_dma2 semaphore(%arg19 : memref<!tpu.dma_semaphore, #tpu.memory_space<semaphore_mem>>) src(%dma_wait3A_203 : memref<1x128xi32, #tpu.memory_space<hbm>>) dst(%dma_wait3A_200 : memref<1x128xi32, #tpu.memory_space<vmem>>)
    } else {
    }
    %barrier3A = arith.constant 0 : index
    tpu.barrier barrier_id(%barrier3A)
    %dma_start3A_87 = arith.constant 0 : i32
    %dma_start3A_88 = arith.constant 0 : i32
    %dma_start3A_89 = tpu.memref_slice %arg7[%dma_start3A_87, %dma_start3A_88] : memref<79x128xi32, #tpu.memory_space<vmem>> -> memref<1x128xi32, #tpu.memory_space<vmem>>
    %dma_start3A_90 = tpu.memref_squeeze %dma_start3A_89 : memref<1x128xi32, #tpu.memory_space<vmem>> -> memref<128xi32, #tpu.memory_space<vmem>>
    %dma_start3A_91 = arith.constant 0 : i32
    %dma_start3A_92 = arith.constant 0 : i32
    %dma_start3A_93 = tpu.memref_slice %arg2[%dma_start3A_91, %dma_start3A_92] : memref<10000x16xf32, #tpu.memory_space<hbm>> -> memref<10000x16xf32, #tpu.memory_space<hbm>>
    tpu.enqueue_indirect_dma source(%dma_start3A_93 : memref<10000x16xf32, #tpu.memory_space<hbm>>) target(%arg9 : memref<128x16xf32, #tpu.memory_space<vmem>>) offsets(%dma_start3A_90 : memref<128xi32, #tpu.memory_space<vmem>>) semaphore(%arg18 : memref<!tpu.dma_semaphore, #tpu.memory_space<semaphore_mem>>)
    %dma_start3A_94 = arith.constant 1 : i32
    %dma_start3A_95 = arith.constant 0 : i32
    %dma_start3A_96 = tpu.memref_slice %arg7[%dma_start3A_94, %dma_start3A_95] : memref<79x128xi32, #tpu.memory_space<vmem>> -> memref<1x128xi32, #tpu.memory_space<vmem>>
    %dma_start3A_97 = tpu.memref_squeeze %dma_start3A_96 : memref<1x128xi32, #tpu.memory_space<vmem>> -> memref<128xi32, #tpu.memory_space<vmem>>
    %dma_start3A_98 = arith.constant 0 : i32
    %dma_start3A_99 = arith.constant 0 : i32
    %dma_start3A_100 = tpu.memref_slice %arg2[%dma_start3A_98, %dma_start3A_99] : memref<10000x16xf32, #tpu.memory_space<hbm>> -> memref<10000x16xf32, #tpu.memory_space<hbm>>
    tpu.enqueue_indirect_dma source(%dma_start3A_100 : memref<10000x16xf32, #tpu.memory_space<hbm>>) target(%arg10 : memref<128x16xf32, #tpu.memory_space<vmem>>) offsets(%dma_start3A_97 : memref<128xi32, #tpu.memory_space<vmem>>) semaphore(%arg19 : memref<!tpu.dma_semaphore, #tpu.memory_space<semaphore_mem>>)
    %dma_start3A_101 = arith.constant 2 : i32
    %dma_start3A_102 = arith.constant 0 : i32
    %dma_start3A_103 = tpu.memref_slice %arg7[%dma_start3A_101, %dma_start3A_102] : memref<79x128xi32, #tpu.memory_space<vmem>> -> memref<1x128xi32, #tpu.memory_space<vmem>>
    %dma_start3A_104 = tpu.memref_squeeze %dma_start3A_103 : memref<1x128xi32, #tpu.memory_space<vmem>> -> memref<128xi32, #tpu.memory_space<vmem>>
    %dma_start3A_105 = arith.constant 0 : i32
    %dma_start3A_106 = arith.constant 0 : i32
    %dma_start3A_107 = tpu.memref_slice %arg2[%dma_start3A_105, %dma_start3A_106] : memref<10000x16xf32, #tpu.memory_space<hbm>> -> memref<10000x16xf32, #tpu.memory_space<hbm>>
    tpu.enqueue_indirect_dma source(%dma_start3A_107 : memref<10000x16xf32, #tpu.memory_space<hbm>>) target(%arg11 : memref<128x16xf32, #tpu.memory_space<vmem>>) offsets(%dma_start3A_104 : memref<128xi32, #tpu.memory_space<vmem>>) semaphore(%arg20 : memref<!tpu.dma_semaphore, #tpu.memory_space<semaphore_mem>>)
    %dma_start3A_108 = arith.constant 3 : i32
    %dma_start3A_109 = arith.constant 0 : i32
    %dma_start3A_110 = tpu.memref_slice %arg7[%dma_start3A_108, %dma_start3A_109] : memref<79x128xi32, #tpu.memory_space<vmem>> -> memref<1x128xi32, #tpu.memory_space<vmem>>
    %dma_start3A_111 = tpu.memref_squeeze %dma_start3A_110 : memref<1x128xi32, #tpu.memory_space<vmem>> -> memref<128xi32, #tpu.memory_space<vmem>>
    %dma_start3A_112 = arith.constant 0 : i32
    %dma_start3A_113 = arith.constant 0 : i32
    %dma_start3A_114 = tpu.memref_slice %arg2[%dma_start3A_112, %dma_start3A_113] : memref<10000x16xf32, #tpu.memory_space<hbm>> -> memref<10000x16xf32, #tpu.memory_space<hbm>>
    tpu.enqueue_indirect_dma source(%dma_start3A_114 : memref<10000x16xf32, #tpu.memory_space<hbm>>) target(%arg12 : memref<128x16xf32, #tpu.memory_space<vmem>>) offsets(%dma_start3A_111 : memref<128xi32, #tpu.memory_space<vmem>>) semaphore(%arg21 : memref<!tpu.dma_semaphore, #tpu.memory_space<semaphore_mem>>)
    %dma_start3A_115 = arith.constant 4 : i32
    %dma_start3A_116 = arith.constant 0 : i32
    %dma_start3A_117 = tpu.memref_slice %arg7[%dma_start3A_115, %dma_start3A_116] : memref<79x128xi32, #tpu.memory_space<vmem>> -> memref<1x128xi32, #tpu.memory_space<vmem>>
    %dma_start3A_118 = tpu.memref_squeeze %dma_start3A_117 : memref<1x128xi32, #tpu.memory_space<vmem>> -> memref<128xi32, #tpu.memory_space<vmem>>
    %dma_start3A_119 = arith.constant 0 : i32
    %dma_start3A_120 = arith.constant 0 : i32
    %dma_start3A_121 = tpu.memref_slice %arg2[%dma_start3A_119, %dma_start3A_120] : memref<10000x16xf32, #tpu.memory_space<hbm>> -> memref<10000x16xf32, #tpu.memory_space<hbm>>
    tpu.enqueue_indirect_dma source(%dma_start3A_121 : memref<10000x16xf32, #tpu.memory_space<hbm>>) target(%arg13 : memref<128x16xf32, #tpu.memory_space<vmem>>) offsets(%dma_start3A_118 : memref<128xi32, #tpu.memory_space<vmem>>) semaphore(%arg22 : memref<!tpu.dma_semaphore, #tpu.memory_space<semaphore_mem>>)
    %dma_start3A_122 = arith.constant 5 : i32
    %dma_start3A_123 = arith.constant 0 : i32
    %dma_start3A_124 = tpu.memref_slice %arg7[%dma_start3A_122, %dma_start3A_123] : memref<79x128xi32, #tpu.memory_space<vmem>> -> memref<1x128xi32, #tpu.memory_space<vmem>>
    %dma_start3A_125 = tpu.memref_squeeze %dma_start3A_124 : memref<1x128xi32, #tpu.memory_space<vmem>> -> memref<128xi32, #tpu.memory_space<vmem>>
    %dma_start3A_126 = arith.constant 0 : i32
    %dma_start3A_127 = arith.constant 0 : i32
    %dma_start3A_128 = tpu.memref_slice %arg2[%dma_start3A_126, %dma_start3A_127] : memref<10000x16xf32, #tpu.memory_space<hbm>> -> memref<10000x16xf32, #tpu.memory_space<hbm>>
    tpu.enqueue_indirect_dma source(%dma_start3A_128 : memref<10000x16xf32, #tpu.memory_space<hbm>>) target(%arg14 : memref<128x16xf32, #tpu.memory_space<vmem>>) offsets(%dma_start3A_125 : memref<128xi32, #tpu.memory_space<vmem>>) semaphore(%arg23 : memref<!tpu.dma_semaphore, #tpu.memory_space<semaphore_mem>>)
    %dma_start3A_129 = arith.constant 6 : i32
    %dma_start3A_130 = arith.constant 0 : i32
    %dma_start3A_131 = tpu.memref_slice %arg7[%dma_start3A_129, %dma_start3A_130] : memref<79x128xi32, #tpu.memory_space<vmem>> -> memref<1x128xi32, #tpu.memory_space<vmem>>
    %dma_start3A_132 = tpu.memref_squeeze %dma_start3A_131 : memref<1x128xi32, #tpu.memory_space<vmem>> -> memref<128xi32, #tpu.memory_space<vmem>>
    %dma_start3A_133 = arith.constant 0 : i32
    %dma_start3A_134 = arith.constant 0 : i32
    %dma_start3A_135 = tpu.memref_slice %arg2[%dma_start3A_133, %dma_start3A_134] : memref<10000x16xf32, #tpu.memory_space<hbm>> -> memref<10000x16xf32, #tpu.memory_space<hbm>>
    tpu.enqueue_indirect_dma source(%dma_start3A_135 : memref<10000x16xf32, #tpu.memory_space<hbm>>) target(%arg15 : memref<128x16xf32, #tpu.memory_space<vmem>>) offsets(%dma_start3A_132 : memref<128xi32, #tpu.memory_space<vmem>>) semaphore(%arg24 : memref<!tpu.dma_semaphore, #tpu.memory_space<semaphore_mem>>)
    %dma_start3A_136 = arith.constant 7 : i32
    %dma_start3A_137 = arith.constant 0 : i32
    %dma_start3A_138 = tpu.memref_slice %arg7[%dma_start3A_136, %dma_start3A_137] : memref<79x128xi32, #tpu.memory_space<vmem>> -> memref<1x128xi32, #tpu.memory_space<vmem>>
    %dma_start3A_139 = tpu.memref_squeeze %dma_start3A_138 : memref<1x128xi32, #tpu.memory_space<vmem>> -> memref<128xi32, #tpu.memory_space<vmem>>
    %dma_start3A_140 = arith.constant 0 : i32
    %dma_start3A_141 = arith.constant 0 : i32
    %dma_start3A_142 = tpu.memref_slice %arg2[%dma_start3A_140, %dma_start3A_141] : memref<10000x16xf32, #tpu.memory_space<hbm>> -> memref<10000x16xf32, #tpu.memory_space<hbm>>
    tpu.enqueue_indirect_dma source(%dma_start3A_142 : memref<10000x16xf32, #tpu.memory_space<hbm>>) target(%arg16 : memref<128x16xf32, #tpu.memory_space<vmem>>) offsets(%dma_start3A_139 : memref<128xi32, #tpu.memory_space<vmem>>) semaphore(%arg25 : memref<!tpu.dma_semaphore, #tpu.memory_space<semaphore_mem>>)
    %scan3A = arith.constant 0 : i32
    %scan3A_143 = arith.constant 0 : i32
    %scan3A_144 = arith.constant 9 : i32
    %scan3A_145 = arith.addi %scan3A_143, %scan3A_144 : i32
    %scan3A_146 = arith.constant 1 : i32
    scf.for %scan3A_188 = %scan3A_143 to %scan3A_145 step %scan3A_146  : i32 {
      %mul3A_189 = arith.constant 8 : i32
      %mul3A_190 = arith.muli %scan3A_188, %mul3A_189 : i32
      %add3A_191 = arith.constant 0 : i32
      %add3A_192 = arith.addi %mul3A_190, %add3A_191 : i32
      %dma_wait3A_193 = arith.constant 0 : i32
      %dma_wait3A_194 = tpu.memref_slice %arg7[%add3A_192, %dma_wait3A_193] : memref<79x128xi32, #tpu.memory_space<vmem>> -> memref<1x128xi32, #tpu.memory_space<vmem>>
      %dma_wait3A_195 = tpu.memref_squeeze %dma_wait3A_194 : memref<1x128xi32, #tpu.memory_space<vmem>> -> memref<128xi32, #tpu.memory_space<vmem>>
      %dma_wait3A_196 = arith.constant 0 : i32
      %dma_wait3A_197 = arith.constant 0 : i32
      %dma_wait3A_198 = tpu.memref_slice %arg2[%dma_wait3A_196, %dma_wait3A_197] : memref<10000x16xf32, #tpu.memory_space<hbm>> -> memref<10000x16xf32, #tpu.memory_space<hbm>>
      tpu.wait_indirect_dma semaphore(%arg18 : memref<!tpu.dma_semaphore, #tpu.memory_space<semaphore_mem>>) src(%dma_wait3A_198 : memref<10000x16xf32, #tpu.memory_space<hbm>>) dst(%arg9 : memref<128x16xf32, #tpu.memory_space<vmem>>)
      %dma_start3A_199 = arith.constant 0 : i32
      %dma_start3A_200 = tpu.memref_slice %arg8[%add3A_192, %dma_start3A_199] : memref<79x128xi32, #tpu.memory_space<vmem>> -> memref<1x128xi32, #tpu.memory_space<vmem>>
      %dma_start3A_201 = tpu.memref_squeeze %dma_start3A_200 : memref<1x128xi32, #tpu.memory_space<vmem>> -> memref<128xi32, #tpu.memory_space<vmem>>
      %dma_start3A_202 = arith.constant 0 : i32
      %dma_start3A_203 = arith.constant 0 : i32
      %dma_start3A_204 = tpu.memref_slice %arg6[%dma_start3A_202, %dma_start3A_203] : memref<10112x16xf32, #tpu.memory_space<vmem_shared>> -> memref<10112x16xf32, #tpu.memory_space<vmem_shared>>
      tpu.enqueue_indirect_dma source(%arg9 : memref<128x16xf32, #tpu.memory_space<vmem>>) target(%dma_start3A_204 : memref<10112x16xf32, #tpu.memory_space<vmem_shared>>) offsets(%dma_start3A_201 : memref<128xi32, #tpu.memory_space<vmem>>) semaphore(%arg26 : memref<!tpu.dma_semaphore, #tpu.memory_space<semaphore_mem>>) {add = true}
      %dma_wait3A_205 = arith.constant 0 : i32
      %dma_wait3A_206 = tpu.memref_slice %arg8[%add3A_192, %dma_wait3A_205] : memref<79x128xi32, #tpu.memory_space<vmem>> -> memref<1x128xi32, #tpu.memory_space<vmem>>
      %dma_wait3A_207 = tpu.memref_squeeze %dma_wait3A_206 : memref<1x128xi32, #tpu.memory_space<vmem>> -> memref<128xi32, #tpu.memory_space<vmem>>
      %dma_wait3A_208 = arith.constant 0 : i32
      %dma_wait3A_209 = arith.constant 0 : i32
      %dma_wait3A_210 = tpu.memref_slice %arg6[%dma_wait3A_208, %dma_wait3A_209] : memref<10112x16xf32, #tpu.memory_space<vmem_shared>> -> memref<10112x16xf32, #tpu.memory_space<vmem_shared>>
      tpu.wait_indirect_dma semaphore(%arg26 : memref<!tpu.dma_semaphore, #tpu.memory_space<semaphore_mem>>) src(%arg9 : memref<128x16xf32, #tpu.memory_space<vmem>>) dst(%dma_wait3A_210 : memref<10112x16xf32, #tpu.memory_space<vmem_shared>>)
      %add3A_211 = arith.constant 8 : i32
      %add3A_212 = arith.addi %add3A_192, %add3A_211 : i32
      %lt3A_213 = arith.cmpi slt, %add3A_212, %add3A_6 : i32
      %convert_element_type3A_214 = arith.extui %lt3A_213 : i1 to i32
      %cond3A_215 = arith.constant 0 : i32
      %cond3A_216 = arith.cmpi ne, %convert_element_type3A_214, %cond3A_215 : i32
      scf.if %cond3A_216 {
        %dma_start3A_413 = arith.constant 0 : i32
        %dma_start3A_414 = tpu.memref_slice %arg7[%add3A_212, %dma_start3A_413] : memref<79x128xi32, #tpu.memory_space<vmem>> -> memref<1x128xi32, #tpu.memory_space<vmem>>
        %dma_start3A_415 = tpu.memref_squeeze %dma_start3A_414 : memref<1x128xi32, #tpu.memory_space<vmem>> -> memref<128xi32, #tpu.memory_space<vmem>>
        %dma_start3A_416 = arith.constant 0 : i32
        %dma_start3A_417 = arith.constant 0 : i32
        %dma_start3A_418 = tpu.memref_slice %arg2[%dma_start3A_416, %dma_start3A_417] : memref<10000x16xf32, #tpu.memory_space<hbm>> -> memref<10000x16xf32, #tpu.memory_space<hbm>>
        tpu.enqueue_indirect_dma source(%dma_start3A_418 : memref<10000x16xf32, #tpu.memory_space<hbm>>) target(%arg9 : memref<128x16xf32, #tpu.memory_space<vmem>>) offsets(%dma_start3A_415 : memref<128xi32, #tpu.memory_space<vmem>>) semaphore(%arg18 : memref<!tpu.dma_semaphore, #tpu.memory_space<semaphore_mem>>)
      } else {
      }
      %mul3A_217 = arith.constant 8 : i32
      %mul3A_218 = arith.muli %scan3A_188, %mul3A_217 : i32
      %add3A_219 = arith.constant 1 : i32
      %add3A_220 = arith.addi %mul3A_218, %add3A_219 : i32
      %dma_wait3A_221 = arith.constant 0 : i32
      %dma_wait3A_222 = tpu.memref_slice %arg7[%add3A_220, %dma_wait3A_221] : memref<79x128xi32, #tpu.memory_space<vmem>> -> memref<1x128xi32, #tpu.memory_space<vmem>>
      %dma_wait3A_223 = tpu.memref_squeeze %dma_wait3A_222 : memref<1x128xi32, #tpu.memory_space<vmem>> -> memref<128xi32, #tpu.memory_space<vmem>>
      %dma_wait3A_224 = arith.constant 0 : i32
      %dma_wait3A_225 = arith.constant 0 : i32
      %dma_wait3A_226 = tpu.memref_slice %arg2[%dma_wait3A_224, %dma_wait3A_225] : memref<10000x16xf32, #tpu.memory_space<hbm>> -> memref<10000x16xf32, #tpu.memory_space<hbm>>
      tpu.wait_indirect_dma semaphore(%arg19 : memref<!tpu.dma_semaphore, #tpu.memory_space<semaphore_mem>>) src(%dma_wait3A_226 : memref<10000x16xf32, #tpu.memory_space<hbm>>) dst(%arg10 : memref<128x16xf32, #tpu.memory_space<vmem>>)
      %dma_start3A_227 = arith.constant 0 : i32
      %dma_start3A_228 = tpu.memref_slice %arg8[%add3A_220, %dma_start3A_227] : memref<79x128xi32, #tpu.memory_space<vmem>> -> memref<1x128xi32, #tpu.memory_space<vmem>>
      %dma_start3A_229 = tpu.memref_squeeze %dma_start3A_228 : memref<1x128xi32, #tpu.memory_space<vmem>> -> memref<128xi32, #tpu.memory_space<vmem>>
      %dma_start3A_230 = arith.constant 0 : i32
      %dma_start3A_231 = arith.constant 0 : i32
      %dma_start3A_232 = tpu.memref_slice %arg6[%dma_start3A_230, %dma_start3A_231] : memref<10112x16xf32, #tpu.memory_space<vmem_shared>> -> memref<10112x16xf32, #tpu.memory_space<vmem_shared>>
      tpu.enqueue_indirect_dma source(%arg10 : memref<128x16xf32, #tpu.memory_space<vmem>>) target(%dma_start3A_232 : memref<10112x16xf32, #tpu.memory_space<vmem_shared>>) offsets(%dma_start3A_229 : memref<128xi32, #tpu.memory_space<vmem>>) semaphore(%arg27 : memref<!tpu.dma_semaphore, #tpu.memory_space<semaphore_mem>>) {add = true}
      %dma_wait3A_233 = arith.constant 0 : i32
      %dma_wait3A_234 = tpu.memref_slice %arg8[%add3A_220, %dma_wait3A_233] : memref<79x128xi32, #tpu.memory_space<vmem>> -> memref<1x128xi32, #tpu.memory_space<vmem>>
      %dma_wait3A_235 = tpu.memref_squeeze %dma_wait3A_234 : memref<1x128xi32, #tpu.memory_space<vmem>> -> memref<128xi32, #tpu.memory_space<vmem>>
      %dma_wait3A_236 = arith.constant 0 : i32
      %dma_wait3A_237 = arith.constant 0 : i32
      %dma_wait3A_238 = tpu.memref_slice %arg6[%dma_wait3A_236, %dma_wait3A_237] : memref<10112x16xf32, #tpu.memory_space<vmem_shared>> -> memref<10112x16xf32, #tpu.memory_space<vmem_shared>>
      tpu.wait_indirect_dma semaphore(%arg27 : memref<!tpu.dma_semaphore, #tpu.memory_space<semaphore_mem>>) src(%arg10 : memref<128x16xf32, #tpu.memory_space<vmem>>) dst(%dma_wait3A_238 : memref<10112x16xf32, #tpu.memory_space<vmem_shared>>)
      %add3A_239 = arith.constant 8 : i32
      %add3A_240 = arith.addi %add3A_220, %add3A_239 : i32
      %lt3A_241 = arith.cmpi slt, %add3A_240, %add3A_6 : i32
      %convert_element_type3A_242 = arith.extui %lt3A_241 : i1 to i32
      %cond3A_243 = arith.constant 0 : i32
      %cond3A_244 = arith.cmpi ne, %convert_element_type3A_242, %cond3A_243 : i32
      scf.if %cond3A_244 {
        %dma_start3A_413 = arith.constant 0 : i32
        %dma_start3A_414 = tpu.memref_slice %arg7[%add3A_240, %dma_start3A_413] : memref<79x128xi32, #tpu.memory_space<vmem>> -> memref<1x128xi32, #tpu.memory_space<vmem>>
        %dma_start3A_415 = tpu.memref_squeeze %dma_start3A_414 : memref<1x128xi32, #tpu.memory_space<vmem>> -> memref<128xi32, #tpu.memory_space<vmem>>
        %dma_start3A_416 = arith.constant 0 : i32
        %dma_start3A_417 = arith.constant 0 : i32
        %dma_start3A_418 = tpu.memref_slice %arg2[%dma_start3A_416, %dma_start3A_417] : memref<10000x16xf32, #tpu.memory_space<hbm>> -> memref<10000x16xf32, #tpu.memory_space<hbm>>
        tpu.enqueue_indirect_dma source(%dma_start3A_418 : memref<10000x16xf32, #tpu.memory_space<hbm>>) target(%arg10 : memref<128x16xf32, #tpu.memory_space<vmem>>) offsets(%dma_start3A_415 : memref<128xi32, #tpu.memory_space<vmem>>) semaphore(%arg19 : memref<!tpu.dma_semaphore, #tpu.memory_space<semaphore_mem>>)
      } else {
      }
      %mul3A_245 = arith.constant 8 : i32
      %mul3A_246 = arith.muli %scan3A_188, %mul3A_245 : i32
      %add3A_247 = arith.constant 2 : i32
      %add3A_248 = arith.addi %mul3A_246, %add3A_247 : i32
      %dma_wait3A_249 = arith.constant 0 : i32
      %dma_wait3A_250 = tpu.memref_slice %arg7[%add3A_248, %dma_wait3A_249] : memref<79x128xi32, #tpu.memory_space<vmem>> -> memref<1x128xi32, #tpu.memory_space<vmem>>
      %dma_wait3A_251 = tpu.memref_squeeze %dma_wait3A_250 : memref<1x128xi32, #tpu.memory_space<vmem>> -> memref<128xi32, #tpu.memory_space<vmem>>
      %dma_wait3A_252 = arith.constant 0 : i32
      %dma_wait3A_253 = arith.constant 0 : i32
      %dma_wait3A_254 = tpu.memref_slice %arg2[%dma_wait3A_252, %dma_wait3A_253] : memref<10000x16xf32, #tpu.memory_space<hbm>> -> memref<10000x16xf32, #tpu.memory_space<hbm>>
      tpu.wait_indirect_dma semaphore(%arg20 : memref<!tpu.dma_semaphore, #tpu.memory_space<semaphore_mem>>) src(%dma_wait3A_254 : memref<10000x16xf32, #tpu.memory_space<hbm>>) dst(%arg11 : memref<128x16xf32, #tpu.memory_space<vmem>>)
      %dma_start3A_255 = arith.constant 0 : i32
      %dma_start3A_256 = tpu.memref_slice %arg8[%add3A_248, %dma_start3A_255] : memref<79x128xi32, #tpu.memory_space<vmem>> -> memref<1x128xi32, #tpu.memory_space<vmem>>
      %dma_start3A_257 = tpu.memref_squeeze %dma_start3A_256 : memref<1x128xi32, #tpu.memory_space<vmem>> -> memref<128xi32, #tpu.memory_space<vmem>>
      %dma_start3A_258 = arith.constant 0 : i32
      %dma_start3A_259 = arith.constant 0 : i32
      %dma_start3A_260 = tpu.memref_slice %arg6[%dma_start3A_258, %dma_start3A_259] : memref<10112x16xf32, #tpu.memory_space<vmem_shared>> -> memref<10112x16xf32, #tpu.memory_space<vmem_shared>>
      tpu.enqueue_indirect_dma source(%arg11 : memref<128x16xf32, #tpu.memory_space<vmem>>) target(%dma_start3A_260 : memref<10112x16xf32, #tpu.memory_space<vmem_shared>>) offsets(%dma_start3A_257 : memref<128xi32, #tpu.memory_space<vmem>>) semaphore(%arg28 : memref<!tpu.dma_semaphore, #tpu.memory_space<semaphore_mem>>) {add = true}
      %dma_wait3A_261 = arith.constant 0 : i32
      %dma_wait3A_262 = tpu.memref_slice %arg8[%add3A_248, %dma_wait3A_261] : memref<79x128xi32, #tpu.memory_space<vmem>> -> memref<1x128xi32, #tpu.memory_space<vmem>>
      %dma_wait3A_263 = tpu.memref_squeeze %dma_wait3A_262 : memref<1x128xi32, #tpu.memory_space<vmem>> -> memref<128xi32, #tpu.memory_space<vmem>>
      %dma_wait3A_264 = arith.constant 0 : i32
      %dma_wait3A_265 = arith.constant 0 : i32
      %dma_wait3A_266 = tpu.memref_slice %arg6[%dma_wait3A_264, %dma_wait3A_265] : memref<10112x16xf32, #tpu.memory_space<vmem_shared>> -> memref<10112x16xf32, #tpu.memory_space<vmem_shared>>
      tpu.wait_indirect_dma semaphore(%arg28 : memref<!tpu.dma_semaphore, #tpu.memory_space<semaphore_mem>>) src(%arg11 : memref<128x16xf32, #tpu.memory_space<vmem>>) dst(%dma_wait3A_266 : memref<10112x16xf32, #tpu.memory_space<vmem_shared>>)
      %add3A_267 = arith.constant 8 : i32
      %add3A_268 = arith.addi %add3A_248, %add3A_267 : i32
      %lt3A_269 = arith.cmpi slt, %add3A_268, %add3A_6 : i32
      %convert_element_type3A_270 = arith.extui %lt3A_269 : i1 to i32
      %cond3A_271 = arith.constant 0 : i32
      %cond3A_272 = arith.cmpi ne, %convert_element_type3A_270, %cond3A_271 : i32
      scf.if %cond3A_272 {
        %dma_start3A_413 = arith.constant 0 : i32
        %dma_start3A_414 = tpu.memref_slice %arg7[%add3A_268, %dma_start3A_413] : memref<79x128xi32, #tpu.memory_space<vmem>> -> memref<1x128xi32, #tpu.memory_space<vmem>>
        %dma_start3A_415 = tpu.memref_squeeze %dma_start3A_414 : memref<1x128xi32, #tpu.memory_space<vmem>> -> memref<128xi32, #tpu.memory_space<vmem>>
        %dma_start3A_416 = arith.constant 0 : i32
        %dma_start3A_417 = arith.constant 0 : i32
        %dma_start3A_418 = tpu.memref_slice %arg2[%dma_start3A_416, %dma_start3A_417] : memref<10000x16xf32, #tpu.memory_space<hbm>> -> memref<10000x16xf32, #tpu.memory_space<hbm>>
        tpu.enqueue_indirect_dma source(%dma_start3A_418 : memref<10000x16xf32, #tpu.memory_space<hbm>>) target(%arg11 : memref<128x16xf32, #tpu.memory_space<vmem>>) offsets(%dma_start3A_415 : memref<128xi32, #tpu.memory_space<vmem>>) semaphore(%arg20 : memref<!tpu.dma_semaphore, #tpu.memory_space<semaphore_mem>>)
      } else {
      }
      %mul3A_273 = arith.constant 8 : i32
      %mul3A_274 = arith.muli %scan3A_188, %mul3A_273 : i32
      %add3A_275 = arith.constant 3 : i32
      %add3A_276 = arith.addi %mul3A_274, %add3A_275 : i32
      %dma_wait3A_277 = arith.constant 0 : i32
      %dma_wait3A_278 = tpu.memref_slice %arg7[%add3A_276, %dma_wait3A_277] : memref<79x128xi32, #tpu.memory_space<vmem>> -> memref<1x128xi32, #tpu.memory_space<vmem>>
      %dma_wait3A_279 = tpu.memref_squeeze %dma_wait3A_278 : memref<1x128xi32, #tpu.memory_space<vmem>> -> memref<128xi32, #tpu.memory_space<vmem>>
      %dma_wait3A_280 = arith.constant 0 : i32
      %dma_wait3A_281 = arith.constant 0 : i32
      %dma_wait3A_282 = tpu.memref_slice %arg2[%dma_wait3A_280, %dma_wait3A_281] : memref<10000x16xf32, #tpu.memory_space<hbm>> -> memref<10000x16xf32, #tpu.memory_space<hbm>>
      tpu.wait_indirect_dma semaphore(%arg21 : memref<!tpu.dma_semaphore, #tpu.memory_space<semaphore_mem>>) src(%dma_wait3A_282 : memref<10000x16xf32, #tpu.memory_space<hbm>>) dst(%arg12 : memref<128x16xf32, #tpu.memory_space<vmem>>)
      %dma_start3A_283 = arith.constant 0 : i32
      %dma_start3A_284 = tpu.memref_slice %arg8[%add3A_276, %dma_start3A_283] : memref<79x128xi32, #tpu.memory_space<vmem>> -> memref<1x128xi32, #tpu.memory_space<vmem>>
      %dma_start3A_285 = tpu.memref_squeeze %dma_start3A_284 : memref<1x128xi32, #tpu.memory_space<vmem>> -> memref<128xi32, #tpu.memory_space<vmem>>
      %dma_start3A_286 = arith.constant 0 : i32
      %dma_start3A_287 = arith.constant 0 : i32
      %dma_start3A_288 = tpu.memref_slice %arg6[%dma_start3A_286, %dma_start3A_287] : memref<10112x16xf32, #tpu.memory_space<vmem_shared>> -> memref<10112x16xf32, #tpu.memory_space<vmem_shared>>
      tpu.enqueue_indirect_dma source(%arg12 : memref<128x16xf32, #tpu.memory_space<vmem>>) target(%dma_start3A_288 : memref<10112x16xf32, #tpu.memory_space<vmem_shared>>) offsets(%dma_start3A_285 : memref<128xi32, #tpu.memory_space<vmem>>) semaphore(%arg29 : memref<!tpu.dma_semaphore, #tpu.memory_space<semaphore_mem>>) {add = true}
      %dma_wait3A_289 = arith.constant 0 : i32
      %dma_wait3A_290 = tpu.memref_slice %arg8[%add3A_276, %dma_wait3A_289] : memref<79x128xi32, #tpu.memory_space<vmem>> -> memref<1x128xi32, #tpu.memory_space<vmem>>
      %dma_wait3A_291 = tpu.memref_squeeze %dma_wait3A_290 : memref<1x128xi32, #tpu.memory_space<vmem>> -> memref<128xi32, #tpu.memory_space<vmem>>
      %dma_wait3A_292 = arith.constant 0 : i32
      %dma_wait3A_293 = arith.constant 0 : i32
      %dma_wait3A_294 = tpu.memref_slice %arg6[%dma_wait3A_292, %dma_wait3A_293] : memref<10112x16xf32, #tpu.memory_space<vmem_shared>> -> memref<10112x16xf32, #tpu.memory_space<vmem_shared>>
      tpu.wait_indirect_dma semaphore(%arg29 : memref<!tpu.dma_semaphore, #tpu.memory_space<semaphore_mem>>) src(%arg12 : memref<128x16xf32, #tpu.memory_space<vmem>>) dst(%dma_wait3A_294 : memref<10112x16xf32, #tpu.memory_space<vmem_shared>>)
      %add3A_295 = arith.constant 8 : i32
      %add3A_296 = arith.addi %add3A_276, %add3A_295 : i32
      %lt3A_297 = arith.cmpi slt, %add3A_296, %add3A_6 : i32
      %convert_element_type3A_298 = arith.extui %lt3A_297 : i1 to i32
      %cond3A_299 = arith.constant 0 : i32
      %cond3A_300 = arith.cmpi ne, %convert_element_type3A_298, %cond3A_299 : i32
      scf.if %cond3A_300 {
        %dma_start3A_413 = arith.constant 0 : i32
        %dma_start3A_414 = tpu.memref_slice %arg7[%add3A_296, %dma_start3A_413] : memref<79x128xi32, #tpu.memory_space<vmem>> -> memref<1x128xi32, #tpu.memory_space<vmem>>
        %dma_start3A_415 = tpu.memref_squeeze %dma_start3A_414 : memref<1x128xi32, #tpu.memory_space<vmem>> -> memref<128xi32, #tpu.memory_space<vmem>>
        %dma_start3A_416 = arith.constant 0 : i32
        %dma_start3A_417 = arith.constant 0 : i32
        %dma_start3A_418 = tpu.memref_slice %arg2[%dma_start3A_416, %dma_start3A_417] : memref<10000x16xf32, #tpu.memory_space<hbm>> -> memref<10000x16xf32, #tpu.memory_space<hbm>>
        tpu.enqueue_indirect_dma source(%dma_start3A_418 : memref<10000x16xf32, #tpu.memory_space<hbm>>) target(%arg12 : memref<128x16xf32, #tpu.memory_space<vmem>>) offsets(%dma_start3A_415 : memref<128xi32, #tpu.memory_space<vmem>>) semaphore(%arg21 : memref<!tpu.dma_semaphore, #tpu.memory_space<semaphore_mem>>)
      } else {
      }
      %mul3A_301 = arith.constant 8 : i32
      %mul3A_302 = arith.muli %scan3A_188, %mul3A_301 : i32
      %add3A_303 = arith.constant 4 : i32
      %add3A_304 = arith.addi %mul3A_302, %add3A_303 : i32
      %dma_wait3A_305 = arith.constant 0 : i32
      %dma_wait3A_306 = tpu.memref_slice %arg7[%add3A_304, %dma_wait3A_305] : memref<79x128xi32, #tpu.memory_space<vmem>> -> memref<1x128xi32, #tpu.memory_space<vmem>>
      %dma_wait3A_307 = tpu.memref_squeeze %dma_wait3A_306 : memref<1x128xi32, #tpu.memory_space<vmem>> -> memref<128xi32, #tpu.memory_space<vmem>>
      %dma_wait3A_308 = arith.constant 0 : i32
      %dma_wait3A_309 = arith.constant 0 : i32
      %dma_wait3A_310 = tpu.memref_slice %arg2[%dma_wait3A_308, %dma_wait3A_309] : memref<10000x16xf32, #tpu.memory_space<hbm>> -> memref<10000x16xf32, #tpu.memory_space<hbm>>
      tpu.wait_indirect_dma semaphore(%arg22 : memref<!tpu.dma_semaphore, #tpu.memory_space<semaphore_mem>>) src(%dma_wait3A_310 : memref<10000x16xf32, #tpu.memory_space<hbm>>) dst(%arg13 : memref<128x16xf32, #tpu.memory_space<vmem>>)
      %dma_start3A_311 = arith.constant 0 : i32
      %dma_start3A_312 = tpu.memref_slice %arg8[%add3A_304, %dma_start3A_311] : memref<79x128xi32, #tpu.memory_space<vmem>> -> memref<1x128xi32, #tpu.memory_space<vmem>>
      %dma_start3A_313 = tpu.memref_squeeze %dma_start3A_312 : memref<1x128xi32, #tpu.memory_space<vmem>> -> memref<128xi32, #tpu.memory_space<vmem>>
      %dma_start3A_314 = arith.constant 0 : i32
      %dma_start3A_315 = arith.constant 0 : i32
      %dma_start3A_316 = tpu.memref_slice %arg6[%dma_start3A_314, %dma_start3A_315] : memref<10112x16xf32, #tpu.memory_space<vmem_shared>> -> memref<10112x16xf32, #tpu.memory_space<vmem_shared>>
      tpu.enqueue_indirect_dma source(%arg13 : memref<128x16xf32, #tpu.memory_space<vmem>>) target(%dma_start3A_316 : memref<10112x16xf32, #tpu.memory_space<vmem_shared>>) offsets(%dma_start3A_313 : memref<128xi32, #tpu.memory_space<vmem>>) semaphore(%arg30 : memref<!tpu.dma_semaphore, #tpu.memory_space<semaphore_mem>>) {add = true}
      %dma_wait3A_317 = arith.constant 0 : i32
      %dma_wait3A_318 = tpu.memref_slice %arg8[%add3A_304, %dma_wait3A_317] : memref<79x128xi32, #tpu.memory_space<vmem>> -> memref<1x128xi32, #tpu.memory_space<vmem>>
      %dma_wait3A_319 = tpu.memref_squeeze %dma_wait3A_318 : memref<1x128xi32, #tpu.memory_space<vmem>> -> memref<128xi32, #tpu.memory_space<vmem>>
      %dma_wait3A_320 = arith.constant 0 : i32
      %dma_wait3A_321 = arith.constant 0 : i32
      %dma_wait3A_322 = tpu.memref_slice %arg6[%dma_wait3A_320, %dma_wait3A_321] : memref<10112x16xf32, #tpu.memory_space<vmem_shared>> -> memref<10112x16xf32, #tpu.memory_space<vmem_shared>>
      tpu.wait_indirect_dma semaphore(%arg30 : memref<!tpu.dma_semaphore, #tpu.memory_space<semaphore_mem>>) src(%arg13 : memref<128x16xf32, #tpu.memory_space<vmem>>) dst(%dma_wait3A_322 : memref<10112x16xf32, #tpu.memory_space<vmem_shared>>)
      %add3A_323 = arith.constant 8 : i32
      %add3A_324 = arith.addi %add3A_304, %add3A_323 : i32
      %lt3A_325 = arith.cmpi slt, %add3A_324, %add3A_6 : i32
      %convert_element_type3A_326 = arith.extui %lt3A_325 : i1 to i32
      %cond3A_327 = arith.constant 0 : i32
      %cond3A_328 = arith.cmpi ne, %convert_element_type3A_326, %cond3A_327 : i32
      scf.if %cond3A_328 {
        %dma_start3A_413 = arith.constant 0 : i32
        %dma_start3A_414 = tpu.memref_slice %arg7[%add3A_324, %dma_start3A_413] : memref<79x128xi32, #tpu.memory_space<vmem>> -> memref<1x128xi32, #tpu.memory_space<vmem>>
        %dma_start3A_415 = tpu.memref_squeeze %dma_start3A_414 : memref<1x128xi32, #tpu.memory_space<vmem>> -> memref<128xi32, #tpu.memory_space<vmem>>
        %dma_start3A_416 = arith.constant 0 : i32
        %dma_start3A_417 = arith.constant 0 : i32
        %dma_start3A_418 = tpu.memref_slice %arg2[%dma_start3A_416, %dma_start3A_417] : memref<10000x16xf32, #tpu.memory_space<hbm>> -> memref<10000x16xf32, #tpu.memory_space<hbm>>
        tpu.enqueue_indirect_dma source(%dma_start3A_418 : memref<10000x16xf32, #tpu.memory_space<hbm>>) target(%arg13 : memref<128x16xf32, #tpu.memory_space<vmem>>) offsets(%dma_start3A_415 : memref<128xi32, #tpu.memory_space<vmem>>) semaphore(%arg22 : memref<!tpu.dma_semaphore, #tpu.memory_space<semaphore_mem>>)
      } else {
      }
      %mul3A_329 = arith.constant 8 : i32
      %mul3A_330 = arith.muli %scan3A_188, %mul3A_329 : i32
      %add3A_331 = arith.constant 5 : i32
      %add3A_332 = arith.addi %mul3A_330, %add3A_331 : i32
      %dma_wait3A_333 = arith.constant 0 : i32
      %dma_wait3A_334 = tpu.memref_slice %arg7[%add3A_332, %dma_wait3A_333] : memref<79x128xi32, #tpu.memory_space<vmem>> -> memref<1x128xi32, #tpu.memory_space<vmem>>
      %dma_wait3A_335 = tpu.memref_squeeze %dma_wait3A_334 : memref<1x128xi32, #tpu.memory_space<vmem>> -> memref<128xi32, #tpu.memory_space<vmem>>
      %dma_wait3A_336 = arith.constant 0 : i32
      %dma_wait3A_337 = arith.constant 0 : i32
      %dma_wait3A_338 = tpu.memref_slice %arg2[%dma_wait3A_336, %dma_wait3A_337] : memref<10000x16xf32, #tpu.memory_space<hbm>> -> memref<10000x16xf32, #tpu.memory_space<hbm>>
      tpu.wait_indirect_dma semaphore(%arg23 : memref<!tpu.dma_semaphore, #tpu.memory_space<semaphore_mem>>) src(%dma_wait3A_338 : memref<10000x16xf32, #tpu.memory_space<hbm>>) dst(%arg14 : memref<128x16xf32, #tpu.memory_space<vmem>>)
      %dma_start3A_339 = arith.constant 0 : i32
      %dma_start3A_340 = tpu.memref_slice %arg8[%add3A_332, %dma_start3A_339] : memref<79x128xi32, #tpu.memory_space<vmem>> -> memref<1x128xi32, #tpu.memory_space<vmem>>
      %dma_start3A_341 = tpu.memref_squeeze %dma_start3A_340 : memref<1x128xi32, #tpu.memory_space<vmem>> -> memref<128xi32, #tpu.memory_space<vmem>>
      %dma_start3A_342 = arith.constant 0 : i32
      %dma_start3A_343 = arith.constant 0 : i32
      %dma_start3A_344 = tpu.memref_slice %arg6[%dma_start3A_342, %dma_start3A_343] : memref<10112x16xf32, #tpu.memory_space<vmem_shared>> -> memref<10112x16xf32, #tpu.memory_space<vmem_shared>>
      tpu.enqueue_indirect_dma source(%arg14 : memref<128x16xf32, #tpu.memory_space<vmem>>) target(%dma_start3A_344 : memref<10112x16xf32, #tpu.memory_space<vmem_shared>>) offsets(%dma_start3A_341 : memref<128xi32, #tpu.memory_space<vmem>>) semaphore(%arg31 : memref<!tpu.dma_semaphore, #tpu.memory_space<semaphore_mem>>) {add = true}
      %dma_wait3A_345 = arith.constant 0 : i32
      %dma_wait3A_346 = tpu.memref_slice %arg8[%add3A_332, %dma_wait3A_345] : memref<79x128xi32, #tpu.memory_space<vmem>> -> memref<1x128xi32, #tpu.memory_space<vmem>>
      %dma_wait3A_347 = tpu.memref_squeeze %dma_wait3A_346 : memref<1x128xi32, #tpu.memory_space<vmem>> -> memref<128xi32, #tpu.memory_space<vmem>>
      %dma_wait3A_348 = arith.constant 0 : i32
      %dma_wait3A_349 = arith.constant 0 : i32
      %dma_wait3A_350 = tpu.memref_slice %arg6[%dma_wait3A_348, %dma_wait3A_349] : memref<10112x16xf32, #tpu.memory_space<vmem_shared>> -> memref<10112x16xf32, #tpu.memory_space<vmem_shared>>
      tpu.wait_indirect_dma semaphore(%arg31 : memref<!tpu.dma_semaphore, #tpu.memory_space<semaphore_mem>>) src(%arg14 : memref<128x16xf32, #tpu.memory_space<vmem>>) dst(%dma_wait3A_350 : memref<10112x16xf32, #tpu.memory_space<vmem_shared>>)
      %add3A_351 = arith.constant 8 : i32
      %add3A_352 = arith.addi %add3A_332, %add3A_351 : i32
      %lt3A_353 = arith.cmpi slt, %add3A_352, %add3A_6 : i32
      %convert_element_type3A_354 = arith.extui %lt3A_353 : i1 to i32
      %cond3A_355 = arith.constant 0 : i32
      %cond3A_356 = arith.cmpi ne, %convert_element_type3A_354, %cond3A_355 : i32
      scf.if %cond3A_356 {
        %dma_start3A_413 = arith.constant 0 : i32
        %dma_start3A_414 = tpu.memref_slice %arg7[%add3A_352, %dma_start3A_413] : memref<79x128xi32, #tpu.memory_space<vmem>> -> memref<1x128xi32, #tpu.memory_space<vmem>>
        %dma_start3A_415 = tpu.memref_squeeze %dma_start3A_414 : memref<1x128xi32, #tpu.memory_space<vmem>> -> memref<128xi32, #tpu.memory_space<vmem>>
        %dma_start3A_416 = arith.constant 0 : i32
        %dma_start3A_417 = arith.constant 0 : i32
        %dma_start3A_418 = tpu.memref_slice %arg2[%dma_start3A_416, %dma_start3A_417] : memref<10000x16xf32, #tpu.memory_space<hbm>> -> memref<10000x16xf32, #tpu.memory_space<hbm>>
        tpu.enqueue_indirect_dma source(%dma_start3A_418 : memref<10000x16xf32, #tpu.memory_space<hbm>>) target(%arg14 : memref<128x16xf32, #tpu.memory_space<vmem>>) offsets(%dma_start3A_415 : memref<128xi32, #tpu.memory_space<vmem>>) semaphore(%arg23 : memref<!tpu.dma_semaphore, #tpu.memory_space<semaphore_mem>>)
      } else {
      }
      %mul3A_357 = arith.constant 8 : i32
      %mul3A_358 = arith.muli %scan3A_188, %mul3A_357 : i32
      %add3A_359 = arith.constant 6 : i32
      %add3A_360 = arith.addi %mul3A_358, %add3A_359 : i32
      %dma_wait3A_361 = arith.constant 0 : i32
      %dma_wait3A_362 = tpu.memref_slice %arg7[%add3A_360, %dma_wait3A_361] : memref<79x128xi32, #tpu.memory_space<vmem>> -> memref<1x128xi32, #tpu.memory_space<vmem>>
      %dma_wait3A_363 = tpu.memref_squeeze %dma_wait3A_362 : memref<1x128xi32, #tpu.memory_space<vmem>> -> memref<128xi32, #tpu.memory_space<vmem>>
      %dma_wait3A_364 = arith.constant 0 : i32
      %dma_wait3A_365 = arith.constant 0 : i32
      %dma_wait3A_366 = tpu.memref_slice %arg2[%dma_wait3A_364, %dma_wait3A_365] : memref<10000x16xf32, #tpu.memory_space<hbm>> -> memref<10000x16xf32, #tpu.memory_space<hbm>>
      tpu.wait_indirect_dma semaphore(%arg24 : memref<!tpu.dma_semaphore, #tpu.memory_space<semaphore_mem>>) src(%dma_wait3A_366 : memref<10000x16xf32, #tpu.memory_space<hbm>>) dst(%arg15 : memref<128x16xf32, #tpu.memory_space<vmem>>)
      %dma_start3A_367 = arith.constant 0 : i32
      %dma_start3A_368 = tpu.memref_slice %arg8[%add3A_360, %dma_start3A_367] : memref<79x128xi32, #tpu.memory_space<vmem>> -> memref<1x128xi32, #tpu.memory_space<vmem>>
      %dma_start3A_369 = tpu.memref_squeeze %dma_start3A_368 : memref<1x128xi32, #tpu.memory_space<vmem>> -> memref<128xi32, #tpu.memory_space<vmem>>
      %dma_start3A_370 = arith.constant 0 : i32
      %dma_start3A_371 = arith.constant 0 : i32
      %dma_start3A_372 = tpu.memref_slice %arg6[%dma_start3A_370, %dma_start3A_371] : memref<10112x16xf32, #tpu.memory_space<vmem_shared>> -> memref<10112x16xf32, #tpu.memory_space<vmem_shared>>
      tpu.enqueue_indirect_dma source(%arg15 : memref<128x16xf32, #tpu.memory_space<vmem>>) target(%dma_start3A_372 : memref<10112x16xf32, #tpu.memory_space<vmem_shared>>) offsets(%dma_start3A_369 : memref<128xi32, #tpu.memory_space<vmem>>) semaphore(%arg32 : memref<!tpu.dma_semaphore, #tpu.memory_space<semaphore_mem>>) {add = true}
      %dma_wait3A_373 = arith.constant 0 : i32
      %dma_wait3A_374 = tpu.memref_slice %arg8[%add3A_360, %dma_wait3A_373] : memref<79x128xi32, #tpu.memory_space<vmem>> -> memref<1x128xi32, #tpu.memory_space<vmem>>
      %dma_wait3A_375 = tpu.memref_squeeze %dma_wait3A_374 : memref<1x128xi32, #tpu.memory_space<vmem>> -> memref<128xi32, #tpu.memory_space<vmem>>
      %dma_wait3A_376 = arith.constant 0 : i32
      %dma_wait3A_377 = arith.constant 0 : i32
      %dma_wait3A_378 = tpu.memref_slice %arg6[%dma_wait3A_376, %dma_wait3A_377] : memref<10112x16xf32, #tpu.memory_space<vmem_shared>> -> memref<10112x16xf32, #tpu.memory_space<vmem_shared>>
      tpu.wait_indirect_dma semaphore(%arg32 : memref<!tpu.dma_semaphore, #tpu.memory_space<semaphore_mem>>) src(%arg15 : memref<128x16xf32, #tpu.memory_space<vmem>>) dst(%dma_wait3A_378 : memref<10112x16xf32, #tpu.memory_space<vmem_shared>>)
      %add3A_379 = arith.constant 8 : i32
      %add3A_380 = arith.addi %add3A_360, %add3A_379 : i32
      %lt3A_381 = arith.cmpi slt, %add3A_380, %add3A_6 : i32
      %convert_element_type3A_382 = arith.extui %lt3A_381 : i1 to i32
      %cond3A_383 = arith.constant 0 : i32
      %cond3A_384 = arith.cmpi ne, %convert_element_type3A_382, %cond3A_383 : i32
      scf.if %cond3A_384 {
        %dma_start3A_413 = arith.constant 0 : i32
        %dma_start3A_414 = tpu.memref_slice %arg7[%add3A_380, %dma_start3A_413] : memref<79x128xi32, #tpu.memory_space<vmem>> -> memref<1x128xi32, #tpu.memory_space<vmem>>
        %dma_start3A_415 = tpu.memref_squeeze %dma_start3A_414 : memref<1x128xi32, #tpu.memory_space<vmem>> -> memref<128xi32, #tpu.memory_space<vmem>>
        %dma_start3A_416 = arith.constant 0 : i32
        %dma_start3A_417 = arith.constant 0 : i32
        %dma_start3A_418 = tpu.memref_slice %arg2[%dma_start3A_416, %dma_start3A_417] : memref<10000x16xf32, #tpu.memory_space<hbm>> -> memref<10000x16xf32, #tpu.memory_space<hbm>>
        tpu.enqueue_indirect_dma source(%dma_start3A_418 : memref<10000x16xf32, #tpu.memory_space<hbm>>) target(%arg15 : memref<128x16xf32, #tpu.memory_space<vmem>>) offsets(%dma_start3A_415 : memref<128xi32, #tpu.memory_space<vmem>>) semaphore(%arg24 : memref<!tpu.dma_semaphore, #tpu.memory_space<semaphore_mem>>)
      } else {
      }
      %mul3A_385 = arith.constant 8 : i32
      %mul3A_386 = arith.muli %scan3A_188, %mul3A_385 : i32
      %add3A_387 = arith.constant 7 : i32
      %add3A_388 = arith.addi %mul3A_386, %add3A_387 : i32
      %dma_wait3A_389 = arith.constant 0 : i32
      %dma_wait3A_390 = tpu.memref_slice %arg7[%add3A_388, %dma_wait3A_389] : memref<79x128xi32, #tpu.memory_space<vmem>> -> memref<1x128xi32, #tpu.memory_space<vmem>>
      %dma_wait3A_391 = tpu.memref_squeeze %dma_wait3A_390 : memref<1x128xi32, #tpu.memory_space<vmem>> -> memref<128xi32, #tpu.memory_space<vmem>>
      %dma_wait3A_392 = arith.constant 0 : i32
      %dma_wait3A_393 = arith.constant 0 : i32
      %dma_wait3A_394 = tpu.memref_slice %arg2[%dma_wait3A_392, %dma_wait3A_393] : memref<10000x16xf32, #tpu.memory_space<hbm>> -> memref<10000x16xf32, #tpu.memory_space<hbm>>
      tpu.wait_indirect_dma semaphore(%arg25 : memref<!tpu.dma_semaphore, #tpu.memory_space<semaphore_mem>>) src(%dma_wait3A_394 : memref<10000x16xf32, #tpu.memory_space<hbm>>) dst(%arg16 : memref<128x16xf32, #tpu.memory_space<vmem>>)
      %dma_start3A_395 = arith.constant 0 : i32
      %dma_start3A_396 = tpu.memref_slice %arg8[%add3A_388, %dma_start3A_395] : memref<79x128xi32, #tpu.memory_space<vmem>> -> memref<1x128xi32, #tpu.memory_space<vmem>>
      %dma_start3A_397 = tpu.memref_squeeze %dma_start3A_396 : memref<1x128xi32, #tpu.memory_space<vmem>> -> memref<128xi32, #tpu.memory_space<vmem>>
      %dma_start3A_398 = arith.constant 0 : i32
      %dma_start3A_399 = arith.constant 0 : i32
      %dma_start3A_400 = tpu.memref_slice %arg6[%dma_start3A_398, %dma_start3A_399] : memref<10112x16xf32, #tpu.memory_space<vmem_shared>> -> memref<10112x16xf32, #tpu.memory_space<vmem_shared>>
      tpu.enqueue_indirect_dma source(%arg16 : memref<128x16xf32, #tpu.memory_space<vmem>>) target(%dma_start3A_400 : memref<10112x16xf32, #tpu.memory_space<vmem_shared>>) offsets(%dma_start3A_397 : memref<128xi32, #tpu.memory_space<vmem>>) semaphore(%arg33 : memref<!tpu.dma_semaphore, #tpu.memory_space<semaphore_mem>>) {add = true}
      %dma_wait3A_401 = arith.constant 0 : i32
      %dma_wait3A_402 = tpu.memref_slice %arg8[%add3A_388, %dma_wait3A_401] : memref<79x128xi32, #tpu.memory_space<vmem>> -> memref<1x128xi32, #tpu.memory_space<vmem>>
      %dma_wait3A_403 = tpu.memref_squeeze %dma_wait3A_402 : memref<1x128xi32, #tpu.memory_space<vmem>> -> memref<128xi32, #tpu.memory_space<vmem>>
      %dma_wait3A_404 = arith.constant 0 : i32
      %dma_wait3A_405 = arith.constant 0 : i32
      %dma_wait3A_406 = tpu.memref_slice %arg6[%dma_wait3A_404, %dma_wait3A_405] : memref<10112x16xf32, #tpu.memory_space<vmem_shared>> -> memref<10112x16xf32, #tpu.memory_space<vmem_shared>>
      tpu.wait_indirect_dma semaphore(%arg33 : memref<!tpu.dma_semaphore, #tpu.memory_space<semaphore_mem>>) src(%arg16 : memref<128x16xf32, #tpu.memory_space<vmem>>) dst(%dma_wait3A_406 : memref<10112x16xf32, #tpu.memory_space<vmem_shared>>)
      %add3A_407 = arith.constant 8 : i32
      %add3A_408 = arith.addi %add3A_388, %add3A_407 : i32
      %lt3A_409 = arith.cmpi slt, %add3A_408, %add3A_6 : i32
      %convert_element_type3A_410 = arith.extui %lt3A_409 : i1 to i32
      %cond3A_411 = arith.constant 0 : i32
      %cond3A_412 = arith.cmpi ne, %convert_element_type3A_410, %cond3A_411 : i32
      scf.if %cond3A_412 {
        %dma_start3A_413 = arith.constant 0 : i32
        %dma_start3A_414 = tpu.memref_slice %arg7[%add3A_408, %dma_start3A_413] : memref<79x128xi32, #tpu.memory_space<vmem>> -> memref<1x128xi32, #tpu.memory_space<vmem>>
        %dma_start3A_415 = tpu.memref_squeeze %dma_start3A_414 : memref<1x128xi32, #tpu.memory_space<vmem>> -> memref<128xi32, #tpu.memory_space<vmem>>
        %dma_start3A_416 = arith.constant 0 : i32
        %dma_start3A_417 = arith.constant 0 : i32
        %dma_start3A_418 = tpu.memref_slice %arg2[%dma_start3A_416, %dma_start3A_417] : memref<10000x16xf32, #tpu.memory_space<hbm>> -> memref<10000x16xf32, #tpu.memory_space<hbm>>
        tpu.enqueue_indirect_dma source(%dma_start3A_418 : memref<10000x16xf32, #tpu.memory_space<hbm>>) target(%arg16 : memref<128x16xf32, #tpu.memory_space<vmem>>) offsets(%dma_start3A_415 : memref<128xi32, #tpu.memory_space<vmem>>) semaphore(%arg25 : memref<!tpu.dma_semaphore, #tpu.memory_space<semaphore_mem>>)
      } else {
      }
    }
    %scan3A_147 = arith.constant 9 : i32
    %gt3A = arith.constant 72 : i32
    %gt3A_148 = arith.cmpi sgt, %add3A_6, %gt3A : i32
    %convert_element_type3A_149 = arith.extui %gt3A_148 : i1 to i32
    %cond3A_150 = arith.constant 0 : i32
    %cond3A_151 = arith.cmpi ne, %convert_element_type3A_149, %cond3A_150 : i32
    scf.if %cond3A_151 {
      %dma_wait3A_188 = arith.constant 72 : i32
      %dma_wait3A_189 = arith.constant 0 : i32
      %dma_wait3A_190 = tpu.memref_slice %arg7[%dma_wait3A_188, %dma_wait3A_189] : memref<79x128xi32, #tpu.memory_space<vmem>> -> memref<1x128xi32, #tpu.memory_space<vmem>>
      %dma_wait3A_191 = tpu.memref_squeeze %dma_wait3A_190 : memref<1x128xi32, #tpu.memory_space<vmem>> -> memref<128xi32, #tpu.memory_space<vmem>>
      %dma_wait3A_192 = arith.constant 0 : i32
      %dma_wait3A_193 = arith.constant 0 : i32
      %dma_wait3A_194 = tpu.memref_slice %arg2[%dma_wait3A_192, %dma_wait3A_193] : memref<10000x16xf32, #tpu.memory_space<hbm>> -> memref<10000x16xf32, #tpu.memory_space<hbm>>
      tpu.wait_indirect_dma semaphore(%arg18 : memref<!tpu.dma_semaphore, #tpu.memory_space<semaphore_mem>>) src(%dma_wait3A_194 : memref<10000x16xf32, #tpu.memory_space<hbm>>) dst(%arg9 : memref<128x16xf32, #tpu.memory_space<vmem>>)
      %dma_start3A_195 = arith.constant 72 : i32
      %dma_start3A_196 = arith.constant 0 : i32
      %dma_start3A_197 = tpu.memref_slice %arg8[%dma_start3A_195, %dma_start3A_196] : memref<79x128xi32, #tpu.memory_space<vmem>> -> memref<1x128xi32, #tpu.memory_space<vmem>>
      %dma_start3A_198 = tpu.memref_squeeze %dma_start3A_197 : memref<1x128xi32, #tpu.memory_space<vmem>> -> memref<128xi32, #tpu.memory_space<vmem>>
      %dma_start3A_199 = arith.constant 0 : i32
      %dma_start3A_200 = arith.constant 0 : i32
      %dma_start3A_201 = tpu.memref_slice %arg6[%dma_start3A_199, %dma_start3A_200] : memref<10112x16xf32, #tpu.memory_space<vmem_shared>> -> memref<10112x16xf32, #tpu.memory_space<vmem_shared>>
      tpu.enqueue_indirect_dma source(%arg9 : memref<128x16xf32, #tpu.memory_space<vmem>>) target(%dma_start3A_201 : memref<10112x16xf32, #tpu.memory_space<vmem_shared>>) offsets(%dma_start3A_198 : memref<128xi32, #tpu.memory_space<vmem>>) semaphore(%arg26 : memref<!tpu.dma_semaphore, #tpu.memory_space<semaphore_mem>>) {add = true}
      %dma_wait3A_202 = arith.constant 72 : i32
      %dma_wait3A_203 = arith.constant 0 : i32
      %dma_wait3A_204 = tpu.memref_slice %arg8[%dma_wait3A_202, %dma_wait3A_203] : memref<79x128xi32, #tpu.memory_space<vmem>> -> memref<1x128xi32, #tpu.memory_space<vmem>>
      %dma_wait3A_205 = tpu.memref_squeeze %dma_wait3A_204 : memref<1x128xi32, #tpu.memory_space<vmem>> -> memref<128xi32, #tpu.memory_space<vmem>>
      %dma_wait3A_206 = arith.constant 0 : i32
      %dma_wait3A_207 = arith.constant 0 : i32
      %dma_wait3A_208 = tpu.memref_slice %arg6[%dma_wait3A_206, %dma_wait3A_207] : memref<10112x16xf32, #tpu.memory_space<vmem_shared>> -> memref<10112x16xf32, #tpu.memory_space<vmem_shared>>
      tpu.wait_indirect_dma semaphore(%arg26 : memref<!tpu.dma_semaphore, #tpu.memory_space<semaphore_mem>>) src(%arg9 : memref<128x16xf32, #tpu.memory_space<vmem>>) dst(%dma_wait3A_208 : memref<10112x16xf32, #tpu.memory_space<vmem_shared>>)
    } else {
    }
    %gt3A_152 = arith.constant 73 : i32
    %gt3A_153 = arith.cmpi sgt, %add3A_6, %gt3A_152 : i32
    %convert_element_type3A_154 = arith.extui %gt3A_153 : i1 to i32
    %cond3A_155 = arith.constant 0 : i32
    %cond3A_156 = arith.cmpi ne, %convert_element_type3A_154, %cond3A_155 : i32
    scf.if %cond3A_156 {
      %dma_wait3A_188 = arith.constant 73 : i32
      %dma_wait3A_189 = arith.constant 0 : i32
      %dma_wait3A_190 = tpu.memref_slice %arg7[%dma_wait3A_188, %dma_wait3A_189] : memref<79x128xi32, #tpu.memory_space<vmem>> -> memref<1x128xi32, #tpu.memory_space<vmem>>
      %dma_wait3A_191 = tpu.memref_squeeze %dma_wait3A_190 : memref<1x128xi32, #tpu.memory_space<vmem>> -> memref<128xi32, #tpu.memory_space<vmem>>
      %dma_wait3A_192 = arith.constant 0 : i32
      %dma_wait3A_193 = arith.constant 0 : i32
      %dma_wait3A_194 = tpu.memref_slice %arg2[%dma_wait3A_192, %dma_wait3A_193] : memref<10000x16xf32, #tpu.memory_space<hbm>> -> memref<10000x16xf32, #tpu.memory_space<hbm>>
      tpu.wait_indirect_dma semaphore(%arg19 : memref<!tpu.dma_semaphore, #tpu.memory_space<semaphore_mem>>) src(%dma_wait3A_194 : memref<10000x16xf32, #tpu.memory_space<hbm>>) dst(%arg10 : memref<128x16xf32, #tpu.memory_space<vmem>>)
      %dma_start3A_195 = arith.constant 73 : i32
      %dma_start3A_196 = arith.constant 0 : i32
      %dma_start3A_197 = tpu.memref_slice %arg8[%dma_start3A_195, %dma_start3A_196] : memref<79x128xi32, #tpu.memory_space<vmem>> -> memref<1x128xi32, #tpu.memory_space<vmem>>
      %dma_start3A_198 = tpu.memref_squeeze %dma_start3A_197 : memref<1x128xi32, #tpu.memory_space<vmem>> -> memref<128xi32, #tpu.memory_space<vmem>>
      %dma_start3A_199 = arith.constant 0 : i32
      %dma_start3A_200 = arith.constant 0 : i32
      %dma_start3A_201 = tpu.memref_slice %arg6[%dma_start3A_199, %dma_start3A_200] : memref<10112x16xf32, #tpu.memory_space<vmem_shared>> -> memref<10112x16xf32, #tpu.memory_space<vmem_shared>>
      tpu.enqueue_indirect_dma source(%arg10 : memref<128x16xf32, #tpu.memory_space<vmem>>) target(%dma_start3A_201 : memref<10112x16xf32, #tpu.memory_space<vmem_shared>>) offsets(%dma_start3A_198 : memref<128xi32, #tpu.memory_space<vmem>>) semaphore(%arg27 : memref<!tpu.dma_semaphore, #tpu.memory_space<semaphore_mem>>) {add = true}
      %dma_wait3A_202 = arith.constant 73 : i32
      %dma_wait3A_203 = arith.constant 0 : i32
      %dma_wait3A_204 = tpu.memref_slice %arg8[%dma_wait3A_202, %dma_wait3A_203] : memref<79x128xi32, #tpu.memory_space<vmem>> -> memref<1x128xi32, #tpu.memory_space<vmem>>
      %dma_wait3A_205 = tpu.memref_squeeze %dma_wait3A_204 : memref<1x128xi32, #tpu.memory_space<vmem>> -> memref<128xi32, #tpu.memory_space<vmem>>
      %dma_wait3A_206 = arith.constant 0 : i32
      %dma_wait3A_207 = arith.constant 0 : i32
      %dma_wait3A_208 = tpu.memref_slice %arg6[%dma_wait3A_206, %dma_wait3A_207] : memref<10112x16xf32, #tpu.memory_space<vmem_shared>> -> memref<10112x16xf32, #tpu.memory_space<vmem_shared>>
      tpu.wait_indirect_dma semaphore(%arg27 : memref<!tpu.dma_semaphore, #tpu.memory_space<semaphore_mem>>) src(%arg10 : memref<128x16xf32, #tpu.memory_space<vmem>>) dst(%dma_wait3A_208 : memref<10112x16xf32, #tpu.memory_space<vmem_shared>>)
    } else {
    }
    %gt3A_157 = arith.constant 74 : i32
    %gt3A_158 = arith.cmpi sgt, %add3A_6, %gt3A_157 : i32
    %convert_element_type3A_159 = arith.extui %gt3A_158 : i1 to i32
    %cond3A_160 = arith.constant 0 : i32
    %cond3A_161 = arith.cmpi ne, %convert_element_type3A_159, %cond3A_160 : i32
    scf.if %cond3A_161 {
      %dma_wait3A_188 = arith.constant 74 : i32
      %dma_wait3A_189 = arith.constant 0 : i32
      %dma_wait3A_190 = tpu.memref_slice %arg7[%dma_wait3A_188, %dma_wait3A_189] : memref<79x128xi32, #tpu.memory_space<vmem>> -> memref<1x128xi32, #tpu.memory_space<vmem>>
      %dma_wait3A_191 = tpu.memref_squeeze %dma_wait3A_190 : memref<1x128xi32, #tpu.memory_space<vmem>> -> memref<128xi32, #tpu.memory_space<vmem>>
      %dma_wait3A_192 = arith.constant 0 : i32
      %dma_wait3A_193 = arith.constant 0 : i32
      %dma_wait3A_194 = tpu.memref_slice %arg2[%dma_wait3A_192, %dma_wait3A_193] : memref<10000x16xf32, #tpu.memory_space<hbm>> -> memref<10000x16xf32, #tpu.memory_space<hbm>>
      tpu.wait_indirect_dma semaphore(%arg20 : memref<!tpu.dma_semaphore, #tpu.memory_space<semaphore_mem>>) src(%dma_wait3A_194 : memref<10000x16xf32, #tpu.memory_space<hbm>>) dst(%arg11 : memref<128x16xf32, #tpu.memory_space<vmem>>)
      %dma_start3A_195 = arith.constant 74 : i32
      %dma_start3A_196 = arith.constant 0 : i32
      %dma_start3A_197 = tpu.memref_slice %arg8[%dma_start3A_195, %dma_start3A_196] : memref<79x128xi32, #tpu.memory_space<vmem>> -> memref<1x128xi32, #tpu.memory_space<vmem>>
      %dma_start3A_198 = tpu.memref_squeeze %dma_start3A_197 : memref<1x128xi32, #tpu.memory_space<vmem>> -> memref<128xi32, #tpu.memory_space<vmem>>
      %dma_start3A_199 = arith.constant 0 : i32
      %dma_start3A_200 = arith.constant 0 : i32
      %dma_start3A_201 = tpu.memref_slice %arg6[%dma_start3A_199, %dma_start3A_200] : memref<10112x16xf32, #tpu.memory_space<vmem_shared>> -> memref<10112x16xf32, #tpu.memory_space<vmem_shared>>
      tpu.enqueue_indirect_dma source(%arg11 : memref<128x16xf32, #tpu.memory_space<vmem>>) target(%dma_start3A_201 : memref<10112x16xf32, #tpu.memory_space<vmem_shared>>) offsets(%dma_start3A_198 : memref<128xi32, #tpu.memory_space<vmem>>) semaphore(%arg28 : memref<!tpu.dma_semaphore, #tpu.memory_space<semaphore_mem>>) {add = true}
      %dma_wait3A_202 = arith.constant 74 : i32
      %dma_wait3A_203 = arith.constant 0 : i32
      %dma_wait3A_204 = tpu.memref_slice %arg8[%dma_wait3A_202, %dma_wait3A_203] : memref<79x128xi32, #tpu.memory_space<vmem>> -> memref<1x128xi32, #tpu.memory_space<vmem>>
      %dma_wait3A_205 = tpu.memref_squeeze %dma_wait3A_204 : memref<1x128xi32, #tpu.memory_space<vmem>> -> memref<128xi32, #tpu.memory_space<vmem>>
      %dma_wait3A_206 = arith.constant 0 : i32
      %dma_wait3A_207 = arith.constant 0 : i32
      %dma_wait3A_208 = tpu.memref_slice %arg6[%dma_wait3A_206, %dma_wait3A_207] : memref<10112x16xf32, #tpu.memory_space<vmem_shared>> -> memref<10112x16xf32, #tpu.memory_space<vmem_shared>>
      tpu.wait_indirect_dma semaphore(%arg28 : memref<!tpu.dma_semaphore, #tpu.memory_space<semaphore_mem>>) src(%arg11 : memref<128x16xf32, #tpu.memory_space<vmem>>) dst(%dma_wait3A_208 : memref<10112x16xf32, #tpu.memory_space<vmem_shared>>)
    } else {
    }
    %gt3A_162 = arith.constant 75 : i32
    %gt3A_163 = arith.cmpi sgt, %add3A_6, %gt3A_162 : i32
    %convert_element_type3A_164 = arith.extui %gt3A_163 : i1 to i32
    %cond3A_165 = arith.constant 0 : i32
    %cond3A_166 = arith.cmpi ne, %convert_element_type3A_164, %cond3A_165 : i32
    scf.if %cond3A_166 {
      %dma_wait3A_188 = arith.constant 75 : i32
      %dma_wait3A_189 = arith.constant 0 : i32
      %dma_wait3A_190 = tpu.memref_slice %arg7[%dma_wait3A_188, %dma_wait3A_189] : memref<79x128xi32, #tpu.memory_space<vmem>> -> memref<1x128xi32, #tpu.memory_space<vmem>>
      %dma_wait3A_191 = tpu.memref_squeeze %dma_wait3A_190 : memref<1x128xi32, #tpu.memory_space<vmem>> -> memref<128xi32, #tpu.memory_space<vmem>>
      %dma_wait3A_192 = arith.constant 0 : i32
      %dma_wait3A_193 = arith.constant 0 : i32
      %dma_wait3A_194 = tpu.memref_slice %arg2[%dma_wait3A_192, %dma_wait3A_193] : memref<10000x16xf32, #tpu.memory_space<hbm>> -> memref<10000x16xf32, #tpu.memory_space<hbm>>
      tpu.wait_indirect_dma semaphore(%arg21 : memref<!tpu.dma_semaphore, #tpu.memory_space<semaphore_mem>>) src(%dma_wait3A_194 : memref<10000x16xf32, #tpu.memory_space<hbm>>) dst(%arg12 : memref<128x16xf32, #tpu.memory_space<vmem>>)
      %dma_start3A_195 = arith.constant 75 : i32
      %dma_start3A_196 = arith.constant 0 : i32
      %dma_start3A_197 = tpu.memref_slice %arg8[%dma_start3A_195, %dma_start3A_196] : memref<79x128xi32, #tpu.memory_space<vmem>> -> memref<1x128xi32, #tpu.memory_space<vmem>>
      %dma_start3A_198 = tpu.memref_squeeze %dma_start3A_197 : memref<1x128xi32, #tpu.memory_space<vmem>> -> memref<128xi32, #tpu.memory_space<vmem>>
      %dma_start3A_199 = arith.constant 0 : i32
      %dma_start3A_200 = arith.constant 0 : i32
      %dma_start3A_201 = tpu.memref_slice %arg6[%dma_start3A_199, %dma_start3A_200] : memref<10112x16xf32, #tpu.memory_space<vmem_shared>> -> memref<10112x16xf32, #tpu.memory_space<vmem_shared>>
      tpu.enqueue_indirect_dma source(%arg12 : memref<128x16xf32, #tpu.memory_space<vmem>>) target(%dma_start3A_201 : memref<10112x16xf32, #tpu.memory_space<vmem_shared>>) offsets(%dma_start3A_198 : memref<128xi32, #tpu.memory_space<vmem>>) semaphore(%arg29 : memref<!tpu.dma_semaphore, #tpu.memory_space<semaphore_mem>>) {add = true}
      %dma_wait3A_202 = arith.constant 75 : i32
      %dma_wait3A_203 = arith.constant 0 : i32
      %dma_wait3A_204 = tpu.memref_slice %arg8[%dma_wait3A_202, %dma_wait3A_203] : memref<79x128xi32, #tpu.memory_space<vmem>> -> memref<1x128xi32, #tpu.memory_space<vmem>>
      %dma_wait3A_205 = tpu.memref_squeeze %dma_wait3A_204 : memref<1x128xi32, #tpu.memory_space<vmem>> -> memref<128xi32, #tpu.memory_space<vmem>>
      %dma_wait3A_206 = arith.constant 0 : i32
      %dma_wait3A_207 = arith.constant 0 : i32
      %dma_wait3A_208 = tpu.memref_slice %arg6[%dma_wait3A_206, %dma_wait3A_207] : memref<10112x16xf32, #tpu.memory_space<vmem_shared>> -> memref<10112x16xf32, #tpu.memory_space<vmem_shared>>
      tpu.wait_indirect_dma semaphore(%arg29 : memref<!tpu.dma_semaphore, #tpu.memory_space<semaphore_mem>>) src(%arg12 : memref<128x16xf32, #tpu.memory_space<vmem>>) dst(%dma_wait3A_208 : memref<10112x16xf32, #tpu.memory_space<vmem_shared>>)
    } else {
    }
    %gt3A_167 = arith.constant 76 : i32
    %gt3A_168 = arith.cmpi sgt, %add3A_6, %gt3A_167 : i32
    %convert_element_type3A_169 = arith.extui %gt3A_168 : i1 to i32
    %cond3A_170 = arith.constant 0 : i32
    %cond3A_171 = arith.cmpi ne, %convert_element_type3A_169, %cond3A_170 : i32
    scf.if %cond3A_171 {
      %dma_wait3A_188 = arith.constant 76 : i32
      %dma_wait3A_189 = arith.constant 0 : i32
      %dma_wait3A_190 = tpu.memref_slice %arg7[%dma_wait3A_188, %dma_wait3A_189] : memref<79x128xi32, #tpu.memory_space<vmem>> -> memref<1x128xi32, #tpu.memory_space<vmem>>
      %dma_wait3A_191 = tpu.memref_squeeze %dma_wait3A_190 : memref<1x128xi32, #tpu.memory_space<vmem>> -> memref<128xi32, #tpu.memory_space<vmem>>
      %dma_wait3A_192 = arith.constant 0 : i32
      %dma_wait3A_193 = arith.constant 0 : i32
      %dma_wait3A_194 = tpu.memref_slice %arg2[%dma_wait3A_192, %dma_wait3A_193] : memref<10000x16xf32, #tpu.memory_space<hbm>> -> memref<10000x16xf32, #tpu.memory_space<hbm>>
      tpu.wait_indirect_dma semaphore(%arg22 : memref<!tpu.dma_semaphore, #tpu.memory_space<semaphore_mem>>) src(%dma_wait3A_194 : memref<10000x16xf32, #tpu.memory_space<hbm>>) dst(%arg13 : memref<128x16xf32, #tpu.memory_space<vmem>>)
      %dma_start3A_195 = arith.constant 76 : i32
      %dma_start3A_196 = arith.constant 0 : i32
      %dma_start3A_197 = tpu.memref_slice %arg8[%dma_start3A_195, %dma_start3A_196] : memref<79x128xi32, #tpu.memory_space<vmem>> -> memref<1x128xi32, #tpu.memory_space<vmem>>
      %dma_start3A_198 = tpu.memref_squeeze %dma_start3A_197 : memref<1x128xi32, #tpu.memory_space<vmem>> -> memref<128xi32, #tpu.memory_space<vmem>>
      %dma_start3A_199 = arith.constant 0 : i32
      %dma_start3A_200 = arith.constant 0 : i32
      %dma_start3A_201 = tpu.memref_slice %arg6[%dma_start3A_199, %dma_start3A_200] : memref<10112x16xf32, #tpu.memory_space<vmem_shared>> -> memref<10112x16xf32, #tpu.memory_space<vmem_shared>>
      tpu.enqueue_indirect_dma source(%arg13 : memref<128x16xf32, #tpu.memory_space<vmem>>) target(%dma_start3A_201 : memref<10112x16xf32, #tpu.memory_space<vmem_shared>>) offsets(%dma_start3A_198 : memref<128xi32, #tpu.memory_space<vmem>>) semaphore(%arg30 : memref<!tpu.dma_semaphore, #tpu.memory_space<semaphore_mem>>) {add = true}
      %dma_wait3A_202 = arith.constant 76 : i32
      %dma_wait3A_203 = arith.constant 0 : i32
      %dma_wait3A_204 = tpu.memref_slice %arg8[%dma_wait3A_202, %dma_wait3A_203] : memref<79x128xi32, #tpu.memory_space<vmem>> -> memref<1x128xi32, #tpu.memory_space<vmem>>
      %dma_wait3A_205 = tpu.memref_squeeze %dma_wait3A_204 : memref<1x128xi32, #tpu.memory_space<vmem>> -> memref<128xi32, #tpu.memory_space<vmem>>
      %dma_wait3A_206 = arith.constant 0 : i32
      %dma_wait3A_207 = arith.constant 0 : i32
      %dma_wait3A_208 = tpu.memref_slice %arg6[%dma_wait3A_206, %dma_wait3A_207] : memref<10112x16xf32, #tpu.memory_space<vmem_shared>> -> memref<10112x16xf32, #tpu.memory_space<vmem_shared>>
      tpu.wait_indirect_dma semaphore(%arg30 : memref<!tpu.dma_semaphore, #tpu.memory_space<semaphore_mem>>) src(%arg13 : memref<128x16xf32, #tpu.memory_space<vmem>>) dst(%dma_wait3A_208 : memref<10112x16xf32, #tpu.memory_space<vmem_shared>>)
    } else {
    }
    %gt3A_172 = arith.constant 77 : i32
    %gt3A_173 = arith.cmpi sgt, %add3A_6, %gt3A_172 : i32
    %convert_element_type3A_174 = arith.extui %gt3A_173 : i1 to i32
    %cond3A_175 = arith.constant 0 : i32
    %cond3A_176 = arith.cmpi ne, %convert_element_type3A_174, %cond3A_175 : i32
    scf.if %cond3A_176 {
      %dma_wait3A_188 = arith.constant 77 : i32
      %dma_wait3A_189 = arith.constant 0 : i32
      %dma_wait3A_190 = tpu.memref_slice %arg7[%dma_wait3A_188, %dma_wait3A_189] : memref<79x128xi32, #tpu.memory_space<vmem>> -> memref<1x128xi32, #tpu.memory_space<vmem>>
      %dma_wait3A_191 = tpu.memref_squeeze %dma_wait3A_190 : memref<1x128xi32, #tpu.memory_space<vmem>> -> memref<128xi32, #tpu.memory_space<vmem>>
      %dma_wait3A_192 = arith.constant 0 : i32
      %dma_wait3A_193 = arith.constant 0 : i32
      %dma_wait3A_194 = tpu.memref_slice %arg2[%dma_wait3A_192, %dma_wait3A_193] : memref<10000x16xf32, #tpu.memory_space<hbm>> -> memref<10000x16xf32, #tpu.memory_space<hbm>>
      tpu.wait_indirect_dma semaphore(%arg23 : memref<!tpu.dma_semaphore, #tpu.memory_space<semaphore_mem>>) src(%dma_wait3A_194 : memref<10000x16xf32, #tpu.memory_space<hbm>>) dst(%arg14 : memref<128x16xf32, #tpu.memory_space<vmem>>)
      %dma_start3A_195 = arith.constant 77 : i32
      %dma_start3A_196 = arith.constant 0 : i32
      %dma_start3A_197 = tpu.memref_slice %arg8[%dma_start3A_195, %dma_start3A_196] : memref<79x128xi32, #tpu.memory_space<vmem>> -> memref<1x128xi32, #tpu.memory_space<vmem>>
      %dma_start3A_198 = tpu.memref_squeeze %dma_start3A_197 : memref<1x128xi32, #tpu.memory_space<vmem>> -> memref<128xi32, #tpu.memory_space<vmem>>
      %dma_start3A_199 = arith.constant 0 : i32
      %dma_start3A_200 = arith.constant 0 : i32
      %dma_start3A_201 = tpu.memref_slice %arg6[%dma_start3A_199, %dma_start3A_200] : memref<10112x16xf32, #tpu.memory_space<vmem_shared>> -> memref<10112x16xf32, #tpu.memory_space<vmem_shared>>
      tpu.enqueue_indirect_dma source(%arg14 : memref<128x16xf32, #tpu.memory_space<vmem>>) target(%dma_start3A_201 : memref<10112x16xf32, #tpu.memory_space<vmem_shared>>) offsets(%dma_start3A_198 : memref<128xi32, #tpu.memory_space<vmem>>) semaphore(%arg31 : memref<!tpu.dma_semaphore, #tpu.memory_space<semaphore_mem>>) {add = true}
      %dma_wait3A_202 = arith.constant 77 : i32
      %dma_wait3A_203 = arith.constant 0 : i32
      %dma_wait3A_204 = tpu.memref_slice %arg8[%dma_wait3A_202, %dma_wait3A_203] : memref<79x128xi32, #tpu.memory_space<vmem>> -> memref<1x128xi32, #tpu.memory_space<vmem>>
      %dma_wait3A_205 = tpu.memref_squeeze %dma_wait3A_204 : memref<1x128xi32, #tpu.memory_space<vmem>> -> memref<128xi32, #tpu.memory_space<vmem>>
      %dma_wait3A_206 = arith.constant 0 : i32
      %dma_wait3A_207 = arith.constant 0 : i32
      %dma_wait3A_208 = tpu.memref_slice %arg6[%dma_wait3A_206, %dma_wait3A_207] : memref<10112x16xf32, #tpu.memory_space<vmem_shared>> -> memref<10112x16xf32, #tpu.memory_space<vmem_shared>>
      tpu.wait_indirect_dma semaphore(%arg31 : memref<!tpu.dma_semaphore, #tpu.memory_space<semaphore_mem>>) src(%arg14 : memref<128x16xf32, #tpu.memory_space<vmem>>) dst(%dma_wait3A_208 : memref<10112x16xf32, #tpu.memory_space<vmem_shared>>)
    } else {
    }
    %gt3A_177 = arith.constant 78 : i32
    %gt3A_178 = arith.cmpi sgt, %add3A_6, %gt3A_177 : i32
    %convert_element_type3A_179 = arith.extui %gt3A_178 : i1 to i32
    %cond3A_180 = arith.constant 0 : i32
    %cond3A_181 = arith.cmpi ne, %convert_element_type3A_179, %cond3A_180 : i32
    scf.if %cond3A_181 {
      %dma_wait3A_188 = arith.constant 78 : i32
      %dma_wait3A_189 = arith.constant 0 : i32
      %dma_wait3A_190 = tpu.memref_slice %arg7[%dma_wait3A_188, %dma_wait3A_189] : memref<79x128xi32, #tpu.memory_space<vmem>> -> memref<1x128xi32, #tpu.memory_space<vmem>>
      %dma_wait3A_191 = tpu.memref_squeeze %dma_wait3A_190 : memref<1x128xi32, #tpu.memory_space<vmem>> -> memref<128xi32, #tpu.memory_space<vmem>>
      %dma_wait3A_192 = arith.constant 0 : i32
      %dma_wait3A_193 = arith.constant 0 : i32
      %dma_wait3A_194 = tpu.memref_slice %arg2[%dma_wait3A_192, %dma_wait3A_193] : memref<10000x16xf32, #tpu.memory_space<hbm>> -> memref<10000x16xf32, #tpu.memory_space<hbm>>
      tpu.wait_indirect_dma semaphore(%arg24 : memref<!tpu.dma_semaphore, #tpu.memory_space<semaphore_mem>>) src(%dma_wait3A_194 : memref<10000x16xf32, #tpu.memory_space<hbm>>) dst(%arg15 : memref<128x16xf32, #tpu.memory_space<vmem>>)
      %dma_start3A_195 = arith.constant 78 : i32
      %dma_start3A_196 = arith.constant 0 : i32
      %dma_start3A_197 = tpu.memref_slice %arg8[%dma_start3A_195, %dma_start3A_196] : memref<79x128xi32, #tpu.memory_space<vmem>> -> memref<1x128xi32, #tpu.memory_space<vmem>>
      %dma_start3A_198 = tpu.memref_squeeze %dma_start3A_197 : memref<1x128xi32, #tpu.memory_space<vmem>> -> memref<128xi32, #tpu.memory_space<vmem>>
      %dma_start3A_199 = arith.constant 0 : i32
      %dma_start3A_200 = arith.constant 0 : i32
      %dma_start3A_201 = tpu.memref_slice %arg6[%dma_start3A_199, %dma_start3A_200] : memref<10112x16xf32, #tpu.memory_space<vmem_shared>> -> memref<10112x16xf32, #tpu.memory_space<vmem_shared>>
      tpu.enqueue_indirect_dma source(%arg15 : memref<128x16xf32, #tpu.memory_space<vmem>>) target(%dma_start3A_201 : memref<10112x16xf32, #tpu.memory_space<vmem_shared>>) offsets(%dma_start3A_198 : memref<128xi32, #tpu.memory_space<vmem>>) semaphore(%arg32 : memref<!tpu.dma_semaphore, #tpu.memory_space<semaphore_mem>>) {add = true}
      %dma_wait3A_202 = arith.constant 78 : i32
      %dma_wait3A_203 = arith.constant 0 : i32
      %dma_wait3A_204 = tpu.memref_slice %arg8[%dma_wait3A_202, %dma_wait3A_203] : memref<79x128xi32, #tpu.memory_space<vmem>> -> memref<1x128xi32, #tpu.memory_space<vmem>>
      %dma_wait3A_205 = tpu.memref_squeeze %dma_wait3A_204 : memref<1x128xi32, #tpu.memory_space<vmem>> -> memref<128xi32, #tpu.memory_space<vmem>>
      %dma_wait3A_206 = arith.constant 0 : i32
      %dma_wait3A_207 = arith.constant 0 : i32
      %dma_wait3A_208 = tpu.memref_slice %arg6[%dma_wait3A_206, %dma_wait3A_207] : memref<10112x16xf32, #tpu.memory_space<vmem_shared>> -> memref<10112x16xf32, #tpu.memory_space<vmem_shared>>
      tpu.wait_indirect_dma semaphore(%arg32 : memref<!tpu.dma_semaphore, #tpu.memory_space<semaphore_mem>>) src(%arg15 : memref<128x16xf32, #tpu.memory_space<vmem>>) dst(%dma_wait3A_208 : memref<10112x16xf32, #tpu.memory_space<vmem_shared>>)
    } else {
    }
    %gt3A_182 = arith.constant 79 : i32
    %gt3A_183 = arith.cmpi sgt, %add3A_6, %gt3A_182 : i32
    %convert_element_type3A_184 = arith.extui %gt3A_183 : i1 to i32
    %cond3A_185 = arith.constant 0 : i32
    %cond3A_186 = arith.cmpi ne, %convert_element_type3A_184, %cond3A_185 : i32
    scf.if %cond3A_186 {
      %dma_wait3A_188 = arith.constant 79 : i32
      %dma_wait3A_189 = arith.constant 0 : i32
      %dma_wait3A_190 = tpu.memref_slice %arg7[%dma_wait3A_188, %dma_wait3A_189] : memref<79x128xi32, #tpu.memory_space<vmem>> -> memref<1x128xi32, #tpu.memory_space<vmem>>
      %dma_wait3A_191 = tpu.memref_squeeze %dma_wait3A_190 : memref<1x128xi32, #tpu.memory_space<vmem>> -> memref<128xi32, #tpu.memory_space<vmem>>
      %dma_wait3A_192 = arith.constant 0 : i32
      %dma_wait3A_193 = arith.constant 0 : i32
      %dma_wait3A_194 = tpu.memref_slice %arg2[%dma_wait3A_192, %dma_wait3A_193] : memref<10000x16xf32, #tpu.memory_space<hbm>> -> memref<10000x16xf32, #tpu.memory_space<hbm>>
      tpu.wait_indirect_dma semaphore(%arg25 : memref<!tpu.dma_semaphore, #tpu.memory_space<semaphore_mem>>) src(%dma_wait3A_194 : memref<10000x16xf32, #tpu.memory_space<hbm>>) dst(%arg16 : memref<128x16xf32, #tpu.memory_space<vmem>>)
      %dma_start3A_195 = arith.constant 79 : i32
      %dma_start3A_196 = arith.constant 0 : i32
      %dma_start3A_197 = tpu.memref_slice %arg8[%dma_start3A_195, %dma_start3A_196] : memref<79x128xi32, #tpu.memory_space<vmem>> -> memref<1x128xi32, #tpu.memory_space<vmem>>
      %dma_start3A_198 = tpu.memref_squeeze %dma_start3A_197 : memref<1x128xi32, #tpu.memory_space<vmem>> -> memref<128xi32, #tpu.memory_space<vmem>>
      %dma_start3A_199 = arith.constant 0 : i32
      %dma_start3A_200 = arith.constant 0 : i32
      %dma_start3A_201 = tpu.memref_slice %arg6[%dma_start3A_199, %dma_start3A_200] : memref<10112x16xf32, #tpu.memory_space<vmem_shared>> -> memref<10112x16xf32, #tpu.memory_space<vmem_shared>>
      tpu.enqueue_indirect_dma source(%arg16 : memref<128x16xf32, #tpu.memory_space<vmem>>) target(%dma_start3A_201 : memref<10112x16xf32, #tpu.memory_space<vmem_shared>>) offsets(%dma_start3A_198 : memref<128xi32, #tpu.memory_space<vmem>>) semaphore(%arg33 : memref<!tpu.dma_semaphore, #tpu.memory_space<semaphore_mem>>) {add = true}
      %dma_wait3A_202 = arith.constant 79 : i32
      %dma_wait3A_203 = arith.constant 0 : i32
      %dma_wait3A_204 = tpu.memref_slice %arg8[%dma_wait3A_202, %dma_wait3A_203] : memref<79x128xi32, #tpu.memory_space<vmem>> -> memref<1x128xi32, #tpu.memory_space<vmem>>
      %dma_wait3A_205 = tpu.memref_squeeze %dma_wait3A_204 : memref<1x128xi32, #tpu.memory_space<vmem>> -> memref<128xi32, #tpu.memory_space<vmem>>
      %dma_wait3A_206 = arith.constant 0 : i32
      %dma_wait3A_207 = arith.constant 0 : i32
      %dma_wait3A_208 = tpu.memref_slice %arg6[%dma_wait3A_206, %dma_wait3A_207] : memref<10112x16xf32, #tpu.memory_space<vmem_shared>> -> memref<10112x16xf32, #tpu.memory_space<vmem_shared>>
      tpu.wait_indirect_dma semaphore(%arg33 : memref<!tpu.dma_semaphore, #tpu.memory_space<semaphore_mem>>) src(%arg16 : memref<128x16xf32, #tpu.memory_space<vmem>>) dst(%dma_wait3A_208 : memref<10112x16xf32, #tpu.memory_space<vmem_shared>>)
    } else {
    }
    %barrier3A_187 = arith.constant 0 : index
    tpu.barrier barrier_id(%barrier3A_187)
    "tpu.region"() ({
      %run_scoped3A = tpu.sem_alloc : memref<!tpu.dma_semaphore, #tpu.memory_space<semaphore_mem>>
      %dma_start3A_188 = arith.constant 0 : i32
      %dma_start3A_189 = tpu.memref_slice %arg6[%mul3A_2, %dma_start3A_188] : memref<10112x16xf32, #tpu.memory_space<vmem_shared>> -> memref<632x16xf32, #tpu.memory_space<vmem_shared>>
      %dma_start3A_190 = arith.constant 0 : i32
      %dma_start3A_191 = tpu.memref_slice %arg6[%mul3A_2, %dma_start3A_190] : memref<10112x16xf32, #tpu.memory_space<vmem_shared>> -> memref<632x16xf32, #tpu.memory_space<vmem_shared>>
      tpu.enqueue_dma source(%dma_start3A_191 : memref<632x16xf32, #tpu.memory_space<vmem_shared>>) target(%arg17 : memref<632x16xf32, #tpu.memory_space<vmem>>) target_semaphore(%run_scoped3A : memref<!tpu.dma_semaphore, #tpu.memory_space<semaphore_mem>>)
      %dma_wait3A_192 = arith.constant 0 : i32
      %dma_wait3A_193 = tpu.memref_slice %arg6[%mul3A_2, %dma_wait3A_192] : memref<10112x16xf32, #tpu.memory_space<vmem_shared>> -> memref<632x16xf32, #tpu.memory_space<vmem_shared>>
      %dma_wait3A_194 = arith.constant 0 : i32
      %dma_wait3A_195 = tpu.memref_slice %arg6[%mul3A_2, %dma_wait3A_194] : memref<10112x16xf32, #tpu.memory_space<vmem_shared>> -> memref<632x16xf32, #tpu.memory_space<vmem_shared>>
      tpu.wait_dma2 semaphore(%run_scoped3A : memref<!tpu.dma_semaphore, #tpu.memory_space<semaphore_mem>>) src(%dma_wait3A_195 : memref<632x16xf32, #tpu.memory_space<vmem_shared>>) dst(%arg17 : memref<632x16xf32, #tpu.memory_space<vmem>>)
      tpu.yield
    }) : () -> ()
    "tpu.region"() ({
      %run_scoped3A = tpu.sem_alloc : memref<!tpu.dma_semaphore, #tpu.memory_space<semaphore_mem>>
      %dma_start3A_188 = arith.constant 0 : i32
      %dma_start3A_189 = tpu.memref_slice %arg5[%arg0, %mul3A_2, %dma_start3A_188] : memref<2x10112x16xf32, #tpu.memory_space<hbm>> -> memref<1x632x16xf32, #tpu.memory_space<hbm>>
      %dma_start3A_190 = tpu.memref_squeeze %dma_start3A_189 : memref<1x632x16xf32, #tpu.memory_space<hbm>> -> memref<632x16xf32, #tpu.memory_space<hbm>>
      %dma_start3A_191 = arith.constant 0 : i32
      %dma_start3A_192 = tpu.memref_slice %arg5[%arg0, %mul3A_2, %dma_start3A_191] : memref<2x10112x16xf32, #tpu.memory_space<hbm>> -> memref<1x632x16xf32, #tpu.memory_space<hbm>>
      %dma_start3A_193 = tpu.memref_squeeze %dma_start3A_192 : memref<1x632x16xf32, #tpu.memory_space<hbm>> -> memref<632x16xf32, #tpu.memory_space<hbm>>
      tpu.enqueue_dma source(%arg17 : memref<632x16xf32, #tpu.memory_space<vmem>>) target(%dma_start3A_193 : memref<632x16xf32, #tpu.memory_space<hbm>>) target_semaphore(%run_scoped3A : memref<!tpu.dma_semaphore, #tpu.memory_space<semaphore_mem>>)
      %dma_wait3A_194 = arith.constant 0 : i32
      %dma_wait3A_195 = tpu.memref_slice %arg5[%arg0, %mul3A_2, %dma_wait3A_194] : memref<2x10112x16xf32, #tpu.memory_space<hbm>> -> memref<1x632x16xf32, #tpu.memory_space<hbm>>
      %dma_wait3A_196 = tpu.memref_squeeze %dma_wait3A_195 : memref<1x632x16xf32, #tpu.memory_space<hbm>> -> memref<632x16xf32, #tpu.memory_space<hbm>>
      %dma_wait3A_197 = arith.constant 0 : i32
      %dma_wait3A_198 = tpu.memref_slice %arg5[%arg0, %mul3A_2, %dma_wait3A_197] : memref<2x10112x16xf32, #tpu.memory_space<hbm>> -> memref<1x632x16xf32, #tpu.memory_space<hbm>>
      %dma_wait3A_199 = tpu.memref_squeeze %dma_wait3A_198 : memref<1x632x16xf32, #tpu.memory_space<hbm>> -> memref<632x16xf32, #tpu.memory_space<hbm>>
      tpu.wait_dma2 semaphore(%run_scoped3A : memref<!tpu.dma_semaphore, #tpu.memory_space<semaphore_mem>>) src(%arg17 : memref<632x16xf32, #tpu.memory_space<vmem>>) dst(%dma_wait3A_199 : memref<632x16xf32, #tpu.memory_space<hbm>>)
      tpu.yield
    }) : () -> ()
    return
  }
}

#map = affine_map<(d0, d1) -> (0, 0)>
#map1 = affine_map<(d0, d1) -> (0, 0, 0, 0)>
#map2 = affine_map<(d0, d1) -> (0, 0, 0)>
module attributes {stable_mosaic.version = 14 : i64} {
  func.func @_agg_body(%arg0: i32, %arg1: i32, %arg2: memref<10000x16xf32, #tpu.memory_space<hbm>>, %arg3: memref<2x2500x1x128xi32, #tpu.memory_space<hbm>>, %arg4: memref<632x16xf32, #tpu.memory_space<hbm>>, %arg5: memref<2x10112x16xf32, #tpu.memory_space<hbm>>, %arg6: memref<10112x16xf32, #tpu.memory_space<vmem_shared>>, %arg7: memref<79x128xi32, #tpu.memory_space<vmem>>, %arg8: memref<79x128xi32, #tpu.memory_space<vmem>>, %arg9: memref<128x16xf32, #tpu.memory_space<vmem>>, %arg10: memref<128x16xf32, #tpu.memory_space<vmem>>, %arg11: memref<128x16xf32, #tpu.memory_space<vmem>>, %arg12: memref<128x16xf32, #tpu.memory_space<vmem>>, %arg13: memref<128x16xf32, #tpu.memory_space<vmem>>, %arg14: memref<128x16xf32, #tpu.memory_space<vmem>>, %arg15: memref<128x16xf32, #tpu.memory_space<vmem>>, %arg16: memref<128x16xf32, #tpu.memory_space<vmem>>, %arg17: memref<632x16xf32, #tpu.memory_space<vmem>>, %arg18: memref<!tpu.dma_semaphore, #tpu.memory_space<semaphore_mem>>, %arg19: memref<!tpu.dma_semaphore, #tpu.memory_space<semaphore_mem>>, %arg20: memref<!tpu.dma_semaphore, #tpu.memory_space<semaphore_mem>>, %arg21: memref<!tpu.dma_semaphore, #tpu.memory_space<semaphore_mem>>, %arg22: memref<!tpu.dma_semaphore, #tpu.memory_space<semaphore_mem>>, %arg23: memref<!tpu.dma_semaphore, #tpu.memory_space<semaphore_mem>>, %arg24: memref<!tpu.dma_semaphore, #tpu.memory_space<semaphore_mem>>, %arg25: memref<!tpu.dma_semaphore, #tpu.memory_space<semaphore_mem>>, %arg26: memref<!tpu.dma_semaphore, #tpu.memory_space<semaphore_mem>>, %arg27: memref<!tpu.dma_semaphore, #tpu.memory_space<semaphore_mem>>, %arg28: memref<!tpu.dma_semaphore, #tpu.memory_space<semaphore_mem>>, %arg29: memref<!tpu.dma_semaphore, #tpu.memory_space<semaphore_mem>>, %arg30: memref<!tpu.dma_semaphore, #tpu.memory_space<semaphore_mem>>, %arg31: memref<!tpu.dma_semaphore, #tpu.memory_space<semaphore_mem>>, %arg32: memref<!tpu.dma_semaphore, #tpu.memory_space<semaphore_mem>>, %arg33: memref<!tpu.dma_semaphore, #tpu.memory_space<semaphore_mem>>) attributes {dimension_semantics = [#tpu.dimension_semantics<core_parallel>, #tpu.dimension_semantics<subcore_parallel>], iteration_bounds = array<i64: 2, 16>, scalar_prefetch = 0 : i64, scratch_operands = 28 : i64, tpu.core_type = #tpu.core_type<sc_vector_subcore>, window_params = [{transform_indices = #map}, {transform_indices = #map1}, {transform_indices = #map}, {transform_indices = #map2}]} {
    %mul3A = arith.constant 16 : i32
    %mul3A_0 = arith.muli %arg0, %mul3A : i32
    %add3A = arith.addi %mul3A_0, %arg1 : i32
    %mul3A_1 = arith.constant 632 : i32
    %mul3A_2 = arith.muli %arg1, %mul3A_1 : i32
    %lt3A = arith.constant 4 : i32
    %lt3A_3 = arith.cmpi slt, %add3A, %lt3A : i32
    %jit3A = arith.constant 1 : i32
    %jit3A_4 = arith.constant 0 : i32
    %select_n3A = arith.select %lt3A_3, %jit3A, %jit3A_4 : i32
    %add3A_5 = arith.constant 78 : i32
    %add3A_6 = arith.addi %add3A_5, %select_n3A : i32
    tpu.enqueue_dma source(%arg4 : memref<632x16xf32, #tpu.memory_space<hbm>>) target(%arg17 : memref<632x16xf32, #tpu.memory_space<vmem>>) target_semaphore(%arg26 : memref<!tpu.dma_semaphore, #tpu.memory_space<semaphore_mem>>)
    %mul3A_7 = arith.constant 78 : i32
    %mul3A_8 = arith.muli %add3A, %mul3A_7 : i32
    %dma_start3A = arith.constant 0 : i32
    %dma_start3A_9 = arith.constant 0 : i32
    %dma_start3A_10 = arith.constant 0 : i32
    %dma_start3A_11 = arith.constant 0 : i32
    %dma_start3A_12 = tpu.memref_slice %arg7[%dma_start3A_10, %dma_start3A_11] : memref<79x128xi32, #tpu.memory_space<vmem>> -> memref<78x128xi32, #tpu.memory_space<vmem>>
    %dma_start3A_13 = arith.constant 0 : i32
    %dma_start3A_14 = tpu.memref_slice %arg3[%dma_start3A, %mul3A_8, %dma_start3A_9, %dma_start3A_13] : memref<2x2500x1x128xi32, #tpu.memory_space<hbm>> -> memref<1x78x1x128xi32, #tpu.memory_space<hbm>>
    %dma_start3A_15 = tpu.memref_squeeze %dma_start3A_14 : memref<1x78x1x128xi32, #tpu.memory_space<hbm>> -> memref<78x128xi32, #tpu.memory_space<hbm>>
    %dma_start3A_16 = arith.constant 0 : i32
    %dma_start3A_17 = arith.constant 0 : i32
    %dma_start3A_18 = tpu.memref_slice %arg7[%dma_start3A_16, %dma_start3A_17] : memref<79x128xi32, #tpu.memory_space<vmem>> -> memref<78x128xi32, #tpu.memory_space<vmem>>
    %dma_start3A_19 = arith.constant 0 : i32
    %dma_start3A_20 = tpu.memref_slice %arg3[%dma_start3A, %mul3A_8, %dma_start3A_9, %dma_start3A_19] : memref<2x2500x1x128xi32, #tpu.memory_space<hbm>> -> memref<1x78x1x128xi32, #tpu.memory_space<hbm>>
    %dma_start3A_21 = tpu.memref_squeeze %dma_start3A_20 : memref<1x78x1x128xi32, #tpu.memory_space<hbm>> -> memref<78x128xi32, #tpu.memory_space<hbm>>
    tpu.enqueue_dma source(%dma_start3A_21 : memref<78x128xi32, #tpu.memory_space<hbm>>) target(%dma_start3A_18 : memref<78x128xi32, #tpu.memory_space<vmem>>) target_semaphore(%arg18 : memref<!tpu.dma_semaphore, #tpu.memory_space<semaphore_mem>>)
    %lt3A_22 = arith.constant 4 : i32
    %lt3A_23 = arith.cmpi slt, %add3A, %lt3A_22 : i32
    %convert_element_type3A = arith.extui %lt3A_23 : i1 to i32
    %cond3A = arith.constant 0 : i32
    %cond3A_24 = arith.cmpi ne, %convert_element_type3A, %cond3A : i32
    scf.if %cond3A_24 {
      %add3A_188 = arith.constant 2496 : i32
      %add3A_189 = arith.addi %add3A_188, %add3A : i32
      %dma_start3A_190 = arith.constant 0 : i32
      %dma_start3A_191 = arith.constant 0 : i32
      %dma_start3A_192 = arith.constant 78 : i32
      %dma_start3A_193 = arith.constant 0 : i32
      %dma_start3A_194 = tpu.memref_slice %arg7[%dma_start3A_192, %dma_start3A_193] : memref<79x128xi32, #tpu.memory_space<vmem>> -> memref<1x128xi32, #tpu.memory_space<vmem>>
      %dma_start3A_195 = arith.constant 0 : i32
      %dma_start3A_196 = tpu.memref_slice %arg3[%dma_start3A_190, %add3A_189, %dma_start3A_191, %dma_start3A_195] : memref<2x2500x1x128xi32, #tpu.memory_space<hbm>> -> memref<1x1x1x128xi32, #tpu.memory_space<hbm>>
      %dma_start3A_197 = tpu.memref_squeeze %dma_start3A_196 : memref<1x1x1x128xi32, #tpu.memory_space<hbm>> -> memref<1x128xi32, #tpu.memory_space<hbm>>
      %dma_start3A_198 = arith.constant 78 : i32
      %dma_start3A_199 = arith.constant 0 : i32
      %dma_start3A_200 = tpu.memref_slice %arg7[%dma_start3A_198, %dma_start3A_199] : memref<79x128xi32, #tpu.memory_space<vmem>> -> memref<1x128xi32, #tpu.memory_space<vmem>>
      %dma_start3A_201 = arith.constant 0 : i32
      %dma_start3A_202 = tpu.memref_slice %arg3[%dma_start3A_190, %add3A_189, %dma_start3A_191, %dma_start3A_201] : memref<2x2500x1x128xi32, #tpu.memory_space<hbm>> -> memref<1x1x1x128xi32, #tpu.memory_space<hbm>>
      %dma_start3A_203 = tpu.memref_squeeze %dma_start3A_202 : memref<1x1x1x128xi32, #tpu.memory_space<hbm>> -> memref<1x128xi32, #tpu.memory_space<hbm>>
      tpu.enqueue_dma source(%dma_start3A_203 : memref<1x128xi32, #tpu.memory_space<hbm>>) target(%dma_start3A_200 : memref<1x128xi32, #tpu.memory_space<vmem>>) target_semaphore(%arg18 : memref<!tpu.dma_semaphore, #tpu.memory_space<semaphore_mem>>)
    } else {
    }
    %mul3A_25 = arith.constant 78 : i32
    %mul3A_26 = arith.muli %add3A, %mul3A_25 : i32
    %dma_start3A_27 = arith.constant 1 : i32
    %dma_start3A_28 = arith.constant 0 : i32
    %dma_start3A_29 = arith.constant 0 : i32
    %dma_start3A_30 = arith.constant 0 : i32
    %dma_start3A_31 = tpu.memref_slice %arg8[%dma_start3A_29, %dma_start3A_30] : memref<79x128xi32, #tpu.memory_space<vmem>> -> memref<78x128xi32, #tpu.memory_space<vmem>>
    %dma_start3A_32 = arith.constant 0 : i32
    %dma_start3A_33 = tpu.memref_slice %arg3[%dma_start3A_27, %mul3A_26, %dma_start3A_28, %dma_start3A_32] : memref<2x2500x1x128xi32, #tpu.memory_space<hbm>> -> memref<1x78x1x128xi32, #tpu.memory_space<hbm>>
    %dma_start3A_34 = tpu.memref_squeeze %dma_start3A_33 : memref<1x78x1x128xi32, #tpu.memory_space<hbm>> -> memref<78x128xi32, #tpu.memory_space<hbm>>
    %dma_start3A_35 = arith.constant 0 : i32
    %dma_start3A_36 = arith.constant 0 : i32
    %dma_start3A_37 = tpu.memref_slice %arg8[%dma_start3A_35, %dma_start3A_36] : memref<79x128xi32, #tpu.memory_space<vmem>> -> memref<78x128xi32, #tpu.memory_space<vmem>>
    %dma_start3A_38 = arith.constant 0 : i32
    %dma_start3A_39 = tpu.memref_slice %arg3[%dma_start3A_27, %mul3A_26, %dma_start3A_28, %dma_start3A_38] : memref<2x2500x1x128xi32, #tpu.memory_space<hbm>> -> memref<1x78x1x128xi32, #tpu.memory_space<hbm>>
    %dma_start3A_40 = tpu.memref_squeeze %dma_start3A_39 : memref<1x78x1x128xi32, #tpu.memory_space<hbm>> -> memref<78x128xi32, #tpu.memory_space<hbm>>
    tpu.enqueue_dma source(%dma_start3A_40 : memref<78x128xi32, #tpu.memory_space<hbm>>) target(%dma_start3A_37 : memref<78x128xi32, #tpu.memory_space<vmem>>) target_semaphore(%arg19 : memref<!tpu.dma_semaphore, #tpu.memory_space<semaphore_mem>>)
    %lt3A_41 = arith.constant 4 : i32
    %lt3A_42 = arith.cmpi slt, %add3A, %lt3A_41 : i32
    %convert_element_type3A_43 = arith.extui %lt3A_42 : i1 to i32
    %cond3A_44 = arith.constant 0 : i32
    %cond3A_45 = arith.cmpi ne, %convert_element_type3A_43, %cond3A_44 : i32
    scf.if %cond3A_45 {
      %add3A_188 = arith.constant 2496 : i32
      %add3A_189 = arith.addi %add3A_188, %add3A : i32
      %dma_start3A_190 = arith.constant 1 : i32
      %dma_start3A_191 = arith.constant 0 : i32
      %dma_start3A_192 = arith.constant 78 : i32
      %dma_start3A_193 = arith.constant 0 : i32
      %dma_start3A_194 = tpu.memref_slice %arg8[%dma_start3A_192, %dma_start3A_193] : memref<79x128xi32, #tpu.memory_space<vmem>> -> memref<1x128xi32, #tpu.memory_space<vmem>>
      %dma_start3A_195 = arith.constant 0 : i32
      %dma_start3A_196 = tpu.memref_slice %arg3[%dma_start3A_190, %add3A_189, %dma_start3A_191, %dma_start3A_195] : memref<2x2500x1x128xi32, #tpu.memory_space<hbm>> -> memref<1x1x1x128xi32, #tpu.memory_space<hbm>>
      %dma_start3A_197 = tpu.memref_squeeze %dma_start3A_196 : memref<1x1x1x128xi32, #tpu.memory_space<hbm>> -> memref<1x128xi32, #tpu.memory_space<hbm>>
      %dma_start3A_198 = arith.constant 78 : i32
      %dma_start3A_199 = arith.constant 0 : i32
      %dma_start3A_200 = tpu.memref_slice %arg8[%dma_start3A_198, %dma_start3A_199] : memref<79x128xi32, #tpu.memory_space<vmem>> -> memref<1x128xi32, #tpu.memory_space<vmem>>
      %dma_start3A_201 = arith.constant 0 : i32
      %dma_start3A_202 = tpu.memref_slice %arg3[%dma_start3A_190, %add3A_189, %dma_start3A_191, %dma_start3A_201] : memref<2x2500x1x128xi32, #tpu.memory_space<hbm>> -> memref<1x1x1x128xi32, #tpu.memory_space<hbm>>
      %dma_start3A_203 = tpu.memref_squeeze %dma_start3A_202 : memref<1x1x1x128xi32, #tpu.memory_space<hbm>> -> memref<1x128xi32, #tpu.memory_space<hbm>>
      tpu.enqueue_dma source(%dma_start3A_203 : memref<1x128xi32, #tpu.memory_space<hbm>>) target(%dma_start3A_200 : memref<1x128xi32, #tpu.memory_space<vmem>>) target_semaphore(%arg19 : memref<!tpu.dma_semaphore, #tpu.memory_space<semaphore_mem>>)
    } else {
    }
    tpu.wait_dma2 semaphore(%arg26 : memref<!tpu.dma_semaphore, #tpu.memory_space<semaphore_mem>>) src(%arg4 : memref<632x16xf32, #tpu.memory_space<hbm>>) dst(%arg17 : memref<632x16xf32, #tpu.memory_space<vmem>>)
    "tpu.region"() ({
      %run_scoped3A = tpu.sem_alloc : memref<!tpu.dma_semaphore, #tpu.memory_space<semaphore_mem>>
      %dma_start3A_188 = arith.constant 0 : i32
      %dma_start3A_189 = tpu.memref_slice %arg6[%mul3A_2, %dma_start3A_188] : memref<10112x16xf32, #tpu.memory_space<vmem_shared>> -> memref<632x16xf32, #tpu.memory_space<vmem_shared>>
      %dma_start3A_190 = arith.constant 0 : i32
      %dma_start3A_191 = tpu.memref_slice %arg6[%mul3A_2, %dma_start3A_190] : memref<10112x16xf32, #tpu.memory_space<vmem_shared>> -> memref<632x16xf32, #tpu.memory_space<vmem_shared>>
      tpu.enqueue_dma source(%arg17 : memref<632x16xf32, #tpu.memory_space<vmem>>) target(%dma_start3A_191 : memref<632x16xf32, #tpu.memory_space<vmem_shared>>) target_semaphore(%run_scoped3A : memref<!tpu.dma_semaphore, #tpu.memory_space<semaphore_mem>>)
      %dma_wait3A_192 = arith.constant 0 : i32
      %dma_wait3A_193 = tpu.memref_slice %arg6[%mul3A_2, %dma_wait3A_192] : memref<10112x16xf32, #tpu.memory_space<vmem_shared>> -> memref<632x16xf32, #tpu.memory_space<vmem_shared>>
      %dma_wait3A_194 = arith.constant 0 : i32
      %dma_wait3A_195 = tpu.memref_slice %arg6[%mul3A_2, %dma_wait3A_194] : memref<10112x16xf32, #tpu.memory_space<vmem_shared>> -> memref<632x16xf32, #tpu.memory_space<vmem_shared>>
      tpu.wait_dma2 semaphore(%run_scoped3A : memref<!tpu.dma_semaphore, #tpu.memory_space<semaphore_mem>>) src(%arg17 : memref<632x16xf32, #tpu.memory_space<vmem>>) dst(%dma_wait3A_195 : memref<632x16xf32, #tpu.memory_space<vmem_shared>>)
      tpu.yield
    }) : () -> ()
    %mul3A_46 = arith.constant 78 : i32
    %mul3A_47 = arith.muli %add3A, %mul3A_46 : i32
    %dma_wait3A = arith.constant 0 : i32
    %dma_wait3A_48 = arith.constant 0 : i32
    %dma_wait3A_49 = arith.constant 0 : i32
    %dma_wait3A_50 = arith.constant 0 : i32
    %dma_wait3A_51 = tpu.memref_slice %arg7[%dma_wait3A_49, %dma_wait3A_50] : memref<79x128xi32, #tpu.memory_space<vmem>> -> memref<78x128xi32, #tpu.memory_space<vmem>>
    %dma_wait3A_52 = arith.constant 0 : i32
    %dma_wait3A_53 = tpu.memref_slice %arg3[%dma_wait3A, %mul3A_47, %dma_wait3A_48, %dma_wait3A_52] : memref<2x2500x1x128xi32, #tpu.memory_space<hbm>> -> memref<1x78x1x128xi32, #tpu.memory_space<hbm>>
    %dma_wait3A_54 = tpu.memref_squeeze %dma_wait3A_53 : memref<1x78x1x128xi32, #tpu.memory_space<hbm>> -> memref<78x128xi32, #tpu.memory_space<hbm>>
    %dma_wait3A_55 = arith.constant 0 : i32
    %dma_wait3A_56 = arith.constant 0 : i32
    %dma_wait3A_57 = tpu.memref_slice %arg7[%dma_wait3A_55, %dma_wait3A_56] : memref<79x128xi32, #tpu.memory_space<vmem>> -> memref<78x128xi32, #tpu.memory_space<vmem>>
    %dma_wait3A_58 = arith.constant 0 : i32
    %dma_wait3A_59 = tpu.memref_slice %arg3[%dma_wait3A, %mul3A_47, %dma_wait3A_48, %dma_wait3A_58] : memref<2x2500x1x128xi32, #tpu.memory_space<hbm>> -> memref<1x78x1x128xi32, #tpu.memory_space<hbm>>
    %dma_wait3A_60 = tpu.memref_squeeze %dma_wait3A_59 : memref<1x78x1x128xi32, #tpu.memory_space<hbm>> -> memref<78x128xi32, #tpu.memory_space<hbm>>
    tpu.wait_dma2 semaphore(%arg18 : memref<!tpu.dma_semaphore, #tpu.memory_space<semaphore_mem>>) src(%dma_wait3A_60 : memref<78x128xi32, #tpu.memory_space<hbm>>) dst(%dma_wait3A_57 : memref<78x128xi32, #tpu.memory_space<vmem>>)
    %lt3A_61 = arith.constant 4 : i32
    %lt3A_62 = arith.cmpi slt, %add3A, %lt3A_61 : i32
    %convert_element_type3A_63 = arith.extui %lt3A_62 : i1 to i32
    %cond3A_64 = arith.constant 0 : i32
    %cond3A_65 = arith.cmpi ne, %convert_element_type3A_63, %cond3A_64 : i32
    scf.if %cond3A_65 {
      %add3A_188 = arith.constant 2496 : i32
      %add3A_189 = arith.addi %add3A_188, %add3A : i32
      %dma_wait3A_190 = arith.constant 0 : i32
      %dma_wait3A_191 = arith.constant 0 : i32
      %dma_wait3A_192 = arith.constant 78 : i32
      %dma_wait3A_193 = arith.constant 0 : i32
      %dma_wait3A_194 = tpu.memref_slice %arg7[%dma_wait3A_192, %dma_wait3A_193] : memref<79x128xi32, #tpu.memory_space<vmem>> -> memref<1x128xi32, #tpu.memory_space<vmem>>
      %dma_wait3A_195 = arith.constant 0 : i32
      %dma_wait3A_196 = tpu.memref_slice %arg3[%dma_wait3A_190, %add3A_189, %dma_wait3A_191, %dma_wait3A_195] : memref<2x2500x1x128xi32, #tpu.memory_space<hbm>> -> memref<1x1x1x128xi32, #tpu.memory_space<hbm>>
      %dma_wait3A_197 = tpu.memref_squeeze %dma_wait3A_196 : memref<1x1x1x128xi32, #tpu.memory_space<hbm>> -> memref<1x128xi32, #tpu.memory_space<hbm>>
      %dma_wait3A_198 = arith.constant 78 : i32
      %dma_wait3A_199 = arith.constant 0 : i32
      %dma_wait3A_200 = tpu.memref_slice %arg7[%dma_wait3A_198, %dma_wait3A_199] : memref<79x128xi32, #tpu.memory_space<vmem>> -> memref<1x128xi32, #tpu.memory_space<vmem>>
      %dma_wait3A_201 = arith.constant 0 : i32
      %dma_wait3A_202 = tpu.memref_slice %arg3[%dma_wait3A_190, %add3A_189, %dma_wait3A_191, %dma_wait3A_201] : memref<2x2500x1x128xi32, #tpu.memory_space<hbm>> -> memref<1x1x1x128xi32, #tpu.memory_space<hbm>>
      %dma_wait3A_203 = tpu.memref_squeeze %dma_wait3A_202 : memref<1x1x1x128xi32, #tpu.memory_space<hbm>> -> memref<1x128xi32, #tpu.memory_space<hbm>>
      tpu.wait_dma2 semaphore(%arg18 : memref<!tpu.dma_semaphore, #tpu.memory_space<semaphore_mem>>) src(%dma_wait3A_203 : memref<1x128xi32, #tpu.memory_space<hbm>>) dst(%dma_wait3A_200 : memref<1x128xi32, #tpu.memory_space<vmem>>)
    } else {
    }
    %mul3A_66 = arith.constant 78 : i32
    %mul3A_67 = arith.muli %add3A, %mul3A_66 : i32
    %dma_wait3A_68 = arith.constant 1 : i32
    %dma_wait3A_69 = arith.constant 0 : i32
    %dma_wait3A_70 = arith.constant 0 : i32
    %dma_wait3A_71 = arith.constant 0 : i32
    %dma_wait3A_72 = tpu.memref_slice %arg8[%dma_wait3A_70, %dma_wait3A_71] : memref<79x128xi32, #tpu.memory_space<vmem>> -> memref<78x128xi32, #tpu.memory_space<vmem>>
    %dma_wait3A_73 = arith.constant 0 : i32
    %dma_wait3A_74 = tpu.memref_slice %arg3[%dma_wait3A_68, %mul3A_67, %dma_wait3A_69, %dma_wait3A_73] : memref<2x2500x1x128xi32, #tpu.memory_space<hbm>> -> memref<1x78x1x128xi32, #tpu.memory_space<hbm>>
    %dma_wait3A_75 = tpu.memref_squeeze %dma_wait3A_74 : memref<1x78x1x128xi32, #tpu.memory_space<hbm>> -> memref<78x128xi32, #tpu.memory_space<hbm>>
    %dma_wait3A_76 = arith.constant 0 : i32
    %dma_wait3A_77 = arith.constant 0 : i32
    %dma_wait3A_78 = tpu.memref_slice %arg8[%dma_wait3A_76, %dma_wait3A_77] : memref<79x128xi32, #tpu.memory_space<vmem>> -> memref<78x128xi32, #tpu.memory_space<vmem>>
    %dma_wait3A_79 = arith.constant 0 : i32
    %dma_wait3A_80 = tpu.memref_slice %arg3[%dma_wait3A_68, %mul3A_67, %dma_wait3A_69, %dma_wait3A_79] : memref<2x2500x1x128xi32, #tpu.memory_space<hbm>> -> memref<1x78x1x128xi32, #tpu.memory_space<hbm>>
    %dma_wait3A_81 = tpu.memref_squeeze %dma_wait3A_80 : memref<1x78x1x128xi32, #tpu.memory_space<hbm>> -> memref<78x128xi32, #tpu.memory_space<hbm>>
    tpu.wait_dma2 semaphore(%arg19 : memref<!tpu.dma_semaphore, #tpu.memory_space<semaphore_mem>>) src(%dma_wait3A_81 : memref<78x128xi32, #tpu.memory_space<hbm>>) dst(%dma_wait3A_78 : memref<78x128xi32, #tpu.memory_space<vmem>>)
    %lt3A_82 = arith.constant 4 : i32
    %lt3A_83 = arith.cmpi slt, %add3A, %lt3A_82 : i32
    %convert_element_type3A_84 = arith.extui %lt3A_83 : i1 to i32
    %cond3A_85 = arith.constant 0 : i32
    %cond3A_86 = arith.cmpi ne, %convert_element_type3A_84, %cond3A_85 : i32
    scf.if %cond3A_86 {
      %add3A_188 = arith.constant 2496 : i32
      %add3A_189 = arith.addi %add3A_188, %add3A : i32
      %dma_wait3A_190 = arith.constant 1 : i32
      %dma_wait3A_191 = arith.constant 0 : i32
      %dma_wait3A_192 = arith.constant 78 : i32
      %dma_wait3A_193 = arith.constant 0 : i32
      %dma_wait3A_194 = tpu.memref_slice %arg8[%dma_wait3A_192, %dma_wait3A_193] : memref<79x128xi32, #tpu.memory_space<vmem>> -> memref<1x128xi32, #tpu.memory_space<vmem>>
      %dma_wait3A_195 = arith.constant 0 : i32
      %dma_wait3A_196 = tpu.memref_slice %arg3[%dma_wait3A_190, %add3A_189, %dma_wait3A_191, %dma_wait3A_195] : memref<2x2500x1x128xi32, #tpu.memory_space<hbm>> -> memref<1x1x1x128xi32, #tpu.memory_space<hbm>>
      %dma_wait3A_197 = tpu.memref_squeeze %dma_wait3A_196 : memref<1x1x1x128xi32, #tpu.memory_space<hbm>> -> memref<1x128xi32, #tpu.memory_space<hbm>>
      %dma_wait3A_198 = arith.constant 78 : i32
      %dma_wait3A_199 = arith.constant 0 : i32
      %dma_wait3A_200 = tpu.memref_slice %arg8[%dma_wait3A_198, %dma_wait3A_199] : memref<79x128xi32, #tpu.memory_space<vmem>> -> memref<1x128xi32, #tpu.memory_space<vmem>>
      %dma_wait3A_201 = arith.constant 0 : i32
      %dma_wait3A_202 = tpu.memref_slice %arg3[%dma_wait3A_190, %add3A_189, %dma_wait3A_191, %dma_wait3A_201] : memref<2x2500x1x128xi32, #tpu.memory_space<hbm>> -> memref<1x1x1x128xi32, #tpu.memory_space<hbm>>
      %dma_wait3A_203 = tpu.memref_squeeze %dma_wait3A_202 : memref<1x1x1x128xi32, #tpu.memory_space<hbm>> -> memref<1x128xi32, #tpu.memory_space<hbm>>
      tpu.wait_dma2 semaphore(%arg19 : memref<!tpu.dma_semaphore, #tpu.memory_space<semaphore_mem>>) src(%dma_wait3A_203 : memref<1x128xi32, #tpu.memory_space<hbm>>) dst(%dma_wait3A_200 : memref<1x128xi32, #tpu.memory_space<vmem>>)
    } else {
    }
    %barrier3A = arith.constant 0 : index
    tpu.barrier barrier_id(%barrier3A)
    %dma_start3A_87 = arith.constant 0 : i32
    %dma_start3A_88 = arith.constant 0 : i32
    %dma_start3A_89 = tpu.memref_slice %arg7[%dma_start3A_87, %dma_start3A_88] : memref<79x128xi32, #tpu.memory_space<vmem>> -> memref<1x128xi32, #tpu.memory_space<vmem>>
    %dma_start3A_90 = tpu.memref_squeeze %dma_start3A_89 : memref<1x128xi32, #tpu.memory_space<vmem>> -> memref<128xi32, #tpu.memory_space<vmem>>
    %dma_start3A_91 = arith.constant 0 : i32
    %dma_start3A_92 = arith.constant 0 : i32
    %dma_start3A_93 = tpu.memref_slice %arg2[%dma_start3A_91, %dma_start3A_92] : memref<10000x16xf32, #tpu.memory_space<hbm>> -> memref<10000x16xf32, #tpu.memory_space<hbm>>
    tpu.enqueue_indirect_dma source(%dma_start3A_93 : memref<10000x16xf32, #tpu.memory_space<hbm>>) target(%arg9 : memref<128x16xf32, #tpu.memory_space<vmem>>) offsets(%dma_start3A_90 : memref<128xi32, #tpu.memory_space<vmem>>) semaphore(%arg18 : memref<!tpu.dma_semaphore, #tpu.memory_space<semaphore_mem>>)
    %dma_start3A_94 = arith.constant 1 : i32
    %dma_start3A_95 = arith.constant 0 : i32
    %dma_start3A_96 = tpu.memref_slice %arg7[%dma_start3A_94, %dma_start3A_95] : memref<79x128xi32, #tpu.memory_space<vmem>> -> memref<1x128xi32, #tpu.memory_space<vmem>>
    %dma_start3A_97 = tpu.memref_squeeze %dma_start3A_96 : memref<1x128xi32, #tpu.memory_space<vmem>> -> memref<128xi32, #tpu.memory_space<vmem>>
    %dma_start3A_98 = arith.constant 0 : i32
    %dma_start3A_99 = arith.constant 0 : i32
    %dma_start3A_100 = tpu.memref_slice %arg2[%dma_start3A_98, %dma_start3A_99] : memref<10000x16xf32, #tpu.memory_space<hbm>> -> memref<10000x16xf32, #tpu.memory_space<hbm>>
    tpu.enqueue_indirect_dma source(%dma_start3A_100 : memref<10000x16xf32, #tpu.memory_space<hbm>>) target(%arg10 : memref<128x16xf32, #tpu.memory_space<vmem>>) offsets(%dma_start3A_97 : memref<128xi32, #tpu.memory_space<vmem>>) semaphore(%arg19 : memref<!tpu.dma_semaphore, #tpu.memory_space<semaphore_mem>>)
    %dma_start3A_101 = arith.constant 2 : i32
    %dma_start3A_102 = arith.constant 0 : i32
    %dma_start3A_103 = tpu.memref_slice %arg7[%dma_start3A_101, %dma_start3A_102] : memref<79x128xi32, #tpu.memory_space<vmem>> -> memref<1x128xi32, #tpu.memory_space<vmem>>
    %dma_start3A_104 = tpu.memref_squeeze %dma_start3A_103 : memref<1x128xi32, #tpu.memory_space<vmem>> -> memref<128xi32, #tpu.memory_space<vmem>>
    %dma_start3A_105 = arith.constant 0 : i32
    %dma_start3A_106 = arith.constant 0 : i32
    %dma_start3A_107 = tpu.memref_slice %arg2[%dma_start3A_105, %dma_start3A_106] : memref<10000x16xf32, #tpu.memory_space<hbm>> -> memref<10000x16xf32, #tpu.memory_space<hbm>>
    tpu.enqueue_indirect_dma source(%dma_start3A_107 : memref<10000x16xf32, #tpu.memory_space<hbm>>) target(%arg11 : memref<128x16xf32, #tpu.memory_space<vmem>>) offsets(%dma_start3A_104 : memref<128xi32, #tpu.memory_space<vmem>>) semaphore(%arg20 : memref<!tpu.dma_semaphore, #tpu.memory_space<semaphore_mem>>)
    %dma_start3A_108 = arith.constant 3 : i32
    %dma_start3A_109 = arith.constant 0 : i32
    %dma_start3A_110 = tpu.memref_slice %arg7[%dma_start3A_108, %dma_start3A_109] : memref<79x128xi32, #tpu.memory_space<vmem>> -> memref<1x128xi32, #tpu.memory_space<vmem>>
    %dma_start3A_111 = tpu.memref_squeeze %dma_start3A_110 : memref<1x128xi32, #tpu.memory_space<vmem>> -> memref<128xi32, #tpu.memory_space<vmem>>
    %dma_start3A_112 = arith.constant 0 : i32
    %dma_start3A_113 = arith.constant 0 : i32
    %dma_start3A_114 = tpu.memref_slice %arg2[%dma_start3A_112, %dma_start3A_113] : memref<10000x16xf32, #tpu.memory_space<hbm>> -> memref<10000x16xf32, #tpu.memory_space<hbm>>
    tpu.enqueue_indirect_dma source(%dma_start3A_114 : memref<10000x16xf32, #tpu.memory_space<hbm>>) target(%arg12 : memref<128x16xf32, #tpu.memory_space<vmem>>) offsets(%dma_start3A_111 : memref<128xi32, #tpu.memory_space<vmem>>) semaphore(%arg21 : memref<!tpu.dma_semaphore, #tpu.memory_space<semaphore_mem>>)
    %dma_start3A_115 = arith.constant 4 : i32
    %dma_start3A_116 = arith.constant 0 : i32
    %dma_start3A_117 = tpu.memref_slice %arg7[%dma_start3A_115, %dma_start3A_116] : memref<79x128xi32, #tpu.memory_space<vmem>> -> memref<1x128xi32, #tpu.memory_space<vmem>>
    %dma_start3A_118 = tpu.memref_squeeze %dma_start3A_117 : memref<1x128xi32, #tpu.memory_space<vmem>> -> memref<128xi32, #tpu.memory_space<vmem>>
    %dma_start3A_119 = arith.constant 0 : i32
    %dma_start3A_120 = arith.constant 0 : i32
    %dma_start3A_121 = tpu.memref_slice %arg2[%dma_start3A_119, %dma_start3A_120] : memref<10000x16xf32, #tpu.memory_space<hbm>> -> memref<10000x16xf32, #tpu.memory_space<hbm>>
    tpu.enqueue_indirect_dma source(%dma_start3A_121 : memref<10000x16xf32, #tpu.memory_space<hbm>>) target(%arg13 : memref<128x16xf32, #tpu.memory_space<vmem>>) offsets(%dma_start3A_118 : memref<128xi32, #tpu.memory_space<vmem>>) semaphore(%arg22 : memref<!tpu.dma_semaphore, #tpu.memory_space<semaphore_mem>>)
    %dma_start3A_122 = arith.constant 5 : i32
    %dma_start3A_123 = arith.constant 0 : i32
    %dma_start3A_124 = tpu.memref_slice %arg7[%dma_start3A_122, %dma_start3A_123] : memref<79x128xi32, #tpu.memory_space<vmem>> -> memref<1x128xi32, #tpu.memory_space<vmem>>
    %dma_start3A_125 = tpu.memref_squeeze %dma_start3A_124 : memref<1x128xi32, #tpu.memory_space<vmem>> -> memref<128xi32, #tpu.memory_space<vmem>>
    %dma_start3A_126 = arith.constant 0 : i32
    %dma_start3A_127 = arith.constant 0 : i32
    %dma_start3A_128 = tpu.memref_slice %arg2[%dma_start3A_126, %dma_start3A_127] : memref<10000x16xf32, #tpu.memory_space<hbm>> -> memref<10000x16xf32, #tpu.memory_space<hbm>>
    tpu.enqueue_indirect_dma source(%dma_start3A_128 : memref<10000x16xf32, #tpu.memory_space<hbm>>) target(%arg14 : memref<128x16xf32, #tpu.memory_space<vmem>>) offsets(%dma_start3A_125 : memref<128xi32, #tpu.memory_space<vmem>>) semaphore(%arg23 : memref<!tpu.dma_semaphore, #tpu.memory_space<semaphore_mem>>)
    %dma_start3A_129 = arith.constant 6 : i32
    %dma_start3A_130 = arith.constant 0 : i32
    %dma_start3A_131 = tpu.memref_slice %arg7[%dma_start3A_129, %dma_start3A_130] : memref<79x128xi32, #tpu.memory_space<vmem>> -> memref<1x128xi32, #tpu.memory_space<vmem>>
    %dma_start3A_132 = tpu.memref_squeeze %dma_start3A_131 : memref<1x128xi32, #tpu.memory_space<vmem>> -> memref<128xi32, #tpu.memory_space<vmem>>
    %dma_start3A_133 = arith.constant 0 : i32
    %dma_start3A_134 = arith.constant 0 : i32
    %dma_start3A_135 = tpu.memref_slice %arg2[%dma_start3A_133, %dma_start3A_134] : memref<10000x16xf32, #tpu.memory_space<hbm>> -> memref<10000x16xf32, #tpu.memory_space<hbm>>
    tpu.enqueue_indirect_dma source(%dma_start3A_135 : memref<10000x16xf32, #tpu.memory_space<hbm>>) target(%arg15 : memref<128x16xf32, #tpu.memory_space<vmem>>) offsets(%dma_start3A_132 : memref<128xi32, #tpu.memory_space<vmem>>) semaphore(%arg24 : memref<!tpu.dma_semaphore, #tpu.memory_space<semaphore_mem>>)
    %dma_start3A_136 = arith.constant 7 : i32
    %dma_start3A_137 = arith.constant 0 : i32
    %dma_start3A_138 = tpu.memref_slice %arg7[%dma_start3A_136, %dma_start3A_137] : memref<79x128xi32, #tpu.memory_space<vmem>> -> memref<1x128xi32, #tpu.memory_space<vmem>>
    %dma_start3A_139 = tpu.memref_squeeze %dma_start3A_138 : memref<1x128xi32, #tpu.memory_space<vmem>> -> memref<128xi32, #tpu.memory_space<vmem>>
    %dma_start3A_140 = arith.constant 0 : i32
    %dma_start3A_141 = arith.constant 0 : i32
    %dma_start3A_142 = tpu.memref_slice %arg2[%dma_start3A_140, %dma_start3A_141] : memref<10000x16xf32, #tpu.memory_space<hbm>> -> memref<10000x16xf32, #tpu.memory_space<hbm>>
    tpu.enqueue_indirect_dma source(%dma_start3A_142 : memref<10000x16xf32, #tpu.memory_space<hbm>>) target(%arg16 : memref<128x16xf32, #tpu.memory_space<vmem>>) offsets(%dma_start3A_139 : memref<128xi32, #tpu.memory_space<vmem>>) semaphore(%arg25 : memref<!tpu.dma_semaphore, #tpu.memory_space<semaphore_mem>>)
    %scan3A = arith.constant 0 : i32
    %scan3A_143 = arith.constant 0 : i32
    %scan3A_144 = arith.constant 9 : i32
    %scan3A_145 = arith.addi %scan3A_143, %scan3A_144 : i32
    %scan3A_146 = arith.constant 1 : i32
    scf.for %scan3A_188 = %scan3A_143 to %scan3A_145 step %scan3A_146  : i32 {
      %mul3A_189 = arith.constant 8 : i32
      %mul3A_190 = arith.muli %scan3A_188, %mul3A_189 : i32
      %add3A_191 = arith.constant 0 : i32
      %add3A_192 = arith.addi %mul3A_190, %add3A_191 : i32
      %dma_wait3A_193 = arith.constant 0 : i32
      %dma_wait3A_194 = tpu.memref_slice %arg7[%add3A_192, %dma_wait3A_193] : memref<79x128xi32, #tpu.memory_space<vmem>> -> memref<1x128xi32, #tpu.memory_space<vmem>>
      %dma_wait3A_195 = tpu.memref_squeeze %dma_wait3A_194 : memref<1x128xi32, #tpu.memory_space<vmem>> -> memref<128xi32, #tpu.memory_space<vmem>>
      %dma_wait3A_196 = arith.constant 0 : i32
      %dma_wait3A_197 = arith.constant 0 : i32
      %dma_wait3A_198 = tpu.memref_slice %arg2[%dma_wait3A_196, %dma_wait3A_197] : memref<10000x16xf32, #tpu.memory_space<hbm>> -> memref<10000x16xf32, #tpu.memory_space<hbm>>
      tpu.wait_indirect_dma semaphore(%arg18 : memref<!tpu.dma_semaphore, #tpu.memory_space<semaphore_mem>>) src(%dma_wait3A_198 : memref<10000x16xf32, #tpu.memory_space<hbm>>) dst(%arg9 : memref<128x16xf32, #tpu.memory_space<vmem>>)
      %dma_start3A_199 = arith.constant 0 : i32
      %dma_start3A_200 = tpu.memref_slice %arg8[%add3A_192, %dma_start3A_199] : memref<79x128xi32, #tpu.memory_space<vmem>> -> memref<1x128xi32, #tpu.memory_space<vmem>>
      %dma_start3A_201 = tpu.memref_squeeze %dma_start3A_200 : memref<1x128xi32, #tpu.memory_space<vmem>> -> memref<128xi32, #tpu.memory_space<vmem>>
      %dma_start3A_202 = arith.constant 0 : i32
      %dma_start3A_203 = arith.constant 0 : i32
      %dma_start3A_204 = tpu.memref_slice %arg6[%dma_start3A_202, %dma_start3A_203] : memref<10112x16xf32, #tpu.memory_space<vmem_shared>> -> memref<10112x16xf32, #tpu.memory_space<vmem_shared>>
      tpu.enqueue_indirect_dma source(%arg9 : memref<128x16xf32, #tpu.memory_space<vmem>>) target(%dma_start3A_204 : memref<10112x16xf32, #tpu.memory_space<vmem_shared>>) offsets(%dma_start3A_201 : memref<128xi32, #tpu.memory_space<vmem>>) semaphore(%arg26 : memref<!tpu.dma_semaphore, #tpu.memory_space<semaphore_mem>>) {add = true}
      %dma_wait3A_205 = arith.constant 0 : i32
      %dma_wait3A_206 = tpu.memref_slice %arg8[%add3A_192, %dma_wait3A_205] : memref<79x128xi32, #tpu.memory_space<vmem>> -> memref<1x128xi32, #tpu.memory_space<vmem>>
      %dma_wait3A_207 = tpu.memref_squeeze %dma_wait3A_206 : memref<1x128xi32, #tpu.memory_space<vmem>> -> memref<128xi32, #tpu.memory_space<vmem>>
      %dma_wait3A_208 = arith.constant 0 : i32
      %dma_wait3A_209 = arith.constant 0 : i32
      %dma_wait3A_210 = tpu.memref_slice %arg6[%dma_wait3A_208, %dma_wait3A_209] : memref<10112x16xf32, #tpu.memory_space<vmem_shared>> -> memref<10112x16xf32, #tpu.memory_space<vmem_shared>>
      tpu.wait_indirect_dma semaphore(%arg26 : memref<!tpu.dma_semaphore, #tpu.memory_space<semaphore_mem>>) src(%arg9 : memref<128x16xf32, #tpu.memory_space<vmem>>) dst(%dma_wait3A_210 : memref<10112x16xf32, #tpu.memory_space<vmem_shared>>)
      %add3A_211 = arith.constant 8 : i32
      %add3A_212 = arith.addi %add3A_192, %add3A_211 : i32
      %lt3A_213 = arith.cmpi slt, %add3A_212, %add3A_6 : i32
      %convert_element_type3A_214 = arith.extui %lt3A_213 : i1 to i32
      %cond3A_215 = arith.constant 0 : i32
      %cond3A_216 = arith.cmpi ne, %convert_element_type3A_214, %cond3A_215 : i32
      scf.if %cond3A_216 {
        %dma_start3A_413 = arith.constant 0 : i32
        %dma_start3A_414 = tpu.memref_slice %arg7[%add3A_212, %dma_start3A_413] : memref<79x128xi32, #tpu.memory_space<vmem>> -> memref<1x128xi32, #tpu.memory_space<vmem>>
        %dma_start3A_415 = tpu.memref_squeeze %dma_start3A_414 : memref<1x128xi32, #tpu.memory_space<vmem>> -> memref<128xi32, #tpu.memory_space<vmem>>
        %dma_start3A_416 = arith.constant 0 : i32
        %dma_start3A_417 = arith.constant 0 : i32
        %dma_start3A_418 = tpu.memref_slice %arg2[%dma_start3A_416, %dma_start3A_417] : memref<10000x16xf32, #tpu.memory_space<hbm>> -> memref<10000x16xf32, #tpu.memory_space<hbm>>
        tpu.enqueue_indirect_dma source(%dma_start3A_418 : memref<10000x16xf32, #tpu.memory_space<hbm>>) target(%arg9 : memref<128x16xf32, #tpu.memory_space<vmem>>) offsets(%dma_start3A_415 : memref<128xi32, #tpu.memory_space<vmem>>) semaphore(%arg18 : memref<!tpu.dma_semaphore, #tpu.memory_space<semaphore_mem>>)
      } else {
      }
      %mul3A_217 = arith.constant 8 : i32
      %mul3A_218 = arith.muli %scan3A_188, %mul3A_217 : i32
      %add3A_219 = arith.constant 1 : i32
      %add3A_220 = arith.addi %mul3A_218, %add3A_219 : i32
      %dma_wait3A_221 = arith.constant 0 : i32
      %dma_wait3A_222 = tpu.memref_slice %arg7[%add3A_220, %dma_wait3A_221] : memref<79x128xi32, #tpu.memory_space<vmem>> -> memref<1x128xi32, #tpu.memory_space<vmem>>
      %dma_wait3A_223 = tpu.memref_squeeze %dma_wait3A_222 : memref<1x128xi32, #tpu.memory_space<vmem>> -> memref<128xi32, #tpu.memory_space<vmem>>
      %dma_wait3A_224 = arith.constant 0 : i32
      %dma_wait3A_225 = arith.constant 0 : i32
      %dma_wait3A_226 = tpu.memref_slice %arg2[%dma_wait3A_224, %dma_wait3A_225] : memref<10000x16xf32, #tpu.memory_space<hbm>> -> memref<10000x16xf32, #tpu.memory_space<hbm>>
      tpu.wait_indirect_dma semaphore(%arg19 : memref<!tpu.dma_semaphore, #tpu.memory_space<semaphore_mem>>) src(%dma_wait3A_226 : memref<10000x16xf32, #tpu.memory_space<hbm>>) dst(%arg10 : memref<128x16xf32, #tpu.memory_space<vmem>>)
      %dma_start3A_227 = arith.constant 0 : i32
      %dma_start3A_228 = tpu.memref_slice %arg8[%add3A_220, %dma_start3A_227] : memref<79x128xi32, #tpu.memory_space<vmem>> -> memref<1x128xi32, #tpu.memory_space<vmem>>
      %dma_start3A_229 = tpu.memref_squeeze %dma_start3A_228 : memref<1x128xi32, #tpu.memory_space<vmem>> -> memref<128xi32, #tpu.memory_space<vmem>>
      %dma_start3A_230 = arith.constant 0 : i32
      %dma_start3A_231 = arith.constant 0 : i32
      %dma_start3A_232 = tpu.memref_slice %arg6[%dma_start3A_230, %dma_start3A_231] : memref<10112x16xf32, #tpu.memory_space<vmem_shared>> -> memref<10112x16xf32, #tpu.memory_space<vmem_shared>>
      tpu.enqueue_indirect_dma source(%arg10 : memref<128x16xf32, #tpu.memory_space<vmem>>) target(%dma_start3A_232 : memref<10112x16xf32, #tpu.memory_space<vmem_shared>>) offsets(%dma_start3A_229 : memref<128xi32, #tpu.memory_space<vmem>>) semaphore(%arg27 : memref<!tpu.dma_semaphore, #tpu.memory_space<semaphore_mem>>) {add = true}
      %dma_wait3A_233 = arith.constant 0 : i32
      %dma_wait3A_234 = tpu.memref_slice %arg8[%add3A_220, %dma_wait3A_233] : memref<79x128xi32, #tpu.memory_space<vmem>> -> memref<1x128xi32, #tpu.memory_space<vmem>>
      %dma_wait3A_235 = tpu.memref_squeeze %dma_wait3A_234 : memref<1x128xi32, #tpu.memory_space<vmem>> -> memref<128xi32, #tpu.memory_space<vmem>>
      %dma_wait3A_236 = arith.constant 0 : i32
      %dma_wait3A_237 = arith.constant 0 : i32
      %dma_wait3A_238 = tpu.memref_slice %arg6[%dma_wait3A_236, %dma_wait3A_237] : memref<10112x16xf32, #tpu.memory_space<vmem_shared>> -> memref<10112x16xf32, #tpu.memory_space<vmem_shared>>
      tpu.wait_indirect_dma semaphore(%arg27 : memref<!tpu.dma_semaphore, #tpu.memory_space<semaphore_mem>>) src(%arg10 : memref<128x16xf32, #tpu.memory_space<vmem>>) dst(%dma_wait3A_238 : memref<10112x16xf32, #tpu.memory_space<vmem_shared>>)
      %add3A_239 = arith.constant 8 : i32
      %add3A_240 = arith.addi %add3A_220, %add3A_239 : i32
      %lt3A_241 = arith.cmpi slt, %add3A_240, %add3A_6 : i32
      %convert_element_type3A_242 = arith.extui %lt3A_241 : i1 to i32
      %cond3A_243 = arith.constant 0 : i32
      %cond3A_244 = arith.cmpi ne, %convert_element_type3A_242, %cond3A_243 : i32
      scf.if %cond3A_244 {
        %dma_start3A_413 = arith.constant 0 : i32
        %dma_start3A_414 = tpu.memref_slice %arg7[%add3A_240, %dma_start3A_413] : memref<79x128xi32, #tpu.memory_space<vmem>> -> memref<1x128xi32, #tpu.memory_space<vmem>>
        %dma_start3A_415 = tpu.memref_squeeze %dma_start3A_414 : memref<1x128xi32, #tpu.memory_space<vmem>> -> memref<128xi32, #tpu.memory_space<vmem>>
        %dma_start3A_416 = arith.constant 0 : i32
        %dma_start3A_417 = arith.constant 0 : i32
        %dma_start3A_418 = tpu.memref_slice %arg2[%dma_start3A_416, %dma_start3A_417] : memref<10000x16xf32, #tpu.memory_space<hbm>> -> memref<10000x16xf32, #tpu.memory_space<hbm>>
        tpu.enqueue_indirect_dma source(%dma_start3A_418 : memref<10000x16xf32, #tpu.memory_space<hbm>>) target(%arg10 : memref<128x16xf32, #tpu.memory_space<vmem>>) offsets(%dma_start3A_415 : memref<128xi32, #tpu.memory_space<vmem>>) semaphore(%arg19 : memref<!tpu.dma_semaphore, #tpu.memory_space<semaphore_mem>>)
      } else {
      }
      %mul3A_245 = arith.constant 8 : i32
      %mul3A_246 = arith.muli %scan3A_188, %mul3A_245 : i32
      %add3A_247 = arith.constant 2 : i32
      %add3A_248 = arith.addi %mul3A_246, %add3A_247 : i32
      %dma_wait3A_249 = arith.constant 0 : i32
      %dma_wait3A_250 = tpu.memref_slice %arg7[%add3A_248, %dma_wait3A_249] : memref<79x128xi32, #tpu.memory_space<vmem>> -> memref<1x128xi32, #tpu.memory_space<vmem>>
      %dma_wait3A_251 = tpu.memref_squeeze %dma_wait3A_250 : memref<1x128xi32, #tpu.memory_space<vmem>> -> memref<128xi32, #tpu.memory_space<vmem>>
      %dma_wait3A_252 = arith.constant 0 : i32
      %dma_wait3A_253 = arith.constant 0 : i32
      %dma_wait3A_254 = tpu.memref_slice %arg2[%dma_wait3A_252, %dma_wait3A_253] : memref<10000x16xf32, #tpu.memory_space<hbm>> -> memref<10000x16xf32, #tpu.memory_space<hbm>>
      tpu.wait_indirect_dma semaphore(%arg20 : memref<!tpu.dma_semaphore, #tpu.memory_space<semaphore_mem>>) src(%dma_wait3A_254 : memref<10000x16xf32, #tpu.memory_space<hbm>>) dst(%arg11 : memref<128x16xf32, #tpu.memory_space<vmem>>)
      %dma_start3A_255 = arith.constant 0 : i32
      %dma_start3A_256 = tpu.memref_slice %arg8[%add3A_248, %dma_start3A_255] : memref<79x128xi32, #tpu.memory_space<vmem>> -> memref<1x128xi32, #tpu.memory_space<vmem>>
      %dma_start3A_257 = tpu.memref_squeeze %dma_start3A_256 : memref<1x128xi32, #tpu.memory_space<vmem>> -> memref<128xi32, #tpu.memory_space<vmem>>
      %dma_start3A_258 = arith.constant 0 : i32
      %dma_start3A_259 = arith.constant 0 : i32
      %dma_start3A_260 = tpu.memref_slice %arg6[%dma_start3A_258, %dma_start3A_259] : memref<10112x16xf32, #tpu.memory_space<vmem_shared>> -> memref<10112x16xf32, #tpu.memory_space<vmem_shared>>
      tpu.enqueue_indirect_dma source(%arg11 : memref<128x16xf32, #tpu.memory_space<vmem>>) target(%dma_start3A_260 : memref<10112x16xf32, #tpu.memory_space<vmem_shared>>) offsets(%dma_start3A_257 : memref<128xi32, #tpu.memory_space<vmem>>) semaphore(%arg28 : memref<!tpu.dma_semaphore, #tpu.memory_space<semaphore_mem>>) {add = true}
      %dma_wait3A_261 = arith.constant 0 : i32
      %dma_wait3A_262 = tpu.memref_slice %arg8[%add3A_248, %dma_wait3A_261] : memref<79x128xi32, #tpu.memory_space<vmem>> -> memref<1x128xi32, #tpu.memory_space<vmem>>
      %dma_wait3A_263 = tpu.memref_squeeze %dma_wait3A_262 : memref<1x128xi32, #tpu.memory_space<vmem>> -> memref<128xi32, #tpu.memory_space<vmem>>
      %dma_wait3A_264 = arith.constant 0 : i32
      %dma_wait3A_265 = arith.constant 0 : i32
      %dma_wait3A_266 = tpu.memref_slice %arg6[%dma_wait3A_264, %dma_wait3A_265] : memref<10112x16xf32, #tpu.memory_space<vmem_shared>> -> memref<10112x16xf32, #tpu.memory_space<vmem_shared>>
      tpu.wait_indirect_dma semaphore(%arg28 : memref<!tpu.dma_semaphore, #tpu.memory_space<semaphore_mem>>) src(%arg11 : memref<128x16xf32, #tpu.memory_space<vmem>>) dst(%dma_wait3A_266 : memref<10112x16xf32, #tpu.memory_space<vmem_shared>>)
      %add3A_267 = arith.constant 8 : i32
      %add3A_268 = arith.addi %add3A_248, %add3A_267 : i32
      %lt3A_269 = arith.cmpi slt, %add3A_268, %add3A_6 : i32
      %convert_element_type3A_270 = arith.extui %lt3A_269 : i1 to i32
      %cond3A_271 = arith.constant 0 : i32
      %cond3A_272 = arith.cmpi ne, %convert_element_type3A_270, %cond3A_271 : i32
      scf.if %cond3A_272 {
        %dma_start3A_413 = arith.constant 0 : i32
        %dma_start3A_414 = tpu.memref_slice %arg7[%add3A_268, %dma_start3A_413] : memref<79x128xi32, #tpu.memory_space<vmem>> -> memref<1x128xi32, #tpu.memory_space<vmem>>
        %dma_start3A_415 = tpu.memref_squeeze %dma_start3A_414 : memref<1x128xi32, #tpu.memory_space<vmem>> -> memref<128xi32, #tpu.memory_space<vmem>>
        %dma_start3A_416 = arith.constant 0 : i32
        %dma_start3A_417 = arith.constant 0 : i32
        %dma_start3A_418 = tpu.memref_slice %arg2[%dma_start3A_416, %dma_start3A_417] : memref<10000x16xf32, #tpu.memory_space<hbm>> -> memref<10000x16xf32, #tpu.memory_space<hbm>>
        tpu.enqueue_indirect_dma source(%dma_start3A_418 : memref<10000x16xf32, #tpu.memory_space<hbm>>) target(%arg11 : memref<128x16xf32, #tpu.memory_space<vmem>>) offsets(%dma_start3A_415 : memref<128xi32, #tpu.memory_space<vmem>>) semaphore(%arg20 : memref<!tpu.dma_semaphore, #tpu.memory_space<semaphore_mem>>)
      } else {
      }
      %mul3A_273 = arith.constant 8 : i32
      %mul3A_274 = arith.muli %scan3A_188, %mul3A_273 : i32
      %add3A_275 = arith.constant 3 : i32
      %add3A_276 = arith.addi %mul3A_274, %add3A_275 : i32
      %dma_wait3A_277 = arith.constant 0 : i32
      %dma_wait3A_278 = tpu.memref_slice %arg7[%add3A_276, %dma_wait3A_277] : memref<79x128xi32, #tpu.memory_space<vmem>> -> memref<1x128xi32, #tpu.memory_space<vmem>>
      %dma_wait3A_279 = tpu.memref_squeeze %dma_wait3A_278 : memref<1x128xi32, #tpu.memory_space<vmem>> -> memref<128xi32, #tpu.memory_space<vmem>>
      %dma_wait3A_280 = arith.constant 0 : i32
      %dma_wait3A_281 = arith.constant 0 : i32
      %dma_wait3A_282 = tpu.memref_slice %arg2[%dma_wait3A_280, %dma_wait3A_281] : memref<10000x16xf32, #tpu.memory_space<hbm>> -> memref<10000x16xf32, #tpu.memory_space<hbm>>
      tpu.wait_indirect_dma semaphore(%arg21 : memref<!tpu.dma_semaphore, #tpu.memory_space<semaphore_mem>>) src(%dma_wait3A_282 : memref<10000x16xf32, #tpu.memory_space<hbm>>) dst(%arg12 : memref<128x16xf32, #tpu.memory_space<vmem>>)
      %dma_start3A_283 = arith.constant 0 : i32
      %dma_start3A_284 = tpu.memref_slice %arg8[%add3A_276, %dma_start3A_283] : memref<79x128xi32, #tpu.memory_space<vmem>> -> memref<1x128xi32, #tpu.memory_space<vmem>>
      %dma_start3A_285 = tpu.memref_squeeze %dma_start3A_284 : memref<1x128xi32, #tpu.memory_space<vmem>> -> memref<128xi32, #tpu.memory_space<vmem>>
      %dma_start3A_286 = arith.constant 0 : i32
      %dma_start3A_287 = arith.constant 0 : i32
      %dma_start3A_288 = tpu.memref_slice %arg6[%dma_start3A_286, %dma_start3A_287] : memref<10112x16xf32, #tpu.memory_space<vmem_shared>> -> memref<10112x16xf32, #tpu.memory_space<vmem_shared>>
      tpu.enqueue_indirect_dma source(%arg12 : memref<128x16xf32, #tpu.memory_space<vmem>>) target(%dma_start3A_288 : memref<10112x16xf32, #tpu.memory_space<vmem_shared>>) offsets(%dma_start3A_285 : memref<128xi32, #tpu.memory_space<vmem>>) semaphore(%arg29 : memref<!tpu.dma_semaphore, #tpu.memory_space<semaphore_mem>>) {add = true}
      %dma_wait3A_289 = arith.constant 0 : i32
      %dma_wait3A_290 = tpu.memref_slice %arg8[%add3A_276, %dma_wait3A_289] : memref<79x128xi32, #tpu.memory_space<vmem>> -> memref<1x128xi32, #tpu.memory_space<vmem>>
      %dma_wait3A_291 = tpu.memref_squeeze %dma_wait3A_290 : memref<1x128xi32, #tpu.memory_space<vmem>> -> memref<128xi32, #tpu.memory_space<vmem>>
      %dma_wait3A_292 = arith.constant 0 : i32
      %dma_wait3A_293 = arith.constant 0 : i32
      %dma_wait3A_294 = tpu.memref_slice %arg6[%dma_wait3A_292, %dma_wait3A_293] : memref<10112x16xf32, #tpu.memory_space<vmem_shared>> -> memref<10112x16xf32, #tpu.memory_space<vmem_shared>>
      tpu.wait_indirect_dma semaphore(%arg29 : memref<!tpu.dma_semaphore, #tpu.memory_space<semaphore_mem>>) src(%arg12 : memref<128x16xf32, #tpu.memory_space<vmem>>) dst(%dma_wait3A_294 : memref<10112x16xf32, #tpu.memory_space<vmem_shared>>)
      %add3A_295 = arith.constant 8 : i32
      %add3A_296 = arith.addi %add3A_276, %add3A_295 : i32
      %lt3A_297 = arith.cmpi slt, %add3A_296, %add3A_6 : i32
      %convert_element_type3A_298 = arith.extui %lt3A_297 : i1 to i32
      %cond3A_299 = arith.constant 0 : i32
      %cond3A_300 = arith.cmpi ne, %convert_element_type3A_298, %cond3A_299 : i32
      scf.if %cond3A_300 {
        %dma_start3A_413 = arith.constant 0 : i32
        %dma_start3A_414 = tpu.memref_slice %arg7[%add3A_296, %dma_start3A_413] : memref<79x128xi32, #tpu.memory_space<vmem>> -> memref<1x128xi32, #tpu.memory_space<vmem>>
        %dma_start3A_415 = tpu.memref_squeeze %dma_start3A_414 : memref<1x128xi32, #tpu.memory_space<vmem>> -> memref<128xi32, #tpu.memory_space<vmem>>
        %dma_start3A_416 = arith.constant 0 : i32
        %dma_start3A_417 = arith.constant 0 : i32
        %dma_start3A_418 = tpu.memref_slice %arg2[%dma_start3A_416, %dma_start3A_417] : memref<10000x16xf32, #tpu.memory_space<hbm>> -> memref<10000x16xf32, #tpu.memory_space<hbm>>
        tpu.enqueue_indirect_dma source(%dma_start3A_418 : memref<10000x16xf32, #tpu.memory_space<hbm>>) target(%arg12 : memref<128x16xf32, #tpu.memory_space<vmem>>) offsets(%dma_start3A_415 : memref<128xi32, #tpu.memory_space<vmem>>) semaphore(%arg21 : memref<!tpu.dma_semaphore, #tpu.memory_space<semaphore_mem>>)
      } else {
      }
      %mul3A_301 = arith.constant 8 : i32
      %mul3A_302 = arith.muli %scan3A_188, %mul3A_301 : i32
      %add3A_303 = arith.constant 4 : i32
      %add3A_304 = arith.addi %mul3A_302, %add3A_303 : i32
      %dma_wait3A_305 = arith.constant 0 : i32
      %dma_wait3A_306 = tpu.memref_slice %arg7[%add3A_304, %dma_wait3A_305] : memref<79x128xi32, #tpu.memory_space<vmem>> -> memref<1x128xi32, #tpu.memory_space<vmem>>
      %dma_wait3A_307 = tpu.memref_squeeze %dma_wait3A_306 : memref<1x128xi32, #tpu.memory_space<vmem>> -> memref<128xi32, #tpu.memory_space<vmem>>
      %dma_wait3A_308 = arith.constant 0 : i32
      %dma_wait3A_309 = arith.constant 0 : i32
      %dma_wait3A_310 = tpu.memref_slice %arg2[%dma_wait3A_308, %dma_wait3A_309] : memref<10000x16xf32, #tpu.memory_space<hbm>> -> memref<10000x16xf32, #tpu.memory_space<hbm>>
      tpu.wait_indirect_dma semaphore(%arg22 : memref<!tpu.dma_semaphore, #tpu.memory_space<semaphore_mem>>) src(%dma_wait3A_310 : memref<10000x16xf32, #tpu.memory_space<hbm>>) dst(%arg13 : memref<128x16xf32, #tpu.memory_space<vmem>>)
      %dma_start3A_311 = arith.constant 0 : i32
      %dma_start3A_312 = tpu.memref_slice %arg8[%add3A_304, %dma_start3A_311] : memref<79x128xi32, #tpu.memory_space<vmem>> -> memref<1x128xi32, #tpu.memory_space<vmem>>
      %dma_start3A_313 = tpu.memref_squeeze %dma_start3A_312 : memref<1x128xi32, #tpu.memory_space<vmem>> -> memref<128xi32, #tpu.memory_space<vmem>>
      %dma_start3A_314 = arith.constant 0 : i32
      %dma_start3A_315 = arith.constant 0 : i32
      %dma_start3A_316 = tpu.memref_slice %arg6[%dma_start3A_314, %dma_start3A_315] : memref<10112x16xf32, #tpu.memory_space<vmem_shared>> -> memref<10112x16xf32, #tpu.memory_space<vmem_shared>>
      tpu.enqueue_indirect_dma source(%arg13 : memref<128x16xf32, #tpu.memory_space<vmem>>) target(%dma_start3A_316 : memref<10112x16xf32, #tpu.memory_space<vmem_shared>>) offsets(%dma_start3A_313 : memref<128xi32, #tpu.memory_space<vmem>>) semaphore(%arg30 : memref<!tpu.dma_semaphore, #tpu.memory_space<semaphore_mem>>) {add = true}
      %dma_wait3A_317 = arith.constant 0 : i32
      %dma_wait3A_318 = tpu.memref_slice %arg8[%add3A_304, %dma_wait3A_317] : memref<79x128xi32, #tpu.memory_space<vmem>> -> memref<1x128xi32, #tpu.memory_space<vmem>>
      %dma_wait3A_319 = tpu.memref_squeeze %dma_wait3A_318 : memref<1x128xi32, #tpu.memory_space<vmem>> -> memref<128xi32, #tpu.memory_space<vmem>>
      %dma_wait3A_320 = arith.constant 0 : i32
      %dma_wait3A_321 = arith.constant 0 : i32
      %dma_wait3A_322 = tpu.memref_slice %arg6[%dma_wait3A_320, %dma_wait3A_321] : memref<10112x16xf32, #tpu.memory_space<vmem_shared>> -> memref<10112x16xf32, #tpu.memory_space<vmem_shared>>
      tpu.wait_indirect_dma semaphore(%arg30 : memref<!tpu.dma_semaphore, #tpu.memory_space<semaphore_mem>>) src(%arg13 : memref<128x16xf32, #tpu.memory_space<vmem>>) dst(%dma_wait3A_322 : memref<10112x16xf32, #tpu.memory_space<vmem_shared>>)
      %add3A_323 = arith.constant 8 : i32
      %add3A_324 = arith.addi %add3A_304, %add3A_323 : i32
      %lt3A_325 = arith.cmpi slt, %add3A_324, %add3A_6 : i32
      %convert_element_type3A_326 = arith.extui %lt3A_325 : i1 to i32
      %cond3A_327 = arith.constant 0 : i32
      %cond3A_328 = arith.cmpi ne, %convert_element_type3A_326, %cond3A_327 : i32
      scf.if %cond3A_328 {
        %dma_start3A_413 = arith.constant 0 : i32
        %dma_start3A_414 = tpu.memref_slice %arg7[%add3A_324, %dma_start3A_413] : memref<79x128xi32, #tpu.memory_space<vmem>> -> memref<1x128xi32, #tpu.memory_space<vmem>>
        %dma_start3A_415 = tpu.memref_squeeze %dma_start3A_414 : memref<1x128xi32, #tpu.memory_space<vmem>> -> memref<128xi32, #tpu.memory_space<vmem>>
        %dma_start3A_416 = arith.constant 0 : i32
        %dma_start3A_417 = arith.constant 0 : i32
        %dma_start3A_418 = tpu.memref_slice %arg2[%dma_start3A_416, %dma_start3A_417] : memref<10000x16xf32, #tpu.memory_space<hbm>> -> memref<10000x16xf32, #tpu.memory_space<hbm>>
        tpu.enqueue_indirect_dma source(%dma_start3A_418 : memref<10000x16xf32, #tpu.memory_space<hbm>>) target(%arg13 : memref<128x16xf32, #tpu.memory_space<vmem>>) offsets(%dma_start3A_415 : memref<128xi32, #tpu.memory_space<vmem>>) semaphore(%arg22 : memref<!tpu.dma_semaphore, #tpu.memory_space<semaphore_mem>>)
      } else {
      }
      %mul3A_329 = arith.constant 8 : i32
      %mul3A_330 = arith.muli %scan3A_188, %mul3A_329 : i32
      %add3A_331 = arith.constant 5 : i32
      %add3A_332 = arith.addi %mul3A_330, %add3A_331 : i32
      %dma_wait3A_333 = arith.constant 0 : i32
      %dma_wait3A_334 = tpu.memref_slice %arg7[%add3A_332, %dma_wait3A_333] : memref<79x128xi32, #tpu.memory_space<vmem>> -> memref<1x128xi32, #tpu.memory_space<vmem>>
      %dma_wait3A_335 = tpu.memref_squeeze %dma_wait3A_334 : memref<1x128xi32, #tpu.memory_space<vmem>> -> memref<128xi32, #tpu.memory_space<vmem>>
      %dma_wait3A_336 = arith.constant 0 : i32
      %dma_wait3A_337 = arith.constant 0 : i32
      %dma_wait3A_338 = tpu.memref_slice %arg2[%dma_wait3A_336, %dma_wait3A_337] : memref<10000x16xf32, #tpu.memory_space<hbm>> -> memref<10000x16xf32, #tpu.memory_space<hbm>>
      tpu.wait_indirect_dma semaphore(%arg23 : memref<!tpu.dma_semaphore, #tpu.memory_space<semaphore_mem>>) src(%dma_wait3A_338 : memref<10000x16xf32, #tpu.memory_space<hbm>>) dst(%arg14 : memref<128x16xf32, #tpu.memory_space<vmem>>)
      %dma_start3A_339 = arith.constant 0 : i32
      %dma_start3A_340 = tpu.memref_slice %arg8[%add3A_332, %dma_start3A_339] : memref<79x128xi32, #tpu.memory_space<vmem>> -> memref<1x128xi32, #tpu.memory_space<vmem>>
      %dma_start3A_341 = tpu.memref_squeeze %dma_start3A_340 : memref<1x128xi32, #tpu.memory_space<vmem>> -> memref<128xi32, #tpu.memory_space<vmem>>
      %dma_start3A_342 = arith.constant 0 : i32
      %dma_start3A_343 = arith.constant 0 : i32
      %dma_start3A_344 = tpu.memref_slice %arg6[%dma_start3A_342, %dma_start3A_343] : memref<10112x16xf32, #tpu.memory_space<vmem_shared>> -> memref<10112x16xf32, #tpu.memory_space<vmem_shared>>
      tpu.enqueue_indirect_dma source(%arg14 : memref<128x16xf32, #tpu.memory_space<vmem>>) target(%dma_start3A_344 : memref<10112x16xf32, #tpu.memory_space<vmem_shared>>) offsets(%dma_start3A_341 : memref<128xi32, #tpu.memory_space<vmem>>) semaphore(%arg31 : memref<!tpu.dma_semaphore, #tpu.memory_space<semaphore_mem>>) {add = true}
      %dma_wait3A_345 = arith.constant 0 : i32
      %dma_wait3A_346 = tpu.memref_slice %arg8[%add3A_332, %dma_wait3A_345] : memref<79x128xi32, #tpu.memory_space<vmem>> -> memref<1x128xi32, #tpu.memory_space<vmem>>
      %dma_wait3A_347 = tpu.memref_squeeze %dma_wait3A_346 : memref<1x128xi32, #tpu.memory_space<vmem>> -> memref<128xi32, #tpu.memory_space<vmem>>
      %dma_wait3A_348 = arith.constant 0 : i32
      %dma_wait3A_349 = arith.constant 0 : i32
      %dma_wait3A_350 = tpu.memref_slice %arg6[%dma_wait3A_348, %dma_wait3A_349] : memref<10112x16xf32, #tpu.memory_space<vmem_shared>> -> memref<10112x16xf32, #tpu.memory_space<vmem_shared>>
      tpu.wait_indirect_dma semaphore(%arg31 : memref<!tpu.dma_semaphore, #tpu.memory_space<semaphore_mem>>) src(%arg14 : memref<128x16xf32, #tpu.memory_space<vmem>>) dst(%dma_wait3A_350 : memref<10112x16xf32, #tpu.memory_space<vmem_shared>>)
      %add3A_351 = arith.constant 8 : i32
      %add3A_352 = arith.addi %add3A_332, %add3A_351 : i32
      %lt3A_353 = arith.cmpi slt, %add3A_352, %add3A_6 : i32
      %convert_element_type3A_354 = arith.extui %lt3A_353 : i1 to i32
      %cond3A_355 = arith.constant 0 : i32
      %cond3A_356 = arith.cmpi ne, %convert_element_type3A_354, %cond3A_355 : i32
      scf.if %cond3A_356 {
        %dma_start3A_413 = arith.constant 0 : i32
        %dma_start3A_414 = tpu.memref_slice %arg7[%add3A_352, %dma_start3A_413] : memref<79x128xi32, #tpu.memory_space<vmem>> -> memref<1x128xi32, #tpu.memory_space<vmem>>
        %dma_start3A_415 = tpu.memref_squeeze %dma_start3A_414 : memref<1x128xi32, #tpu.memory_space<vmem>> -> memref<128xi32, #tpu.memory_space<vmem>>
        %dma_start3A_416 = arith.constant 0 : i32
        %dma_start3A_417 = arith.constant 0 : i32
        %dma_start3A_418 = tpu.memref_slice %arg2[%dma_start3A_416, %dma_start3A_417] : memref<10000x16xf32, #tpu.memory_space<hbm>> -> memref<10000x16xf32, #tpu.memory_space<hbm>>
        tpu.enqueue_indirect_dma source(%dma_start3A_418 : memref<10000x16xf32, #tpu.memory_space<hbm>>) target(%arg14 : memref<128x16xf32, #tpu.memory_space<vmem>>) offsets(%dma_start3A_415 : memref<128xi32, #tpu.memory_space<vmem>>) semaphore(%arg23 : memref<!tpu.dma_semaphore, #tpu.memory_space<semaphore_mem>>)
      } else {
      }
      %mul3A_357 = arith.constant 8 : i32
      %mul3A_358 = arith.muli %scan3A_188, %mul3A_357 : i32
      %add3A_359 = arith.constant 6 : i32
      %add3A_360 = arith.addi %mul3A_358, %add3A_359 : i32
      %dma_wait3A_361 = arith.constant 0 : i32
      %dma_wait3A_362 = tpu.memref_slice %arg7[%add3A_360, %dma_wait3A_361] : memref<79x128xi32, #tpu.memory_space<vmem>> -> memref<1x128xi32, #tpu.memory_space<vmem>>
      %dma_wait3A_363 = tpu.memref_squeeze %dma_wait3A_362 : memref<1x128xi32, #tpu.memory_space<vmem>> -> memref<128xi32, #tpu.memory_space<vmem>>
      %dma_wait3A_364 = arith.constant 0 : i32
      %dma_wait3A_365 = arith.constant 0 : i32
      %dma_wait3A_366 = tpu.memref_slice %arg2[%dma_wait3A_364, %dma_wait3A_365] : memref<10000x16xf32, #tpu.memory_space<hbm>> -> memref<10000x16xf32, #tpu.memory_space<hbm>>
      tpu.wait_indirect_dma semaphore(%arg24 : memref<!tpu.dma_semaphore, #tpu.memory_space<semaphore_mem>>) src(%dma_wait3A_366 : memref<10000x16xf32, #tpu.memory_space<hbm>>) dst(%arg15 : memref<128x16xf32, #tpu.memory_space<vmem>>)
      %dma_start3A_367 = arith.constant 0 : i32
      %dma_start3A_368 = tpu.memref_slice %arg8[%add3A_360, %dma_start3A_367] : memref<79x128xi32, #tpu.memory_space<vmem>> -> memref<1x128xi32, #tpu.memory_space<vmem>>
      %dma_start3A_369 = tpu.memref_squeeze %dma_start3A_368 : memref<1x128xi32, #tpu.memory_space<vmem>> -> memref<128xi32, #tpu.memory_space<vmem>>
      %dma_start3A_370 = arith.constant 0 : i32
      %dma_start3A_371 = arith.constant 0 : i32
      %dma_start3A_372 = tpu.memref_slice %arg6[%dma_start3A_370, %dma_start3A_371] : memref<10112x16xf32, #tpu.memory_space<vmem_shared>> -> memref<10112x16xf32, #tpu.memory_space<vmem_shared>>
      tpu.enqueue_indirect_dma source(%arg15 : memref<128x16xf32, #tpu.memory_space<vmem>>) target(%dma_start3A_372 : memref<10112x16xf32, #tpu.memory_space<vmem_shared>>) offsets(%dma_start3A_369 : memref<128xi32, #tpu.memory_space<vmem>>) semaphore(%arg32 : memref<!tpu.dma_semaphore, #tpu.memory_space<semaphore_mem>>) {add = true}
      %dma_wait3A_373 = arith.constant 0 : i32
      %dma_wait3A_374 = tpu.memref_slice %arg8[%add3A_360, %dma_wait3A_373] : memref<79x128xi32, #tpu.memory_space<vmem>> -> memref<1x128xi32, #tpu.memory_space<vmem>>
      %dma_wait3A_375 = tpu.memref_squeeze %dma_wait3A_374 : memref<1x128xi32, #tpu.memory_space<vmem>> -> memref<128xi32, #tpu.memory_space<vmem>>
      %dma_wait3A_376 = arith.constant 0 : i32
      %dma_wait3A_377 = arith.constant 0 : i32
      %dma_wait3A_378 = tpu.memref_slice %arg6[%dma_wait3A_376, %dma_wait3A_377] : memref<10112x16xf32, #tpu.memory_space<vmem_shared>> -> memref<10112x16xf32, #tpu.memory_space<vmem_shared>>
      tpu.wait_indirect_dma semaphore(%arg32 : memref<!tpu.dma_semaphore, #tpu.memory_space<semaphore_mem>>) src(%arg15 : memref<128x16xf32, #tpu.memory_space<vmem>>) dst(%dma_wait3A_378 : memref<10112x16xf32, #tpu.memory_space<vmem_shared>>)
      %add3A_379 = arith.constant 8 : i32
      %add3A_380 = arith.addi %add3A_360, %add3A_379 : i32
      %lt3A_381 = arith.cmpi slt, %add3A_380, %add3A_6 : i32
      %convert_element_type3A_382 = arith.extui %lt3A_381 : i1 to i32
      %cond3A_383 = arith.constant 0 : i32
      %cond3A_384 = arith.cmpi ne, %convert_element_type3A_382, %cond3A_383 : i32
      scf.if %cond3A_384 {
        %dma_start3A_413 = arith.constant 0 : i32
        %dma_start3A_414 = tpu.memref_slice %arg7[%add3A_380, %dma_start3A_413] : memref<79x128xi32, #tpu.memory_space<vmem>> -> memref<1x128xi32, #tpu.memory_space<vmem>>
        %dma_start3A_415 = tpu.memref_squeeze %dma_start3A_414 : memref<1x128xi32, #tpu.memory_space<vmem>> -> memref<128xi32, #tpu.memory_space<vmem>>
        %dma_start3A_416 = arith.constant 0 : i32
        %dma_start3A_417 = arith.constant 0 : i32
        %dma_start3A_418 = tpu.memref_slice %arg2[%dma_start3A_416, %dma_start3A_417] : memref<10000x16xf32, #tpu.memory_space<hbm>> -> memref<10000x16xf32, #tpu.memory_space<hbm>>
        tpu.enqueue_indirect_dma source(%dma_start3A_418 : memref<10000x16xf32, #tpu.memory_space<hbm>>) target(%arg15 : memref<128x16xf32, #tpu.memory_space<vmem>>) offsets(%dma_start3A_415 : memref<128xi32, #tpu.memory_space<vmem>>) semaphore(%arg24 : memref<!tpu.dma_semaphore, #tpu.memory_space<semaphore_mem>>)
      } else {
      }
      %mul3A_385 = arith.constant 8 : i32
      %mul3A_386 = arith.muli %scan3A_188, %mul3A_385 : i32
      %add3A_387 = arith.constant 7 : i32
      %add3A_388 = arith.addi %mul3A_386, %add3A_387 : i32
      %dma_wait3A_389 = arith.constant 0 : i32
      %dma_wait3A_390 = tpu.memref_slice %arg7[%add3A_388, %dma_wait3A_389] : memref<79x128xi32, #tpu.memory_space<vmem>> -> memref<1x128xi32, #tpu.memory_space<vmem>>
      %dma_wait3A_391 = tpu.memref_squeeze %dma_wait3A_390 : memref<1x128xi32, #tpu.memory_space<vmem>> -> memref<128xi32, #tpu.memory_space<vmem>>
      %dma_wait3A_392 = arith.constant 0 : i32
      %dma_wait3A_393 = arith.constant 0 : i32
      %dma_wait3A_394 = tpu.memref_slice %arg2[%dma_wait3A_392, %dma_wait3A_393] : memref<10000x16xf32, #tpu.memory_space<hbm>> -> memref<10000x16xf32, #tpu.memory_space<hbm>>
      tpu.wait_indirect_dma semaphore(%arg25 : memref<!tpu.dma_semaphore, #tpu.memory_space<semaphore_mem>>) src(%dma_wait3A_394 : memref<10000x16xf32, #tpu.memory_space<hbm>>) dst(%arg16 : memref<128x16xf32, #tpu.memory_space<vmem>>)
      %dma_start3A_395 = arith.constant 0 : i32
      %dma_start3A_396 = tpu.memref_slice %arg8[%add3A_388, %dma_start3A_395] : memref<79x128xi32, #tpu.memory_space<vmem>> -> memref<1x128xi32, #tpu.memory_space<vmem>>
      %dma_start3A_397 = tpu.memref_squeeze %dma_start3A_396 : memref<1x128xi32, #tpu.memory_space<vmem>> -> memref<128xi32, #tpu.memory_space<vmem>>
      %dma_start3A_398 = arith.constant 0 : i32
      %dma_start3A_399 = arith.constant 0 : i32
      %dma_start3A_400 = tpu.memref_slice %arg6[%dma_start3A_398, %dma_start3A_399] : memref<10112x16xf32, #tpu.memory_space<vmem_shared>> -> memref<10112x16xf32, #tpu.memory_space<vmem_shared>>
      tpu.enqueue_indirect_dma source(%arg16 : memref<128x16xf32, #tpu.memory_space<vmem>>) target(%dma_start3A_400 : memref<10112x16xf32, #tpu.memory_space<vmem_shared>>) offsets(%dma_start3A_397 : memref<128xi32, #tpu.memory_space<vmem>>) semaphore(%arg33 : memref<!tpu.dma_semaphore, #tpu.memory_space<semaphore_mem>>) {add = true}
      %dma_wait3A_401 = arith.constant 0 : i32
      %dma_wait3A_402 = tpu.memref_slice %arg8[%add3A_388, %dma_wait3A_401] : memref<79x128xi32, #tpu.memory_space<vmem>> -> memref<1x128xi32, #tpu.memory_space<vmem>>
      %dma_wait3A_403 = tpu.memref_squeeze %dma_wait3A_402 : memref<1x128xi32, #tpu.memory_space<vmem>> -> memref<128xi32, #tpu.memory_space<vmem>>
      %dma_wait3A_404 = arith.constant 0 : i32
      %dma_wait3A_405 = arith.constant 0 : i32
      %dma_wait3A_406 = tpu.memref_slice %arg6[%dma_wait3A_404, %dma_wait3A_405] : memref<10112x16xf32, #tpu.memory_space<vmem_shared>> -> memref<10112x16xf32, #tpu.memory_space<vmem_shared>>
      tpu.wait_indirect_dma semaphore(%arg33 : memref<!tpu.dma_semaphore, #tpu.memory_space<semaphore_mem>>) src(%arg16 : memref<128x16xf32, #tpu.memory_space<vmem>>) dst(%dma_wait3A_406 : memref<10112x16xf32, #tpu.memory_space<vmem_shared>>)
      %add3A_407 = arith.constant 8 : i32
      %add3A_408 = arith.addi %add3A_388, %add3A_407 : i32
      %lt3A_409 = arith.cmpi slt, %add3A_408, %add3A_6 : i32
      %convert_element_type3A_410 = arith.extui %lt3A_409 : i1 to i32
      %cond3A_411 = arith.constant 0 : i32
      %cond3A_412 = arith.cmpi ne, %convert_element_type3A_410, %cond3A_411 : i32
      scf.if %cond3A_412 {
        %dma_start3A_413 = arith.constant 0 : i32
        %dma_start3A_414 = tpu.memref_slice %arg7[%add3A_408, %dma_start3A_413] : memref<79x128xi32, #tpu.memory_space<vmem>> -> memref<1x128xi32, #tpu.memory_space<vmem>>
        %dma_start3A_415 = tpu.memref_squeeze %dma_start3A_414 : memref<1x128xi32, #tpu.memory_space<vmem>> -> memref<128xi32, #tpu.memory_space<vmem>>
        %dma_start3A_416 = arith.constant 0 : i32
        %dma_start3A_417 = arith.constant 0 : i32
        %dma_start3A_418 = tpu.memref_slice %arg2[%dma_start3A_416, %dma_start3A_417] : memref<10000x16xf32, #tpu.memory_space<hbm>> -> memref<10000x16xf32, #tpu.memory_space<hbm>>
        tpu.enqueue_indirect_dma source(%dma_start3A_418 : memref<10000x16xf32, #tpu.memory_space<hbm>>) target(%arg16 : memref<128x16xf32, #tpu.memory_space<vmem>>) offsets(%dma_start3A_415 : memref<128xi32, #tpu.memory_space<vmem>>) semaphore(%arg25 : memref<!tpu.dma_semaphore, #tpu.memory_space<semaphore_mem>>)
      } else {
      }
    }
    %scan3A_147 = arith.constant 9 : i32
    %gt3A = arith.constant 72 : i32
    %gt3A_148 = arith.cmpi sgt, %add3A_6, %gt3A : i32
    %convert_element_type3A_149 = arith.extui %gt3A_148 : i1 to i32
    %cond3A_150 = arith.constant 0 : i32
    %cond3A_151 = arith.cmpi ne, %convert_element_type3A_149, %cond3A_150 : i32
    scf.if %cond3A_151 {
      %dma_wait3A_188 = arith.constant 72 : i32
      %dma_wait3A_189 = arith.constant 0 : i32
      %dma_wait3A_190 = tpu.memref_slice %arg7[%dma_wait3A_188, %dma_wait3A_189] : memref<79x128xi32, #tpu.memory_space<vmem>> -> memref<1x128xi32, #tpu.memory_space<vmem>>
      %dma_wait3A_191 = tpu.memref_squeeze %dma_wait3A_190 : memref<1x128xi32, #tpu.memory_space<vmem>> -> memref<128xi32, #tpu.memory_space<vmem>>
      %dma_wait3A_192 = arith.constant 0 : i32
      %dma_wait3A_193 = arith.constant 0 : i32
      %dma_wait3A_194 = tpu.memref_slice %arg2[%dma_wait3A_192, %dma_wait3A_193] : memref<10000x16xf32, #tpu.memory_space<hbm>> -> memref<10000x16xf32, #tpu.memory_space<hbm>>
      tpu.wait_indirect_dma semaphore(%arg18 : memref<!tpu.dma_semaphore, #tpu.memory_space<semaphore_mem>>) src(%dma_wait3A_194 : memref<10000x16xf32, #tpu.memory_space<hbm>>) dst(%arg9 : memref<128x16xf32, #tpu.memory_space<vmem>>)
      %dma_start3A_195 = arith.constant 72 : i32
      %dma_start3A_196 = arith.constant 0 : i32
      %dma_start3A_197 = tpu.memref_slice %arg8[%dma_start3A_195, %dma_start3A_196] : memref<79x128xi32, #tpu.memory_space<vmem>> -> memref<1x128xi32, #tpu.memory_space<vmem>>
      %dma_start3A_198 = tpu.memref_squeeze %dma_start3A_197 : memref<1x128xi32, #tpu.memory_space<vmem>> -> memref<128xi32, #tpu.memory_space<vmem>>
      %dma_start3A_199 = arith.constant 0 : i32
      %dma_start3A_200 = arith.constant 0 : i32
      %dma_start3A_201 = tpu.memref_slice %arg6[%dma_start3A_199, %dma_start3A_200] : memref<10112x16xf32, #tpu.memory_space<vmem_shared>> -> memref<10112x16xf32, #tpu.memory_space<vmem_shared>>
      tpu.enqueue_indirect_dma source(%arg9 : memref<128x16xf32, #tpu.memory_space<vmem>>) target(%dma_start3A_201 : memref<10112x16xf32, #tpu.memory_space<vmem_shared>>) offsets(%dma_start3A_198 : memref<128xi32, #tpu.memory_space<vmem>>) semaphore(%arg26 : memref<!tpu.dma_semaphore, #tpu.memory_space<semaphore_mem>>) {add = true}
      %dma_wait3A_202 = arith.constant 72 : i32
      %dma_wait3A_203 = arith.constant 0 : i32
      %dma_wait3A_204 = tpu.memref_slice %arg8[%dma_wait3A_202, %dma_wait3A_203] : memref<79x128xi32, #tpu.memory_space<vmem>> -> memref<1x128xi32, #tpu.memory_space<vmem>>
      %dma_wait3A_205 = tpu.memref_squeeze %dma_wait3A_204 : memref<1x128xi32, #tpu.memory_space<vmem>> -> memref<128xi32, #tpu.memory_space<vmem>>
      %dma_wait3A_206 = arith.constant 0 : i32
      %dma_wait3A_207 = arith.constant 0 : i32
      %dma_wait3A_208 = tpu.memref_slice %arg6[%dma_wait3A_206, %dma_wait3A_207] : memref<10112x16xf32, #tpu.memory_space<vmem_shared>> -> memref<10112x16xf32, #tpu.memory_space<vmem_shared>>
      tpu.wait_indirect_dma semaphore(%arg26 : memref<!tpu.dma_semaphore, #tpu.memory_space<semaphore_mem>>) src(%arg9 : memref<128x16xf32, #tpu.memory_space<vmem>>) dst(%dma_wait3A_208 : memref<10112x16xf32, #tpu.memory_space<vmem_shared>>)
    } else {
    }
    %gt3A_152 = arith.constant 73 : i32
    %gt3A_153 = arith.cmpi sgt, %add3A_6, %gt3A_152 : i32
    %convert_element_type3A_154 = arith.extui %gt3A_153 : i1 to i32
    %cond3A_155 = arith.constant 0 : i32
    %cond3A_156 = arith.cmpi ne, %convert_element_type3A_154, %cond3A_155 : i32
    scf.if %cond3A_156 {
      %dma_wait3A_188 = arith.constant 73 : i32
      %dma_wait3A_189 = arith.constant 0 : i32
      %dma_wait3A_190 = tpu.memref_slice %arg7[%dma_wait3A_188, %dma_wait3A_189] : memref<79x128xi32, #tpu.memory_space<vmem>> -> memref<1x128xi32, #tpu.memory_space<vmem>>
      %dma_wait3A_191 = tpu.memref_squeeze %dma_wait3A_190 : memref<1x128xi32, #tpu.memory_space<vmem>> -> memref<128xi32, #tpu.memory_space<vmem>>
      %dma_wait3A_192 = arith.constant 0 : i32
      %dma_wait3A_193 = arith.constant 0 : i32
      %dma_wait3A_194 = tpu.memref_slice %arg2[%dma_wait3A_192, %dma_wait3A_193] : memref<10000x16xf32, #tpu.memory_space<hbm>> -> memref<10000x16xf32, #tpu.memory_space<hbm>>
      tpu.wait_indirect_dma semaphore(%arg19 : memref<!tpu.dma_semaphore, #tpu.memory_space<semaphore_mem>>) src(%dma_wait3A_194 : memref<10000x16xf32, #tpu.memory_space<hbm>>) dst(%arg10 : memref<128x16xf32, #tpu.memory_space<vmem>>)
      %dma_start3A_195 = arith.constant 73 : i32
      %dma_start3A_196 = arith.constant 0 : i32
      %dma_start3A_197 = tpu.memref_slice %arg8[%dma_start3A_195, %dma_start3A_196] : memref<79x128xi32, #tpu.memory_space<vmem>> -> memref<1x128xi32, #tpu.memory_space<vmem>>
      %dma_start3A_198 = tpu.memref_squeeze %dma_start3A_197 : memref<1x128xi32, #tpu.memory_space<vmem>> -> memref<128xi32, #tpu.memory_space<vmem>>
      %dma_start3A_199 = arith.constant 0 : i32
      %dma_start3A_200 = arith.constant 0 : i32
      %dma_start3A_201 = tpu.memref_slice %arg6[%dma_start3A_199, %dma_start3A_200] : memref<10112x16xf32, #tpu.memory_space<vmem_shared>> -> memref<10112x16xf32, #tpu.memory_space<vmem_shared>>
      tpu.enqueue_indirect_dma source(%arg10 : memref<128x16xf32, #tpu.memory_space<vmem>>) target(%dma_start3A_201 : memref<10112x16xf32, #tpu.memory_space<vmem_shared>>) offsets(%dma_start3A_198 : memref<128xi32, #tpu.memory_space<vmem>>) semaphore(%arg27 : memref<!tpu.dma_semaphore, #tpu.memory_space<semaphore_mem>>) {add = true}
      %dma_wait3A_202 = arith.constant 73 : i32
      %dma_wait3A_203 = arith.constant 0 : i32
      %dma_wait3A_204 = tpu.memref_slice %arg8[%dma_wait3A_202, %dma_wait3A_203] : memref<79x128xi32, #tpu.memory_space<vmem>> -> memref<1x128xi32, #tpu.memory_space<vmem>>
      %dma_wait3A_205 = tpu.memref_squeeze %dma_wait3A_204 : memref<1x128xi32, #tpu.memory_space<vmem>> -> memref<128xi32, #tpu.memory_space<vmem>>
      %dma_wait3A_206 = arith.constant 0 : i32
      %dma_wait3A_207 = arith.constant 0 : i32
      %dma_wait3A_208 = tpu.memref_slice %arg6[%dma_wait3A_206, %dma_wait3A_207] : memref<10112x16xf32, #tpu.memory_space<vmem_shared>> -> memref<10112x16xf32, #tpu.memory_space<vmem_shared>>
      tpu.wait_indirect_dma semaphore(%arg27 : memref<!tpu.dma_semaphore, #tpu.memory_space<semaphore_mem>>) src(%arg10 : memref<128x16xf32, #tpu.memory_space<vmem>>) dst(%dma_wait3A_208 : memref<10112x16xf32, #tpu.memory_space<vmem_shared>>)
    } else {
    }
    %gt3A_157 = arith.constant 74 : i32
    %gt3A_158 = arith.cmpi sgt, %add3A_6, %gt3A_157 : i32
    %convert_element_type3A_159 = arith.extui %gt3A_158 : i1 to i32
    %cond3A_160 = arith.constant 0 : i32
    %cond3A_161 = arith.cmpi ne, %convert_element_type3A_159, %cond3A_160 : i32
    scf.if %cond3A_161 {
      %dma_wait3A_188 = arith.constant 74 : i32
      %dma_wait3A_189 = arith.constant 0 : i32
      %dma_wait3A_190 = tpu.memref_slice %arg7[%dma_wait3A_188, %dma_wait3A_189] : memref<79x128xi32, #tpu.memory_space<vmem>> -> memref<1x128xi32, #tpu.memory_space<vmem>>
      %dma_wait3A_191 = tpu.memref_squeeze %dma_wait3A_190 : memref<1x128xi32, #tpu.memory_space<vmem>> -> memref<128xi32, #tpu.memory_space<vmem>>
      %dma_wait3A_192 = arith.constant 0 : i32
      %dma_wait3A_193 = arith.constant 0 : i32
      %dma_wait3A_194 = tpu.memref_slice %arg2[%dma_wait3A_192, %dma_wait3A_193] : memref<10000x16xf32, #tpu.memory_space<hbm>> -> memref<10000x16xf32, #tpu.memory_space<hbm>>
      tpu.wait_indirect_dma semaphore(%arg20 : memref<!tpu.dma_semaphore, #tpu.memory_space<semaphore_mem>>) src(%dma_wait3A_194 : memref<10000x16xf32, #tpu.memory_space<hbm>>) dst(%arg11 : memref<128x16xf32, #tpu.memory_space<vmem>>)
      %dma_start3A_195 = arith.constant 74 : i32
      %dma_start3A_196 = arith.constant 0 : i32
      %dma_start3A_197 = tpu.memref_slice %arg8[%dma_start3A_195, %dma_start3A_196] : memref<79x128xi32, #tpu.memory_space<vmem>> -> memref<1x128xi32, #tpu.memory_space<vmem>>
      %dma_start3A_198 = tpu.memref_squeeze %dma_start3A_197 : memref<1x128xi32, #tpu.memory_space<vmem>> -> memref<128xi32, #tpu.memory_space<vmem>>
      %dma_start3A_199 = arith.constant 0 : i32
      %dma_start3A_200 = arith.constant 0 : i32
      %dma_start3A_201 = tpu.memref_slice %arg6[%dma_start3A_199, %dma_start3A_200] : memref<10112x16xf32, #tpu.memory_space<vmem_shared>> -> memref<10112x16xf32, #tpu.memory_space<vmem_shared>>
      tpu.enqueue_indirect_dma source(%arg11 : memref<128x16xf32, #tpu.memory_space<vmem>>) target(%dma_start3A_201 : memref<10112x16xf32, #tpu.memory_space<vmem_shared>>) offsets(%dma_start3A_198 : memref<128xi32, #tpu.memory_space<vmem>>) semaphore(%arg28 : memref<!tpu.dma_semaphore, #tpu.memory_space<semaphore_mem>>) {add = true}
      %dma_wait3A_202 = arith.constant 74 : i32
      %dma_wait3A_203 = arith.constant 0 : i32
      %dma_wait3A_204 = tpu.memref_slice %arg8[%dma_wait3A_202, %dma_wait3A_203] : memref<79x128xi32, #tpu.memory_space<vmem>> -> memref<1x128xi32, #tpu.memory_space<vmem>>
      %dma_wait3A_205 = tpu.memref_squeeze %dma_wait3A_204 : memref<1x128xi32, #tpu.memory_space<vmem>> -> memref<128xi32, #tpu.memory_space<vmem>>
      %dma_wait3A_206 = arith.constant 0 : i32
      %dma_wait3A_207 = arith.constant 0 : i32
      %dma_wait3A_208 = tpu.memref_slice %arg6[%dma_wait3A_206, %dma_wait3A_207] : memref<10112x16xf32, #tpu.memory_space<vmem_shared>> -> memref<10112x16xf32, #tpu.memory_space<vmem_shared>>
      tpu.wait_indirect_dma semaphore(%arg28 : memref<!tpu.dma_semaphore, #tpu.memory_space<semaphore_mem>>) src(%arg11 : memref<128x16xf32, #tpu.memory_space<vmem>>) dst(%dma_wait3A_208 : memref<10112x16xf32, #tpu.memory_space<vmem_shared>>)
    } else {
    }
    %gt3A_162 = arith.constant 75 : i32
    %gt3A_163 = arith.cmpi sgt, %add3A_6, %gt3A_162 : i32
    %convert_element_type3A_164 = arith.extui %gt3A_163 : i1 to i32
    %cond3A_165 = arith.constant 0 : i32
    %cond3A_166 = arith.cmpi ne, %convert_element_type3A_164, %cond3A_165 : i32
    scf.if %cond3A_166 {
      %dma_wait3A_188 = arith.constant 75 : i32
      %dma_wait3A_189 = arith.constant 0 : i32
      %dma_wait3A_190 = tpu.memref_slice %arg7[%dma_wait3A_188, %dma_wait3A_189] : memref<79x128xi32, #tpu.memory_space<vmem>> -> memref<1x128xi32, #tpu.memory_space<vmem>>
      %dma_wait3A_191 = tpu.memref_squeeze %dma_wait3A_190 : memref<1x128xi32, #tpu.memory_space<vmem>> -> memref<128xi32, #tpu.memory_space<vmem>>
      %dma_wait3A_192 = arith.constant 0 : i32
      %dma_wait3A_193 = arith.constant 0 : i32
      %dma_wait3A_194 = tpu.memref_slice %arg2[%dma_wait3A_192, %dma_wait3A_193] : memref<10000x16xf32, #tpu.memory_space<hbm>> -> memref<10000x16xf32, #tpu.memory_space<hbm>>
      tpu.wait_indirect_dma semaphore(%arg21 : memref<!tpu.dma_semaphore, #tpu.memory_space<semaphore_mem>>) src(%dma_wait3A_194 : memref<10000x16xf32, #tpu.memory_space<hbm>>) dst(%arg12 : memref<128x16xf32, #tpu.memory_space<vmem>>)
      %dma_start3A_195 = arith.constant 75 : i32
      %dma_start3A_196 = arith.constant 0 : i32
      %dma_start3A_197 = tpu.memref_slice %arg8[%dma_start3A_195, %dma_start3A_196] : memref<79x128xi32, #tpu.memory_space<vmem>> -> memref<1x128xi32, #tpu.memory_space<vmem>>
      %dma_start3A_198 = tpu.memref_squeeze %dma_start3A_197 : memref<1x128xi32, #tpu.memory_space<vmem>> -> memref<128xi32, #tpu.memory_space<vmem>>
      %dma_start3A_199 = arith.constant 0 : i32
      %dma_start3A_200 = arith.constant 0 : i32
      %dma_start3A_201 = tpu.memref_slice %arg6[%dma_start3A_199, %dma_start3A_200] : memref<10112x16xf32, #tpu.memory_space<vmem_shared>> -> memref<10112x16xf32, #tpu.memory_space<vmem_shared>>
      tpu.enqueue_indirect_dma source(%arg12 : memref<128x16xf32, #tpu.memory_space<vmem>>) target(%dma_start3A_201 : memref<10112x16xf32, #tpu.memory_space<vmem_shared>>) offsets(%dma_start3A_198 : memref<128xi32, #tpu.memory_space<vmem>>) semaphore(%arg29 : memref<!tpu.dma_semaphore, #tpu.memory_space<semaphore_mem>>) {add = true}
      %dma_wait3A_202 = arith.constant 75 : i32
      %dma_wait3A_203 = arith.constant 0 : i32
      %dma_wait3A_204 = tpu.memref_slice %arg8[%dma_wait3A_202, %dma_wait3A_203] : memref<79x128xi32, #tpu.memory_space<vmem>> -> memref<1x128xi32, #tpu.memory_space<vmem>>
      %dma_wait3A_205 = tpu.memref_squeeze %dma_wait3A_204 : memref<1x128xi32, #tpu.memory_space<vmem>> -> memref<128xi32, #tpu.memory_space<vmem>>
      %dma_wait3A_206 = arith.constant 0 : i32
      %dma_wait3A_207 = arith.constant 0 : i32
      %dma_wait3A_208 = tpu.memref_slice %arg6[%dma_wait3A_206, %dma_wait3A_207] : memref<10112x16xf32, #tpu.memory_space<vmem_shared>> -> memref<10112x16xf32, #tpu.memory_space<vmem_shared>>
      tpu.wait_indirect_dma semaphore(%arg29 : memref<!tpu.dma_semaphore, #tpu.memory_space<semaphore_mem>>) src(%arg12 : memref<128x16xf32, #tpu.memory_space<vmem>>) dst(%dma_wait3A_208 : memref<10112x16xf32, #tpu.memory_space<vmem_shared>>)
    } else {
    }
    %gt3A_167 = arith.constant 76 : i32
    %gt3A_168 = arith.cmpi sgt, %add3A_6, %gt3A_167 : i32
    %convert_element_type3A_169 = arith.extui %gt3A_168 : i1 to i32
    %cond3A_170 = arith.constant 0 : i32
    %cond3A_171 = arith.cmpi ne, %convert_element_type3A_169, %cond3A_170 : i32
    scf.if %cond3A_171 {
      %dma_wait3A_188 = arith.constant 76 : i32
      %dma_wait3A_189 = arith.constant 0 : i32
      %dma_wait3A_190 = tpu.memref_slice %arg7[%dma_wait3A_188, %dma_wait3A_189] : memref<79x128xi32, #tpu.memory_space<vmem>> -> memref<1x128xi32, #tpu.memory_space<vmem>>
      %dma_wait3A_191 = tpu.memref_squeeze %dma_wait3A_190 : memref<1x128xi32, #tpu.memory_space<vmem>> -> memref<128xi32, #tpu.memory_space<vmem>>
      %dma_wait3A_192 = arith.constant 0 : i32
      %dma_wait3A_193 = arith.constant 0 : i32
      %dma_wait3A_194 = tpu.memref_slice %arg2[%dma_wait3A_192, %dma_wait3A_193] : memref<10000x16xf32, #tpu.memory_space<hbm>> -> memref<10000x16xf32, #tpu.memory_space<hbm>>
      tpu.wait_indirect_dma semaphore(%arg22 : memref<!tpu.dma_semaphore, #tpu.memory_space<semaphore_mem>>) src(%dma_wait3A_194 : memref<10000x16xf32, #tpu.memory_space<hbm>>) dst(%arg13 : memref<128x16xf32, #tpu.memory_space<vmem>>)
      %dma_start3A_195 = arith.constant 76 : i32
      %dma_start3A_196 = arith.constant 0 : i32
      %dma_start3A_197 = tpu.memref_slice %arg8[%dma_start3A_195, %dma_start3A_196] : memref<79x128xi32, #tpu.memory_space<vmem>> -> memref<1x128xi32, #tpu.memory_space<vmem>>
      %dma_start3A_198 = tpu.memref_squeeze %dma_start3A_197 : memref<1x128xi32, #tpu.memory_space<vmem>> -> memref<128xi32, #tpu.memory_space<vmem>>
      %dma_start3A_199 = arith.constant 0 : i32
      %dma_start3A_200 = arith.constant 0 : i32
      %dma_start3A_201 = tpu.memref_slice %arg6[%dma_start3A_199, %dma_start3A_200] : memref<10112x16xf32, #tpu.memory_space<vmem_shared>> -> memref<10112x16xf32, #tpu.memory_space<vmem_shared>>
      tpu.enqueue_indirect_dma source(%arg13 : memref<128x16xf32, #tpu.memory_space<vmem>>) target(%dma_start3A_201 : memref<10112x16xf32, #tpu.memory_space<vmem_shared>>) offsets(%dma_start3A_198 : memref<128xi32, #tpu.memory_space<vmem>>) semaphore(%arg30 : memref<!tpu.dma_semaphore, #tpu.memory_space<semaphore_mem>>) {add = true}
      %dma_wait3A_202 = arith.constant 76 : i32
      %dma_wait3A_203 = arith.constant 0 : i32
      %dma_wait3A_204 = tpu.memref_slice %arg8[%dma_wait3A_202, %dma_wait3A_203] : memref<79x128xi32, #tpu.memory_space<vmem>> -> memref<1x128xi32, #tpu.memory_space<vmem>>
      %dma_wait3A_205 = tpu.memref_squeeze %dma_wait3A_204 : memref<1x128xi32, #tpu.memory_space<vmem>> -> memref<128xi32, #tpu.memory_space<vmem>>
      %dma_wait3A_206 = arith.constant 0 : i32
      %dma_wait3A_207 = arith.constant 0 : i32
      %dma_wait3A_208 = tpu.memref_slice %arg6[%dma_wait3A_206, %dma_wait3A_207] : memref<10112x16xf32, #tpu.memory_space<vmem_shared>> -> memref<10112x16xf32, #tpu.memory_space<vmem_shared>>
      tpu.wait_indirect_dma semaphore(%arg30 : memref<!tpu.dma_semaphore, #tpu.memory_space<semaphore_mem>>) src(%arg13 : memref<128x16xf32, #tpu.memory_space<vmem>>) dst(%dma_wait3A_208 : memref<10112x16xf32, #tpu.memory_space<vmem_shared>>)
    } else {
    }
    %gt3A_172 = arith.constant 77 : i32
    %gt3A_173 = arith.cmpi sgt, %add3A_6, %gt3A_172 : i32
    %convert_element_type3A_174 = arith.extui %gt3A_173 : i1 to i32
    %cond3A_175 = arith.constant 0 : i32
    %cond3A_176 = arith.cmpi ne, %convert_element_type3A_174, %cond3A_175 : i32
    scf.if %cond3A_176 {
      %dma_wait3A_188 = arith.constant 77 : i32
      %dma_wait3A_189 = arith.constant 0 : i32
      %dma_wait3A_190 = tpu.memref_slice %arg7[%dma_wait3A_188, %dma_wait3A_189] : memref<79x128xi32, #tpu.memory_space<vmem>> -> memref<1x128xi32, #tpu.memory_space<vmem>>
      %dma_wait3A_191 = tpu.memref_squeeze %dma_wait3A_190 : memref<1x128xi32, #tpu.memory_space<vmem>> -> memref<128xi32, #tpu.memory_space<vmem>>
      %dma_wait3A_192 = arith.constant 0 : i32
      %dma_wait3A_193 = arith.constant 0 : i32
      %dma_wait3A_194 = tpu.memref_slice %arg2[%dma_wait3A_192, %dma_wait3A_193] : memref<10000x16xf32, #tpu.memory_space<hbm>> -> memref<10000x16xf32, #tpu.memory_space<hbm>>
      tpu.wait_indirect_dma semaphore(%arg23 : memref<!tpu.dma_semaphore, #tpu.memory_space<semaphore_mem>>) src(%dma_wait3A_194 : memref<10000x16xf32, #tpu.memory_space<hbm>>) dst(%arg14 : memref<128x16xf32, #tpu.memory_space<vmem>>)
      %dma_start3A_195 = arith.constant 77 : i32
      %dma_start3A_196 = arith.constant 0 : i32
      %dma_start3A_197 = tpu.memref_slice %arg8[%dma_start3A_195, %dma_start3A_196] : memref<79x128xi32, #tpu.memory_space<vmem>> -> memref<1x128xi32, #tpu.memory_space<vmem>>
      %dma_start3A_198 = tpu.memref_squeeze %dma_start3A_197 : memref<1x128xi32, #tpu.memory_space<vmem>> -> memref<128xi32, #tpu.memory_space<vmem>>
      %dma_start3A_199 = arith.constant 0 : i32
      %dma_start3A_200 = arith.constant 0 : i32
      %dma_start3A_201 = tpu.memref_slice %arg6[%dma_start3A_199, %dma_start3A_200] : memref<10112x16xf32, #tpu.memory_space<vmem_shared>> -> memref<10112x16xf32, #tpu.memory_space<vmem_shared>>
      tpu.enqueue_indirect_dma source(%arg14 : memref<128x16xf32, #tpu.memory_space<vmem>>) target(%dma_start3A_201 : memref<10112x16xf32, #tpu.memory_space<vmem_shared>>) offsets(%dma_start3A_198 : memref<128xi32, #tpu.memory_space<vmem>>) semaphore(%arg31 : memref<!tpu.dma_semaphore, #tpu.memory_space<semaphore_mem>>) {add = true}
      %dma_wait3A_202 = arith.constant 77 : i32
      %dma_wait3A_203 = arith.constant 0 : i32
      %dma_wait3A_204 = tpu.memref_slice %arg8[%dma_wait3A_202, %dma_wait3A_203] : memref<79x128xi32, #tpu.memory_space<vmem>> -> memref<1x128xi32, #tpu.memory_space<vmem>>
      %dma_wait3A_205 = tpu.memref_squeeze %dma_wait3A_204 : memref<1x128xi32, #tpu.memory_space<vmem>> -> memref<128xi32, #tpu.memory_space<vmem>>
      %dma_wait3A_206 = arith.constant 0 : i32
      %dma_wait3A_207 = arith.constant 0 : i32
      %dma_wait3A_208 = tpu.memref_slice %arg6[%dma_wait3A_206, %dma_wait3A_207] : memref<10112x16xf32, #tpu.memory_space<vmem_shared>> -> memref<10112x16xf32, #tpu.memory_space<vmem_shared>>
      tpu.wait_indirect_dma semaphore(%arg31 : memref<!tpu.dma_semaphore, #tpu.memory_space<semaphore_mem>>) src(%arg14 : memref<128x16xf32, #tpu.memory_space<vmem>>) dst(%dma_wait3A_208 : memref<10112x16xf32, #tpu.memory_space<vmem_shared>>)
    } else {
    }
    %gt3A_177 = arith.constant 78 : i32
    %gt3A_178 = arith.cmpi sgt, %add3A_6, %gt3A_177 : i32
    %convert_element_type3A_179 = arith.extui %gt3A_178 : i1 to i32
    %cond3A_180 = arith.constant 0 : i32
    %cond3A_181 = arith.cmpi ne, %convert_element_type3A_179, %cond3A_180 : i32
    scf.if %cond3A_181 {
      %dma_wait3A_188 = arith.constant 78 : i32
      %dma_wait3A_189 = arith.constant 0 : i32
      %dma_wait3A_190 = tpu.memref_slice %arg7[%dma_wait3A_188, %dma_wait3A_189] : memref<79x128xi32, #tpu.memory_space<vmem>> -> memref<1x128xi32, #tpu.memory_space<vmem>>
      %dma_wait3A_191 = tpu.memref_squeeze %dma_wait3A_190 : memref<1x128xi32, #tpu.memory_space<vmem>> -> memref<128xi32, #tpu.memory_space<vmem>>
      %dma_wait3A_192 = arith.constant 0 : i32
      %dma_wait3A_193 = arith.constant 0 : i32
      %dma_wait3A_194 = tpu.memref_slice %arg2[%dma_wait3A_192, %dma_wait3A_193] : memref<10000x16xf32, #tpu.memory_space<hbm>> -> memref<10000x16xf32, #tpu.memory_space<hbm>>
      tpu.wait_indirect_dma semaphore(%arg24 : memref<!tpu.dma_semaphore, #tpu.memory_space<semaphore_mem>>) src(%dma_wait3A_194 : memref<10000x16xf32, #tpu.memory_space<hbm>>) dst(%arg15 : memref<128x16xf32, #tpu.memory_space<vmem>>)
      %dma_start3A_195 = arith.constant 78 : i32
      %dma_start3A_196 = arith.constant 0 : i32
      %dma_start3A_197 = tpu.memref_slice %arg8[%dma_start3A_195, %dma_start3A_196] : memref<79x128xi32, #tpu.memory_space<vmem>> -> memref<1x128xi32, #tpu.memory_space<vmem>>
      %dma_start3A_198 = tpu.memref_squeeze %dma_start3A_197 : memref<1x128xi32, #tpu.memory_space<vmem>> -> memref<128xi32, #tpu.memory_space<vmem>>
      %dma_start3A_199 = arith.constant 0 : i32
      %dma_start3A_200 = arith.constant 0 : i32
      %dma_start3A_201 = tpu.memref_slice %arg6[%dma_start3A_199, %dma_start3A_200] : memref<10112x16xf32, #tpu.memory_space<vmem_shared>> -> memref<10112x16xf32, #tpu.memory_space<vmem_shared>>
      tpu.enqueue_indirect_dma source(%arg15 : memref<128x16xf32, #tpu.memory_space<vmem>>) target(%dma_start3A_201 : memref<10112x16xf32, #tpu.memory_space<vmem_shared>>) offsets(%dma_start3A_198 : memref<128xi32, #tpu.memory_space<vmem>>) semaphore(%arg32 : memref<!tpu.dma_semaphore, #tpu.memory_space<semaphore_mem>>) {add = true}
      %dma_wait3A_202 = arith.constant 78 : i32
      %dma_wait3A_203 = arith.constant 0 : i32
      %dma_wait3A_204 = tpu.memref_slice %arg8[%dma_wait3A_202, %dma_wait3A_203] : memref<79x128xi32, #tpu.memory_space<vmem>> -> memref<1x128xi32, #tpu.memory_space<vmem>>
      %dma_wait3A_205 = tpu.memref_squeeze %dma_wait3A_204 : memref<1x128xi32, #tpu.memory_space<vmem>> -> memref<128xi32, #tpu.memory_space<vmem>>
      %dma_wait3A_206 = arith.constant 0 : i32
      %dma_wait3A_207 = arith.constant 0 : i32
      %dma_wait3A_208 = tpu.memref_slice %arg6[%dma_wait3A_206, %dma_wait3A_207] : memref<10112x16xf32, #tpu.memory_space<vmem_shared>> -> memref<10112x16xf32, #tpu.memory_space<vmem_shared>>
      tpu.wait_indirect_dma semaphore(%arg32 : memref<!tpu.dma_semaphore, #tpu.memory_space<semaphore_mem>>) src(%arg15 : memref<128x16xf32, #tpu.memory_space<vmem>>) dst(%dma_wait3A_208 : memref<10112x16xf32, #tpu.memory_space<vmem_shared>>)
    } else {
    }
    %gt3A_182 = arith.constant 79 : i32
    %gt3A_183 = arith.cmpi sgt, %add3A_6, %gt3A_182 : i32
    %convert_element_type3A_184 = arith.extui %gt3A_183 : i1 to i32
    %cond3A_185 = arith.constant 0 : i32
    %cond3A_186 = arith.cmpi ne, %convert_element_type3A_184, %cond3A_185 : i32
    scf.if %cond3A_186 {
      %dma_wait3A_188 = arith.constant 79 : i32
      %dma_wait3A_189 = arith.constant 0 : i32
      %dma_wait3A_190 = tpu.memref_slice %arg7[%dma_wait3A_188, %dma_wait3A_189] : memref<79x128xi32, #tpu.memory_space<vmem>> -> memref<1x128xi32, #tpu.memory_space<vmem>>
      %dma_wait3A_191 = tpu.memref_squeeze %dma_wait3A_190 : memref<1x128xi32, #tpu.memory_space<vmem>> -> memref<128xi32, #tpu.memory_space<vmem>>
      %dma_wait3A_192 = arith.constant 0 : i32
      %dma_wait3A_193 = arith.constant 0 : i32
      %dma_wait3A_194 = tpu.memref_slice %arg2[%dma_wait3A_192, %dma_wait3A_193] : memref<10000x16xf32, #tpu.memory_space<hbm>> -> memref<10000x16xf32, #tpu.memory_space<hbm>>
      tpu.wait_indirect_dma semaphore(%arg25 : memref<!tpu.dma_semaphore, #tpu.memory_space<semaphore_mem>>) src(%dma_wait3A_194 : memref<10000x16xf32, #tpu.memory_space<hbm>>) dst(%arg16 : memref<128x16xf32, #tpu.memory_space<vmem>>)
      %dma_start3A_195 = arith.constant 79 : i32
      %dma_start3A_196 = arith.constant 0 : i32
      %dma_start3A_197 = tpu.memref_slice %arg8[%dma_start3A_195, %dma_start3A_196] : memref<79x128xi32, #tpu.memory_space<vmem>> -> memref<1x128xi32, #tpu.memory_space<vmem>>
      %dma_start3A_198 = tpu.memref_squeeze %dma_start3A_197 : memref<1x128xi32, #tpu.memory_space<vmem>> -> memref<128xi32, #tpu.memory_space<vmem>>
      %dma_start3A_199 = arith.constant 0 : i32
      %dma_start3A_200 = arith.constant 0 : i32
      %dma_start3A_201 = tpu.memref_slice %arg6[%dma_start3A_199, %dma_start3A_200] : memref<10112x16xf32, #tpu.memory_space<vmem_shared>> -> memref<10112x16xf32, #tpu.memory_space<vmem_shared>>
      tpu.enqueue_indirect_dma source(%arg16 : memref<128x16xf32, #tpu.memory_space<vmem>>) target(%dma_start3A_201 : memref<10112x16xf32, #tpu.memory_space<vmem_shared>>) offsets(%dma_start3A_198 : memref<128xi32, #tpu.memory_space<vmem>>) semaphore(%arg33 : memref<!tpu.dma_semaphore, #tpu.memory_space<semaphore_mem>>) {add = true}
      %dma_wait3A_202 = arith.constant 79 : i32
      %dma_wait3A_203 = arith.constant 0 : i32
      %dma_wait3A_204 = tpu.memref_slice %arg8[%dma_wait3A_202, %dma_wait3A_203] : memref<79x128xi32, #tpu.memory_space<vmem>> -> memref<1x128xi32, #tpu.memory_space<vmem>>
      %dma_wait3A_205 = tpu.memref_squeeze %dma_wait3A_204 : memref<1x128xi32, #tpu.memory_space<vmem>> -> memref<128xi32, #tpu.memory_space<vmem>>
      %dma_wait3A_206 = arith.constant 0 : i32
      %dma_wait3A_207 = arith.constant 0 : i32
      %dma_wait3A_208 = tpu.memref_slice %arg6[%dma_wait3A_206, %dma_wait3A_207] : memref<10112x16xf32, #tpu.memory_space<vmem_shared>> -> memref<10112x16xf32, #tpu.memory_space<vmem_shared>>
      tpu.wait_indirect_dma semaphore(%arg33 : memref<!tpu.dma_semaphore, #tpu.memory_space<semaphore_mem>>) src(%arg16 : memref<128x16xf32, #tpu.memory_space<vmem>>) dst(%dma_wait3A_208 : memref<10112x16xf32, #tpu.memory_space<vmem_shared>>)
    } else {
    }
    %barrier3A_187 = arith.constant 0 : index
    tpu.barrier barrier_id(%barrier3A_187)
    "tpu.region"() ({
      %run_scoped3A = tpu.sem_alloc : memref<!tpu.dma_semaphore, #tpu.memory_space<semaphore_mem>>
      %dma_start3A_188 = arith.constant 0 : i32
      %dma_start3A_189 = tpu.memref_slice %arg6[%mul3A_2, %dma_start3A_188] : memref<10112x16xf32, #tpu.memory_space<vmem_shared>> -> memref<632x16xf32, #tpu.memory_space<vmem_shared>>
      %dma_start3A_190 = arith.constant 0 : i32
      %dma_start3A_191 = tpu.memref_slice %arg6[%mul3A_2, %dma_start3A_190] : memref<10112x16xf32, #tpu.memory_space<vmem_shared>> -> memref<632x16xf32, #tpu.memory_space<vmem_shared>>
      tpu.enqueue_dma source(%dma_start3A_191 : memref<632x16xf32, #tpu.memory_space<vmem_shared>>) target(%arg17 : memref<632x16xf32, #tpu.memory_space<vmem>>) target_semaphore(%run_scoped3A : memref<!tpu.dma_semaphore, #tpu.memory_space<semaphore_mem>>)
      %dma_wait3A_192 = arith.constant 0 : i32
      %dma_wait3A_193 = tpu.memref_slice %arg6[%mul3A_2, %dma_wait3A_192] : memref<10112x16xf32, #tpu.memory_space<vmem_shared>> -> memref<632x16xf32, #tpu.memory_space<vmem_shared>>
      %dma_wait3A_194 = arith.constant 0 : i32
      %dma_wait3A_195 = tpu.memref_slice %arg6[%mul3A_2, %dma_wait3A_194] : memref<10112x16xf32, #tpu.memory_space<vmem_shared>> -> memref<632x16xf32, #tpu.memory_space<vmem_shared>>
      tpu.wait_dma2 semaphore(%run_scoped3A : memref<!tpu.dma_semaphore, #tpu.memory_space<semaphore_mem>>) src(%dma_wait3A_195 : memref<632x16xf32, #tpu.memory_space<vmem_shared>>) dst(%arg17 : memref<632x16xf32, #tpu.memory_space<vmem>>)
      tpu.yield
    }) : () -> ()
    "tpu.region"() ({
      %run_scoped3A = tpu.sem_alloc : memref<!tpu.dma_semaphore, #tpu.memory_space<semaphore_mem>>
      %dma_start3A_188 = arith.constant 0 : i32
      %dma_start3A_189 = tpu.memref_slice %arg5[%arg0, %mul3A_2, %dma_start3A_188] : memref<2x10112x16xf32, #tpu.memory_space<hbm>> -> memref<1x632x16xf32, #tpu.memory_space<hbm>>
      %dma_start3A_190 = tpu.memref_squeeze %dma_start3A_189 : memref<1x632x16xf32, #tpu.memory_space<hbm>> -> memref<632x16xf32, #tpu.memory_space<hbm>>
      %dma_start3A_191 = arith.constant 0 : i32
      %dma_start3A_192 = tpu.memref_slice %arg5[%arg0, %mul3A_2, %dma_start3A_191] : memref<2x10112x16xf32, #tpu.memory_space<hbm>> -> memref<1x632x16xf32, #tpu.memory_space<hbm>>
      %dma_start3A_193 = tpu.memref_squeeze %dma_start3A_192 : memref<1x632x16xf32, #tpu.memory_space<hbm>> -> memref<632x16xf32, #tpu.memory_space<hbm>>
      tpu.enqueue_dma source(%arg17 : memref<632x16xf32, #tpu.memory_space<vmem>>) target(%dma_start3A_193 : memref<632x16xf32, #tpu.memory_space<hbm>>) target_semaphore(%run_scoped3A : memref<!tpu.dma_semaphore, #tpu.memory_space<semaphore_mem>>)
      %dma_wait3A_194 = arith.constant 0 : i32
      %dma_wait3A_195 = tpu.memref_slice %arg5[%arg0, %mul3A_2, %dma_wait3A_194] : memref<2x10112x16xf32, #tpu.memory_space<hbm>> -> memref<1x632x16xf32, #tpu.memory_space<hbm>>
      %dma_wait3A_196 = tpu.memref_squeeze %dma_wait3A_195 : memref<1x632x16xf32, #tpu.memory_space<hbm>> -> memref<632x16xf32, #tpu.memory_space<hbm>>
      %dma_wait3A_197 = arith.constant 0 : i32
      %dma_wait3A_198 = tpu.memref_slice %arg5[%arg0, %mul3A_2, %dma_wait3A_197] : memref<2x10112x16xf32, #tpu.memory_space<hbm>> -> memref<1x632x16xf32, #tpu.memory_space<hbm>>
      %dma_wait3A_199 = tpu.memref_squeeze %dma_wait3A_198 : memref<1x632x16xf32, #tpu.memory_space<hbm>> -> memref<632x16xf32, #tpu.memory_space<hbm>>
      tpu.wait_dma2 semaphore(%run_scoped3A : memref<!tpu.dma_semaphore, #tpu.memory_space<semaphore_mem>>) src(%arg17 : memref<632x16xf32, #tpu.memory_space<vmem>>) dst(%dma_wait3A_199 : memref<632x16xf32, #tpu.memory_space<hbm>>)
      tpu.yield
    }) : () -> ()
    return
  }
}

module attributes {stable_mosaic.version = 14 : i64} {
  func.func @_tc1a_body(%arg0: memref<1250x8x128xf32, #tpu.memory_space<vmem>>, %arg1: memref<128x16xf32, #tpu.memory_space<vmem>>, %arg2: memref<1250x128xf32, #tpu.memory_space<vmem>>) attributes {dimension_semantics = [], scalar_prefetch = 0 : i64, scratch_operands = 0 : i64, tpu.core_type = #tpu.core_type<tc>} {
    %get3A = arith.constant 0 : index
    %get3A_0 = arith.constant 0 : index
    %get3A_1 = vector.load %arg1[%get3A, %get3A_0] : memref<128x16xf32, #tpu.memory_space<vmem>>, vector<128x16xf32>
    %get3A_2 = arith.constant 0 : index
    %get3A_3 = arith.constant 0 : index
    %get3A_4 = arith.constant 0 : index
    %get3A_5 = vector.load %arg0[%get3A_2, %get3A_3, %get3A_4] : memref<1250x8x128xf32, #tpu.memory_space<vmem>>, vector<1250x1x128xf32>
    %get3A_6 = vector.shape_cast %get3A_5 : vector<1250x1x128xf32> to vector<1250x128xf32>
    %dot_general3A = arith.constant dense<0.000000e+00> : vector<1250x16xf32>
    %dot_general3A_7 = tpu.matmul %get3A_6, %get3A_1, %dot_general3A {dimension_numbers = #tpu.dot_dimension_numbers<[1], [0], [0], [1], [0, 0, 1, 1], [], []>, transpose_lhs_hint = false} : vector<1250x128xf32>, vector<128x16xf32>, vector<1250x16xf32> -> vector<1250x16xf32>
    %swap3A = arith.constant 0 : index
    %swap3A_8 = arith.constant 0 : index
    %swap3A_9 = vector.load %arg2[%swap3A, %swap3A_8] : memref<1250x128xf32, #tpu.memory_space<vmem>>, vector<1250x16xf32>
    tpu.vector_store %arg2[%swap3A, %swap3A_8], %dot_general3A_7 {strides = array<i32>} : memref<1250x128xf32, #tpu.memory_space<vmem>>, vector<1250x16xf32>,
    %get3A_10 = arith.constant 0 : index
    %get3A_11 = arith.constant 1 : index
    %get3A_12 = arith.constant 0 : index
    %get3A_13 = vector.load %arg0[%get3A_10, %get3A_11, %get3A_12] : memref<1250x8x128xf32, #tpu.memory_space<vmem>>, vector<1250x1x128xf32>
    %get3A_14 = vector.shape_cast %get3A_13 : vector<1250x1x128xf32> to vector<1250x128xf32>
    %dot_general3A_15 = arith.constant dense<0.000000e+00> : vector<1250x16xf32>
    %dot_general3A_16 = tpu.matmul %get3A_14, %get3A_1, %dot_general3A_15 {dimension_numbers = #tpu.dot_dimension_numbers<[1], [0], [0], [1], [0, 0, 1, 1], [], []>, transpose_lhs_hint = false} : vector<1250x128xf32>, vector<128x16xf32>, vector<1250x16xf32> -> vector<1250x16xf32>
    %swap3A_17 = arith.constant 0 : index
    %swap3A_18 = arith.constant 16 : index
    %swap3A_19 = vector.load %arg2[%swap3A_17, %swap3A_18] : memref<1250x128xf32, #tpu.memory_space<vmem>>, vector<1250x16xf32>
    tpu.vector_store %arg2[%swap3A_17, %swap3A_18], %dot_general3A_16 {strides = array<i32>} : memref<1250x128xf32, #tpu.memory_space<vmem>>, vector<1250x16xf32>,
    %get3A_20 = arith.constant 0 : index
    %get3A_21 = arith.constant 2 : index
    %get3A_22 = arith.constant 0 : index
    %get3A_23 = vector.load %arg0[%get3A_20, %get3A_21, %get3A_22] : memref<1250x8x128xf32, #tpu.memory_space<vmem>>, vector<1250x1x128xf32>
    %get3A_24 = vector.shape_cast %get3A_23 : vector<1250x1x128xf32> to vector<1250x128xf32>
    %dot_general3A_25 = arith.constant dense<0.000000e+00> : vector<1250x16xf32>
    %dot_general3A_26 = tpu.matmul %get3A_24, %get3A_1, %dot_general3A_25 {dimension_numbers = #tpu.dot_dimension_numbers<[1], [0], [0], [1], [0, 0, 1, 1], [], []>, transpose_lhs_hint = false} : vector<1250x128xf32>, vector<128x16xf32>, vector<1250x16xf32> -> vector<1250x16xf32>
    %swap3A_27 = arith.constant 0 : index
    %swap3A_28 = arith.constant 32 : index
    %swap3A_29 = vector.load %arg2[%swap3A_27, %swap3A_28] : memref<1250x128xf32, #tpu.memory_space<vmem>>, vector<1250x16xf32>
    tpu.vector_store %arg2[%swap3A_27, %swap3A_28], %dot_general3A_26 {strides = array<i32>} : memref<1250x128xf32, #tpu.memory_space<vmem>>, vector<1250x16xf32>,
    %get3A_30 = arith.constant 0 : index
    %get3A_31 = arith.constant 3 : index
    %get3A_32 = arith.constant 0 : index
    %get3A_33 = vector.load %arg0[%get3A_30, %get3A_31, %get3A_32] : memref<1250x8x128xf32, #tpu.memory_space<vmem>>, vector<1250x1x128xf32>
    %get3A_34 = vector.shape_cast %get3A_33 : vector<1250x1x128xf32> to vector<1250x128xf32>
    %dot_general3A_35 = arith.constant dense<0.000000e+00> : vector<1250x16xf32>
    %dot_general3A_36 = tpu.matmul %get3A_34, %get3A_1, %dot_general3A_35 {dimension_numbers = #tpu.dot_dimension_numbers<[1], [0], [0], [1], [0, 0, 1, 1], [], []>, transpose_lhs_hint = false} : vector<1250x128xf32>, vector<128x16xf32>, vector<1250x16xf32> -> vector<1250x16xf32>
    %swap3A_37 = arith.constant 0 : index
    %swap3A_38 = arith.constant 48 : index
    %swap3A_39 = vector.load %arg2[%swap3A_37, %swap3A_38] : memref<1250x128xf32, #tpu.memory_space<vmem>>, vector<1250x16xf32>
    tpu.vector_store %arg2[%swap3A_37, %swap3A_38], %dot_general3A_36 {strides = array<i32>} : memref<1250x128xf32, #tpu.memory_space<vmem>>, vector<1250x16xf32>,
    %get3A_40 = arith.constant 0 : index
    %get3A_41 = arith.constant 4 : index
    %get3A_42 = arith.constant 0 : index
    %get3A_43 = vector.load %arg0[%get3A_40, %get3A_41, %get3A_42] : memref<1250x8x128xf32, #tpu.memory_space<vmem>>, vector<1250x1x128xf32>
    %get3A_44 = vector.shape_cast %get3A_43 : vector<1250x1x128xf32> to vector<1250x128xf32>
    %dot_general3A_45 = arith.constant dense<0.000000e+00> : vector<1250x16xf32>
    %dot_general3A_46 = tpu.matmul %get3A_44, %get3A_1, %dot_general3A_45 {dimension_numbers = #tpu.dot_dimension_numbers<[1], [0], [0], [1], [0, 0, 1, 1], [], []>, transpose_lhs_hint = false} : vector<1250x128xf32>, vector<128x16xf32>, vector<1250x16xf32> -> vector<1250x16xf32>
    %swap3A_47 = arith.constant 0 : index
    %swap3A_48 = arith.constant 64 : index
    %swap3A_49 = vector.load %arg2[%swap3A_47, %swap3A_48] : memref<1250x128xf32, #tpu.memory_space<vmem>>, vector<1250x16xf32>
    tpu.vector_store %arg2[%swap3A_47, %swap3A_48], %dot_general3A_46 {strides = array<i32>} : memref<1250x128xf32, #tpu.memory_space<vmem>>, vector<1250x16xf32>,
    %get3A_50 = arith.constant 0 : index
    %get3A_51 = arith.constant 5 : index
    %get3A_52 = arith.constant 0 : index
    %get3A_53 = vector.load %arg0[%get3A_50, %get3A_51, %get3A_52] : memref<1250x8x128xf32, #tpu.memory_space<vmem>>, vector<1250x1x128xf32>
    %get3A_54 = vector.shape_cast %get3A_53 : vector<1250x1x128xf32> to vector<1250x128xf32>
    %dot_general3A_55 = arith.constant dense<0.000000e+00> : vector<1250x16xf32>
    %dot_general3A_56 = tpu.matmul %get3A_54, %get3A_1, %dot_general3A_55 {dimension_numbers = #tpu.dot_dimension_numbers<[1], [0], [0], [1], [0, 0, 1, 1], [], []>, transpose_lhs_hint = false} : vector<1250x128xf32>, vector<128x16xf32>, vector<1250x16xf32> -> vector<1250x16xf32>
    %swap3A_57 = arith.constant 0 : index
    %swap3A_58 = arith.constant 80 : index
    %swap3A_59 = vector.load %arg2[%swap3A_57, %swap3A_58] : memref<1250x128xf32, #tpu.memory_space<vmem>>, vector<1250x16xf32>
    tpu.vector_store %arg2[%swap3A_57, %swap3A_58], %dot_general3A_56 {strides = array<i32>} : memref<1250x128xf32, #tpu.memory_space<vmem>>, vector<1250x16xf32>,
    %get3A_60 = arith.constant 0 : index
    %get3A_61 = arith.constant 6 : index
    %get3A_62 = arith.constant 0 : index
    %get3A_63 = vector.load %arg0[%get3A_60, %get3A_61, %get3A_62] : memref<1250x8x128xf32, #tpu.memory_space<vmem>>, vector<1250x1x128xf32>
    %get3A_64 = vector.shape_cast %get3A_63 : vector<1250x1x128xf32> to vector<1250x128xf32>
    %dot_general3A_65 = arith.constant dense<0.000000e+00> : vector<1250x16xf32>
    %dot_general3A_66 = tpu.matmul %get3A_64, %get3A_1, %dot_general3A_65 {dimension_numbers = #tpu.dot_dimension_numbers<[1], [0], [0], [1], [0, 0, 1, 1], [], []>, transpose_lhs_hint = false} : vector<1250x128xf32>, vector<128x16xf32>, vector<1250x16xf32> -> vector<1250x16xf32>
    %swap3A_67 = arith.constant 0 : index
    %swap3A_68 = arith.constant 96 : index
    %swap3A_69 = vector.load %arg2[%swap3A_67, %swap3A_68] : memref<1250x128xf32, #tpu.memory_space<vmem>>, vector<1250x16xf32>
    tpu.vector_store %arg2[%swap3A_67, %swap3A_68], %dot_general3A_66 {strides = array<i32>} : memref<1250x128xf32, #tpu.memory_space<vmem>>, vector<1250x16xf32>,
    %get3A_70 = arith.constant 0 : index
    %get3A_71 = arith.constant 7 : index
    %get3A_72 = arith.constant 0 : index
    %get3A_73 = vector.load %arg0[%get3A_70, %get3A_71, %get3A_72] : memref<1250x8x128xf32, #tpu.memory_space<vmem>>, vector<1250x1x128xf32>
    %get3A_74 = vector.shape_cast %get3A_73 : vector<1250x1x128xf32> to vector<1250x128xf32>
    %dot_general3A_75 = arith.constant dense<0.000000e+00> : vector<1250x16xf32>
    %dot_general3A_76 = tpu.matmul %get3A_74, %get3A_1, %dot_general3A_75 {dimension_numbers = #tpu.dot_dimension_numbers<[1], [0], [0], [1], [0, 0, 1, 1], [], []>, transpose_lhs_hint = false} : vector<1250x128xf32>, vector<128x16xf32>, vector<1250x16xf32> -> vector<1250x16xf32>
    %swap3A_77 = arith.constant 0 : index
    %swap3A_78 = arith.constant 112 : index
    %swap3A_79 = vector.load %arg2[%swap3A_77, %swap3A_78] : memref<1250x128xf32, #tpu.memory_space<vmem>>, vector<1250x16xf32>
    tpu.vector_store %arg2[%swap3A_77, %swap3A_78], %dot_general3A_76 {strides = array<i32>} : memref<1250x128xf32, #tpu.memory_space<vmem>>, vector<1250x16xf32>,
    return
  }
}

module attributes {stable_mosaic.version = 14 : i64} {
  func.func @_tc1b_body(%arg0: memref<2x1264x128xf32, #tpu.memory_space<vmem>>, %arg1: memref<1250x128xf32, #tpu.memory_space<vmem>>, %arg2: memref<1250x128xf32, #tpu.memory_space<vmem>>, %arg3: memref<1250x128xf32, #tpu.memory_space<vmem>>) attributes {dimension_semantics = [], scalar_prefetch = 0 : i64, scratch_operands = 0 : i64, tpu.core_type = #tpu.core_type<tc>} {
    %get3A = arith.constant 0 : index
    %get3A_0 = arith.constant 0 : index
    %get3A_1 = arith.constant 0 : index
    %get3A_2 = vector.load %arg0[%get3A, %get3A_0, %get3A_1] : memref<2x1264x128xf32, #tpu.memory_space<vmem>>, vector<2x1264x128xf32>
    %slice3A = vector.extract_strided_slice %get3A_2 {offsets = [0, 0, 0], sizes = [1, 1250, 128], strides = [1, 1, 1]} : vector<2x1264x128xf32> to vector<1x1250x128xf32>
    %squeeze3A = vector.shape_cast %slice3A : vector<1x1250x128xf32> to vector<1250x128xf32>
    %slice3A_3 = vector.extract_strided_slice %get3A_2 {offsets = [1, 0, 0], sizes = [1, 1250, 128], strides = [1, 1, 1]} : vector<2x1264x128xf32> to vector<1x1250x128xf32>
    %squeeze3A_4 = vector.shape_cast %slice3A_3 : vector<1x1250x128xf32> to vector<1250x128xf32>
    %add3A = arith.addf %squeeze3A, %squeeze3A_4 : vector<1250x128xf32>
    %add3A_5 = arith.constant 1.000000e+00 : f32
    %add3A_6 = vector.broadcast %add3A_5 : f32 to vector<1250x128xf32>
    %add3A_7 = arith.addf %add3A, %add3A_6 : vector<1250x128xf32>
    %rsqrt3A = math.rsqrt %add3A_7 : vector<1250x128xf32>
    %get3A_8 = arith.constant 0 : index
    %get3A_9 = arith.constant 0 : index
    %get3A_10 = vector.load %arg1[%get3A_8, %get3A_9] : memref<1250x128xf32, #tpu.memory_space<vmem>>, vector<1250x128xf32>
    %mul3A = arith.mulf %get3A_10, %rsqrt3A : vector<1250x128xf32>
    %swap3A = arith.constant 0 : index
    %swap3A_11 = arith.constant 0 : index
    %swap3A_12 = vector.load %arg2[%swap3A, %swap3A_11] : memref<1250x128xf32, #tpu.memory_space<vmem>>, vector<1250x128xf32>
    tpu.vector_store %arg2[%swap3A, %swap3A_11], %mul3A {strides = array<i32>} : memref<1250x128xf32, #tpu.memory_space<vmem>>, vector<1250x128xf32>,
    %swap3A_13 = arith.constant 0 : index
    %swap3A_14 = arith.constant 0 : index
    %swap3A_15 = vector.load %arg3[%swap3A_13, %swap3A_14] : memref<1250x128xf32, #tpu.memory_space<vmem>>, vector<1250x128xf32>
    tpu.vector_store %arg3[%swap3A_13, %swap3A_14], %rsqrt3A {strides = array<i32>} : memref<1250x128xf32, #tpu.memory_space<vmem>>, vector<1250x128xf32>,
    return
  }
}

module attributes {stable_mosaic.version = 14 : i64} {
  func.func @_tc2_body(%arg0: memref<2x1264x128xf32, #tpu.memory_space<vmem>>, %arg1: memref<1250x128xf32, #tpu.memory_space<vmem>>, %arg2: memref<1250x128xf32, #tpu.memory_space<vmem>>, %arg3: memref<1x16xf32, #tpu.memory_space<vmem>>, %arg4: memref<128x128xf32, #tpu.memory_space<vmem>>, %arg5: memref<1250x128xf32, #tpu.memory_space<vmem>>) attributes {dimension_semantics = [], scalar_prefetch = 0 : i64, scratch_operands = 0 : i64, tpu.core_type = #tpu.core_type<tc>} {
    %get3A = arith.constant 0 : index
    %get3A_0 = arith.constant 0 : index
    %get3A_1 = arith.constant 0 : index
    %get3A_2 = vector.load %arg0[%get3A, %get3A_0, %get3A_1] : memref<2x1264x128xf32, #tpu.memory_space<vmem>>, vector<2x1264x128xf32>
    %slice3A = vector.extract_strided_slice %get3A_2 {offsets = [0, 0, 0], sizes = [1, 1250, 128], strides = [1, 1, 1]} : vector<2x1264x128xf32> to vector<1x1250x128xf32>
    %squeeze3A = vector.shape_cast %slice3A : vector<1x1250x128xf32> to vector<1250x128xf32>
    %slice3A_3 = vector.extract_strided_slice %get3A_2 {offsets = [1, 0, 0], sizes = [1, 1250, 128], strides = [1, 1, 1]} : vector<2x1264x128xf32> to vector<1x1250x128xf32>
    %squeeze3A_4 = vector.shape_cast %slice3A_3 : vector<1x1250x128xf32> to vector<1250x128xf32>
    %add3A = arith.addf %squeeze3A, %squeeze3A_4 : vector<1250x128xf32>
    %get3A_5 = arith.constant 0 : index
    %get3A_6 = arith.constant 0 : index
    %get3A_7 = vector.load %arg2[%get3A_5, %get3A_6] : memref<1250x128xf32, #tpu.memory_space<vmem>>, vector<1250x128xf32>
    %get3A_8 = arith.constant 0 : index
    %get3A_9 = arith.constant 0 : index
    %get3A_10 = vector.load %arg3[%get3A_8, %get3A_9] : memref<1x16xf32, #tpu.memory_space<vmem>>, vector<1x16xf32>
    %tile3A = tpu.concatenate %get3A_10, %get3A_10, %get3A_10, %get3A_10, %get3A_10, %get3A_10, %get3A_10, %get3A_10 in 1 : vector<1x16xf32>, vector<1x16xf32>, vector<1x16xf32>, vector<1x16xf32>, vector<1x16xf32>, vector<1x16xf32>, vector<1x16xf32>, vector<1x16xf32> -> vector<1x128xf32>
    %get3A_11 = arith.constant 0 : index
    %get3A_12 = arith.constant 0 : index
    %get3A_13 = vector.load %arg1[%get3A_11, %get3A_12] : memref<1250x128xf32, #tpu.memory_space<vmem>>, vector<1250x128xf32>
    %add3A_14 = arith.addf %add3A, %get3A_13 : vector<1250x128xf32>
    %mul3A = arith.mulf %get3A_7, %add3A_14 : vector<1250x128xf32>
    %add3A_15 = vector.broadcast %tile3A : vector<1x128xf32> to vector<1250x128xf32>
    %add3A_16 = arith.addf %mul3A, %add3A_15 : vector<1250x128xf32>
    %max3A = arith.constant 0.000000e+00 : f32
    %max3A_17 = vector.broadcast %max3A : f32 to vector<1250x128xf32>
    %max3A_18 = arith.maximumf %add3A_16, %max3A_17 : vector<1250x128xf32>
    %get3A_19 = arith.constant 0 : index
    %get3A_20 = arith.constant 0 : index
    %get3A_21 = vector.load %arg4[%get3A_19, %get3A_20] : memref<128x128xf32, #tpu.memory_space<vmem>>, vector<128x128xf32>
    %dot_general3A = arith.constant dense<0.000000e+00> : vector<1250x128xf32>
    %dot_general3A_22 = tpu.matmul %max3A_18, %get3A_21, %dot_general3A {dimension_numbers = #tpu.dot_dimension_numbers<[1], [0], [0], [1], [0, 0, 1, 1], [], []>, transpose_lhs_hint = false} : vector<1250x128xf32>, vector<128x128xf32>, vector<1250x128xf32> -> vector<1250x128xf32>
    %mul3A_23 = arith.mulf %get3A_7, %dot_general3A_22 : vector<1250x128xf32>
    %swap3A = arith.constant 0 : index
    %swap3A_24 = arith.constant 0 : index
    %swap3A_25 = vector.load %arg5[%swap3A, %swap3A_24] : memref<1250x128xf32, #tpu.memory_space<vmem>>, vector<1250x128xf32>
    tpu.vector_store %arg5[%swap3A, %swap3A_24], %mul3A_23 {strides = array<i32>} : memref<1250x128xf32, #tpu.memory_space<vmem>>, vector<1250x128xf32>,
    return
  }
}

module attributes {stable_mosaic.version = 14 : i64} {
  func.func @_tc3_body(%arg0: memref<2x1264x128xf32, #tpu.memory_space<vmem>>, %arg1: memref<1250x128xf32, #tpu.memory_space<vmem>>, %arg2: memref<1250x128xf32, #tpu.memory_space<vmem>>, %arg3: memref<1x8xf32, #tpu.memory_space<vmem>>, %arg4: memref<8x1250xi32, #tpu.memory_space<vmem>>, %arg5: memref<64x8xf32, #tpu.memory_space<vmem>>) attributes {dimension_semantics = [], scalar_prefetch = 0 : i64, scratch_operands = 0 : i64, tpu.core_type = #tpu.core_type<tc>} {
    %get3A = arith.constant 0 : index
    %get3A_0 = arith.constant 0 : index
    %get3A_1 = arith.constant 0 : index
    %get3A_2 = vector.load %arg0[%get3A, %get3A_0, %get3A_1] : memref<2x1264x128xf32, #tpu.memory_space<vmem>>, vector<2x1264x128xf32>
    %slice3A = vector.extract_strided_slice %get3A_2 {offsets = [0, 0, 0], sizes = [1, 1250, 128], strides = [1, 1, 1]} : vector<2x1264x128xf32> to vector<1x1250x128xf32>
    %squeeze3A = vector.shape_cast %slice3A : vector<1x1250x128xf32> to vector<1250x128xf32>
    %slice3A_3 = vector.extract_strided_slice %get3A_2 {offsets = [1, 0, 0], sizes = [1, 1250, 128], strides = [1, 1, 1]} : vector<2x1264x128xf32> to vector<1x1250x128xf32>
    %squeeze3A_4 = vector.shape_cast %slice3A_3 : vector<1x1250x128xf32> to vector<1250x128xf32>
    %add3A = arith.addf %squeeze3A, %squeeze3A_4 : vector<1250x128xf32>
    %get3A_5 = arith.constant 0 : index
    %get3A_6 = arith.constant 0 : index
    %get3A_7 = vector.load %arg3[%get3A_5, %get3A_6] : memref<1x8xf32, #tpu.memory_space<vmem>>, vector<1x8xf32>
    %broadcast_in_dim3A = arith.constant 0.000000e+00 : f32
    %broadcast_in_dim3A_8 = vector.broadcast %broadcast_in_dim3A : f32 to vector<1x8xf32>
    %concatenate3A = tpu.concatenate %get3A_7, %broadcast_in_dim3A_8 in 1 : vector<1x8xf32>, vector<1x8xf32> -> vector<1x16xf32>
    %tile3A = tpu.concatenate %concatenate3A, %concatenate3A, %concatenate3A, %concatenate3A, %concatenate3A, %concatenate3A, %concatenate3A, %concatenate3A in 1 : vector<1x16xf32>, vector<1x16xf32>, vector<1x16xf32>, vector<1x16xf32>, vector<1x16xf32>, vector<1x16xf32>, vector<1x16xf32>, vector<1x16xf32> -> vector<1x128xf32>
    %get3A_9 = arith.constant 0 : index
    %get3A_10 = arith.constant 0 : index
    %get3A_11 = vector.load %arg2[%get3A_9, %get3A_10] : memref<1250x128xf32, #tpu.memory_space<vmem>>, vector<1250x128xf32>
    %get3A_12 = arith.constant 0 : index
    %get3A_13 = arith.constant 0 : index
    %get3A_14 = vector.load %arg1[%get3A_12, %get3A_13] : memref<1250x128xf32, #tpu.memory_space<vmem>>, vector<1250x128xf32>
    %add3A_15 = arith.addf %add3A, %get3A_14 : vector<1250x128xf32>
    %mul3A = arith.mulf %get3A_11, %add3A_15 : vector<1250x128xf32>
    %add3A_16 = vector.broadcast %tile3A : vector<1x128xf32> to vector<1250x128xf32>
    %add3A_17 = arith.addf %mul3A, %add3A_16 : vector<1250x128xf32>
    %get3A_18 = arith.constant 0 : index
    %get3A_19 = arith.constant 0 : index
    %get3A_20 = vector.load %arg4[%get3A_18, %get3A_19] : memref<8x1250xi32, #tpu.memory_space<vmem>>, vector<8x1250xi32>
    %iota3A = tpu.iota {dimensions = array<i32: 0>} : vector<64x1xi32>
    %broadcast_in_dim3A_21 = arith.constant 0.000000e+00 : f32
    %broadcast_in_dim3A_22 = vector.broadcast %broadcast_in_dim3A_21 : f32 to vector<64x16xf32>
    %broadcast_in_dim3A_23 = arith.constant 0.000000e+00 : f32
    %broadcast_in_dim3A_24 = vector.broadcast %broadcast_in_dim3A_23 : f32 to vector<64x1xf32>
    %slice3A_25 = vector.extract_strided_slice %get3A_20 {offsets = [0, 0], sizes = [1, 1250], strides = [1, 1]} : vector<8x1250xi32> to vector<1x1250xi32>
    %eq3A = vector.broadcast %slice3A_25 : vector<1x1250xi32> to vector<64x1250xi32>
    %eq3A_26 = vector.broadcast %iota3A : vector<64x1xi32> to vector<64x1250xi32>
    %eq3A_27 = arith.cmpi eq, %eq3A, %eq3A_26 : vector<64x1250xi32>
    %convert_element_type3A = arith.extui %eq3A_27 : vector<64x1250xi1> to vector<64x1250xi32>
    %convert_element_type3A_28 = arith.sitofp %convert_element_type3A : vector<64x1250xi32> to vector<64x1250xf32>
    %slice3A_29 = vector.extract_strided_slice %add3A_17 {offsets = [0, 0], sizes = [1250, 16], strides = [1, 1]} : vector<1250x128xf32> to vector<1250x16xf32>
    %dot_general3A = arith.constant dense<0.000000e+00> : vector<64x16xf32>
    %dot_general3A_30 = tpu.matmul %convert_element_type3A_28, %slice3A_29, %dot_general3A {dimension_numbers = #tpu.dot_dimension_numbers<[1], [0], [0], [1], [0, 0, 1, 1], [], []>, transpose_lhs_hint = false} : vector<64x1250xf32>, vector<1250x16xf32>, vector<64x16xf32> -> vector<64x16xf32>
    %add3A_31 = arith.addf %broadcast_in_dim3A_22, %dot_general3A_30 : vector<64x16xf32>
    %reduce_sum3A = arith.constant dense<0.000000e+00> : vector<64xf32>
    %reduce_sum3A_32 = vector.multi_reduction <add>, %convert_element_type3A_28, %reduce_sum3A [1] : vector<64x1250xf32> to vector<64xf32>
    %broadcast_in_dim3A_33 = vector.shape_cast %reduce_sum3A_32 : vector<64xf32> to vector<64x1xf32>
    %add3A_34 = arith.addf %broadcast_in_dim3A_24, %broadcast_in_dim3A_33 : vector<64x1xf32>
    %slice3A_35 = vector.extract_strided_slice %get3A_20 {offsets = [1, 0], sizes = [1, 1250], strides = [1, 1]} : vector<8x1250xi32> to vector<1x1250xi32>
    %eq3A_36 = vector.broadcast %slice3A_35 : vector<1x1250xi32> to vector<64x1250xi32>
    %eq3A_37 = vector.broadcast %iota3A : vector<64x1xi32> to vector<64x1250xi32>
    %eq3A_38 = arith.cmpi eq, %eq3A_36, %eq3A_37 : vector<64x1250xi32>
    %convert_element_type3A_39 = arith.extui %eq3A_38 : vector<64x1250xi1> to vector<64x1250xi32>
    %convert_element_type3A_40 = arith.sitofp %convert_element_type3A_39 : vector<64x1250xi32> to vector<64x1250xf32>
    %slice3A_41 = vector.extract_strided_slice %add3A_17 {offsets = [0, 16], sizes = [1250, 16], strides = [1, 1]} : vector<1250x128xf32> to vector<1250x16xf32>
    %dot_general3A_42 = arith.constant dense<0.000000e+00> : vector<64x16xf32>
    %dot_general3A_43 = tpu.matmul %convert_element_type3A_40, %slice3A_41, %dot_general3A_42 {dimension_numbers = #tpu.dot_dimension_numbers<[1], [0], [0], [1], [0, 0, 1, 1], [], []>, transpose_lhs_hint = false} : vector<64x1250xf32>, vector<1250x16xf32>, vector<64x16xf32> -> vector<64x16xf32>
    %add3A_44 = arith.addf %add3A_31, %dot_general3A_43 : vector<64x16xf32>
    %reduce_sum3A_45 = arith.constant dense<0.000000e+00> : vector<64xf32>
    %reduce_sum3A_46 = vector.multi_reduction <add>, %convert_element_type3A_40, %reduce_sum3A_45 [1] : vector<64x1250xf32> to vector<64xf32>
    %broadcast_in_dim3A_47 = vector.shape_cast %reduce_sum3A_46 : vector<64xf32> to vector<64x1xf32>
    %add3A_48 = arith.addf %add3A_34, %broadcast_in_dim3A_47 : vector<64x1xf32>
    %slice3A_49 = vector.extract_strided_slice %get3A_20 {offsets = [2, 0], sizes = [1, 1250], strides = [1, 1]} : vector<8x1250xi32> to vector<1x1250xi32>
    %eq3A_50 = vector.broadcast %slice3A_49 : vector<1x1250xi32> to vector<64x1250xi32>
    %eq3A_51 = vector.broadcast %iota3A : vector<64x1xi32> to vector<64x1250xi32>
    %eq3A_52 = arith.cmpi eq, %eq3A_50, %eq3A_51 : vector<64x1250xi32>
    %convert_element_type3A_53 = arith.extui %eq3A_52 : vector<64x1250xi1> to vector<64x1250xi32>
    %convert_element_type3A_54 = arith.sitofp %convert_element_type3A_53 : vector<64x1250xi32> to vector<64x1250xf32>
    %slice3A_55 = vector.extract_strided_slice %add3A_17 {offsets = [0, 32], sizes = [1250, 16], strides = [1, 1]} : vector<1250x128xf32> to vector<1250x16xf32>
    %dot_general3A_56 = arith.constant dense<0.000000e+00> : vector<64x16xf32>
    %dot_general3A_57 = tpu.matmul %convert_element_type3A_54, %slice3A_55, %dot_general3A_56 {dimension_numbers = #tpu.dot_dimension_numbers<[1], [0], [0], [1], [0, 0, 1, 1], [], []>, transpose_lhs_hint = false} : vector<64x1250xf32>, vector<1250x16xf32>, vector<64x16xf32> -> vector<64x16xf32>
    %add3A_58 = arith.addf %add3A_44, %dot_general3A_57 : vector<64x16xf32>
    %reduce_sum3A_59 = arith.constant dense<0.000000e+00> : vector<64xf32>
    %reduce_sum3A_60 = vector.multi_reduction <add>, %convert_element_type3A_54, %reduce_sum3A_59 [1] : vector<64x1250xf32> to vector<64xf32>
    %broadcast_in_dim3A_61 = vector.shape_cast %reduce_sum3A_60 : vector<64xf32> to vector<64x1xf32>
    %add3A_62 = arith.addf %add3A_48, %broadcast_in_dim3A_61 : vector<64x1xf32>
    %slice3A_63 = vector.extract_strided_slice %get3A_20 {offsets = [3, 0], sizes = [1, 1250], strides = [1, 1]} : vector<8x1250xi32> to vector<1x1250xi32>
    %eq3A_64 = vector.broadcast %slice3A_63 : vector<1x1250xi32> to vector<64x1250xi32>
    %eq3A_65 = vector.broadcast %iota3A : vector<64x1xi32> to vector<64x1250xi32>
    %eq3A_66 = arith.cmpi eq, %eq3A_64, %eq3A_65 : vector<64x1250xi32>
    %convert_element_type3A_67 = arith.extui %eq3A_66 : vector<64x1250xi1> to vector<64x1250xi32>
    %convert_element_type3A_68 = arith.sitofp %convert_element_type3A_67 : vector<64x1250xi32> to vector<64x1250xf32>
    %slice3A_69 = vector.extract_strided_slice %add3A_17 {offsets = [0, 48], sizes = [1250, 16], strides = [1, 1]} : vector<1250x128xf32> to vector<1250x16xf32>
    %dot_general3A_70 = arith.constant dense<0.000000e+00> : vector<64x16xf32>
    %dot_general3A_71 = tpu.matmul %convert_element_type3A_68, %slice3A_69, %dot_general3A_70 {dimension_numbers = #tpu.dot_dimension_numbers<[1], [0], [0], [1], [0, 0, 1, 1], [], []>, transpose_lhs_hint = false} : vector<64x1250xf32>, vector<1250x16xf32>, vector<64x16xf32> -> vector<64x16xf32>
    %add3A_72 = arith.addf %add3A_58, %dot_general3A_71 : vector<64x16xf32>
    %reduce_sum3A_73 = arith.constant dense<0.000000e+00> : vector<64xf32>
    %reduce_sum3A_74 = vector.multi_reduction <add>, %convert_element_type3A_68, %reduce_sum3A_73 [1] : vector<64x1250xf32> to vector<64xf32>
    %broadcast_in_dim3A_75 = vector.shape_cast %reduce_sum3A_74 : vector<64xf32> to vector<64x1xf32>
    %add3A_76 = arith.addf %add3A_62, %broadcast_in_dim3A_75 : vector<64x1xf32>
    %slice3A_77 = vector.extract_strided_slice %get3A_20 {offsets = [4, 0], sizes = [1, 1250], strides = [1, 1]} : vector<8x1250xi32> to vector<1x1250xi32>
    %eq3A_78 = vector.broadcast %slice3A_77 : vector<1x1250xi32> to vector<64x1250xi32>
    %eq3A_79 = vector.broadcast %iota3A : vector<64x1xi32> to vector<64x1250xi32>
    %eq3A_80 = arith.cmpi eq, %eq3A_78, %eq3A_79 : vector<64x1250xi32>
    %convert_element_type3A_81 = arith.extui %eq3A_80 : vector<64x1250xi1> to vector<64x1250xi32>
    %convert_element_type3A_82 = arith.sitofp %convert_element_type3A_81 : vector<64x1250xi32> to vector<64x1250xf32>
    %slice3A_83 = vector.extract_strided_slice %add3A_17 {offsets = [0, 64], sizes = [1250, 16], strides = [1, 1]} : vector<1250x128xf32> to vector<1250x16xf32>
    %dot_general3A_84 = arith.constant dense<0.000000e+00> : vector<64x16xf32>
    %dot_general3A_85 = tpu.matmul %convert_element_type3A_82, %slice3A_83, %dot_general3A_84 {dimension_numbers = #tpu.dot_dimension_numbers<[1], [0], [0], [1], [0, 0, 1, 1], [], []>, transpose_lhs_hint = false} : vector<64x1250xf32>, vector<1250x16xf32>, vector<64x16xf32> -> vector<64x16xf32>
    %add3A_86 = arith.addf %add3A_72, %dot_general3A_85 : vector<64x16xf32>
    %reduce_sum3A_87 = arith.constant dense<0.000000e+00> : vector<64xf32>
    %reduce_sum3A_88 = vector.multi_reduction <add>, %convert_element_type3A_82, %reduce_sum3A_87 [1] : vector<64x1250xf32> to vector<64xf32>
    %broadcast_in_dim3A_89 = vector.shape_cast %reduce_sum3A_88 : vector<64xf32> to vector<64x1xf32>
    %add3A_90 = arith.addf %add3A_76, %broadcast_in_dim3A_89 : vector<64x1xf32>
    %slice3A_91 = vector.extract_strided_slice %get3A_20 {offsets = [5, 0], sizes = [1, 1250], strides = [1, 1]} : vector<8x1250xi32> to vector<1x1250xi32>
    %eq3A_92 = vector.broadcast %slice3A_91 : vector<1x1250xi32> to vector<64x1250xi32>
    %eq3A_93 = vector.broadcast %iota3A : vector<64x1xi32> to vector<64x1250xi32>
    %eq3A_94 = arith.cmpi eq, %eq3A_92, %eq3A_93 : vector<64x1250xi32>
    %convert_element_type3A_95 = arith.extui %eq3A_94 : vector<64x1250xi1> to vector<64x1250xi32>
    %convert_element_type3A_96 = arith.sitofp %convert_element_type3A_95 : vector<64x1250xi32> to vector<64x1250xf32>
    %slice3A_97 = vector.extract_strided_slice %add3A_17 {offsets = [0, 80], sizes = [1250, 16], strides = [1, 1]} : vector<1250x128xf32> to vector<1250x16xf32>
    %dot_general3A_98 = arith.constant dense<0.000000e+00> : vector<64x16xf32>
    %dot_general3A_99 = tpu.matmul %convert_element_type3A_96, %slice3A_97, %dot_general3A_98 {dimension_numbers = #tpu.dot_dimension_numbers<[1], [0], [0], [1], [0, 0, 1, 1], [], []>, transpose_lhs_hint = false} : vector<64x1250xf32>, vector<1250x16xf32>, vector<64x16xf32> -> vector<64x16xf32>
    %add3A_100 = arith.addf %add3A_86, %dot_general3A_99 : vector<64x16xf32>
    %reduce_sum3A_101 = arith.constant dense<0.000000e+00> : vector<64xf32>
    %reduce_sum3A_102 = vector.multi_reduction <add>, %convert_element_type3A_96, %reduce_sum3A_101 [1] : vector<64x1250xf32> to vector<64xf32>
    %broadcast_in_dim3A_103 = vector.shape_cast %reduce_sum3A_102 : vector<64xf32> to vector<64x1xf32>
    %add3A_104 = arith.addf %add3A_90, %broadcast_in_dim3A_103 : vector<64x1xf32>
    %slice3A_105 = vector.extract_strided_slice %get3A_20 {offsets = [6, 0], sizes = [1, 1250], strides = [1, 1]} : vector<8x1250xi32> to vector<1x1250xi32>
    %eq3A_106 = vector.broadcast %slice3A_105 : vector<1x1250xi32> to vector<64x1250xi32>
    %eq3A_107 = vector.broadcast %iota3A : vector<64x1xi32> to vector<64x1250xi32>
    %eq3A_108 = arith.cmpi eq, %eq3A_106, %eq3A_107 : vector<64x1250xi32>
    %convert_element_type3A_109 = arith.extui %eq3A_108 : vector<64x1250xi1> to vector<64x1250xi32>
    %convert_element_type3A_110 = arith.sitofp %convert_element_type3A_109 : vector<64x1250xi32> to vector<64x1250xf32>
    %slice3A_111 = vector.extract_strided_slice %add3A_17 {offsets = [0, 96], sizes = [1250, 16], strides = [1, 1]} : vector<1250x128xf32> to vector<1250x16xf32>
    %dot_general3A_112 = arith.constant dense<0.000000e+00> : vector<64x16xf32>
    %dot_general3A_113 = tpu.matmul %convert_element_type3A_110, %slice3A_111, %dot_general3A_112 {dimension_numbers = #tpu.dot_dimension_numbers<[1], [0], [0], [1], [0, 0, 1, 1], [], []>, transpose_lhs_hint = false} : vector<64x1250xf32>, vector<1250x16xf32>, vector<64x16xf32> -> vector<64x16xf32>
    %add3A_114 = arith.addf %add3A_100, %dot_general3A_113 : vector<64x16xf32>
    %reduce_sum3A_115 = arith.constant dense<0.000000e+00> : vector<64xf32>
    %reduce_sum3A_116 = vector.multi_reduction <add>, %convert_element_type3A_110, %reduce_sum3A_115 [1] : vector<64x1250xf32> to vector<64xf32>
    %broadcast_in_dim3A_117 = vector.shape_cast %reduce_sum3A_116 : vector<64xf32> to vector<64x1xf32>
    %add3A_118 = arith.addf %add3A_104, %broadcast_in_dim3A_117 : vector<64x1xf32>
    %slice3A_119 = vector.extract_strided_slice %get3A_20 {offsets = [7, 0], sizes = [1, 1250], strides = [1, 1]} : vector<8x1250xi32> to vector<1x1250xi32>
    %eq3A_120 = vector.broadcast %slice3A_119 : vector<1x1250xi32> to vector<64x1250xi32>
    %eq3A_121 = vector.broadcast %iota3A : vector<64x1xi32> to vector<64x1250xi32>
    %eq3A_122 = arith.cmpi eq, %eq3A_120, %eq3A_121 : vector<64x1250xi32>
    %convert_element_type3A_123 = arith.extui %eq3A_122 : vector<64x1250xi1> to vector<64x1250xi32>
    %convert_element_type3A_124 = arith.sitofp %convert_element_type3A_123 : vector<64x1250xi32> to vector<64x1250xf32>
    %slice3A_125 = vector.extract_strided_slice %add3A_17 {offsets = [0, 112], sizes = [1250, 16], strides = [1, 1]} : vector<1250x128xf32> to vector<1250x16xf32>
    %dot_general3A_126 = arith.constant dense<0.000000e+00> : vector<64x16xf32>
    %dot_general3A_127 = tpu.matmul %convert_element_type3A_124, %slice3A_125, %dot_general3A_126 {dimension_numbers = #tpu.dot_dimension_numbers<[1], [0], [0], [1], [0, 0, 1, 1], [], []>, transpose_lhs_hint = false} : vector<64x1250xf32>, vector<1250x16xf32>, vector<64x16xf32> -> vector<64x16xf32>
    %add3A_128 = arith.addf %add3A_114, %dot_general3A_127 : vector<64x16xf32>
    %reduce_sum3A_129 = arith.constant dense<0.000000e+00> : vector<64xf32>
    %reduce_sum3A_130 = vector.multi_reduction <add>, %convert_element_type3A_124, %reduce_sum3A_129 [1] : vector<64x1250xf32> to vector<64xf32>
    %broadcast_in_dim3A_131 = vector.shape_cast %reduce_sum3A_130 : vector<64xf32> to vector<64x1xf32>
    %add3A_132 = arith.addf %add3A_118, %broadcast_in_dim3A_131 : vector<64x1xf32>
    %slice3A_133 = vector.extract_strided_slice %add3A_128 {offsets = [0, 0], sizes = [64, 8], strides = [1, 1]} : vector<64x16xf32> to vector<64x8xf32>
    %max3A = arith.constant 1.000000e+00 : f32
    %max3A_134 = vector.broadcast %max3A : f32 to vector<64x1xf32>
    %max3A_135 = arith.maximumf %add3A_132, %max3A_134 : vector<64x1xf32>
    %div3A = vector.broadcast %max3A_135 : vector<64x1xf32> to vector<64x8xf32>
    %div3A_136 = arith.divf %slice3A_133, %div3A : vector<64x8xf32>
    %reduce_max3A = arith.constant dense<0xFF800000> : vector<64xf32>
    %reduce_max3A_137 = vector.multi_reduction <maximumf>, %div3A_136, %reduce_max3A [1] : vector<64x8xf32> to vector<64xf32>
    %broadcast_in_dim3A_138 = vector.shape_cast %reduce_max3A_137 : vector<64xf32> to vector<64x1xf32>
    %sub3A = vector.broadcast %broadcast_in_dim3A_138 : vector<64x1xf32> to vector<64x8xf32>
    %sub3A_139 = arith.subf %div3A_136, %sub3A : vector<64x8xf32>
    %exp3A = math.exp %sub3A_139 : vector<64x8xf32>
    %reduce_sum3A_140 = arith.constant dense<0.000000e+00> : vector<64xf32>
    %reduce_sum3A_141 = vector.multi_reduction <add>, %exp3A, %reduce_sum3A_140 [1] : vector<64x8xf32> to vector<64xf32>
    %broadcast_in_dim3A_142 = vector.shape_cast %reduce_sum3A_141 : vector<64xf32> to vector<64x1xf32>
    %log3A = math.log %broadcast_in_dim3A_142 : vector<64x1xf32>
    %add3A_143 = arith.addf %broadcast_in_dim3A_138, %log3A : vector<64x1xf32>
    %sub3A_144 = vector.broadcast %add3A_143 : vector<64x1xf32> to vector<64x8xf32>
    %sub3A_145 = arith.subf %div3A_136, %sub3A_144 : vector<64x8xf32>
    %swap3A = arith.constant 0 : index
    %swap3A_146 = arith.constant 0 : index
    %swap3A_147 = vector.load %arg5[%swap3A, %swap3A_146] : memref<64x8xf32, #tpu.memory_space<vmem>>, vector<64x8xf32>
    tpu.vector_store %arg5[%swap3A, %swap3A_146], %sub3A_145 {strides = array<i32>} : memref<64x8xf32, #tpu.memory_space<vmem>>, vector<64x8xf32>,
    return
  }
}

</mosaic_0001>

<sc_bundles>
// kernel: kernel.12.cloned.1.call-start
scs
__scs_entry_jumppad:
0x0: {  	(pc) =	sbr.rel $0x88, $3  }
0x1: {  	(tag) =	ssettag $0x0;
	lr =	simm.s32 $0x1  }
0x2: {  	[smem:$0x3F9A] =	sst lr;
	_ =	strace $0xD0000000  }
0x3: {  	_ = 	snop  }
0x4: {  	_ = 	snop  }
0x5: {  	_ = 	snop  }
0x6: {  	_ = 	snop  }
0x7: {  	_ = 	snop  }
__scs_overlays_trampoline_lowered:
0x8: {  	[smem:$0x3FA9] =	sst s0  }
0x9: {  	[smem:$0x3FAA] =	sst s1  }
0xa: {  	[smem:$0x3FAB] =	sst s2  }
0xb: {  	[smem:$0x3FAC] =	sst s3  }
0xc: {  	[smem:$0x3FAD] =	sst s4  }
0xd: {  	[smem:$0x3FAE] =	sst s5  }
0xe: {  	[smem:$0x3FAF] =	sst s6  }
0xf: {  	[smem:$0x3FB0] =	sst s7  }
0x10: {  	[smem:$0x3FB1] =	sst s8  }
0x11: {  	[smem:$0x3FB2] =	sst s9;
	s0 =	simm.s32 @!p0 $0x0  }
0x12: {  	s1 =	sld [smem:$0x3F98];
	s0 =	simm.s32 @p0 $0x1  }
0x13: {  	[smem:$0x3FB3] =	sst s0;
	s0 =	simm.s32 @!p1 $0x0  }
0x14: {  	s2 =	sld [smem:$0x3F97];
	s0 =	simm.s32 @p1 $0x1  }
0x15: {  	[smem:$0x3FB4] =	sst s0;
	s0 =	simm.s32 @!p2 $0x0  }
0x16: {  	s3 =	sld [smem:$0x3FDB];
	s0 =	simm.s32 @p2 $0x1  }
0x17: {  	s4 =	simm.s32 $0x1BF5;
	[smem:$0x3FB6] =	sst s0  }
0x18: {  	s0 =	sld [smem:$0x3F99];
	_ =	swait.ge [sflag:s4], $0x0  }
0x19: {  	s7 =	sld [smem:$0x3F9A]  }
0x1a: {  	s8 =	sadd.s32 $0xFFFFE003, lr  }
0x1b: {  	s9 =	sadd.s32 $0xFFFFFEF7, lr;
	s5 =	simm.s32 $0xFFFFFFFF;
	p2 =	slt.u32 s8, $0xFFFFF086  }
0x1c: {  	p1 =	slt.u32 s9, $0xF7A;
	s5 =	simm.s32 @!p2 $0x0  }
0x1d: {  	s5 =	simm.s32 @p1 $0x1;
	p0 =	seq.s32 s7, s2  }
0x1e: {  	s7 =	smul.u32 @!p0 $0xF7A, s2;
	p2 =	seq.s32 @!p0 s5, $0x0  }
0x1f: {  	s9 =	smul.u32 $0xF7A, s1;
	s8 =	simm.s32 @!p0 $0x1BF5;
	p2 =	por !p2, p0  }
0x20: {  	[sflag:s8] =	ssyncset.s32 @!p0 $0xFFFFF086;
	s6 =	sadd.s32 @!p0 s3, s7;
	s7 =	simm.s32 @!p0 $0x108  }
0x21: {  	s3 =	sadd.s32 s3, s9;
	s6 =	sadd.s32 @!p0 $0x88, s6;
	s7 =	simm.s32 @p2 $0x1082  }
0x22: {  	[simem:s7], [sflag:s8] =	dma.local @!p0 [hbm:s6], $0xF7A  }
0x23: {  	s9 =	sor.u32 $0xD0000000, s2;
	s6 =	simm.s32 $0x108;
	_ =	swait.ge @!p0 [sflag:s8], $0x0  }
0x24: {  	s3 =	sadd.s32 $0x88, s3;
	s6 =	simm.s32 @!p1 $0x1082;
	[sflag:s4] =	ssyncset.s32 $0xFFFFF086  }
0x25: {  	[simem:s6], [sflag:s4] =	dma.local [hbm:s3], $0xF7A  }
0x26: {  	[smem:$0x3F9A] =	sst s1;
	(tag) =	ssettag s2;
	_ =	strace s9  }
0x27: {  	s1 =	sld [smem:$0x3FAA]  }
0x28: {  	s2 =	sld [smem:$0x3FAB]  }
0x29: {  	s4 =	sld [smem:$0x3FAD]  }
0x2a: {  	p0 =	seq.s32 s5, $0x0;
	s5 =	sld [smem:$0x3FAE]  }
0x2b: {  	s6 =	sld [smem:$0x3FAF]  }
0x2c: {  	s7 =	sld [smem:$0x3FB0]  }
0x2d: {  	s3 =	simm.s32 $0x108;
	s8 =	sld [smem:$0x3FB1]  }
0x2e: {  	s3 =	simm.s32 @!p0 $0x1082;
	s9 =	sld [smem:$0x3FB2]  }
0x2f: {  	lr =	sadd.s32 s0, s3;
	s0 =	sld [smem:$0x3FA9]  }
0x30: {  	s3 =	sld [smem:$0x3FAC]  }
0x31: {  	[smem:$0x3FB5] =	sst s10  }
0x32: {  	s10 =	sld [smem:$0x3FB3];
	_ =	sdelay $0x3  }
0x33: {  	p0 =	seq.s32 s10, $0x1;
	s10 =	sld [smem:$0x3FB5];
	_ =	sdelay $0x3  }
0x34: {  	[smem:$0x3FB5] =	sst s10  }
0x35: {  	s10 =	sld [smem:$0x3FB4];
	_ =	sdelay $0x3  }
0x36: {  	p1 =	seq.s32 s10, $0x1;
	s10 =	sld [smem:$0x3FB5];
	_ =	sdelay $0x3  }
0x37: {  	[smem:$0x3FB5] =	sst s10  }
0x38: {  	s10 =	sld [smem:$0x3FB6]  }
0x39: {  	_ = 	snop;
	(pc) =	sbr.ind lr, $3  }
0x3a: {  	_ = 	snop  }
0x3b: {  	_ = 	snop  }
0x3c: {  	p2 =	seq.s32 s10, $0x1;
	s10 =	sld [smem:$0x3FB5]  }
0x3d: {  	_ =	shalt  }
0x3e: {  	_ =	shalt  }
0x3f: {  	_ =	shalt  }
0x40: {  	_ =	shalt  }
0x41: {  	_ =	shalt  }
0x42: {  	_ =	shalt  }
0x43: {  	_ =	shalt  }
0x44: {  	_ =	shalt  }
0x45: {  	_ =	shalt  }
0x46: {  	_ =	shalt  }
0x47: {  	_ =	shalt  }
0x48: {  	_ =	shalt  }
0x49: {  	_ =	shalt  }
0x4a: {  	_ =	shalt  }
0x4b: {  	_ =	shalt  }
0x4c: {  	_ =	shalt  }
0x4d: {  	_ =	shalt  }
0x4e: {  	_ =	shalt  }
0x4f: {  	_ =	shalt  }
0x50: {  	_ =	shalt  }
0x51: {  	_ =	shalt  }
0x52: {  	_ =	shalt  }
0x53: {  	_ =	shalt  }
0x54: {  	_ =	shalt  }
0x55: {  	_ =	shalt  }
0x56: {  	_ =	shalt  }
0x57: {  	_ =	shalt  }
0x58: {  	_ =	shalt  }
0x59: {  	_ =	shalt  }
0x5a: {  	_ =	shalt  }
0x5b: {  	_ =	shalt  }
0x5c: {  	_ =	shalt  }
0x5d: {  	_ =	shalt  }
0x5e: {  	_ =	shalt  }
0x5f: {  	_ =	shalt  }
0x60: {  	_ =	shalt  }
0x61: {  	_ =	shalt  }
0x62: {  	_ =	shalt  }
0x63: {  	_ =	shalt  }
0x64: {  	_ =	shalt  }
0x65: {  	_ =	shalt  }
0x66: {  	_ =	shalt  }
0x67: {  	_ =	shalt  }
0x68: {  	_ =	shalt  }
0x69: {  	_ =	shalt  }
0x6a: {  	_ =	shalt  }
0x6b: {  	_ =	shalt  }
0x6c: {  	_ =	shalt  }
0x6d: {  	_ =	shalt  }
0x6e: {  	_ =	shalt  }
0x6f: {  	_ =	shalt  }
0x70: {  	_ =	shalt  }
0x71: {  	_ =	shalt  }
0x72: {  	_ =	shalt  }
0x73: {  	_ =	shalt  }
0x74: {  	_ =	shalt  }
0x75: {  	_ =	shalt  }
0x76: {  	_ =	shalt  }
0x77: {  	_ =	shalt  }
0x78: {  	_ =	shalt  }
0x79: {  	_ =	shalt  }
0x7a: {  	_ =	shalt  }
0x7b: {  	_ =	shalt  }
0x7c: {  	_ =	shalt  }
0x7d: {  	_ =	shalt  }
0x7e: {  	_ =	shalt  }
0x7f: {  	_ =	shalt  }
0x80: {  	_ =	shalt  }
0x81: {  	_ =	shalt  }
0x82: {  	_ =	shalt  }
0x83: {  	_ =	shalt  }
0x84: {  	_ =	shalt  }
0x85: {  	_ =	shalt  }
0x86: {  	_ =	shalt  }
0x87: {  	_ =	shalt  }
.Lfunc_end0:
.L_simem_size_0:
called_computation.1_lowered:
.L_overlay_start_0:
0x88: {  	s2 =	sld [smem:$0x3FD9]  }
0x89: {  	s3 =	sld [smem:$0x3FFE];
	_ =	sdelay $0x1  }
0x8a: {  	s1 =	srdreg.scid  }
0x8b: {  	s0 =	sand.u32 $0x1, s1  }
0x8c: {  	s16 =	sshll.u32 s0, $0xA;
	s2 =	sadd.s32 s3, s2  }
0x8d: {  	s2 =	sadd.s32 s2, s16  }
0x8e: {  	[smem:$0x3FC1] =	sst s2  }
0x8f: {  	_ = 	snop  }
0x90: {  	(tm) =	ssettm $0x1  }
0x91: {  	s17 =	sld [smem:$0x3FFB];
	_ =	sdelay $0x3  }
0x92: {  	_ =	strace s17  }
0x93: {  	s2 =	sld [smem:$0x3FFC];
	_ =	sdelay $0x3  }
0x94: {  	_ =	strace s2  }
0x95: {  	s2 =	sld [smem:$0x3FFD];
	_ =	sdelay $0x3  }
0x96: {  	_ =	strace s2  }
0x97: {  	_ =	strace $0x8FFFFFFF  }
0x98: {  	s18 =	sld [smem:$0x3FDB];
	_ =	sdelay $0x1  }
0x99: {  	s19 =	simm.s32 $_scs_section_size  }
0x9a: {  	s4 =	simm.s32 $_size__tile_overlayer_lowered;
	s5 =	simm.s32 $_tile_overlayer_lowered  }
0x9b: {  	s22 =	simm.s32 $0x1BFF;
	s21 =	sshll.u32 s5, $0x1;
	s2 =	sadd.s32 s19, s18  }
0x9c: {  	s6 =	simm.s32 $0x0;
	s20 =	sshll.u32 s4, $0x1;
	s4 =	sadd.s32 s21, s2  }
0x9d: {  	[timem:s6], [sflag:s22] =	dma.local [hbm:s4], s20  }
0x9e: {  	_ =	swait.ge [sflag:s22], s20  }
0x9f: {  	s3 =	ssub.s32 $0x0, s20;
	[sflag:s22] =	ssyncset.done $0x0  }
0xa0: {  	[sflag:s22] =	ssyncadd.s32 s3;
	_ =	sdelay $0x1  }
0xa1: {  	s23 =	simm.s32 $0x1B8B  }
0xa2: {  	_ =	swait.ge [sflag:s23], $0x1  }
0xa3: {  	[sflag:s23] =	ssyncset.done $0x0  }
0xa4: {  	s25 =	simm.s32 $0x1B8E;
	s24 =	sld [smem:$0x3FFE];
	[sflag:s23] =	ssyncadd.s32 $0xFFFFFFFF  }
0xa5: {  	s26 =	simm.s32 $execute0_lowered;
	[smem:$0x3FD2] =	sst s25  }
0xa6: {  	s4 =	sshll.u32 s26, $0x1;
	_ =	strace $0x80000049;
	[dreg:$0x1] =	wrdreg $0xFFFFFFFF  }
0xa7: {  	s28 =	simm.s32 $_size_execute0_lowered;
	s2 =	sadd.s32 s2, s4;
	[dreg:$0x0] =	wrdreg $0x0  }
0xa8: {  	s4 =	sshll.u32 s28, $0x1;
	[dreg:$0x2] =	wrdreg s2  }
0xa9: {  	[dreg:$0x3] =	wrdreg s4  }
0xaa: {  	[dreg:$0x4] =	wrdreg $0xC0  }
0xab: {  	_ =	task [dreg:s6], $0x5FFFF  }
0xac: {  	[dreg:$0x1] =	wrdreg $0xFFFFFFFF  }
0xad: {  	[dreg:$0x0] =	wrdreg $0x60  }
0xae: {  	[dreg:$0x2] =	wrdreg s24  }
0xaf: {  	[dreg:$0x3] =	wrdreg $0x0  }
0xb0: {  	[dreg:$0x4] =	wrdreg $0x9  }
0xb1: {  	_ =	task.clear_ibuf [dreg:s6], $0x5FFFF;
	_ =	strace $0x90000049  }
0xb2: {  	s29 =	simm.s32 $0x9;
	_ =	strace $0x8000004B  }
0xb3: {  	_ =	swait.ge [sflag:s29], $0x1  }
0xb4: {  	[sflag:s29] =	ssyncadd.s32 $0xFFFFFFFF  }
0xb5: {  	_ =	strace $0x9000004B  }
0xb6: {  	_ =	sfence  }
0xb7: {  	s30 =	sld [smem:$0x0];
	_ =	sdelay $0x2  }
0xb8: {  	s31 =	sshll.u32 s1, $0xD;
	s1 =	sshrl.u32 s1, $0x2  }
0xb9: {  	s3 =	sand.u32 $0x4000, s31;
	s1 =	sadd.s32 s1, s30  }
0xba: {  	s0 =	sor.u32 s3, s0;
	s1 =	sshll.u32 s1, $0x11  }
0xbb: {  	s0 =	sor.u32 s1, s0  }
0xbc: {  	s0 =	sadd.s32 $0x8F2B, s0  }
0xbd: {  	[sflag:s0] =	ssyncadd.remote.s32 $0x1  }
0xbe: {  	_ =	sfence.sel $0xFFFF  }
0xbf: {  	[dreg:$0x0] =	wrdreg $0xFFFFFFFF;
	(pc) =	sbr.abs _section_cstart, $3  }
0xc0: {  	[dreg:$0x1] =	wrdreg $0xFFFFFFFF  }
0xc1: {  	_ =	task.clear_ibuf [dreg:s6], $0x2FFFF;
	_ =	strace $0x9FFFFFFF  }
0xc2: {  	(tm) =	ssettm $0x7FFFFFFF  }
0xc3: {  	_ =	shalt  }
tec
execute0_lowered:
.L_overlay_start_1:
0x0: {  	(tag) =	ssettag $0x1  }
0x1: {  	s0 =	rddreg [dreg:$0x0]  }
0x2: {  	s2 =	rddreg [dreg:$0x1]  }
0x3: {  	s1 =	srdreg.scid;
	s9 =	stileid.u32  }
0x4: {  	s11 =	simm.s32 $0x0;
	s19 =	simm.s32 $0x80;
	s29 =	simm.s32 $0xAE80  }
0x5: {  	s28 =	simm.s32 $0xA;
	s30 =	simm.s32 $0x3;
	s15 =	simm.s32 $0xD  }
0x6: {  	s12 =	simm.s32 $0xE;
	s13 =	simm.s32 $0x7;
	s16 =	simm.s32 $0x0  }
0x7: {  	s31 =	simm.s32 $0x8E80;
	s1 =	sand.u32 $0x1, s1;
	s3 =	smul.u32 $0x2780, s9  }
0x8: {  	[smem:$0x7FF] =	sst s11;
	s4 =	sadd.s32 $0x16800, s0;
	s7 =	sadd.s32 $0x2E00, s0  }
0x9: {  	s10 =	sadd.s32 $0x1B800, s0;
	s24 =	sshll.u32 s9, $0x4;
	s5 =	smul.u32 $0x27800, s1  }
0xa: {  	_ =	strace $0x8000004A;
	s6 =	sshll.u32 s1, $0x4;
	s1 =	ssub.s32 $0x2, s1  }
0xb: {  	[dreg:$0x3] =	wrdreg s10;
	s10 =	simm.s32 $0x6;
	s8 =	sor.u32 s9, s6  }
0xc: {  	s21 =	sshrl.u32 s1, $0x1;
	s20 =	sadd.s32 s3, s2;
	s9 =	simm.s32 $0x5  }
0xd: {  	s5 =	sadd.s32 s3, s5;
	s6 =	smul.u32 $0x2700, s8;
	s1 =	ssub.s32 s1, s21  }
0xe: {  	p0 =	slt.u32 s8, $0x4;
	s21 =	simm.s32 $0x4;
	s3 =	simm.s32 $0x8  }
0xf: {  	[dreg:$0x8] =	wrdreg s20;
	s5 =	sshrl.u32 s5, $0x3;
	s26 =	smax.u32 s1, $0x1  }
0x10: {  	s0 =	sadd.s32 s5, s0;
	s22 =	sshrl.u32 s6, $0x3;
	s6 =	simm.s32 $0x4F  }
0x11: {  	s5 =	sadd.s32 s24, s7;
	[dreg:$0xa] =	wrdreg s26;
	s26 =	simm.s32 $0xA680  }
0x12: {  	s23 =	sadd.s32 s7, s22;
	s6 =	simm.s32 @!p0 $0x4E;
	s7 =	sadd.s32 $0x9C00, s5  }
0x13: {  	s5 =	sadd.s32 $0x13840, s5;
	s0 =	sadd.s32 $0x1BE00, s0;
	[dreg:$0x4] =	wrdreg s23  }
0x14: {  	p0 =	sgt.u32 s8, $0x3;
	s22 =	simm.s32 $0xB680;
	[dreg:$0x6] =	wrdreg s7  }
0x15: {  	s8 =	simm.s32 $0x10;
	s25 =	sadd.s32 $0x9C40, s23;
	[dreg:$0x7] =	wrdreg s5  }
0x16: {  	[dreg:$0x9] =	wrdreg s0;
	s0 =	simm.s32 $0xB;
	s5 =	simm.s32 $0xC  }
0x17: {  	s7 =	simm.s32 $0xF;
	[dreg:$0x5] =	wrdreg s25;
	s25 =	simm.s32 $0x2  }
.LBB2_1:
0x18: {  	s1 =	rddreg [dreg:$0x3]  }
0x19: {  	[tilespmem:s22], [sflag:$0x9] =	stream.linear.gather [hbm4b:s1+s11], $0x2780, $0x38;
	[tilespmem:$0xDE00] =	vst v63  }
0x1a: {  	s17 =	rddreg [dreg:$0x4];
	s18 =	simm.s32 $0x2780  }
0x1b: {  	[tilespmem:s18], [sflag:$0x1] =	stream.linear.gather [hbm4b:s17+s11], $0x2700, $0x38;
	[tilespmem:$0xDE00] =	vst v63  }
0x1c: {  	s14 =	rddreg [dreg:$0x5];
	s1 =	simm.s32 @p0 $0x0;
	s11 =	simm.s32 @p0 $0x4F00  }
0x1d: {  	[tilespmem:s11], [sflag:$0x2] =	stream.linear.gather @p0 [hbm4b:s14+s1], $0x2700, $0x38;
	[tilespmem:$0xDE00] =	vst v63  }
0x1e: {  	s17 =	rddreg [dreg:$0x6];
	s1 =	simm.s32 @!p0 $0x0;
	s11 =	simm.s32 @!p0 $0x4E80  }
0x1f: {  	[tilespmem:s11], [sflag:$0x1] =	stream.linear.gather @!p0 [hbm4b:s17+s1], $0x80, $0x38;
	[tilespmem:$0xDE00] =	vst v63  }
0x20: {  	[dreg:$0xb] =	wrdreg s16;
	s11 =	simm.s32 @!p0 $0x4F00  }
0x21: {  	[tilespmem:s11], [sflag:$0x2] =	stream.linear.gather @!p0 [hbm4b:s14+s1], $0x2700, $0x38;
	[tilespmem:$0xDE00] =	vst v63  }
0x22: {  	s24 =	simm.s32 $0x9;
	s11 =	simm.s32 @!p0 $0x7600;
	s14 =	rddreg [dreg:$0x7]  }
0x23: {  	[tilespmem:s11], [sflag:$0x2] =	stream.linear.gather @!p0 [hbm4b:s14+s1], $0x80, $0x38;
	[tilespmem:$0xDE00] =	vst v63  }
0x24: {  	_ =	swait.ge [sflag:s24], $0x2780  }
0x25: {  	[sflag:s24] =	ssyncset.done $0x0  }
0x26: {  	s23 =	simm.s32 $0x11;
	[sflag:s24] =	ssyncadd.s32 $0xFFFFD880  }
0x27: {  	[spmem:s20] =	stream.linear.scatter [tilespmem:s22], [sflag:$0x11], $0x2780, $0x38;
	[tilespmem:$0xDE00] =	vst v63  }
0x28: {  	_ =	swait.ge [sflag:s23], $0x2780  }
0x29: {  	[sflag:s23] =	ssyncset.done $0x0  }
0x2a: {  	s22 =	simm.s32 $0x1;
	[sflag:s23] =	ssyncadd.s32 $0xFFFFD880  }
0x2b: {  	_ =	swait.ge [sflag:s22], $0x2700  }
0x2c: {  	[sflag:s22] =	ssyncset.done $0x0  }
0x2d: {  	s1 =	simm.s32 @p0 $0x2;
	[sflag:s22] =	ssyncadd.s32 $0xFFFFD900  }
0x2e: {  	_ =	swait.ge @p0 [sflag:s1], $0x2700  }
0x2f: {  	[sflag:s1] =	ssyncset.done @p0 $0x0  }
0x30: {  	[sflag:s1] =	ssyncadd.s32 @p0 $0xFFFFD900;
	s1 =	simm.s32 @!p0 $0x1  }
0x31: {  	_ =	swait.ge @!p0 [sflag:s1], $0x80  }
0x32: {  	[sflag:s1] =	ssyncset.done @!p0 $0x0  }
0x33: {  	[sflag:s1] =	ssyncadd.s32 @!p0 $0xFFFFFF80;
	s1 =	simm.s32 @!p0 $0x2  }
0x34: {  	_ =	swait.ge @!p0 [sflag:s1], $0x2700  }
0x35: {  	[sflag:s1] =	ssyncset.done @!p0 $0x0  }
0x36: {  	[sflag:s1] =	ssyncadd.s32 @!p0 $0xFFFFD900  }
0x37: {  	_ =	swait.ge @!p0 [sflag:s1], $0x80  }
0x38: {  	[sflag:s1] =	ssyncset.done @!p0 $0x0  }
0x39: {  	[sflag:s1] =	ssyncadd.s32 @!p0 $0xFFFFFF80  }
0x3a: {  	s11 =	simm.s32 $0x7680;
	[bflag:$0x0] =	sbarrier.arrive $0xFFFF  }
0x3b: {  	[tilespmem:s11], [sflag:$0x1] =	stream.indirect.gather [hbm4b:s4+s19], $0x10, s18, s19, $0xb8;
	[tilespmem:$0xDE00] =	vst v63  }
0x3c: {  	s14 =	simm.s32 $0x7E80;
	s20 =	simm.s32 $0x2800  }
0x3d: {  	[tilespmem:s14], [sflag:$0x2] =	stream.indirect.gather [hbm4b:s4+s19], $0x10, s20, s19, $0xb8;
	[tilespmem:$0xDE00] =	vst v63  }
0x3e: {  	s17 =	simm.s32 $0x8680;
	s23 =	simm.s32 $0x2880  }
0x3f: {  	[tilespmem:s17], [sflag:$0x3] =	stream.indirect.gather [hbm4b:s4+s19], $0x10, s23, s19, $0xb8;
	[tilespmem:$0xDE00] =	vst v63  }
0x40: {  	s16 =	simm.s32 $0x2900;
	s20 =	simm.s32 $0x8E80  }
0x41: {  	[tilespmem:s20], [sflag:$0x4] =	stream.indirect.gather [hbm4b:s4+s19], $0x10, s16, s19, $0xb8;
	[tilespmem:$0xDE00] =	vst v63  }
0x42: {  	s18 =	simm.s32 $0x2980;
	s16 =	simm.s32 $0x9680  }
0x43: {  	[tilespmem:s16], [sflag:$0x5] =	stream.indirect.gather [hbm4b:s4+s19], $0x10, s18, s19, $0xb8;
	[tilespmem:$0xDE00] =	vst v63  }
0x44: {  	s23 =	simm.s32 $0x2A00;
	s18 =	simm.s32 $0x9E80  }
0x45: {  	[tilespmem:s18], [sflag:$0x6] =	stream.indirect.gather [hbm4b:s4+s19], $0x10, s23, s19, $0xb8;
	[tilespmem:$0xDE00] =	vst v63  }
0x46: {  	s23 =	simm.s32 $0x2A80  }
0x47: {  	[tilespmem:s26], [sflag:$0x7] =	stream.indirect.gather [hbm4b:s4+s19], $0x10, s23, s19, $0xb8;
	[tilespmem:$0xDE00] =	vst v63  }
0x48: {  	s23 =	simm.s32 $0x2B00  }
0x49: {  	[tilespmem:s29], [sflag:$0x8] =	stream.indirect.gather [hbm4b:s4+s19], $0x10, s23, s19, $0xb8;
	[tilespmem:$0xDE00] =	vst v63  }
0x4a: {  	_ =	swait.ge [sflag:s22], $0x800  }
0x4b: {  	[sflag:s22] =	ssyncset.done $0x0  }
0x4c: {  	s23 =	simm.s32 $0x4F00;
	[sflag:s22] =	ssyncadd.s32 $0xFFFFF800  }
0x4d: {  	[spmem:s2] =	stream.indirect.scatter.add.f32 [tilespmem:s11], [sflag:$0x9], $0x10, s23, s19, $0xb8;
	[tilespmem:$0xDE00] =	vst v63  }
0x4e: {  	_ =	swait.ge [sflag:s24], $0x800  }
0x4f: {  	[sflag:s24] =	ssyncset.done $0x0  }
0x50: {  	[sflag:s24] =	ssyncadd.s32 $0xFFFFF800;
	s24 =	simm.s32 $0x2B80  }
0x51: {  	[tilespmem:s11], [sflag:$0x1] =	stream.indirect.gather [hbm4b:s4+s19], $0x10, s24, s19, $0xb8;
	[tilespmem:$0xDE00] =	vst v63  }
0x52: {  	_ =	swait.ge [sflag:s25], $0x800  }
0x53: {  	[sflag:s25] =	ssyncset.done $0x0  }
0x54: {  	s11 =	simm.s32 $0x4F80;
	[sflag:s25] =	ssyncadd.s32 $0xFFFFF800  }
0x55: {  	[spmem:s2] =	stream.indirect.scatter.add.f32 [tilespmem:s14], [sflag:$0xA], $0x10, s11, s19, $0xb8;
	[tilespmem:$0xDE00] =	vst v63  }
0x56: {  	_ =	swait.ge [sflag:s28], $0x800  }
0x57: {  	[sflag:s28] =	ssyncset.done $0x0  }
0x58: {  	s22 =	simm.s32 $0x2C00;
	[sflag:s28] =	ssyncadd.s32 $0xFFFFF800  }
0x59: {  	[tilespmem:s14], [sflag:$0x2] =	stream.indirect.gather [hbm4b:s4+s19], $0x10, s22, s19, $0xb8;
	[tilespmem:$0xDE00] =	vst v63  }
0x5a: {  	_ =	swait.ge [sflag:s30], $0x800  }
0x5b: {  	[sflag:s30] =	ssyncset.done $0x0  }
0x5c: {  	s23 =	simm.s32 $0x5000;
	[sflag:s30] =	ssyncadd.s32 $0xFFFFF800  }
0x5d: {  	[spmem:s2] =	stream.indirect.scatter.add.f32 [tilespmem:s17], [sflag:$0xB], $0x10, s23, s19, $0xb8;
	[tilespmem:$0xDE00] =	vst v63  }
0x5e: {  	_ =	swait.ge [sflag:s0], $0x800  }
0x5f: {  	[sflag:s0] =	ssyncset.done $0x0  }
0x60: {  	s24 =	simm.s32 $0x2C80;
	[sflag:s0] =	ssyncadd.s32 $0xFFFFF800  }
0x61: {  	[tilespmem:s17], [sflag:$0x3] =	stream.indirect.gather [hbm4b:s4+s19], $0x10, s24, s19, $0xb8;
	[tilespmem:$0xDE00] =	vst v63  }
0x62: {  	_ =	swait.ge [sflag:s21], $0x800  }
0x63: {  	[sflag:s21] =	ssyncset.done $0x0  }
0x64: {  	s11 =	simm.s32 $0x5080;
	[sflag:s21] =	ssyncadd.s32 $0xFFFFF800  }
0x65: {  	[spmem:s2] =	stream.indirect.scatter.add.f32 [tilespmem:s20], [sflag:$0xC], $0x10, s11, s19, $0xb8;
	[tilespmem:$0xDE00] =	vst v63  }
0x66: {  	_ =	swait.ge [sflag:s5], $0x800  }
0x67: {  	[sflag:s5] =	ssyncset.done $0x0  }
0x68: {  	s14 =	simm.s32 $0x2D00;
	[sflag:s5] =	ssyncadd.s32 $0xFFFFF800  }
0x69: {  	[tilespmem:s20], [sflag:$0x4] =	stream.indirect.gather [hbm4b:s4+s19], $0x10, s14, s19, $0xb8;
	[tilespmem:$0xDE00] =	vst v63  }
0x6a: {  	_ =	swait.ge [sflag:s9], $0x800  }
0x6b: {  	[sflag:s9] =	ssyncset.done $0x0  }
0x6c: {  	s17 =	simm.s32 $0x5100;
	[sflag:s9] =	ssyncadd.s32 $0xFFFFF800  }
0x6d: {  	[spmem:s2] =	stream.indirect.scatter.add.f32 [tilespmem:s16], [sflag:$0xD], $0x10, s17, s19, $0xb8;
	[tilespmem:$0xDE00] =	vst v63  }
0x6e: {  	_ =	swait.ge [sflag:s15], $0x800  }
0x6f: {  	[sflag:s15] =	ssyncset.done $0x0  }
0x70: {  	s20 =	simm.s32 $0x2D80;
	[sflag:s15] =	ssyncadd.s32 $0xFFFFF800  }
0x71: {  	[tilespmem:s16], [sflag:$0x5] =	stream.indirect.gather [hbm4b:s4+s19], $0x10, s20, s19, $0xb8;
	[tilespmem:$0xDE00] =	vst v63  }
0x72: {  	_ =	swait.ge [sflag:s10], $0x800  }
0x73: {  	[sflag:s10] =	ssyncset.done $0x0  }
0x74: {  	s22 =	simm.s32 $0x5180;
	[sflag:s10] =	ssyncadd.s32 $0xFFFFF800  }
0x75: {  	[spmem:s2] =	stream.indirect.scatter.add.f32 [tilespmem:s18], [sflag:$0xE], $0x10, s22, s19, $0xb8;
	[tilespmem:$0xDE00] =	vst v63  }
0x76: {  	_ =	swait.ge [sflag:s12], $0x800  }
0x77: {  	[sflag:s12] =	ssyncset.done $0x0  }
0x78: {  	s23 =	simm.s32 $0x2E00;
	[sflag:s12] =	ssyncadd.s32 $0xFFFFF800  }
0x79: {  	[tilespmem:s18], [sflag:$0x6] =	stream.indirect.gather [hbm4b:s4+s19], $0x10, s23, s19, $0xb8;
	[tilespmem:$0xDE00] =	vst v63  }
0x7a: {  	_ =	swait.ge [sflag:s13], $0x800  }
0x7b: {  	[sflag:s13] =	ssyncset.done $0x0  }
0x7c: {  	s24 =	simm.s32 $0x5200;
	[sflag:s13] =	ssyncadd.s32 $0xFFFFF800  }
0x7d: {  	[spmem:s2] =	stream.indirect.scatter.add.f32 [tilespmem:s26], [sflag:$0xF], $0x10, s24, s19, $0xb8;
	[tilespmem:$0xDE00] =	vst v63  }
0x7e: {  	p1 =	sle.u32 s6, $0xE;
	_ =	swait.ge [sflag:s7], $0x800  }
0x7f: {  	s1 =	simm.s32 @!p1 $0xA680;
	[sflag:s7] =	ssyncset.done $0x0  }
0x80: {  	s11 =	simm.s32 @!p1 $0x2E80;
	s14 =	simm.s32 @!p1 $0x80;
	[sflag:s7] =	ssyncadd.s32 $0xFFFFF800  }
0x81: {  	[tilespmem:s1], [sflag:$0x7] =	stream.indirect.gather @!p1 [hbm4b:s4+s14], $0x10, s11, s14, $0xb8;
	[tilespmem:$0xDE00] =	vst v63  }
0x82: {  	_ =	swait.ge [sflag:s3], $0x800  }
0x83: {  	[sflag:s3] =	ssyncset.done $0x0  }
0x84: {  	s26 =	simm.s32 $0x5280;
	[sflag:s3] =	ssyncadd.s32 $0xFFFFF800  }
0x85: {  	[spmem:s2] =	stream.indirect.scatter.add.f32 [tilespmem:s29], [sflag:$0x10], $0x10, s26, s19, $0xb8;
	[tilespmem:$0xDE00] =	vst v63  }
0x86: {  	p2 =	sle.u32 s6, $0xF;
	s17 =	simm.s32 $0x17;
	_ =	swait.ge [sflag:s8], $0x800  }
0x87: {  	s23 =	simm.s32 @!p2 $0x80;
	s14 =	simm.s32 $0x1000;
	[sflag:s8] =	ssyncset.done $0x0  }
0x88: {  	s1 =	simm.s32 @!p2 $0xAE80;
	s11 =	simm.s32 @!p2 $0x2F00;
	[sflag:s8] =	ssyncadd.s32 $0xFFFFF800  }
.LBB2_2:
0x89: {  	[tilespmem:s1], [sflag:$0x8] =	stream.indirect.gather @!p2 [hbm4b:s4+s23], $0x10, s11, s23, $0xb8;
	[tilespmem:$0xDE00] =	vst v63  }
0x8a: {  	s16 =	simm.s32 $0x1;
	s11 =	smov.u32 s14  }
0x8b: {  	s14 =	sadd.s32 $0x1000, s14;
	s20 =	simm.s32 $0x7680;
	_ =	swait.ge [sflag:s16], $0x800  }
0x8c: {  	s1 =	sshra.s32 s11, $0x2;
	p1 =	sne.s32 s14, $0x9000;
	[sflag:s16] =	ssyncset.done $0x0  }
0x8d: {  	s23 =	sadd.s32 $0x4F00, s1;
	[sflag:s16] =	ssyncadd.s32 $0xFFFFF800;
	s16 =	simm.s32 $0x9  }
0x8e: {  	[spmem:s2] =	stream.indirect.scatter.add.f32 [tilespmem:s20], [sflag:$0x9], $0x10, s23, s19, $0xb8;
	[tilespmem:$0xDE00] =	vst v63  }
0x8f: {  	_ =	swait.ge [sflag:s16], $0x800  }
0x90: {  	[sflag:s16] =	ssyncset.done $0x0  }
0x91: {  	s24 =	simm.s32 $0x7680;
	s23 =	sadd.s32 $0x2B80, s1;
	[sflag:s16] =	ssyncadd.s32 $0xFFFFF800  }
0x92: {  	[tilespmem:s20], [sflag:$0x1] =	stream.indirect.gather [hbm4b:s4+s19], $0x10, s23, s19, $0xb8;
	[tilespmem:$0xDE00] =	vst v63  }
0x93: {  	_ =	swait.ge [sflag:s25], $0x800  }
0x94: {  	[sflag:s25] =	ssyncset.done $0x0  }
0x95: {  	s23 =	sadd.s32 $0x4F80, s1;
	s20 =	simm.s32 $0x7E80;
	[sflag:s25] =	ssyncadd.s32 $0xFFFFF800  }
0x96: {  	[spmem:s2] =	stream.indirect.scatter.add.f32 [tilespmem:s20], [sflag:$0xA], $0x10, s23, s19, $0xb8;
	[tilespmem:$0xDE00] =	vst v63  }
0x97: {  	_ =	swait.ge [sflag:s28], $0x800  }
0x98: {  	[sflag:s28] =	ssyncset.done $0x0  }
0x99: {  	s26 =	simm.s32 $0x7E80;
	s23 =	sadd.s32 $0x2C00, s1;
	[sflag:s28] =	ssyncadd.s32 $0xFFFFF800  }
0x9a: {  	[tilespmem:s20], [sflag:$0x2] =	stream.indirect.gather [hbm4b:s4+s19], $0x10, s23, s19, $0xb8;
	[tilespmem:$0xDE00] =	vst v63  }
0x9b: {  	_ =	swait.ge [sflag:s30], $0x800  }
0x9c: {  	[sflag:s30] =	ssyncset.done $0x0  }
0x9d: {  	s23 =	sadd.s32 $0x5000, s1;
	s20 =	simm.s32 $0x8680;
	[sflag:s30] =	ssyncadd.s32 $0xFFFFF800  }
0x9e: {  	[spmem:s2] =	stream.indirect.scatter.add.f32 [tilespmem:s20], [sflag:$0xB], $0x10, s23, s19, $0xb8;
	[tilespmem:$0xDE00] =	vst v63  }
0x9f: {  	_ =	swait.ge [sflag:s0], $0x800  }
0xa0: {  	[sflag:s0] =	ssyncset.done $0x0  }
0xa1: {  	s29 =	simm.s32 $0x8680;
	s23 =	sadd.s32 $0x2C80, s1;
	[sflag:s0] =	ssyncadd.s32 $0xFFFFF800  }
0xa2: {  	[tilespmem:s20], [sflag:$0x3] =	stream.indirect.gather [hbm4b:s4+s19], $0x10, s23, s19, $0xb8;
	[tilespmem:$0xDE00] =	vst v63  }
0xa3: {  	_ =	swait.ge [sflag:s21], $0x800  }
0xa4: {  	[sflag:s21] =	ssyncset.done $0x0  }
0xa5: {  	s23 =	sadd.s32 $0x5080, s1;
	s20 =	simm.s32 $0x8E80;
	[sflag:s21] =	ssyncadd.s32 $0xFFFFF800  }
0xa6: {  	[spmem:s2] =	stream.indirect.scatter.add.f32 [tilespmem:s20], [sflag:$0xC], $0x10, s23, s19, $0xb8;
	[tilespmem:$0xDE00] =	vst v63  }
0xa7: {  	_ =	swait.ge [sflag:s5], $0x800  }
0xa8: {  	[sflag:s5] =	ssyncset.done $0x0  }
0xa9: {  	s23 =	sadd.s32 $0x2D00, s1;
	[sflag:s5] =	ssyncadd.s32 $0xFFFFF800  }
0xaa: {  	[tilespmem:s20], [sflag:$0x4] =	stream.indirect.gather [hbm4b:s4+s19], $0x10, s23, s19, $0xb8;
	[tilespmem:$0xDE00] =	vst v63  }
0xab: {  	_ =	swait.ge [sflag:s9], $0x800  }
0xac: {  	[sflag:s9] =	ssyncset.done $0x0  }
0xad: {  	s23 =	sadd.s32 $0x5100, s1;
	s20 =	simm.s32 $0x9680;
	[sflag:s9] =	ssyncadd.s32 $0xFFFFF800  }
0xae: {  	[spmem:s2] =	stream.indirect.scatter.add.f32 [tilespmem:s20], [sflag:$0xD], $0x10, s23, s19, $0xb8;
	[tilespmem:$0xDE00] =	vst v63  }
0xaf: {  	_ =	swait.ge [sflag:s15], $0x800  }
0xb0: {  	[sflag:s15] =	ssyncset.done $0x0  }
0xb1: {  	s16 =	simm.s32 $0x9680;
	s23 =	sadd.s32 $0x2D80, s1;
	[sflag:s15] =	ssyncadd.s32 $0xFFFFF800  }
0xb2: {  	[tilespmem:s20], [sflag:$0x5] =	stream.indirect.gather [hbm4b:s4+s19], $0x10, s23, s19, $0xb8;
	[tilespmem:$0xDE00] =	vst v63  }
0xb3: {  	_ =	swait.ge [sflag:s10], $0x800  }
0xb4: {  	[sflag:s10] =	ssyncset.done $0x0  }
0xb5: {  	s23 =	sadd.s32 $0x5180, s1;
	s20 =	simm.s32 $0x9E80;
	[sflag:s10] =	ssyncadd.s32 $0xFFFFF800  }
0xb6: {  	[spmem:s2] =	stream.indirect.scatter.add.f32 [tilespmem:s20], [sflag:$0xE], $0x10, s23, s19, $0xb8;
	[tilespmem:$0xDE00] =	vst v63  }
0xb7: {  	_ =	swait.ge [sflag:s12], $0x800  }
0xb8: {  	[sflag:s12] =	ssyncset.done $0x0  }
0xb9: {  	s18 =	simm.s32 $0x9E80;
	s23 =	sadd.s32 $0x2E00, s1;
	[sflag:s12] =	ssyncadd.s32 $0xFFFFF800  }
0xba: {  	[tilespmem:s20], [sflag:$0x6] =	stream.indirect.gather [hbm4b:s4+s19], $0x10, s23, s19, $0xb8;
	[tilespmem:$0xDE00] =	vst v63  }
0xbb: {  	_ =	swait.ge [sflag:s13], $0x800  }
0xbc: {  	s22 =	simm.s32 $0xA680;
	[sflag:s13] =	ssyncset.done $0x0  }
0xbd: {  	s23 =	sadd.s32 $0x5200, s1;
	s20 =	sadd.s32 $0xFFFFFFFF, s17;
	[sflag:s13] =	ssyncadd.s32 $0xFFFFF800  }
0xbe: {  	[spmem:s2] =	stream.indirect.scatter.add.f32 [tilespmem:s22], [sflag:$0xF], $0x10, s23, s19, $0xb8;
	[tilespmem:$0xDE00] =	vst v63  }
0xbf: {  	p2 =	sge.u32 s20, s6;
	_ =	swait.ge [sflag:s7], $0x800  }
0xc0: {  	s20 =	sshra.s32 @!p2 s11, $0x2;
	s23 =	simm.s32 @!p2 $0xA680;
	[sflag:s7] =	ssyncset.done $0x0  }
0xc1: {  	s20 =	sadd.s32 @!p2 $0x2E80, s20;
	s22 =	simm.s32 @!p2 $0x80;
	[sflag:s7] =	ssyncadd.s32 $0xFFFFF800  }
0xc2: {  	[tilespmem:s23], [sflag:$0x7] =	stream.indirect.gather @!p2 [hbm4b:s4+s22], $0x10, s20, s22, $0xb8;
	[tilespmem:$0xDE00] =	vst v63  }
0xc3: {  	_ =	swait.ge [sflag:s3], $0x800  }
0xc4: {  	s1 =	sadd.s32 $0x5280, s1;
	[sflag:s3] =	ssyncset.done $0x0  }
.Ltmp0:
0xc5: {  	s20 =	simm.s32 $0xAE80;
	[sflag:s3] =	ssyncadd.s32 $0xFFFFF800;
	(pc) =	sbr.rel @p1 .LBB2_2-.Ltmp0, $4  }
0xc6: {  	[spmem:s2] =	stream.indirect.scatter.add.f32 [tilespmem:s20], [sflag:$0x10], $0x10, s1, s19, $0xb8;
	[tilespmem:$0xDE00] =	vst v63  }
0xc7: {  	p2 =	sge.u32 s17, s6;
	s17 =	sadd.s32 $0x8, s17;
	_ =	swait.ge [sflag:s8], $0x800  }
0xc8: {  	s11 =	sshra.s32 @!p2 s11, $0x2;
	s1 =	simm.s32 @!p2 $0xAE80;
	[sflag:s8] =	ssyncset.done $0x0  }
0xc9: {  	s23 =	simm.s32 @!p2 $0x80;
	s11 =	sadd.s32 @!p2 $0x2F00, s11;
	[sflag:s8] =	ssyncadd.s32 $0xFFFFF800  }
0xca: {  	[tilespmem:s1], [sflag:$0x8] =	stream.indirect.gather @!p2 [hbm4b:s4+s23], $0x10, s11, s23, $0xb8;
	[tilespmem:$0xDE00] =	vst v63  }
0xcb: {  	s20 =	simm.s32 $0x1  }
0xcc: {  	_ =	swait.ge [sflag:s20], $0x800  }
0xcd: {  	[sflag:s20] =	ssyncset.done $0x0  }
0xce: {  	s22 =	simm.s32 $0x7300;
	s23 =	simm.s32 $0x9;
	[sflag:s20] =	ssyncadd.s32 $0xFFFFF800  }
0xcf: {  	[spmem:s2] =	stream.indirect.scatter.add.f32 [tilespmem:s24], [sflag:$0x9], $0x10, s22, s19, $0xb8;
	[tilespmem:$0xDE00] =	vst v63  }
0xd0: {  	_ =	swait.ge [sflag:s23], $0x800  }
0xd1: {  	[sflag:s23] =	ssyncset.done $0x0  }
0xd2: {  	[sflag:s23] =	ssyncadd.s32 $0xFFFFF800  }
0xd3: {  	_ =	swait.ge [sflag:s25], $0x800  }
0xd4: {  	[sflag:s25] =	ssyncset.done $0x0  }
0xd5: {  	s24 =	simm.s32 $0x7380;
	[sflag:s25] =	ssyncadd.s32 $0xFFFFF800  }
0xd6: {  	[spmem:s2] =	stream.indirect.scatter.add.f32 [tilespmem:s26], [sflag:$0xA], $0x10, s24, s19, $0xb8;
	[tilespmem:$0xDE00] =	vst v63  }
0xd7: {  	_ =	swait.ge [sflag:s28], $0x800  }
0xd8: {  	[sflag:s28] =	ssyncset.done $0x0  }
0xd9: {  	[sflag:s28] =	ssyncadd.s32 $0xFFFFF800  }
0xda: {  	_ =	swait.ge [sflag:s30], $0x800  }
0xdb: {  	[sflag:s30] =	ssyncset.done $0x0  }
0xdc: {  	s26 =	simm.s32 $0x7400;
	[sflag:s30] =	ssyncadd.s32 $0xFFFFF800  }
0xdd: {  	[spmem:s2] =	stream.indirect.scatter.add.f32 [tilespmem:s29], [sflag:$0xB], $0x10, s26, s19, $0xb8;
	[tilespmem:$0xDE00] =	vst v63  }
0xde: {  	_ =	swait.ge [sflag:s0], $0x800  }
0xdf: {  	[sflag:s0] =	ssyncset.done $0x0  }
0xe0: {  	[sflag:s0] =	ssyncadd.s32 $0xFFFFF800  }
0xe1: {  	_ =	swait.ge [sflag:s21], $0x800  }
0xe2: {  	[sflag:s21] =	ssyncset.done $0x0  }
0xe3: {  	s11 =	simm.s32 $0x7480;
	[sflag:s21] =	ssyncadd.s32 $0xFFFFF800  }
0xe4: {  	[spmem:s2] =	stream.indirect.scatter.add.f32 [tilespmem:s31], [sflag:$0xC], $0x10, s11, s19, $0xb8;
	[tilespmem:$0xDE00] =	vst v63  }
0xe5: {  	_ =	swait.ge [sflag:s5], $0x800  }
0xe6: {  	[sflag:s5] =	ssyncset.done $0x0  }
0xe7: {  	[sflag:s5] =	ssyncadd.s32 $0xFFFFF800  }
0xe8: {  	_ =	swait.ge [sflag:s9], $0x800  }
0xe9: {  	[sflag:s9] =	ssyncset.done $0x0  }
0xea: {  	s14 =	simm.s32 $0x7500;
	[sflag:s9] =	ssyncadd.s32 $0xFFFFF800  }
0xeb: {  	[spmem:s2] =	stream.indirect.scatter.add.f32 [tilespmem:s16], [sflag:$0xD], $0x10, s14, s19, $0xb8;
	[tilespmem:$0xDE00] =	vst v63  }
0xec: {  	_ =	swait.ge [sflag:s15], $0x800  }
0xed: {  	[sflag:s15] =	ssyncset.done $0x0  }
0xee: {  	[sflag:s15] =	ssyncadd.s32 $0xFFFFF800  }
0xef: {  	_ =	swait.ge [sflag:s10], $0x800  }
0xf0: {  	[sflag:s10] =	ssyncset.done $0x0  }
0xf1: {  	s17 =	simm.s32 $0x7580;
	[sflag:s10] =	ssyncadd.s32 $0xFFFFF800  }
0xf2: {  	[spmem:s2] =	stream.indirect.scatter.add.f32 [tilespmem:s18], [sflag:$0xE], $0x10, s17, s19, $0xb8;
	[tilespmem:$0xDE00] =	vst v63  }
0xf3: {  	_ =	swait.ge [sflag:s12], $0x800  }
0xf4: {  	[sflag:s12] =	ssyncset.done $0x0  }
0xf5: {  	s1 =	simm.s32 @!p0 $0x7;
	[sflag:s12] =	ssyncadd.s32 $0xFFFFF800  }
0xf6: {  	_ =	swait.ge @!p0 [sflag:s1], $0x800  }
0xf7: {  	s11 =	simm.s32 @!p0 $0x7600;
	[sflag:s1] =	ssyncset.done @!p0 $0x0  }
0xf8: {  	s14 =	simm.s32 @!p0 $0xA680;
	[sflag:s1] =	ssyncadd.s32 @!p0 $0xFFFFF800;
	s1 =	simm.s32 @!p0 $0x80  }
0xf9: {  	[spmem:s2] =	stream.indirect.scatter.add.f32 @!p0 [tilespmem:s14], [sflag:$0xF], $0x10, s11, s1, $0xb8;
	[tilespmem:$0xDE00] =	vst v63  }
0xfa: {  	s1 =	simm.s32 @!p0 $0xF  }
0xfb: {  	_ =	swait.ge @!p0 [sflag:s1], $0x800  }
0xfc: {  	[sflag:s1] =	ssyncset.done @!p0 $0x0  }
0xfd: {  	[sflag:s1] =	ssyncadd.s32 @!p0 $0xFFFFF800  }
0xfe: {  	[bflag:$0x0] =	sbarrier.arrive $0xFFFF  }
0xff: {  	s22 =	simm.s32 $0xB680;
	s18 =	simm.s32 $0x11;
	s20 =	rddreg [dreg:$0x8]  }
0x100: {  	[tilespmem:s22], [sflag:$0x11] =	stream.linear.gather [spmem:s20], $0x2780, $0x38;
	[tilespmem:$0xDE00] =	vst v63  }
0x101: {  	_ =	swait.ge [sflag:s18], $0x2780  }
0x102: {  	[sflag:s18] =	ssyncset.done $0x0  }
0x103: {  	s11 =	simm.s32 $0x0;
	s23 =	rddreg [dreg:$0x9];
	[sflag:s18] =	ssyncadd.s32 $0xFFFFD880  }
0x104: {  	[hbm4b:s23+s11] =	stream.linear.scatter [tilespmem:s22], [sflag:$0x11], $0x2780, $0x38;
	[tilespmem:$0xDE00] =	vst v63  }
0x105: {  	_ =	swait.ge [sflag:s18], $0x2780  }
0x106: {  	s24 =	rddreg [dreg:$0xb]  }
0x107: {  	s26 =	rddreg [dreg:$0xa];
	s16 =	sadd.s32 $0x1, s24  }
0x108: {  	p1 =	sne.s32 s16, s26  }
.Ltmp1:
0x109: {  	_ = 	snop;
	(pc) =	sbr.rel @p1 .LBB2_1-.Ltmp1, $3  }
0x10a: {  	_ =	sdelay $0x1  }
0x10b: {  	[sflag:s18] =	ssyncset.done $0x0  }
0x10c: {  	s29 =	simm.s32 $0xAE80;
	[sflag:s18] =	ssyncadd.s32 $0xFFFFD880;
	s26 =	simm.s32 $0xA680  }
0x10d: {  	_ =	sfence.sel $0x180000  }
0x10e: {  	[bflag:$0x0] =	sbarrier.arrive $0xFFFF  }
0x10f: {  	_ =	strace $0x9000004A  }
0x110: {  	s0 =	stileid.u32;
	[bflag:$0x2] =	sbarrier.arrive $0xFFFF  }
0x111: {  	p0 =	sne.s32 s0, $0x0;
	s0 =	rddreg [dreg:$0x2]  }
0x112: {  	s0 =	sadd.s32 @!p0 $0x100000, s0  }
0x113: {  	[sflag:s0] =	ssyncadd.tile.s32 @!p0 $0x1;
	_ =	shalt  }
.Lfunc_end2:
_tile_overlayer_lowered:
.L_overlay_start_2:
0x114: {  	(tag) =	ssettag $0x2  }
0x115: {  	s0 =	rddreg [dreg:$0x0];
	s2 =	stileid.u32  }
0x116: {  	s1 =	rddreg [dreg:$0x1];
	p0 =	sne.s32 s2, $0x0  }
0x117: {  	s3 =	rddreg [dreg:$0x2];
	[bflag:$0x3] =	sbarrier.arrive $0xFFFF;
	s2 =	simm.s32 @!p0 $0x1C11  }
0x118: {  	[timem:s3], [sflag:s2] =	dma.local @!p0 [hbm:s0], s1  }
0x119: {  	s0 =	simm.s32 @!p0 $0x11  }
0x11a: {  	_ =	swait.ge @!p0 [sflag:s0], s1  }
0x11b: {  	s1 =	ssub.s32 @!p0 $0x0, s1;
	[sflag:s0] =	ssyncset.done @!p0 $0x0  }
0x11c: {  	[sflag:s0] =	ssyncadd.s32 @!p0 s1  }
0x11d: {  	[bflag:$0x3] =	sbarrier.arrive $0xFFFF  }
0x11e: {  	_ =	shalt  }

// kernel: kernel.15.cloned.1.call-start
scs
__scs_entry_jumppad:
0x0: {  	(pc) =	sbr.rel $0x88, $3  }
0x1: {  	(tag) =	ssettag $0x0;
	lr =	simm.s32 $0x1  }
0x2: {  	[smem:$0x3F9A] =	sst lr;
	_ =	strace $0xD0000000  }
0x3: {  	_ = 	snop  }
0x4: {  	_ = 	snop  }
0x5: {  	_ = 	snop  }
0x6: {  	_ = 	snop  }
0x7: {  	_ = 	snop  }
__scs_overlays_trampoline_lowered:
0x8: {  	[smem:$0x3FA9] =	sst s0  }
0x9: {  	[smem:$0x3FAA] =	sst s1  }
0xa: {  	[smem:$0x3FAB] =	sst s2  }
0xb: {  	[smem:$0x3FAC] =	sst s3  }
0xc: {  	[smem:$0x3FAD] =	sst s4  }
0xd: {  	[smem:$0x3FAE] =	sst s5  }
0xe: {  	[smem:$0x3FAF] =	sst s6  }
0xf: {  	[smem:$0x3FB0] =	sst s7  }
0x10: {  	[smem:$0x3FB1] =	sst s8  }
0x11: {  	[smem:$0x3FB2] =	sst s9;
	s0 =	simm.s32 @!p0 $0x0  }
0x12: {  	s1 =	sld [smem:$0x3F98];
	s0 =	simm.s32 @p0 $0x1  }
0x13: {  	[smem:$0x3FB3] =	sst s0;
	s0 =	simm.s32 @!p1 $0x0  }
0x14: {  	s2 =	sld [smem:$0x3F97];
	s0 =	simm.s32 @p1 $0x1  }
0x15: {  	[smem:$0x3FB4] =	sst s0;
	s0 =	simm.s32 @!p2 $0x0  }
0x16: {  	s3 =	sld [smem:$0x3FDB];
	s0 =	simm.s32 @p2 $0x1  }
0x17: {  	s4 =	simm.s32 $0x1BF5;
	[smem:$0x3FB6] =	sst s0  }
0x18: {  	s0 =	sld [smem:$0x3F99];
	_ =	swait.ge [sflag:s4], $0x0  }
0x19: {  	s7 =	sld [smem:$0x3F9A]  }
0x1a: {  	s8 =	sadd.s32 $0xFFFFE003, lr  }
0x1b: {  	s9 =	sadd.s32 $0xFFFFFEF7, lr;
	s5 =	simm.s32 $0xFFFFFFFF;
	p2 =	slt.u32 s8, $0xFFFFF086  }
0x1c: {  	p1 =	slt.u32 s9, $0xF7A;
	s5 =	simm.s32 @!p2 $0x0  }
0x1d: {  	s5 =	simm.s32 @p1 $0x1;
	p0 =	seq.s32 s7, s2  }
0x1e: {  	s7 =	smul.u32 @!p0 $0xF7A, s2;
	p2 =	seq.s32 @!p0 s5, $0x0  }
0x1f: {  	s9 =	smul.u32 $0xF7A, s1;
	s8 =	simm.s32 @!p0 $0x1BF5;
	p2 =	por !p2, p0  }
0x20: {  	[sflag:s8] =	ssyncset.s32 @!p0 $0xFFFFF086;
	s6 =	sadd.s32 @!p0 s3, s7;
	s7 =	simm.s32 @!p0 $0x108  }
0x21: {  	s3 =	sadd.s32 s3, s9;
	s6 =	sadd.s32 @!p0 $0x88, s6;
	s7 =	simm.s32 @p2 $0x1082  }
0x22: {  	[simem:s7], [sflag:s8] =	dma.local @!p0 [hbm:s6], $0xF7A  }
0x23: {  	s9 =	sor.u32 $0xD0000000, s2;
	s6 =	simm.s32 $0x108;
	_ =	swait.ge @!p0 [sflag:s8], $0x0  }
0x24: {  	s3 =	sadd.s32 $0x88, s3;
	s6 =	simm.s32 @!p1 $0x1082;
	[sflag:s4] =	ssyncset.s32 $0xFFFFF086  }
0x25: {  	[simem:s6], [sflag:s4] =	dma.local [hbm:s3], $0xF7A  }
0x26: {  	[smem:$0x3F9A] =	sst s1;
	(tag) =	ssettag s2;
	_ =	strace s9  }
0x27: {  	s1 =	sld [smem:$0x3FAA]  }
0x28: {  	s2 =	sld [smem:$0x3FAB]  }
0x29: {  	s4 =	sld [smem:$0x3FAD]  }
0x2a: {  	p0 =	seq.s32 s5, $0x0;
	s5 =	sld [smem:$0x3FAE]  }
0x2b: {  	s6 =	sld [smem:$0x3FAF]  }
0x2c: {  	s7 =	sld [smem:$0x3FB0]  }
0x2d: {  	s3 =	simm.s32 $0x108;
	s8 =	sld [smem:$0x3FB1]  }
0x2e: {  	s3 =	simm.s32 @!p0 $0x1082;
	s9 =	sld [smem:$0x3FB2]  }
0x2f: {  	lr =	sadd.s32 s0, s3;
	s0 =	sld [smem:$0x3FA9]  }
0x30: {  	s3 =	sld [smem:$0x3FAC]  }
0x31: {  	[smem:$0x3FB5] =	sst s10  }
0x32: {  	s10 =	sld [smem:$0x3FB3];
	_ =	sdelay $0x3  }
0x33: {  	p0 =	seq.s32 s10, $0x1;
	s10 =	sld [smem:$0x3FB5];
	_ =	sdelay $0x3  }
0x34: {  	[smem:$0x3FB5] =	sst s10  }
0x35: {  	s10 =	sld [smem:$0x3FB4];
	_ =	sdelay $0x3  }
0x36: {  	p1 =	seq.s32 s10, $0x1;
	s10 =	sld [smem:$0x3FB5];
	_ =	sdelay $0x3  }
0x37: {  	[smem:$0x3FB5] =	sst s10  }
0x38: {  	s10 =	sld [smem:$0x3FB6]  }
0x39: {  	_ = 	snop;
	(pc) =	sbr.ind lr, $3  }
0x3a: {  	_ = 	snop  }
0x3b: {  	_ = 	snop  }
0x3c: {  	p2 =	seq.s32 s10, $0x1;
	s10 =	sld [smem:$0x3FB5]  }
0x3d: {  	_ =	shalt  }
0x3e: {  	_ =	shalt  }
0x3f: {  	_ =	shalt  }
0x40: {  	_ =	shalt  }
0x41: {  	_ =	shalt  }
0x42: {  	_ =	shalt  }
0x43: {  	_ =	shalt  }
0x44: {  	_ =	shalt  }
0x45: {  	_ =	shalt  }
0x46: {  	_ =	shalt  }
0x47: {  	_ =	shalt  }
0x48: {  	_ =	shalt  }
0x49: {  	_ =	shalt  }
0x4a: {  	_ =	shalt  }
0x4b: {  	_ =	shalt  }
0x4c: {  	_ =	shalt  }
0x4d: {  	_ =	shalt  }
0x4e: {  	_ =	shalt  }
0x4f: {  	_ =	shalt  }
0x50: {  	_ =	shalt  }
0x51: {  	_ =	shalt  }
0x52: {  	_ =	shalt  }
0x53: {  	_ =	shalt  }
0x54: {  	_ =	shalt  }
0x55: {  	_ =	shalt  }
0x56: {  	_ =	shalt  }
0x57: {  	_ =	shalt  }
0x58: {  	_ =	shalt  }
0x59: {  	_ =	shalt  }
0x5a: {  	_ =	shalt  }
0x5b: {  	_ =	shalt  }
0x5c: {  	_ =	shalt  }
0x5d: {  	_ =	shalt  }
0x5e: {  	_ =	shalt  }
0x5f: {  	_ =	shalt  }
0x60: {  	_ =	shalt  }
0x61: {  	_ =	shalt  }
0x62: {  	_ =	shalt  }
0x63: {  	_ =	shalt  }
0x64: {  	_ =	shalt  }
0x65: {  	_ =	shalt  }
0x66: {  	_ =	shalt  }
0x67: {  	_ =	shalt  }
0x68: {  	_ =	shalt  }
0x69: {  	_ =	shalt  }
0x6a: {  	_ =	shalt  }
0x6b: {  	_ =	shalt  }
0x6c: {  	_ =	shalt  }
0x6d: {  	_ =	shalt  }
0x6e: {  	_ =	shalt  }
0x6f: {  	_ =	shalt  }
0x70: {  	_ =	shalt  }
0x71: {  	_ =	shalt  }
0x72: {  	_ =	shalt  }
0x73: {  	_ =	shalt  }
0x74: {  	_ =	shalt  }
0x75: {  	_ =	shalt  }
0x76: {  	_ =	shalt  }
0x77: {  	_ =	shalt  }
0x78: {  	_ =	shalt  }
0x79: {  	_ =	shalt  }
0x7a: {  	_ =	shalt  }
0x7b: {  	_ =	shalt  }
0x7c: {  	_ =	shalt  }
0x7d: {  	_ =	shalt  }
0x7e: {  	_ =	shalt  }
0x7f: {  	_ =	shalt  }
0x80: {  	_ =	shalt  }
0x81: {  	_ =	shalt  }
0x82: {  	_ =	shalt  }
0x83: {  	_ =	shalt  }
0x84: {  	_ =	shalt  }
0x85: {  	_ =	shalt  }
0x86: {  	_ =	shalt  }
0x87: {  	_ =	shalt  }
.Lfunc_end0:
.L_simem_size_0:
called_computation.2_lowered:
.L_overlay_start_0:
0x88: {  	s2 =	sld [smem:$0x3FD9]  }
0x89: {  	s3 =	sld [smem:$0x3FFE];
	_ =	sdelay $0x1  }
0x8a: {  	s1 =	srdreg.scid  }
0x8b: {  	s0 =	sand.u32 $0x1, s1  }
0x8c: {  	s16 =	sshll.u32 s0, $0xA;
	s2 =	sadd.s32 s3, s2  }
0x8d: {  	s2 =	sadd.s32 s2, s16  }
0x8e: {  	[smem:$0x3FC1] =	sst s2  }
0x8f: {  	_ = 	snop  }
0x90: {  	(tm) =	ssettm $0x1  }
0x91: {  	s17 =	sld [smem:$0x3FFB];
	_ =	sdelay $0x3  }
0x92: {  	_ =	strace s17  }
0x93: {  	s2 =	sld [smem:$0x3FFC];
	_ =	sdelay $0x3  }
0x94: {  	_ =	strace s2  }
0x95: {  	s2 =	sld [smem:$0x3FFD];
	_ =	sdelay $0x3  }
0x96: {  	_ =	strace s2  }
0x97: {  	_ =	strace $0x8FFFFFFF  }
0x98: {  	s18 =	sld [smem:$0x3FDB];
	_ =	sdelay $0x1  }
0x99: {  	s19 =	simm.s32 $_scs_section_size  }
0x9a: {  	s4 =	simm.s32 $_size__tile_overlayer_lowered;
	s5 =	simm.s32 $_tile_overlayer_lowered  }
0x9b: {  	s22 =	simm.s32 $0x1BFF;
	s21 =	sshll.u32 s5, $0x1;
	s2 =	sadd.s32 s19, s18  }
0x9c: {  	s6 =	simm.s32 $0x0;
	s20 =	sshll.u32 s4, $0x1;
	s4 =	sadd.s32 s21, s2  }
0x9d: {  	[timem:s6], [sflag:s22] =	dma.local [hbm:s4], s20  }
0x9e: {  	_ =	swait.ge [sflag:s22], s20  }
0x9f: {  	s3 =	ssub.s32 $0x0, s20;
	[sflag:s22] =	ssyncset.done $0x0  }
0xa0: {  	[sflag:s22] =	ssyncadd.s32 s3;
	_ =	sdelay $0x1  }
0xa1: {  	s23 =	simm.s32 $0x1B8B  }
0xa2: {  	_ =	swait.ge [sflag:s23], $0x1  }
0xa3: {  	[sflag:s23] =	ssyncset.done $0x0  }
0xa4: {  	s25 =	simm.s32 $0x1B8E;
	s24 =	sld [smem:$0x3FFE];
	[sflag:s23] =	ssyncadd.s32 $0xFFFFFFFF  }
0xa5: {  	s26 =	simm.s32 $execute0_lowered;
	[smem:$0x3FD2] =	sst s25  }
0xa6: {  	s4 =	sshll.u32 s26, $0x1;
	_ =	strace $0x8000004C;
	[dreg:$0x1] =	wrdreg $0xFFFFFFFF  }
0xa7: {  	s28 =	simm.s32 $_size_execute0_lowered;
	s2 =	sadd.s32 s2, s4;
	[dreg:$0x0] =	wrdreg $0x0  }
0xa8: {  	s4 =	sshll.u32 s28, $0x1;
	[dreg:$0x2] =	wrdreg s2  }
0xa9: {  	[dreg:$0x3] =	wrdreg s4  }
0xaa: {  	[dreg:$0x4] =	wrdreg $0xC0  }
0xab: {  	_ =	task [dreg:s6], $0x5FFFF  }
0xac: {  	[dreg:$0x1] =	wrdreg $0xFFFFFFFF  }
0xad: {  	[dreg:$0x0] =	wrdreg $0x60  }
0xae: {  	[dreg:$0x2] =	wrdreg s24  }
0xaf: {  	[dreg:$0x3] =	wrdreg $0x0  }
0xb0: {  	[dreg:$0x4] =	wrdreg $0x9  }
0xb1: {  	_ =	task.clear_ibuf [dreg:s6], $0x5FFFF;
	_ =	strace $0x9000004C  }
0xb2: {  	s29 =	simm.s32 $0x9;
	_ =	strace $0x8000004E  }
0xb3: {  	_ =	swait.ge [sflag:s29], $0x1  }
0xb4: {  	[sflag:s29] =	ssyncadd.s32 $0xFFFFFFFF  }
0xb5: {  	_ =	strace $0x9000004E  }
0xb6: {  	_ =	sfence  }
0xb7: {  	s30 =	sld [smem:$0x0];
	_ =	sdelay $0x2  }
0xb8: {  	s31 =	sshll.u32 s1, $0xD;
	s1 =	sshrl.u32 s1, $0x2  }
0xb9: {  	s3 =	sand.u32 $0x4000, s31;
	s1 =	sadd.s32 s1, s30  }
0xba: {  	s0 =	sor.u32 s3, s0;
	s1 =	sshll.u32 s1, $0x11  }
0xbb: {  	s0 =	sor.u32 s1, s0  }
0xbc: {  	s0 =	sadd.s32 $0x8F2B, s0  }
0xbd: {  	[sflag:s0] =	ssyncadd.remote.s32 $0x1  }
0xbe: {  	_ =	sfence.sel $0xFFFF  }
0xbf: {  	[dreg:$0x0] =	wrdreg $0xFFFFFFFF;
	(pc) =	sbr.abs _section_cstart, $3  }
0xc0: {  	[dreg:$0x1] =	wrdreg $0xFFFFFFFF  }
0xc1: {  	_ =	task.clear_ibuf [dreg:s6], $0x2FFFF;
	_ =	strace $0x9FFFFFFF  }
0xc2: {  	(tm) =	ssettm $0x7FFFFFFF  }
0xc3: {  	_ =	shalt  }
tec
execute0_lowered:
.L_overlay_start_1:
0x0: {  	(tag) =	ssettag $0x1  }
0x1: {  	s0 =	rddreg [dreg:$0x0]  }
0x2: {  	s2 =	rddreg [dreg:$0x1]  }
0x3: {  	s1 =	srdreg.scid;
	s9 =	stileid.u32  }
0x4: {  	s11 =	simm.s32 $0x0;
	s19 =	simm.s32 $0x80;
	s29 =	simm.s32 $0xAE80  }
0x5: {  	s28 =	simm.s32 $0xA;
	s30 =	simm.s32 $0x3;
	s15 =	simm.s32 $0xD  }
0x6: {  	s12 =	simm.s32 $0xE;
	s13 =	simm.s32 $0x7;
	s16 =	simm.s32 $0x0  }
0x7: {  	s31 =	simm.s32 $0x8E80;
	s1 =	sand.u32 $0x1, s1;
	s3 =	smul.u32 $0x2780, s9  }
0x8: {  	[smem:$0x7FF] =	sst s11;
	s4 =	sadd.s32 $0x16800, s0;
	s7 =	sadd.s32 $0x2E00, s0  }
0x9: {  	s10 =	sadd.s32 $0x1B800, s0;
	s24 =	sshll.u32 s9, $0x4;
	s5 =	smul.u32 $0x27800, s1  }
0xa: {  	_ =	strace $0x8000004D;
	s6 =	sshll.u32 s1, $0x4;
	s1 =	ssub.s32 $0x2, s1  }
0xb: {  	[dreg:$0x3] =	wrdreg s10;
	s10 =	simm.s32 $0x6;
	s8 =	sor.u32 s9, s6  }
0xc: {  	s21 =	sshrl.u32 s1, $0x1;
	s20 =	sadd.s32 s3, s2;
	s9 =	simm.s32 $0x5  }
0xd: {  	s5 =	sadd.s32 s3, s5;
	s6 =	smul.u32 $0x2700, s8;
	s1 =	ssub.s32 s1, s21  }
0xe: {  	p0 =	slt.u32 s8, $0x4;
	s21 =	simm.s32 $0x4;
	s3 =	simm.s32 $0x8  }
0xf: {  	[dreg:$0x8] =	wrdreg s20;
	s5 =	sshrl.u32 s5, $0x3;
	s26 =	smax.u32 s1, $0x1  }
0x10: {  	s0 =	sadd.s32 s5, s0;
	s22 =	sshrl.u32 s6, $0x3;
	s6 =	simm.s32 $0x4F  }
0x11: {  	s5 =	sadd.s32 s24, s7;
	[dreg:$0xa] =	wrdreg s26;
	s26 =	simm.s32 $0xA680  }
0x12: {  	s23 =	sadd.s32 s7, s22;
	s6 =	simm.s32 @!p0 $0x4E;
	s7 =	sadd.s32 $0x9C00, s5  }
0x13: {  	s5 =	sadd.s32 $0x13840, s5;
	s0 =	sadd.s32 $0x1BE00, s0;
	[dreg:$0x4] =	wrdreg s23  }
0x14: {  	p0 =	sgt.u32 s8, $0x3;
	s22 =	simm.s32 $0xB680;
	[dreg:$0x6] =	wrdreg s7  }
0x15: {  	s8 =	simm.s32 $0x10;
	s25 =	sadd.s32 $0x9C40, s23;
	[dreg:$0x7] =	wrdreg s5  }
0x16: {  	[dreg:$0x9] =	wrdreg s0;
	s0 =	simm.s32 $0xB;
	s5 =	simm.s32 $0xC  }
0x17: {  	s7 =	simm.s32 $0xF;
	[dreg:$0x5] =	wrdreg s25;
	s25 =	simm.s32 $0x2  }
.LBB2_1:
0x18: {  	s1 =	rddreg [dreg:$0x3]  }
0x19: {  	[tilespmem:s22], [sflag:$0x9] =	stream.linear.gather [hbm4b:s1+s11], $0x2780, $0x38;
	[tilespmem:$0xDE00] =	vst v63  }
0x1a: {  	s17 =	rddreg [dreg:$0x4];
	s18 =	simm.s32 $0x2780  }
0x1b: {  	[tilespmem:s18], [sflag:$0x1] =	stream.linear.gather [hbm4b:s17+s11], $0x2700, $0x38;
	[tilespmem:$0xDE00] =	vst v63  }
0x1c: {  	s14 =	rddreg [dreg:$0x5];
	s1 =	simm.s32 @p0 $0x0;
	s11 =	simm.s32 @p0 $0x4F00  }
0x1d: {  	[tilespmem:s11], [sflag:$0x2] =	stream.linear.gather @p0 [hbm4b:s14+s1], $0x2700, $0x38;
	[tilespmem:$0xDE00] =	vst v63  }
0x1e: {  	s17 =	rddreg [dreg:$0x6];
	s1 =	simm.s32 @!p0 $0x0;
	s11 =	simm.s32 @!p0 $0x4E80  }
0x1f: {  	[tilespmem:s11], [sflag:$0x1] =	stream.linear.gather @!p0 [hbm4b:s17+s1], $0x80, $0x38;
	[tilespmem:$0xDE00] =	vst v63  }
0x20: {  	[dreg:$0xb] =	wrdreg s16;
	s11 =	simm.s32 @!p0 $0x4F00  }
0x21: {  	[tilespmem:s11], [sflag:$0x2] =	stream.linear.gather @!p0 [hbm4b:s14+s1], $0x2700, $0x38;
	[tilespmem:$0xDE00] =	vst v63  }
0x22: {  	s24 =	simm.s32 $0x9;
	s11 =	simm.s32 @!p0 $0x7600;
	s14 =	rddreg [dreg:$0x7]  }
0x23: {  	[tilespmem:s11], [sflag:$0x2] =	stream.linear.gather @!p0 [hbm4b:s14+s1], $0x80, $0x38;
	[tilespmem:$0xDE00] =	vst v63  }
0x24: {  	_ =	swait.ge [sflag:s24], $0x2780  }
0x25: {  	[sflag:s24] =	ssyncset.done $0x0  }
0x26: {  	s23 =	simm.s32 $0x11;
	[sflag:s24] =	ssyncadd.s32 $0xFFFFD880  }
0x27: {  	[spmem:s20] =	stream.linear.scatter [tilespmem:s22], [sflag:$0x11], $0x2780, $0x38;
	[tilespmem:$0xDE00] =	vst v63  }
0x28: {  	_ =	swait.ge [sflag:s23], $0x2780  }
0x29: {  	[sflag:s23] =	ssyncset.done $0x0  }
0x2a: {  	s22 =	simm.s32 $0x1;
	[sflag:s23] =	ssyncadd.s32 $0xFFFFD880  }
0x2b: {  	_ =	swait.ge [sflag:s22], $0x2700  }
0x2c: {  	[sflag:s22] =	ssyncset.done $0x0  }
0x2d: {  	s1 =	simm.s32 @p0 $0x2;
	[sflag:s22] =	ssyncadd.s32 $0xFFFFD900  }
0x2e: {  	_ =	swait.ge @p0 [sflag:s1], $0x2700  }
0x2f: {  	[sflag:s1] =	ssyncset.done @p0 $0x0  }
0x30: {  	[sflag:s1] =	ssyncadd.s32 @p0 $0xFFFFD900;
	s1 =	simm.s32 @!p0 $0x1  }
0x31: {  	_ =	swait.ge @!p0 [sflag:s1], $0x80  }
0x32: {  	[sflag:s1] =	ssyncset.done @!p0 $0x0  }
0x33: {  	[sflag:s1] =	ssyncadd.s32 @!p0 $0xFFFFFF80;
	s1 =	simm.s32 @!p0 $0x2  }
0x34: {  	_ =	swait.ge @!p0 [sflag:s1], $0x2700  }
0x35: {  	[sflag:s1] =	ssyncset.done @!p0 $0x0  }
0x36: {  	[sflag:s1] =	ssyncadd.s32 @!p0 $0xFFFFD900  }
0x37: {  	_ =	swait.ge @!p0 [sflag:s1], $0x80  }
0x38: {  	[sflag:s1] =	ssyncset.done @!p0 $0x0  }
0x39: {  	[sflag:s1] =	ssyncadd.s32 @!p0 $0xFFFFFF80  }
0x3a: {  	s11 =	simm.s32 $0x7680;
	[bflag:$0x0] =	sbarrier.arrive $0xFFFF  }
0x3b: {  	[tilespmem:s11], [sflag:$0x1] =	stream.indirect.gather [hbm4b:s4+s19], $0x10, s18, s19, $0xb8;
	[tilespmem:$0xDE00] =	vst v63  }
0x3c: {  	s14 =	simm.s32 $0x7E80;
	s20 =	simm.s32 $0x2800  }
0x3d: {  	[tilespmem:s14], [sflag:$0x2] =	stream.indirect.gather [hbm4b:s4+s19], $0x10, s20, s19, $0xb8;
	[tilespmem:$0xDE00] =	vst v63  }
0x3e: {  	s17 =	simm.s32 $0x8680;
	s23 =	simm.s32 $0x2880  }
0x3f: {  	[tilespmem:s17], [sflag:$0x3] =	stream.indirect.gather [hbm4b:s4+s19], $0x10, s23, s19, $0xb8;
	[tilespmem:$0xDE00] =	vst v63  }
0x40: {  	s16 =	simm.s32 $0x2900;
	s20 =	simm.s32 $0x8E80  }
0x41: {  	[tilespmem:s20], [sflag:$0x4] =	stream.indirect.gather [hbm4b:s4+s19], $0x10, s16, s19, $0xb8;
	[tilespmem:$0xDE00] =	vst v63  }
0x42: {  	s18 =	simm.s32 $0x2980;
	s16 =	simm.s32 $0x9680  }
0x43: {  	[tilespmem:s16], [sflag:$0x5] =	stream.indirect.gather [hbm4b:s4+s19], $0x10, s18, s19, $0xb8;
	[tilespmem:$0xDE00] =	vst v63  }
0x44: {  	s23 =	simm.s32 $0x2A00;
	s18 =	simm.s32 $0x9E80  }
0x45: {  	[tilespmem:s18], [sflag:$0x6] =	stream.indirect.gather [hbm4b:s4+s19], $0x10, s23, s19, $0xb8;
	[tilespmem:$0xDE00] =	vst v63  }
0x46: {  	s23 =	simm.s32 $0x2A80  }
0x47: {  	[tilespmem:s26], [sflag:$0x7] =	stream.indirect.gather [hbm4b:s4+s19], $0x10, s23, s19, $0xb8;
	[tilespmem:$0xDE00] =	vst v63  }
0x48: {  	s23 =	simm.s32 $0x2B00  }
0x49: {  	[tilespmem:s29], [sflag:$0x8] =	stream.indirect.gather [hbm4b:s4+s19], $0x10, s23, s19, $0xb8;
	[tilespmem:$0xDE00] =	vst v63  }
0x4a: {  	_ =	swait.ge [sflag:s22], $0x800  }
0x4b: {  	[sflag:s22] =	ssyncset.done $0x0  }
0x4c: {  	s23 =	simm.s32 $0x4F00;
	[sflag:s22] =	ssyncadd.s32 $0xFFFFF800  }
0x4d: {  	[spmem:s2] =	stream.indirect.scatter.add.f32 [tilespmem:s11], [sflag:$0x9], $0x10, s23, s19, $0xb8;
	[tilespmem:$0xDE00] =	vst v63  }
0x4e: {  	_ =	swait.ge [sflag:s24], $0x800  }
0x4f: {  	[sflag:s24] =	ssyncset.done $0x0  }
0x50: {  	[sflag:s24] =	ssyncadd.s32 $0xFFFFF800;
	s24 =	simm.s32 $0x2B80  }
0x51: {  	[tilespmem:s11], [sflag:$0x1] =	stream.indirect.gather [hbm4b:s4+s19], $0x10, s24, s19, $0xb8;
	[tilespmem:$0xDE00] =	vst v63  }
0x52: {  	_ =	swait.ge [sflag:s25], $0x800  }
0x53: {  	[sflag:s25] =	ssyncset.done $0x0  }
0x54: {  	s11 =	simm.s32 $0x4F80;
	[sflag:s25] =	ssyncadd.s32 $0xFFFFF800  }
0x55: {  	[spmem:s2] =	stream.indirect.scatter.add.f32 [tilespmem:s14], [sflag:$0xA], $0x10, s11, s19, $0xb8;
	[tilespmem:$0xDE00] =	vst v63  }
0x56: {  	_ =	swait.ge [sflag:s28], $0x800  }
0x57: {  	[sflag:s28] =	ssyncset.done $0x0  }
0x58: {  	s22 =	simm.s32 $0x2C00;
	[sflag:s28] =	ssyncadd.s32 $0xFFFFF800  }
0x59: {  	[tilespmem:s14], [sflag:$0x2] =	stream.indirect.gather [hbm4b:s4+s19], $0x10, s22, s19, $0xb8;
	[tilespmem:$0xDE00] =	vst v63  }
0x5a: {  	_ =	swait.ge [sflag:s30], $0x800  }
0x5b: {  	[sflag:s30] =	ssyncset.done $0x0  }
0x5c: {  	s23 =	simm.s32 $0x5000;
	[sflag:s30] =	ssyncadd.s32 $0xFFFFF800  }
0x5d: {  	[spmem:s2] =	stream.indirect.scatter.add.f32 [tilespmem:s17], [sflag:$0xB], $0x10, s23, s19, $0xb8;
	[tilespmem:$0xDE00] =	vst v63  }
0x5e: {  	_ =	swait.ge [sflag:s0], $0x800  }
0x5f: {  	[sflag:s0] =	ssyncset.done $0x0  }
0x60: {  	s24 =	simm.s32 $0x2C80;
	[sflag:s0] =	ssyncadd.s32 $0xFFFFF800  }
0x61: {  	[tilespmem:s17], [sflag:$0x3] =	stream.indirect.gather [hbm4b:s4+s19], $0x10, s24, s19, $0xb8;
	[tilespmem:$0xDE00] =	vst v63  }
0x62: {  	_ =	swait.ge [sflag:s21], $0x800  }
0x63: {  	[sflag:s21] =	ssyncset.done $0x0  }
0x64: {  	s11 =	simm.s32 $0x5080;
	[sflag:s21] =	ssyncadd.s32 $0xFFFFF800  }
0x65: {  	[spmem:s2] =	stream.indirect.scatter.add.f32 [tilespmem:s20], [sflag:$0xC], $0x10, s11, s19, $0xb8;
	[tilespmem:$0xDE00] =	vst v63  }
0x66: {  	_ =	swait.ge [sflag:s5], $0x800  }
0x67: {  	[sflag:s5] =	ssyncset.done $0x0  }
0x68: {  	s14 =	simm.s32 $0x2D00;
	[sflag:s5] =	ssyncadd.s32 $0xFFFFF800  }
0x69: {  	[tilespmem:s20], [sflag:$0x4] =	stream.indirect.gather [hbm4b:s4+s19], $0x10, s14, s19, $0xb8;
	[tilespmem:$0xDE00] =	vst v63  }
0x6a: {  	_ =	swait.ge [sflag:s9], $0x800  }
0x6b: {  	[sflag:s9] =	ssyncset.done $0x0  }
0x6c: {  	s17 =	simm.s32 $0x5100;
	[sflag:s9] =	ssyncadd.s32 $0xFFFFF800  }
0x6d: {  	[spmem:s2] =	stream.indirect.scatter.add.f32 [tilespmem:s16], [sflag:$0xD], $0x10, s17, s19, $0xb8;
	[tilespmem:$0xDE00] =	vst v63  }
0x6e: {  	_ =	swait.ge [sflag:s15], $0x800  }
0x6f: {  	[sflag:s15] =	ssyncset.done $0x0  }
0x70: {  	s20 =	simm.s32 $0x2D80;
	[sflag:s15] =	ssyncadd.s32 $0xFFFFF800  }
0x71: {  	[tilespmem:s16], [sflag:$0x5] =	stream.indirect.gather [hbm4b:s4+s19], $0x10, s20, s19, $0xb8;
	[tilespmem:$0xDE00] =	vst v63  }
0x72: {  	_ =	swait.ge [sflag:s10], $0x800  }
0x73: {  	[sflag:s10] =	ssyncset.done $0x0  }
0x74: {  	s22 =	simm.s32 $0x5180;
	[sflag:s10] =	ssyncadd.s32 $0xFFFFF800  }
0x75: {  	[spmem:s2] =	stream.indirect.scatter.add.f32 [tilespmem:s18], [sflag:$0xE], $0x10, s22, s19, $0xb8;
	[tilespmem:$0xDE00] =	vst v63  }
0x76: {  	_ =	swait.ge [sflag:s12], $0x800  }
0x77: {  	[sflag:s12] =	ssyncset.done $0x0  }
0x78: {  	s23 =	simm.s32 $0x2E00;
	[sflag:s12] =	ssyncadd.s32 $0xFFFFF800  }
0x79: {  	[tilespmem:s18], [sflag:$0x6] =	stream.indirect.gather [hbm4b:s4+s19], $0x10, s23, s19, $0xb8;
	[tilespmem:$0xDE00] =	vst v63  }
0x7a: {  	_ =	swait.ge [sflag:s13], $0x800  }
0x7b: {  	[sflag:s13] =	ssyncset.done $0x0  }
0x7c: {  	s24 =	simm.s32 $0x5200;
	[sflag:s13] =	ssyncadd.s32 $0xFFFFF800  }
0x7d: {  	[spmem:s2] =	stream.indirect.scatter.add.f32 [tilespmem:s26], [sflag:$0xF], $0x10, s24, s19, $0xb8;
	[tilespmem:$0xDE00] =	vst v63  }
0x7e: {  	p1 =	sle.u32 s6, $0xE;
	_ =	swait.ge [sflag:s7], $0x800  }
0x7f: {  	s1 =	simm.s32 @!p1 $0xA680;
	[sflag:s7] =	ssyncset.done $0x0  }
0x80: {  	s11 =	simm.s32 @!p1 $0x2E80;
	s14 =	simm.s32 @!p1 $0x80;
	[sflag:s7] =	ssyncadd.s32 $0xFFFFF800  }
0x81: {  	[tilespmem:s1], [sflag:$0x7] =	stream.indirect.gather @!p1 [hbm4b:s4+s14], $0x10, s11, s14, $0xb8;
	[tilespmem:$0xDE00] =	vst v63  }
0x82: {  	_ =	swait.ge [sflag:s3], $0x800  }
0x83: {  	[sflag:s3] =	ssyncset.done $0x0  }
0x84: {  	s26 =	simm.s32 $0x5280;
	[sflag:s3] =	ssyncadd.s32 $0xFFFFF800  }
0x85: {  	[spmem:s2] =	stream.indirect.scatter.add.f32 [tilespmem:s29], [sflag:$0x10], $0x10, s26, s19, $0xb8;
	[tilespmem:$0xDE00] =	vst v63  }
0x86: {  	p2 =	sle.u32 s6, $0xF;
	s17 =	simm.s32 $0x17;
	_ =	swait.ge [sflag:s8], $0x800  }
0x87: {  	s23 =	simm.s32 @!p2 $0x80;
	s14 =	simm.s32 $0x1000;
	[sflag:s8] =	ssyncset.done $0x0  }
0x88: {  	s1 =	simm.s32 @!p2 $0xAE80;
	s11 =	simm.s32 @!p2 $0x2F00;
	[sflag:s8] =	ssyncadd.s32 $0xFFFFF800  }
.LBB2_2:
0x89: {  	[tilespmem:s1], [sflag:$0x8] =	stream.indirect.gather @!p2 [hbm4b:s4+s23], $0x10, s11, s23, $0xb8;
	[tilespmem:$0xDE00] =	vst v63  }
0x8a: {  	s16 =	simm.s32 $0x1;
	s11 =	smov.u32 s14  }
0x8b: {  	s14 =	sadd.s32 $0x1000, s14;
	s20 =	simm.s32 $0x7680;
	_ =	swait.ge [sflag:s16], $0x800  }
0x8c: {  	s1 =	sshra.s32 s11, $0x2;
	p1 =	sne.s32 s14, $0x9000;
	[sflag:s16] =	ssyncset.done $0x0  }
0x8d: {  	s23 =	sadd.s32 $0x4F00, s1;
	[sflag:s16] =	ssyncadd.s32 $0xFFFFF800;
	s16 =	simm.s32 $0x9  }
0x8e: {  	[spmem:s2] =	stream.indirect.scatter.add.f32 [tilespmem:s20], [sflag:$0x9], $0x10, s23, s19, $0xb8;
	[tilespmem:$0xDE00] =	vst v63  }
0x8f: {  	_ =	swait.ge [sflag:s16], $0x800  }
0x90: {  	[sflag:s16] =	ssyncset.done $0x0  }
0x91: {  	s24 =	simm.s32 $0x7680;
	s23 =	sadd.s32 $0x2B80, s1;
	[sflag:s16] =	ssyncadd.s32 $0xFFFFF800  }
0x92: {  	[tilespmem:s20], [sflag:$0x1] =	stream.indirect.gather [hbm4b:s4+s19], $0x10, s23, s19, $0xb8;
	[tilespmem:$0xDE00] =	vst v63  }
0x93: {  	_ =	swait.ge [sflag:s25], $0x800  }
0x94: {  	[sflag:s25] =	ssyncset.done $0x0  }
0x95: {  	s23 =	sadd.s32 $0x4F80, s1;
	s20 =	simm.s32 $0x7E80;
	[sflag:s25] =	ssyncadd.s32 $0xFFFFF800  }
0x96: {  	[spmem:s2] =	stream.indirect.scatter.add.f32 [tilespmem:s20], [sflag:$0xA], $0x10, s23, s19, $0xb8;
	[tilespmem:$0xDE00] =	vst v63  }
0x97: {  	_ =	swait.ge [sflag:s28], $0x800  }
0x98: {  	[sflag:s28] =	ssyncset.done $0x0  }
0x99: {  	s26 =	simm.s32 $0x7E80;
	s23 =	sadd.s32 $0x2C00, s1;
	[sflag:s28] =	ssyncadd.s32 $0xFFFFF800  }
0x9a: {  	[tilespmem:s20], [sflag:$0x2] =	stream.indirect.gather [hbm4b:s4+s19], $0x10, s23, s19, $0xb8;
	[tilespmem:$0xDE00] =	vst v63  }
0x9b: {  	_ =	swait.ge [sflag:s30], $0x800  }
0x9c: {  	[sflag:s30] =	ssyncset.done $0x0  }
0x9d: {  	s23 =	sadd.s32 $0x5000, s1;
	s20 =	simm.s32 $0x8680;
	[sflag:s30] =	ssyncadd.s32 $0xFFFFF800  }
0x9e: {  	[spmem:s2] =	stream.indirect.scatter.add.f32 [tilespmem:s20], [sflag:$0xB], $0x10, s23, s19, $0xb8;
	[tilespmem:$0xDE00] =	vst v63  }
0x9f: {  	_ =	swait.ge [sflag:s0], $0x800  }
0xa0: {  	[sflag:s0] =	ssyncset.done $0x0  }
0xa1: {  	s29 =	simm.s32 $0x8680;
	s23 =	sadd.s32 $0x2C80, s1;
	[sflag:s0] =	ssyncadd.s32 $0xFFFFF800  }
0xa2: {  	[tilespmem:s20], [sflag:$0x3] =	stream.indirect.gather [hbm4b:s4+s19], $0x10, s23, s19, $0xb8;
	[tilespmem:$0xDE00] =	vst v63  }
0xa3: {  	_ =	swait.ge [sflag:s21], $0x800  }
0xa4: {  	[sflag:s21] =	ssyncset.done $0x0  }
0xa5: {  	s23 =	sadd.s32 $0x5080, s1;
	s20 =	simm.s32 $0x8E80;
	[sflag:s21] =	ssyncadd.s32 $0xFFFFF800  }
0xa6: {  	[spmem:s2] =	stream.indirect.scatter.add.f32 [tilespmem:s20], [sflag:$0xC], $0x10, s23, s19, $0xb8;
	[tilespmem:$0xDE00] =	vst v63  }
0xa7: {  	_ =	swait.ge [sflag:s5], $0x800  }
0xa8: {  	[sflag:s5] =	ssyncset.done $0x0  }
0xa9: {  	s23 =	sadd.s32 $0x2D00, s1;
	[sflag:s5] =	ssyncadd.s32 $0xFFFFF800  }
0xaa: {  	[tilespmem:s20], [sflag:$0x4] =	stream.indirect.gather [hbm4b:s4+s19], $0x10, s23, s19, $0xb8;
	[tilespmem:$0xDE00] =	vst v63  }
0xab: {  	_ =	swait.ge [sflag:s9], $0x800  }
0xac: {  	[sflag:s9] =	ssyncset.done $0x0  }
0xad: {  	s23 =	sadd.s32 $0x5100, s1;
	s20 =	simm.s32 $0x9680;
	[sflag:s9] =	ssyncadd.s32 $0xFFFFF800  }
0xae: {  	[spmem:s2] =	stream.indirect.scatter.add.f32 [tilespmem:s20], [sflag:$0xD], $0x10, s23, s19, $0xb8;
	[tilespmem:$0xDE00] =	vst v63  }
0xaf: {  	_ =	swait.ge [sflag:s15], $0x800  }
0xb0: {  	[sflag:s15] =	ssyncset.done $0x0  }
0xb1: {  	s16 =	simm.s32 $0x9680;
	s23 =	sadd.s32 $0x2D80, s1;
	[sflag:s15] =	ssyncadd.s32 $0xFFFFF800  }
0xb2: {  	[tilespmem:s20], [sflag:$0x5] =	stream.indirect.gather [hbm4b:s4+s19], $0x10, s23, s19, $0xb8;
	[tilespmem:$0xDE00] =	vst v63  }
0xb3: {  	_ =	swait.ge [sflag:s10], $0x800  }
0xb4: {  	[sflag:s10] =	ssyncset.done $0x0  }
0xb5: {  	s23 =	sadd.s32 $0x5180, s1;
	s20 =	simm.s32 $0x9E80;
	[sflag:s10] =	ssyncadd.s32 $0xFFFFF800  }
0xb6: {  	[spmem:s2] =	stream.indirect.scatter.add.f32 [tilespmem:s20], [sflag:$0xE], $0x10, s23, s19, $0xb8;
	[tilespmem:$0xDE00] =	vst v63  }
0xb7: {  	_ =	swait.ge [sflag:s12], $0x800  }
0xb8: {  	[sflag:s12] =	ssyncset.done $0x0  }
0xb9: {  	s18 =	simm.s32 $0x9E80;
	s23 =	sadd.s32 $0x2E00, s1;
	[sflag:s12] =	ssyncadd.s32 $0xFFFFF800  }
0xba: {  	[tilespmem:s20], [sflag:$0x6] =	stream.indirect.gather [hbm4b:s4+s19], $0x10, s23, s19, $0xb8;
	[tilespmem:$0xDE00] =	vst v63  }
0xbb: {  	_ =	swait.ge [sflag:s13], $0x800  }
0xbc: {  	s22 =	simm.s32 $0xA680;
	[sflag:s13] =	ssyncset.done $0x0  }
0xbd: {  	s23 =	sadd.s32 $0x5200, s1;
	s20 =	sadd.s32 $0xFFFFFFFF, s17;
	[sflag:s13] =	ssyncadd.s32 $0xFFFFF800  }
0xbe: {  	[spmem:s2] =	stream.indirect.scatter.add.f32 [tilespmem:s22], [sflag:$0xF], $0x10, s23, s19, $0xb8;
	[tilespmem:$0xDE00] =	vst v63  }
0xbf: {  	p2 =	sge.u32 s20, s6;
	_ =	swait.ge [sflag:s7], $0x800  }
0xc0: {  	s20 =	sshra.s32 @!p2 s11, $0x2;
	s23 =	simm.s32 @!p2 $0xA680;
	[sflag:s7] =	ssyncset.done $0x0  }
0xc1: {  	s20 =	sadd.s32 @!p2 $0x2E80, s20;
	s22 =	simm.s32 @!p2 $0x80;
	[sflag:s7] =	ssyncadd.s32 $0xFFFFF800  }
0xc2: {  	[tilespmem:s23], [sflag:$0x7] =	stream.indirect.gather @!p2 [hbm4b:s4+s22], $0x10, s20, s22, $0xb8;
	[tilespmem:$0xDE00] =	vst v63  }
0xc3: {  	_ =	swait.ge [sflag:s3], $0x800  }
0xc4: {  	s1 =	sadd.s32 $0x5280, s1;
	[sflag:s3] =	ssyncset.done $0x0  }
.Ltmp0:
0xc5: {  	s20 =	simm.s32 $0xAE80;
	[sflag:s3] =	ssyncadd.s32 $0xFFFFF800;
	(pc) =	sbr.rel @p1 .LBB2_2-.Ltmp0, $4  }
0xc6: {  	[spmem:s2] =	stream.indirect.scatter.add.f32 [tilespmem:s20], [sflag:$0x10], $0x10, s1, s19, $0xb8;
	[tilespmem:$0xDE00] =	vst v63  }
0xc7: {  	p2 =	sge.u32 s17, s6;
	s17 =	sadd.s32 $0x8, s17;
	_ =	swait.ge [sflag:s8], $0x800  }
0xc8: {  	s11 =	sshra.s32 @!p2 s11, $0x2;
	s1 =	simm.s32 @!p2 $0xAE80;
	[sflag:s8] =	ssyncset.done $0x0  }
0xc9: {  	s23 =	simm.s32 @!p2 $0x80;
	s11 =	sadd.s32 @!p2 $0x2F00, s11;
	[sflag:s8] =	ssyncadd.s32 $0xFFFFF800  }
0xca: {  	[tilespmem:s1], [sflag:$0x8] =	stream.indirect.gather @!p2 [hbm4b:s4+s23], $0x10, s11, s23, $0xb8;
	[tilespmem:$0xDE00] =	vst v63  }
0xcb: {  	s20 =	simm.s32 $0x1  }
0xcc: {  	_ =	swait.ge [sflag:s20], $0x800  }
0xcd: {  	[sflag:s20] =	ssyncset.done $0x0  }
0xce: {  	s22 =	simm.s32 $0x7300;
	s23 =	simm.s32 $0x9;
	[sflag:s20] =	ssyncadd.s32 $0xFFFFF800  }
0xcf: {  	[spmem:s2] =	stream.indirect.scatter.add.f32 [tilespmem:s24], [sflag:$0x9], $0x10, s22, s19, $0xb8;
	[tilespmem:$0xDE00] =	vst v63  }
0xd0: {  	_ =	swait.ge [sflag:s23], $0x800  }
0xd1: {  	[sflag:s23] =	ssyncset.done $0x0  }
0xd2: {  	[sflag:s23] =	ssyncadd.s32 $0xFFFFF800  }
0xd3: {  	_ =	swait.ge [sflag:s25], $0x800  }
0xd4: {  	[sflag:s25] =	ssyncset.done $0x0  }
0xd5: {  	s24 =	simm.s32 $0x7380;
	[sflag:s25] =	ssyncadd.s32 $0xFFFFF800  }
0xd6: {  	[spmem:s2] =	stream.indirect.scatter.add.f32 [tilespmem:s26], [sflag:$0xA], $0x10, s24, s19, $0xb8;
	[tilespmem:$0xDE00] =	vst v63  }
0xd7: {  	_ =	swait.ge [sflag:s28], $0x800  }
0xd8: {  	[sflag:s28] =	ssyncset.done $0x0  }
0xd9: {  	[sflag:s28] =	ssyncadd.s32 $0xFFFFF800  }
0xda: {  	_ =	swait.ge [sflag:s30], $0x800  }
0xdb: {  	[sflag:s30] =	ssyncset.done $0x0  }
0xdc: {  	s26 =	simm.s32 $0x7400;
	[sflag:s30] =	ssyncadd.s32 $0xFFFFF800  }
0xdd: {  	[spmem:s2] =	stream.indirect.scatter.add.f32 [tilespmem:s29], [sflag:$0xB], $0x10, s26, s19, $0xb8;
	[tilespmem:$0xDE00] =	vst v63  }
0xde: {  	_ =	swait.ge [sflag:s0], $0x800  }
0xdf: {  	[sflag:s0] =	ssyncset.done $0x0  }
0xe0: {  	[sflag:s0] =	ssyncadd.s32 $0xFFFFF800  }
0xe1: {  	_ =	swait.ge [sflag:s21], $0x800  }
0xe2: {  	[sflag:s21] =	ssyncset.done $0x0  }
0xe3: {  	s11 =	simm.s32 $0x7480;
	[sflag:s21] =	ssyncadd.s32 $0xFFFFF800  }
0xe4: {  	[spmem:s2] =	stream.indirect.scatter.add.f32 [tilespmem:s31], [sflag:$0xC], $0x10, s11, s19, $0xb8;
	[tilespmem:$0xDE00] =	vst v63  }
0xe5: {  	_ =	swait.ge [sflag:s5], $0x800  }
0xe6: {  	[sflag:s5] =	ssyncset.done $0x0  }
0xe7: {  	[sflag:s5] =	ssyncadd.s32 $0xFFFFF800  }
0xe8: {  	_ =	swait.ge [sflag:s9], $0x800  }
0xe9: {  	[sflag:s9] =	ssyncset.done $0x0  }
0xea: {  	s14 =	simm.s32 $0x7500;
	[sflag:s9] =	ssyncadd.s32 $0xFFFFF800  }
0xeb: {  	[spmem:s2] =	stream.indirect.scatter.add.f32 [tilespmem:s16], [sflag:$0xD], $0x10, s14, s19, $0xb8;
	[tilespmem:$0xDE00] =	vst v63  }
0xec: {  	_ =	swait.ge [sflag:s15], $0x800  }
0xed: {  	[sflag:s15] =	ssyncset.done $0x0  }
0xee: {  	[sflag:s15] =	ssyncadd.s32 $0xFFFFF800  }
0xef: {  	_ =	swait.ge [sflag:s10], $0x800  }
0xf0: {  	[sflag:s10] =	ssyncset.done $0x0  }
0xf1: {  	s17 =	simm.s32 $0x7580;
	[sflag:s10] =	ssyncadd.s32 $0xFFFFF800  }
0xf2: {  	[spmem:s2] =	stream.indirect.scatter.add.f32 [tilespmem:s18], [sflag:$0xE], $0x10, s17, s19, $0xb8;
	[tilespmem:$0xDE00] =	vst v63  }
0xf3: {  	_ =	swait.ge [sflag:s12], $0x800  }
0xf4: {  	[sflag:s12] =	ssyncset.done $0x0  }
0xf5: {  	s1 =	simm.s32 @!p0 $0x7;
	[sflag:s12] =	ssyncadd.s32 $0xFFFFF800  }
0xf6: {  	_ =	swait.ge @!p0 [sflag:s1], $0x800  }
0xf7: {  	s11 =	simm.s32 @!p0 $0x7600;
	[sflag:s1] =	ssyncset.done @!p0 $0x0  }
0xf8: {  	s14 =	simm.s32 @!p0 $0xA680;
	[sflag:s1] =	ssyncadd.s32 @!p0 $0xFFFFF800;
	s1 =	simm.s32 @!p0 $0x80  }
0xf9: {  	[spmem:s2] =	stream.indirect.scatter.add.f32 @!p0 [tilespmem:s14], [sflag:$0xF], $0x10, s11, s1, $0xb8;
	[tilespmem:$0xDE00] =	vst v63  }
0xfa: {  	s1 =	simm.s32 @!p0 $0xF  }
0xfb: {  	_ =	swait.ge @!p0 [sflag:s1], $0x800  }
0xfc: {  	[sflag:s1] =	ssyncset.done @!p0 $0x0  }
0xfd: {  	[sflag:s1] =	ssyncadd.s32 @!p0 $0xFFFFF800  }
0xfe: {  	[bflag:$0x0] =	sbarrier.arrive $0xFFFF  }
0xff: {  	s22 =	simm.s32 $0xB680;
	s18 =	simm.s32 $0x11;
	s20 =	rddreg [dreg:$0x8]  }
0x100: {  	[tilespmem:s22], [sflag:$0x11] =	stream.linear.gather [spmem:s20], $0x2780, $0x38;
	[tilespmem:$0xDE00] =	vst v63  }
0x101: {  	_ =	swait.ge [sflag:s18], $0x2780  }
0x102: {  	[sflag:s18] =	ssyncset.done $0x0  }
0x103: {  	s11 =	simm.s32 $0x0;
	s23 =	rddreg [dreg:$0x9];
	[sflag:s18] =	ssyncadd.s32 $0xFFFFD880  }
0x104: {  	[hbm4b:s23+s11] =	stream.linear.scatter [tilespmem:s22], [sflag:$0x11], $0x2780, $0x38;
	[tilespmem:$0xDE00] =	vst v63  }
0x105: {  	_ =	swait.ge [sflag:s18], $0x2780  }
0x106: {  	s24 =	rddreg [dreg:$0xb]  }
0x107: {  	s26 =	rddreg [dreg:$0xa];
	s16 =	sadd.s32 $0x1, s24  }
0x108: {  	p1 =	sne.s32 s16, s26  }
.Ltmp1:
0x109: {  	_ = 	snop;
	(pc) =	sbr.rel @p1 .LBB2_1-.Ltmp1, $3  }
0x10a: {  	_ =	sdelay $0x1  }
0x10b: {  	[sflag:s18] =	ssyncset.done $0x0  }
0x10c: {  	s29 =	simm.s32 $0xAE80;
	[sflag:s18] =	ssyncadd.s32 $0xFFFFD880;
	s26 =	simm.s32 $0xA680  }
0x10d: {  	_ =	sfence.sel $0x180000  }
0x10e: {  	[bflag:$0x0] =	sbarrier.arrive $0xFFFF  }
0x10f: {  	_ =	strace $0x9000004D  }
0x110: {  	s0 =	stileid.u32;
	[bflag:$0x2] =	sbarrier.arrive $0xFFFF  }
0x111: {  	p0 =	sne.s32 s0, $0x0;
	s0 =	rddreg [dreg:$0x2]  }
0x112: {  	s0 =	sadd.s32 @!p0 $0x100000, s0  }
0x113: {  	[sflag:s0] =	ssyncadd.tile.s32 @!p0 $0x1;
	_ =	shalt  }
.Lfunc_end2:
_tile_overlayer_lowered:
.L_overlay_start_2:
0x114: {  	(tag) =	ssettag $0x2  }
0x115: {  	s0 =	rddreg [dreg:$0x0];
	s2 =	stileid.u32  }
0x116: {  	s1 =	rddreg [dreg:$0x1];
	p0 =	sne.s32 s2, $0x0  }
0x117: {  	s3 =	rddreg [dreg:$0x2];
	[bflag:$0x3] =	sbarrier.arrive $0xFFFF;
	s2 =	simm.s32 @!p0 $0x1C11  }
0x118: {  	[timem:s3], [sflag:s2] =	dma.local @!p0 [hbm:s0], s1  }
0x119: {  	s0 =	simm.s32 @!p0 $0x11  }
0x11a: {  	_ =	swait.ge @!p0 [sflag:s0], s1  }
0x11b: {  	s1 =	ssub.s32 @!p0 $0x0, s1;
	[sflag:s0] =	ssyncset.done @!p0 $0x0  }
0x11c: {  	[sflag:s0] =	ssyncadd.s32 @!p0 s1  }
0x11d: {  	[bflag:$0x3] =	sbarrier.arrive $0xFFFF  }
0x11e: {  	_ =	shalt  }

// kernel: kernel.9.cloned.1.call-start
scs
__scs_entry_jumppad:
0x0: {  	(pc) =	sbr.rel $0x88, $3  }
0x1: {  	(tag) =	ssettag $0x0;
	lr =	simm.s32 $0x1  }
0x2: {  	[smem:$0x3F9A] =	sst lr;
	_ =	strace $0xD0000000  }
0x3: {  	_ = 	snop  }
0x4: {  	_ = 	snop  }
0x5: {  	_ = 	snop  }
0x6: {  	_ = 	snop  }
0x7: {  	_ = 	snop  }
__scs_overlays_trampoline_lowered:
0x8: {  	[smem:$0x3FA9] =	sst s0  }
0x9: {  	[smem:$0x3FAA] =	sst s1  }
0xa: {  	[smem:$0x3FAB] =	sst s2  }
0xb: {  	[smem:$0x3FAC] =	sst s3  }
0xc: {  	[smem:$0x3FAD] =	sst s4  }
0xd: {  	[smem:$0x3FAE] =	sst s5  }
0xe: {  	[smem:$0x3FAF] =	sst s6  }
0xf: {  	[smem:$0x3FB0] =	sst s7  }
0x10: {  	[smem:$0x3FB1] =	sst s8  }
0x11: {  	[smem:$0x3FB2] =	sst s9;
	s0 =	simm.s32 @!p0 $0x0  }
0x12: {  	s1 =	sld [smem:$0x3F98];
	s0 =	simm.s32 @p0 $0x1  }
0x13: {  	[smem:$0x3FB3] =	sst s0;
	s0 =	simm.s32 @!p1 $0x0  }
0x14: {  	s2 =	sld [smem:$0x3F97];
	s0 =	simm.s32 @p1 $0x1  }
0x15: {  	[smem:$0x3FB4] =	sst s0;
	s0 =	simm.s32 @!p2 $0x0  }
0x16: {  	s3 =	sld [smem:$0x3FDB];
	s0 =	simm.s32 @p2 $0x1  }
0x17: {  	s4 =	simm.s32 $0x1BF5;
	[smem:$0x3FB6] =	sst s0  }
0x18: {  	s0 =	sld [smem:$0x3F99];
	_ =	swait.ge [sflag:s4], $0x0  }
0x19: {  	s7 =	sld [smem:$0x3F9A]  }
0x1a: {  	s8 =	sadd.s32 $0xFFFFE003, lr  }
0x1b: {  	s9 =	sadd.s32 $0xFFFFFEF7, lr;
	s5 =	simm.s32 $0xFFFFFFFF;
	p2 =	slt.u32 s8, $0xFFFFF086  }
0x1c: {  	p1 =	slt.u32 s9, $0xF7A;
	s5 =	simm.s32 @!p2 $0x0  }
0x1d: {  	s5 =	simm.s32 @p1 $0x1;
	p0 =	seq.s32 s7, s2  }
0x1e: {  	s7 =	smul.u32 @!p0 $0xF7A, s2;
	p2 =	seq.s32 @!p0 s5, $0x0  }
0x1f: {  	s9 =	smul.u32 $0xF7A, s1;
	s8 =	simm.s32 @!p0 $0x1BF5;
	p2 =	por !p2, p0  }
0x20: {  	[sflag:s8] =	ssyncset.s32 @!p0 $0xFFFFF086;
	s6 =	sadd.s32 @!p0 s3, s7;
	s7 =	simm.s32 @!p0 $0x108  }
0x21: {  	s3 =	sadd.s32 s3, s9;
	s6 =	sadd.s32 @!p0 $0x88, s6;
	s7 =	simm.s32 @p2 $0x1082  }
0x22: {  	[simem:s7], [sflag:s8] =	dma.local @!p0 [hbm:s6], $0xF7A  }
0x23: {  	s9 =	sor.u32 $0xD0000000, s2;
	s6 =	simm.s32 $0x108;
	_ =	swait.ge @!p0 [sflag:s8], $0x0  }
0x24: {  	s3 =	sadd.s32 $0x88, s3;
	s6 =	simm.s32 @!p1 $0x1082;
	[sflag:s4] =	ssyncset.s32 $0xFFFFF086  }
0x25: {  	[simem:s6], [sflag:s4] =	dma.local [hbm:s3], $0xF7A  }
0x26: {  	[smem:$0x3F9A] =	sst s1;
	(tag) =	ssettag s2;
	_ =	strace s9  }
0x27: {  	s1 =	sld [smem:$0x3FAA]  }
0x28: {  	s2 =	sld [smem:$0x3FAB]  }
0x29: {  	s4 =	sld [smem:$0x3FAD]  }
0x2a: {  	p0 =	seq.s32 s5, $0x0;
	s5 =	sld [smem:$0x3FAE]  }
0x2b: {  	s6 =	sld [smem:$0x3FAF]  }
0x2c: {  	s7 =	sld [smem:$0x3FB0]  }
0x2d: {  	s3 =	simm.s32 $0x108;
	s8 =	sld [smem:$0x3FB1]  }
0x2e: {  	s3 =	simm.s32 @!p0 $0x1082;
	s9 =	sld [smem:$0x3FB2]  }
0x2f: {  	lr =	sadd.s32 s0, s3;
	s0 =	sld [smem:$0x3FA9]  }
0x30: {  	s3 =	sld [smem:$0x3FAC]  }
0x31: {  	[smem:$0x3FB5] =	sst s10  }
0x32: {  	s10 =	sld [smem:$0x3FB3];
	_ =	sdelay $0x3  }
0x33: {  	p0 =	seq.s32 s10, $0x1;
	s10 =	sld [smem:$0x3FB5];
	_ =	sdelay $0x3  }
0x34: {  	[smem:$0x3FB5] =	sst s10  }
0x35: {  	s10 =	sld [smem:$0x3FB4];
	_ =	sdelay $0x3  }
0x36: {  	p1 =	seq.s32 s10, $0x1;
	s10 =	sld [smem:$0x3FB5];
	_ =	sdelay $0x3  }
0x37: {  	[smem:$0x3FB5] =	sst s10  }
0x38: {  	s10 =	sld [smem:$0x3FB6]  }
0x39: {  	_ = 	snop;
	(pc) =	sbr.ind lr, $3  }
0x3a: {  	_ = 	snop  }
0x3b: {  	_ = 	snop  }
0x3c: {  	p2 =	seq.s32 s10, $0x1;
	s10 =	sld [smem:$0x3FB5]  }
0x3d: {  	_ =	shalt  }
0x3e: {  	_ =	shalt  }
0x3f: {  	_ =	shalt  }
0x40: {  	_ =	shalt  }
0x41: {  	_ =	shalt  }
0x42: {  	_ =	shalt  }
0x43: {  	_ =	shalt  }
0x44: {  	_ =	shalt  }
0x45: {  	_ =	shalt  }
0x46: {  	_ =	shalt  }
0x47: {  	_ =	shalt  }
0x48: {  	_ =	shalt  }
0x49: {  	_ =	shalt  }
0x4a: {  	_ =	shalt  }
0x4b: {  	_ =	shalt  }
0x4c: {  	_ =	shalt  }
0x4d: {  	_ =	shalt  }
0x4e: {  	_ =	shalt  }
0x4f: {  	_ =	shalt  }
0x50: {  	_ =	shalt  }
0x51: {  	_ =	shalt  }
0x52: {  	_ =	shalt  }
0x53: {  	_ =	shalt  }
0x54: {  	_ =	shalt  }
0x55: {  	_ =	shalt  }
0x56: {  	_ =	shalt  }
0x57: {  	_ =	shalt  }
0x58: {  	_ =	shalt  }
0x59: {  	_ =	shalt  }
0x5a: {  	_ =	shalt  }
0x5b: {  	_ =	shalt  }
0x5c: {  	_ =	shalt  }
0x5d: {  	_ =	shalt  }
0x5e: {  	_ =	shalt  }
0x5f: {  	_ =	shalt  }
0x60: {  	_ =	shalt  }
0x61: {  	_ =	shalt  }
0x62: {  	_ =	shalt  }
0x63: {  	_ =	shalt  }
0x64: {  	_ =	shalt  }
0x65: {  	_ =	shalt  }
0x66: {  	_ =	shalt  }
0x67: {  	_ =	shalt  }
0x68: {  	_ =	shalt  }
0x69: {  	_ =	shalt  }
0x6a: {  	_ =	shalt  }
0x6b: {  	_ =	shalt  }
0x6c: {  	_ =	shalt  }
0x6d: {  	_ =	shalt  }
0x6e: {  	_ =	shalt  }
0x6f: {  	_ =	shalt  }
0x70: {  	_ =	shalt  }
0x71: {  	_ =	shalt  }
0x72: {  	_ =	shalt  }
0x73: {  	_ =	shalt  }
0x74: {  	_ =	shalt  }
0x75: {  	_ =	shalt  }
0x76: {  	_ =	shalt  }
0x77: {  	_ =	shalt  }
0x78: {  	_ =	shalt  }
0x79: {  	_ =	shalt  }
0x7a: {  	_ =	shalt  }
0x7b: {  	_ =	shalt  }
0x7c: {  	_ =	shalt  }
0x7d: {  	_ =	shalt  }
0x7e: {  	_ =	shalt  }
0x7f: {  	_ =	shalt  }
0x80: {  	_ =	shalt  }
0x81: {  	_ =	shalt  }
0x82: {  	_ =	shalt  }
0x83: {  	_ =	shalt  }
0x84: {  	_ =	shalt  }
0x85: {  	_ =	shalt  }
0x86: {  	_ =	shalt  }
0x87: {  	_ =	shalt  }
.Lfunc_end0:
.L_simem_size_0:
called_computation_lowered:
.L_overlay_start_0:
0x88: {  	s2 =	sld [smem:$0x3FD9]  }
0x89: {  	s3 =	sld [smem:$0x3FFE];
	_ =	sdelay $0x1  }
0x8a: {  	s1 =	srdreg.scid  }
0x8b: {  	s0 =	sand.u32 $0x1, s1  }
0x8c: {  	s17 =	sshll.u32 s0, $0xA;
	s2 =	sadd.s32 s3, s2  }
0x8d: {  	s2 =	sadd.s32 s2, s17  }
0x8e: {  	[smem:$0x3FC1] =	sst s2  }
0x8f: {  	_ = 	snop  }
0x90: {  	s2 =	sld [smem:$0x3FD0];
	(tm) =	ssettm $0x1  }
0x91: {  	s18 =	sld [smem:$0x3FFB];
	_ =	sdelay $0x3  }
0x92: {  	_ =	strace s18  }
0x93: {  	s3 =	sld [smem:$0x3FFC];
	_ =	sdelay $0x3  }
0x94: {  	_ =	strace s3  }
0x95: {  	s3 =	sld [smem:$0x3FFD];
	_ =	sdelay $0x3  }
0x96: {  	_ =	strace s3  }
0x97: {  	_ =	strace $0x8FFFFFFF  }
0x98: {  	s19 =	sld [smem:$0x3FDB];
	_ =	sdelay $0x1  }
0x99: {  	s4 =	simm.s32 $_scs_section_size  }
0x9a: {  	s5 =	simm.s32 $_size__tile_overlayer_lowered;
	s6 =	simm.s32 $_tile_overlayer_lowered  }
0x9b: {  	s22 =	simm.s32 $0x1BFF;
	s21 =	sshll.u32 s6, $0x1;
	s3 =	sadd.s32 s4, s19  }
0x9c: {  	s7 =	simm.s32 $0x0;
	s20 =	sshll.u32 s5, $0x1;
	s5 =	sadd.s32 s21, s3  }
0x9d: {  	[timem:s7], [sflag:s22] =	dma.local [hbm:s5], s20  }
0x9e: {  	_ =	swait.ge [sflag:s22], s20  }
0x9f: {  	s4 =	ssub.s32 $0x0, s20;
	[sflag:s22] =	ssyncset.done $0x0  }
0xa0: {  	[sflag:s22] =	ssyncadd.s32 s4;
	_ =	sdelay $0x1  }
0xa1: {  	s23 =	simm.s32 $0x1B8B  }
0xa2: {  	_ =	swait.ge [sflag:s23], $0x1  }
0xa3: {  	[sflag:s23] =	ssyncset.done $0x0  }
0xa4: {  	s25 =	simm.s32 $0x1B8E;
	s24 =	sld [smem:$0x3FFE];
	[sflag:s23] =	ssyncadd.s32 $0xFFFFFFFF  }
0xa5: {  	s26 =	simm.s32 $execute0_lowered;
	[smem:$0x3FD2] =	sst s25  }
0xa6: {  	s5 =	sshll.u32 s26, $0x1;
	_ =	strace $0x80000046;
	[dreg:$0x1] =	wrdreg $0xFFFFFFFF  }
0xa7: {  	s28 =	simm.s32 $_size_execute0_lowered;
	s3 =	sadd.s32 s3, s5;
	[dreg:$0x0] =	wrdreg $0x0  }
0xa8: {  	s5 =	sshll.u32 s28, $0x1;
	[dreg:$0x2] =	wrdreg s3  }
0xa9: {  	[dreg:$0x3] =	wrdreg s5  }
0xaa: {  	[dreg:$0x4] =	wrdreg $0xC0  }
0xab: {  	_ =	task [dreg:s7], $0x5FFFF  }
0xac: {  	[dreg:$0x1] =	wrdreg $0xFFFFFFFF  }
0xad: {  	[dreg:$0x0] =	wrdreg $0x60  }
0xae: {  	[dreg:$0x2] =	wrdreg s24  }
0xaf: {  	[dreg:$0x3] =	wrdreg s2  }
0xb0: {  	[dreg:$0x4] =	wrdreg $0x0  }
0xb1: {  	[dreg:$0x5] =	wrdreg $0x9  }
0xb2: {  	_ =	task.clear_ibuf [dreg:s7], $0x6FFFF;
	_ =	strace $0x90000046  }
0xb3: {  	s29 =	simm.s32 $0x9;
	_ =	strace $0x80000048  }
0xb4: {  	_ =	swait.ge [sflag:s29], $0x1  }
0xb5: {  	[sflag:s29] =	ssyncadd.s32 $0xFFFFFFFF  }
0xb6: {  	_ =	strace $0x90000048  }
0xb7: {  	_ =	sfence  }
0xb8: {  	s30 =	sld [smem:$0x0];
	_ =	sdelay $0x2  }
0xb9: {  	s31 =	sshll.u32 s1, $0xD;
	s1 =	sshrl.u32 s1, $0x2  }
0xba: {  	s3 =	sand.u32 $0x4000, s31;
	s1 =	sadd.s32 s1, s30  }
0xbb: {  	s0 =	sor.u32 s3, s0;
	s1 =	sshll.u32 s1, $0x11  }
0xbc: {  	s0 =	sor.u32 s1, s0  }
0xbd: {  	s0 =	sadd.s32 $0x8F2B, s0  }
0xbe: {  	[sflag:s0] =	ssyncadd.remote.s32 $0x1  }
0xbf: {  	_ =	sfence.sel $0xFFFF  }
0xc0: {  	[dreg:$0x0] =	wrdreg $0xFFFFFFFF;
	(pc) =	sbr.abs _section_cstart, $3  }
0xc1: {  	[dreg:$0x1] =	wrdreg $0xFFFFFFFF  }
0xc2: {  	_ =	task.clear_ibuf [dreg:s7], $0x2FFFF;
	_ =	strace $0x9FFFFFFF  }
0xc3: {  	(tm) =	ssettm $0x7FFFFFFF  }
tec
execute0_lowered:
.L_overlay_start_1:
0x0: {  	(tag) =	ssettag $0x1  }
0x1: {  	s5 =	rddreg [dreg:$0x0]  }
0x2: {  	s2 =	rddreg [dreg:$0x1];
	s0 =	srdreg.scid  }
0x3: {  	s3 =	rddreg [dreg:$0x2];
	s1 =	stileid.u32;
	s4 =	simm.s32 $0x0  }
0x4: {  	s14 =	simm.s32 $0x2;
	s15 =	simm.s32 $0x80;
	s16 =	simm.s32 $0x29F8  }
0x5: {  	s17 =	simm.s32 $0x2878;
	s18 =	simm.s32 $0x28F8;
	s19 =	simm.s32 $0x2CF0  }
0x6: {  	s6 =	sand.u32 $0x1, s0;
	s0 =	rddreg [dreg:$0x3];
	s8 =	smul.u32 $0x2780, s1  }
0x7: {  	s20 =	simm.s32 $0x0;
	[smem:$0x7FF] =	sst s4;
	s12 =	smul.u32 $0x9E0, s1  }
0x8: {  	v0 =	vlaneseq.u32;
	s24 =	sadd.s32 $0x2E00, s5;
	s28 =	sshll.u32 s1, $0x4;
	s7 =	smul.u32 $0x27800, s6  }
0x9: {  	v0 =	vmul.u32 $0x10, v0;
	s9 =	sshll.u32 s6, $0x4;
	_ =	strace $0x80000047;
	s6 =	ssub.s32 $0x2, s6  }
0xa: {  	s30 =	sadd.s32 s28, s24;
	s10 =	sor.u32 s1, s9;
	s25 =	sshrl.u32 s6, $0x1  }
0xb: {  	v1 =	vimm.f32 $1.000000000e+00;
	s31 =	sshrl.u32 s12, $0x2;
	v2 =	vadd.s32 $0x2680, v0;
	s12 =	simm.s32 $0x1;
	s7 =	sadd.s32 s8, s7  }
0xc: {  	v3 =	vadd.s32 $0x2681, v0;
	v4 =	vadd.s32 $0x2682, v0;
	v5 =	vadd.s32 $0x2683, v0;
	s23 =	smul.u32 $0x2700, s10;
	s13 =	ssub.s32 s6, s25;
	s6 =	sadd.s32 $0x13840, s30  }
0xd: {  	v6 =	vadd.s32 $0x2684, v0;
	v7 =	vadd.s32 $0x2685, v0;
	v8 =	vadd.s32 $0x2686, v0;
	p0 =	sgt.u32 s10, $0x3;
	s10 =	simm.s32 $0x2A78;
	s7 =	sshrl.u32 s7, $0x3  }
0xe: {  	v9 =	vadd.s32 $0x2687, v0;
	v10 =	vadd.s32 $0x2688, v0;
	v11 =	vadd.s32 $0x2689, v0;
	s9 =	smax.u32 s13, $0x1;
	s13 =	simm.s32 $0x3;
	s26 =	sshrl.u32 s23, $0x3  }
0xf: {  	v12 =	vadd.s32 $0x268A, v0;
	v13 =	vadd.s32 $0x268B, v0;
	v14 =	vadd.s32 $0x268C, v0;
	s11 =	sadd.s32 s7, s5;
	s7 =	sadd.s32 s31, s3;
	s29 =	sadd.s32 s24, s26  }
0x10: {  	v15 =	vadd.s32 $0x268D, v0;
	v16 =	vadd.s32 $0x268E, v0;
	v17 =	vadd.s32 $0x268F, v0;
	s8 =	sadd.s32 $0x16800, s11;
	s11 =	simm.s32 $0x278;
	s5 =	sadd.s32 $0x9C40, s29  }
.LBB2_1:
0x11: {  	[tilespmem:s10], [sflag:$0x1] =	stream.linear.gather [hbm4b:s2+s4], $0x278, $0x38;
	[tilespmem:$0x5470] =	vst v63  }
0x12: {  	_ = 	snop  }
0x13: {  	[tilespmem:s11], [sflag:$0x2] =	stream.linear.gather [hbm4b:s5+s4], $0x2700, $0x38;
	[tilespmem:$0x5470] =	vst v63  }
0x14: {  	s21 =	simm.s32 @!p0 $0x0;
	s22 =	simm.s32 @!p0 $0x2978  }
0x15: {  	[tilespmem:s22], [sflag:$0x2] =	stream.linear.gather @!p0 [hbm4b:s6+s21], $0x80, $0x38;
	[tilespmem:$0x5470] =	vst v63  }
0x16: {  	[tilespmem:$0x29F8] =	vst v1  }
0x17: {  	[tilespmem:$0x2A08] =	vst v1  }
0x18: {  	[tilespmem:$0x2A18] =	vst v1  }
0x19: {  	[tilespmem:$0x2A28] =	vst v1  }
0x1a: {  	[tilespmem:$0x2A38] =	vst v1  }
0x1b: {  	[tilespmem:$0x2A48] =	vst v1  }
0x1c: {  	[tilespmem:$0x2A58] =	vst v1  }
0x1d: {  	[tilespmem:$0x2A68] =	vst v1  }
0x1e: {  	_ =	swait.ge [sflag:s12], $0x278  }
0x1f: {  	[sflag:s12] =	ssyncset.done $0x0  }
0x20: {  	[sflag:s12] =	ssyncadd.s32 $0xFFFFFD88  }
0x21: {  	[spmem:s7] =	stream.linear.scatter [tilespmem:s10], [sflag:$0x3], $0x278, $0x38;
	[tilespmem:$0x5470] =	vst v63  }
0x22: {  	_ =	swait.ge [sflag:s13], $0x278  }
0x23: {  	[sflag:s13] =	ssyncset.done $0x0  }
0x24: {  	[sflag:s13] =	ssyncadd.s32 $0xFFFFFD88  }
0x25: {  	_ =	swait.ge [sflag:s14], $0x2700  }
0x26: {  	[sflag:s14] =	ssyncset.done $0x0  }
0x27: {  	s21 =	simm.s32 @!p0 $0x2;
	[sflag:s14] =	ssyncadd.s32 $0xFFFFD900  }
0x28: {  	_ =	swait.ge @!p0 [sflag:s21], $0x80  }
0x29: {  	[sflag:s21] =	ssyncset.done @!p0 $0x0  }
0x2a: {  	[sflag:s21] =	ssyncadd.s32 @!p0 $0xFFFFFF80  }
0x2b: {  	s28 =	simm.s32 $0x278;
	[bflag:$0x0] =	sbarrier.arrive $0xFFFF  }
0x2c: {  	[spmem:s3] =	stream.indirect.scatter.add.f32 [tilespmem:s16], [sflag:$0x1], $0x1, s28, s15, $0xb8;
	[tilespmem:$0x5470] =	vst v63  }
0x2d: {  	s29 =	simm.s32 $0x2F8  }
0x2e: {  	[spmem:s3] =	stream.indirect.scatter.add.f32 [tilespmem:s16], [sflag:$0x1], $0x1, s29, s15, $0xb8;
	[tilespmem:$0x5470] =	vst v63  }
0x2f: {  	s30 =	simm.s32 $0x378  }
0x30: {  	[spmem:s3] =	stream.indirect.scatter.add.f32 [tilespmem:s16], [sflag:$0x1], $0x1, s30, s15, $0xb8;
	[tilespmem:$0x5470] =	vst v63  }
0x31: {  	s31 =	simm.s32 $0x3F8  }
0x32: {  	[spmem:s3] =	stream.indirect.scatter.add.f32 [tilespmem:s16], [sflag:$0x1], $0x1, s31, s15, $0xb8;
	[tilespmem:$0x5470] =	vst v63  }
0x33: {  	_ =	swait.ge [sflag:s12], $0x80  }
0x34: {  	[sflag:s12] =	ssyncset.done $0x0  }
0x35: {  	[sflag:s12] =	ssyncadd.s32 $0xFFFFFF80  }
0x36: {  	_ =	swait.ge [sflag:s12], $0x80  }
0x37: {  	[sflag:s12] =	ssyncset.done $0x0  }
0x38: {  	[sflag:s12] =	ssyncadd.s32 $0xFFFFFF80  }
0x39: {  	_ =	swait.ge [sflag:s12], $0x80  }
0x3a: {  	[sflag:s12] =	ssyncset.done $0x0  }
0x3b: {  	[sflag:s12] =	ssyncadd.s32 $0xFFFFFF80  }
0x3c: {  	_ =	swait.ge [sflag:s12], $0x80  }
0x3d: {  	s22 =	simm.s32 $0x1000;
	s21 =	simm.s32 $0x200;
	[sflag:s12] =	ssyncset.done $0x0  }
.LBB2_2:
0x3e: {  	s23 =	sadd.s32 $0x278, s21  }
0x3f: {  	[sflag:s12] =	ssyncadd.s32 $0xFFFFFF80;
	s24 =	smov.u32 s22;
	s25 =	sadd.s32 $0x800, s22  }
0x40: {  	[spmem:s3] =	stream.indirect.scatter.add.f32 [tilespmem:s16], [sflag:$0x1], $0x1, s23, s15, $0xb8;
	[tilespmem:$0x5470] =	vst v63  }
0x41: {  	p1 =	sne.s32 s22, $0x9000;
	s22 =	sadd.s32 $0x2F8, s21  }
0x42: {  	[spmem:s3] =	stream.indirect.scatter.add.f32 [tilespmem:s16], [sflag:$0x1], $0x1, s22, s15, $0xb8;
	[tilespmem:$0x5470] =	vst v63  }
0x43: {  	s22 =	sadd.s32 $0x378, s21  }
0x44: {  	[spmem:s3] =	stream.indirect.scatter.add.f32 [tilespmem:s16], [sflag:$0x1], $0x1, s22, s15, $0xb8;
	[tilespmem:$0x5470] =	vst v63  }
0x45: {  	s21 =	sadd.s32 $0x3F8, s21  }
0x46: {  	[spmem:s3] =	stream.indirect.scatter.add.f32 [tilespmem:s16], [sflag:$0x1], $0x1, s21, s15, $0xb8;
	[tilespmem:$0x5470] =	vst v63  }
0x47: {  	_ =	swait.ge [sflag:s12], $0x80  }
0x48: {  	[sflag:s12] =	ssyncset.done $0x0  }
0x49: {  	[sflag:s12] =	ssyncadd.s32 $0xFFFFFF80  }
0x4a: {  	_ =	swait.ge [sflag:s12], $0x80  }
0x4b: {  	[sflag:s12] =	ssyncset.done $0x0  }
0x4c: {  	[sflag:s12] =	ssyncadd.s32 $0xFFFFFF80  }
.Ltmp0:
0x4d: {  	_ =	swait.ge [sflag:s12], $0x80;
	(pc) =	sbr.rel @p1 .LBB2_2-.Ltmp0, $4  }
0x4e: {  	[sflag:s12] =	ssyncset.done $0x0  }
0x4f: {  	[sflag:s12] =	ssyncadd.s32 $0xFFFFFF80  }
0x50: {  	_ =	swait.ge [sflag:s12], $0x80  }
0x51: {  	s22 =	smov.u32 s25;
	s21 =	sshra.s32 s24, $0x2;
	[sflag:s12] =	ssyncset.done $0x0  }
0x52: {  	s22 =	sadd.s32 $0x278, s21;
	[sflag:s12] =	ssyncadd.s32 $0xFFFFFF80  }
0x53: {  	[spmem:s3] =	stream.indirect.scatter.add.f32 [tilespmem:s16], [sflag:$0x1], $0x1, s22, s15, $0xb8;
	[tilespmem:$0x5470] =	vst v63  }
0x54: {  	s26 =	sadd.s32 $0x2F8, s21  }
0x55: {  	[spmem:s3] =	stream.indirect.scatter.add.f32 [tilespmem:s16], [sflag:$0x1], $0x1, s26, s15, $0xb8;
	[tilespmem:$0x5470] =	vst v63  }
0x56: {  	s28 =	sadd.s32 $0x378, s21  }
0x57: {  	[spmem:s3] =	stream.indirect.scatter.add.f32 [tilespmem:s16], [sflag:$0x1], $0x1, s28, s15, $0xb8;
	[tilespmem:$0x5470] =	vst v63  }
0x58: {  	s29 =	sadd.s32 $0x3F8, s21  }
0x59: {  	[spmem:s3] =	stream.indirect.scatter.add.f32 [tilespmem:s16], [sflag:$0x1], $0x1, s29, s15, $0xb8;
	[tilespmem:$0x5470] =	vst v63  }
0x5a: {  	_ =	swait.ge [sflag:s12], $0x80  }
0x5b: {  	[sflag:s12] =	ssyncset.done $0x0  }
0x5c: {  	[sflag:s12] =	ssyncadd.s32 $0xFFFFFF80  }
0x5d: {  	_ =	swait.ge [sflag:s12], $0x80  }
0x5e: {  	[sflag:s12] =	ssyncset.done $0x0  }
0x5f: {  	[sflag:s12] =	ssyncadd.s32 $0xFFFFFF80  }
0x60: {  	_ =	swait.ge [sflag:s12], $0x80  }
0x61: {  	[sflag:s12] =	ssyncset.done $0x0  }
0x62: {  	[sflag:s12] =	ssyncadd.s32 $0xFFFFFF80  }
0x63: {  	_ =	swait.ge [sflag:s12], $0x80  }
0x64: {  	[sflag:s12] =	ssyncset.done $0x0  }
0x65: {  	[sflag:s12] =	ssyncadd.s32 $0xFFFFFF80  }
0x66: {  	[spmem:s3] =	stream.indirect.scatter.add.f32 [tilespmem:s16], [sflag:$0x1], $0x1, s17, s15, $0xb8;
	[tilespmem:$0x5470] =	vst v63  }
0x67: {  	_ = 	snop  }
0x68: {  	[spmem:s3] =	stream.indirect.scatter.add.f32 [tilespmem:s16], [sflag:$0x1], $0x1, s18, s15, $0xb8;
	[tilespmem:$0x5470] =	vst v63  }
0x69: {  	s21 =	simm.s32 @!p0 $0x80;
	s23 =	simm.s32 @!p0 $0x29F8;
	s22 =	simm.s32 @!p0 $0x2978  }
0x6a: {  	[spmem:s3] =	stream.indirect.scatter.add.f32 @!p0 [tilespmem:s23], [sflag:$0x1], $0x1, s22, s21, $0xb8;
	[tilespmem:$0x5470] =	vst v63  }
0x6b: {  	s21 =	simm.s32 @!p0 $0x1  }
0x6c: {  	_ =	swait.ge @!p0 [sflag:s21], $0x80  }
0x6d: {  	[sflag:s21] =	ssyncset.done @!p0 $0x0  }
0x6e: {  	[sflag:s21] =	ssyncadd.s32 @!p0 $0xFFFFFF80  }
0x6f: {  	_ =	swait.ge [sflag:s12], $0x80  }
0x70: {  	[sflag:s12] =	ssyncset.done $0x0  }
0x71: {  	[sflag:s12] =	ssyncadd.s32 $0xFFFFFF80  }
0x72: {  	_ =	swait.ge [sflag:s12], $0x80  }
0x73: {  	[sflag:s12] =	ssyncset.done $0x0  }
0x74: {  	[sflag:s12] =	ssyncadd.s32 $0xFFFFFF80  }
0x75: {  	s21 =	simm.s32 $0x2A78;
	[bflag:$0x0] =	sbarrier.arrive $0xFFFF  }
0x76: {  	[tilespmem:s21], [sflag:$0x3] =	stream.linear.gather [spmem:s7], $0x278, $0x38;
	[tilespmem:$0x5470] =	vst v63  }
0x77: {  	s30 =	simm.s32 $0x0;
	_ =	swait.ge [sflag:s13], $0x278  }
0x78: {  	v18 =	vmov s30;
	[sflag:s13] =	ssyncset.done $0x0  }
0x79: {  	v19 =	vshll.u32 v18, $0x4;
	[sflag:s13] =	ssyncadd.s32 $0xFFFFFD88  }
0x7a: {  	v19 =	vadd.s32 v0, v19;
	v18 =	vld [tilespmem:s21+$0x0]  }
0x7b: {  	v20 =	vor.u32 $0x1, v19  }
0x7c: {  	v21 =	vor.u32 $0x2, v19  }
0x7d: {  	v22 =	vor.u32 $0x3, v19  }
0x7e: {  	v23 =	vor.u32 $0x4, v19  }
0x7f: {  	v24 =	vor.u32 $0x5, v19;
	[tilespmem:v19+s19+$0x0] =	vst.idx.msk $0xffff, v18  }
0x80: {  	[tilespmem:v20+s19+$0x0] =	vst.idx.msk $0xffff, v18;
	v20 =	vor.u32 $0x6, v19  }
0x81: {  	[tilespmem:v21+s19+$0x0] =	vst.idx.msk $0xffff, v18;
	v21 =	vor.u32 $0x7, v19  }
0x82: {  	[tilespmem:v22+s19+$0x0] =	vst.idx.msk $0xffff, v18;
	v22 =	vor.u32 $0x8, v19  }
0x83: {  	[tilespmem:v23+s19+$0x0] =	vst.idx.msk $0xffff, v18;
	v23 =	vor.u32 $0x9, v19  }
0x84: {  	v63 =	vor.u32 $0xA, v19;
	[tilespmem:v24+s19+$0x0] =	vst.idx.msk $0xffff, v18  }
0x85: {  	[tilespmem:v20+s19+$0x0] =	vst.idx.msk $0xffff, v18;
	v20 =	vor.u32 $0xB, v19  }
0x86: {  	[tilespmem:v21+s19+$0x0] =	vst.idx.msk $0xffff, v18;
	v21 =	vor.u32 $0xC, v19  }
0x87: {  	[tilespmem:v22+s19+$0x0] =	vst.idx.msk $0xffff, v18;
	v22 =	vor.u32 $0xD, v19  }
0x88: {  	[tilespmem:v23+s19+$0x0] =	vst.idx.msk $0xffff, v18;
	v23 =	vor.u32 $0xE, v19  }
0x89: {  	[tilespmem:v63+s19+$0x0] =	vst.idx.msk $0xffff, v18  }
0x8a: {  	v19 =	vor.u32 $0xF, v19;
	[tilespmem:v20+s19+$0x0] =	vst.idx.msk $0xffff, v18  }
0x8b: {  	[tilespmem:v21+s19+$0x0] =	vst.idx.msk $0xffff, v18  }
0x8c: {  	s31 =	simm.s32 $0x10;
	[tilespmem:v22+s19+$0x0] =	vst.idx.msk $0xffff, v18  }
0x8d: {  	s22 =	simm.s32 $0x20;
	v20 =	vmov s31;
	[tilespmem:v23+s19+$0x0] =	vst.idx.msk $0xffff, v18  }
.LBB2_4:
0x8e: {  	p1 =	sne.s32 s22, $0x260  }
0x8f: {  	v20 =	vshll.u32 v20, $0x4;
	[tilespmem:v19+s19+$0x0] =	vst.idx.msk $0xffff, v18;
	s21 =	sadd.s32 $0x10, s21;
	s23 =	smov.u32 s22;
	s22 =	sadd.s32 $0x10, s22  }
0x90: {  	v18 =	vld [tilespmem:s21+$0x0];
	v19 =	vadd.s32 v0, v20  }
0x91: {  	v20 =	vor.u32 $0x1, v19  }
0x92: {  	v21 =	vor.u32 $0x2, v19  }
0x93: {  	v22 =	vor.u32 $0x3, v19  }
0x94: {  	v23 =	vor.u32 $0x4, v19  }
0x95: {  	v24 =	vor.u32 $0x5, v19;
	[tilespmem:v19+s19+$0x0] =	vst.idx.msk $0xffff, v18  }
0x96: {  	[tilespmem:v20+s19+$0x0] =	vst.idx.msk $0xffff, v18;
	v20 =	vor.u32 $0x6, v19  }
0x97: {  	[tilespmem:v21+s19+$0x0] =	vst.idx.msk $0xffff, v18;
	v21 =	vor.u32 $0x7, v19  }
0x98: {  	[tilespmem:v22+s19+$0x0] =	vst.idx.msk $0xffff, v18;
	v22 =	vor.u32 $0x8, v19  }
0x99: {  	[tilespmem:v23+s19+$0x0] =	vst.idx.msk $0xffff, v18;
	v23 =	vor.u32 $0x9, v19  }
0x9a: {  	[tilespmem:v24+s19+$0x0] =	vst.idx.msk $0xffff, v18;
	v24 =	vor.u32 $0xA, v19  }
0x9b: {  	[tilespmem:v20+s19+$0x0] =	vst.idx.msk $0xffff, v18;
	v20 =	vor.u32 $0xB, v19  }
0x9c: {  	[tilespmem:v21+s19+$0x0] =	vst.idx.msk $0xffff, v18;
	v21 =	vor.u32 $0xC, v19  }
0x9d: {  	[tilespmem:v22+s19+$0x0] =	vst.idx.msk $0xffff, v18;
	v22 =	vor.u32 $0xD, v19  }
0x9e: {  	[tilespmem:v23+s19+$0x0] =	vst.idx.msk $0xffff, v18;
	v23 =	vor.u32 $0xE, v19  }
.Ltmp1:
0x9f: {  	v19 =	vor.u32 $0xF, v19;
	[tilespmem:v24+s19+$0x0] =	vst.idx.msk $0xffff, v18;
	(pc) =	sbr.rel @p1 .LBB2_4-.Ltmp1, $4  }
0xa0: {  	[tilespmem:v20+s19+$0x0] =	vst.idx.msk $0xffff, v18  }
0xa1: {  	[tilespmem:v21+s19+$0x0] =	vst.idx.msk $0xffff, v18  }
0xa2: {  	[tilespmem:v22+s19+$0x0] =	vst.idx.msk $0xffff, v18  }
0xa3: {  	v20 =	vmov s23;
	[tilespmem:v23+s19+$0x0] =	vst.idx.msk $0xffff, v18  }
0xa4: {  	_ =	sdelay $0x3  }
0xa5: {  	v20 =	vshll.u32 v20, $0x4;
	[tilespmem:v19+s19+$0x0] =	vst.idx.msk $0xffff, v18;
	s21 =	sadd.s32 $0x10, s21  }
0xa6: {  	v18 =	vld [tilespmem:s21+$0x0];
	v19 =	vadd.s32 v0, v20  }
0xa7: {  	v20 =	vor.u32 $0x1, v19  }
0xa8: {  	v21 =	vor.u32 $0x2, v19  }
0xa9: {  	v22 =	vor.u32 $0x3, v19  }
0xaa: {  	v23 =	vor.u32 $0x4, v19  }
0xab: {  	v24 =	vor.u32 $0x5, v19;
	[tilespmem:v19+s19+$0x0] =	vst.idx.msk $0xffff, v18  }
0xac: {  	v55 =	vor.u32 $0x6, v19;
	[tilespmem:v20+s19+$0x0] =	vst.idx.msk $0xffff, v18  }
0xad: {  	v56 =	vor.u32 $0x7, v19;
	[tilespmem:v21+s19+$0x0] =	vst.idx.msk $0xffff, v18  }
0xae: {  	v57 =	vor.u32 $0x8, v19;
	[tilespmem:v22+s19+$0x0] =	vst.idx.msk $0xffff, v18  }
0xaf: {  	v58 =	vor.u32 $0x9, v19;
	[tilespmem:v23+s19+$0x0] =	vst.idx.msk $0xffff, v18  }
0xb0: {  	v59 =	vor.u32 $0xA, v19;
	[tilespmem:v24+s19+$0x0] =	vst.idx.msk $0xffff, v18  }
0xb1: {  	v60 =	vor.u32 $0xB, v19;
	[tilespmem:v55+s19+$0x0] =	vst.idx.msk $0xffff, v18  }
0xb2: {  	v61 =	vor.u32 $0xC, v19;
	[tilespmem:v56+s19+$0x0] =	vst.idx.msk $0xffff, v18  }
0xb3: {  	v62 =	vor.u32 $0xD, v19;
	[tilespmem:v57+s19+$0x0] =	vst.idx.msk $0xffff, v18  }
0xb4: {  	v63 =	vor.u32 $0xE, v19;
	[tilespmem:v58+s19+$0x0] =	vst.idx.msk $0xffff, v18  }
0xb5: {  	v19 =	vor.u32 $0xF, v19;
	[tilespmem:v59+s19+$0x0] =	vst.idx.msk $0xffff, v18  }
0xb6: {  	[tilespmem:v60+s19+$0x0] =	vst.idx.msk $0xffff, v18  }
0xb7: {  	[tilespmem:v61+s19+$0x0] =	vst.idx.msk $0xffff, v18  }
0xb8: {  	[tilespmem:v62+s19+$0x0] =	vst.idx.msk $0xffff, v18  }
0xb9: {  	[tilespmem:v63+s19+$0x0] =	vst.idx.msk $0xffff, v18  }
0xba: {  	[tilespmem:v19+s19+$0x0] =	vst.idx.msk $0xffff, v18  }
0xbb: {  	v18 =	vld [tilespmem:$0x2CE0];
	_ =	sdelay $0x4  }
0xbc: {  	[tilespmem:v2+s19+$0x0] =	vst.idx.msk $0xffff, v18  }
0xbd: {  	[tilespmem:v3+s19+$0x0] =	vst.idx.msk $0xffff, v18  }
0xbe: {  	[tilespmem:v4+s19+$0x0] =	vst.idx.msk $0xffff, v18  }
0xbf: {  	[tilespmem:v5+s19+$0x0] =	vst.idx.msk $0xffff, v18  }
0xc0: {  	[tilespmem:v6+s19+$0x0] =	vst.idx.msk $0xffff, v18  }
0xc1: {  	[tilespmem:v7+s19+$0x0] =	vst.idx.msk $0xffff, v18  }
0xc2: {  	[tilespmem:v8+s19+$0x0] =	vst.idx.msk $0xffff, v18  }
0xc3: {  	[tilespmem:v9+s19+$0x0] =	vst.idx.msk $0xffff, v18  }
0xc4: {  	[tilespmem:v10+s19+$0x0] =	vst.idx.msk $0xffff, v18  }
0xc5: {  	[tilespmem:v11+s19+$0x0] =	vst.idx.msk $0xffff, v18  }
0xc6: {  	[tilespmem:v12+s19+$0x0] =	vst.idx.msk $0xffff, v18  }
0xc7: {  	[tilespmem:v13+s19+$0x0] =	vst.idx.msk $0xffff, v18  }
0xc8: {  	[tilespmem:v14+s19+$0x0] =	vst.idx.msk $0xffff, v18  }
0xc9: {  	s20 =	sadd.s32 $0x1, s20;
	[tilespmem:v15+s19+$0x0] =	vst.idx.msk $0xffff, v18  }
0xca: {  	p1 =	sne.s32 s20, s9;
	[tilespmem:v16+s19+$0x0] =	vst.idx.msk $0xffff, v18  }
.Ltmp2:
0xcb: {  	[tilespmem:v17+s19+$0x0] =	vst.idx.msk $0xffff, v18;
	(pc) =	sbr.rel @p1 .LBB2_1-.Ltmp2, $4  }
0xcc: {  	[hbm4b:s8+s4] =	stream.linear.scatter [tilespmem:s19], [sflag:$0x3], $0x2780, $0x38;
	[tilespmem:$0x5470] =	vst v63  }
0xcd: {  	_ =	swait.ge [sflag:s13], $0x2780  }
0xce: {  	[sflag:s13] =	ssyncset.done $0x0  }
0xcf: {  	[sflag:s13] =	ssyncadd.s32 $0xFFFFD880  }
0xd0: {  	_ =	sfence.sel $0x180000  }
0xd1: {  	[bflag:$0x0] =	sbarrier.arrive $0xFFFF  }
0xd2: {  	p0 =	sne.s32 s1, $0x0;
	_ =	strace $0x90000047  }
0xd3: {  	s0 =	sadd.s32 @!p0 $0x100000, s0;
	[bflag:$0x2] =	sbarrier.arrive $0xFFFF  }
0xd4: {  	[sflag:s0] =	ssyncadd.tile.s32 @!p0 $0x1;
	_ =	shalt  }
.Lfunc_end2:
_tile_overlayer_lowered:
.L_overlay_start_2:
0xd5: {  	(tag) =	ssettag $0x2  }
0xd6: {  	s0 =	rddreg [dreg:$0x0];
	s2 =	stileid.u32  }
0xd7: {  	s1 =	rddreg [dreg:$0x1];
	p0 =	sne.s32 s2, $0x0  }
0xd8: {  	s3 =	rddreg [dreg:$0x2];
	[bflag:$0x3] =	sbarrier.arrive $0xFFFF;
	s2 =	simm.s32 @!p0 $0x1C03  }
0xd9: {  	[timem:s3], [sflag:s2] =	dma.local @!p0 [hbm:s0], s1  }
0xda: {  	s0 =	simm.s32 @!p0 $0x3  }
0xdb: {  	_ =	swait.ge @!p0 [sflag:s0], s1  }
0xdc: {  	s1 =	ssub.s32 @!p0 $0x0, s1;
	[sflag:s0] =	ssyncset.done @!p0 $0x0  }
0xdd: {  	[sflag:s0] =	ssyncadd.s32 @!p0 s1  }
0xde: {  	[bflag:$0x3] =	sbarrier.arrive $0xFFFF  }
0xdf: {  	_ =	shalt  }

</sc_bundles>
